<compile_context>
chip_gen: v7x
topology: tpu7x:2x2x1
jax: 0.10.2.dev20260603
libtpu: 0.0.44.dev20260713+nightly
codegen_flags: <defaults>
</compile_context>

<pallas_src>
import functools

import jax
import jax.numpy as jnp
from jax import lax
from jax.experimental import pallas as pl
from jax.experimental.pallas import tpu as pltpu
from jax.experimental.pallas import tpu_sc as plsc

_N = 10000
_E = 320000
_D = 128
_NC = 2
_NS = 16
_NW = _NC * _NS
_C = 80
_EPW = _E // _NW
_CH = _EPW // _C
_SB = 5
_SCH = _CH // _SB
_NP = 10240
_RPT = _NP // _NS

_mesh = plsc.VectorSubcoreMesh(
    core_axis_name="c", subcore_axis_name="s", num_cores=_NC, num_subcores=_NS)


@functools.partial(
    pl.kernel,
    out_type=jax.ShapeDtypeStruct((_NC, _NP, _D), jnp.float32),
    mesh=_mesh,
    scratch_types=[
        pltpu.VMEM((_SCH, _C), jnp.int32),
        pltpu.VMEM((_SCH, _C), jnp.int32),
        pltpu.VMEM((_SCH, _C), jnp.int32),
        pltpu.VMEM((_SCH, _C), jnp.int32),
        pltpu.VMEM((_C, _D), jnp.float32),
        pltpu.VMEM((_C, _D), jnp.float32),
        pltpu.VMEM((_C, _D), jnp.float32),
        pltpu.VMEM_SHARED((_NP, _D), jnp.float32),
        pltpu.SemaphoreType.DMA,
        pltpu.SemaphoreType.DMA,
        pltpu.SemaphoreType.DMA,
        pltpu.SemaphoreType.DMA,
        pltpu.SemaphoreType.DMA,
        pltpu.SemaphoreType.DMA,
        pltpu.SemaphoreType.DMA,
        pltpu.SemaphoreType.DMA,
    ],
)
def _sc_aggregate(edges_hbm, x_hbm, part_hbm,
                  src_a, dst_a, src_b, dst_b,
                  rows0, rows1, rows2, aggr_sh,
                  g0, g1, g2, s0, s1, s2, ia, ib):
    c = lax.axis_index("c")
    s = lax.axis_index("s")
    w = s * _NC + c
    rows = (rows0, rows1, rows2)
    gsem = (g0, g1, g2)
    ssem = (s0, s1, s2)
    idx_sets = ((src_a, dst_a, ia), (src_b, dst_b, ib))

    def _zrow(r, cc):
        def _zq(q, c2):
            rows0[r, pl.ds(q * 16, 16)] = jnp.zeros((16,), jnp.float32)
            return c2
        return lax.fori_loop(0, _D // 16, _zq, cc)

    lax.fori_loop(0, _C, _zrow, 0)
    for j in range(_RPT // _C):
        pltpu.sync_copy(rows0, aggr_sh.at[pl.ds(s * _RPT + j * _C, _C)])
    if _RPT % _C:
        pltpu.sync_copy(
            rows0.at[pl.ds(0, _RPT % _C)],
            aggr_sh.at[pl.ds(s * _RPT + (_RPT // _C) * _C, _RPT % _C)])

    plsc.subcore_barrier()

    def _idx_fetch(sb, st):
        src_v, dst_v, isem = idx_sets[st]
        pltpu.async_copy(edges_hbm.at[0, w, sb], src_v, isem)
        pltpu.async_copy(edges_hbm.at[1, w, sb], dst_v, isem)

    def _idx_wait(sb, st):
        src_v, dst_v, isem = idx_sets[st]
        pltpu.make_async_copy(edges_hbm.at[0, w, sb], src_v, isem).wait()
        pltpu.make_async_copy(edges_hbm.at[1, w, sb], dst_v, isem).wait()

    def _src(sb):
        return idx_sets[sb % 2][0]

    def _dst(sb):
        return idx_sets[sb % 2][1]

    def _gather(sb, k, slot):
        pltpu.async_copy(x_hbm.at[_src(sb).at[k]], rows[slot], gsem[slot])

    def _wait_scatter(sb, k, slot):
        pltpu.make_async_copy(
            rows[slot], aggr_sh.at[_dst(sb).at[k]], ssem[slot]).wait()

    def _step(sb, k, do_ws=True, do_g=True):
        g = _SCH * sb + k
        slot = g % 3
        pltpu.make_async_copy(x_hbm.at[_src(sb).at[k]], rows[slot],
                              gsem[slot]).wait()
        pltpu.async_copy(rows[slot], aggr_sh.at[_dst(sb).at[k]],
                         ssem[slot], add=True)
        if do_ws:
            pg = g - 1
            _wait_scatter(pg // _SCH, pg % _SCH, pg % 3)
        if do_g:
            ng = g + 2
            _gather(ng // _SCH, ng % _SCH, ng % 3)

    _idx_fetch(0, 0)
    _idx_wait(0, 0)
    _idx_fetch(1, 1)
    _gather(0, 0, 0)
    _gather(0, 1, 1)
    _step(0, 0, do_ws=False)
    _step(0, 1)

    for sb in range(_SB):
        def _trip(t, cc, sb=sb):
            k = 2 + 3 * t
            base = (_SCH * sb + 2) % 3
            for j in range(3):
                slot = (base + j) % 3
                pltpu.make_async_copy(x_hbm.at[_src(sb).at[k + j]],
                                      rows[slot], gsem[slot]).wait()
                pltpu.async_copy(rows[slot], aggr_sh.at[_dst(sb).at[k + j]],
                                 ssem[slot], add=True)
                pltpu.make_async_copy(rows[(slot + 2) % 3],
                                      aggr_sh.at[_dst(sb).at[k + j - 1]],
                                      ssem[(slot + 2) % 3]).wait()
                pltpu.async_copy(x_hbm.at[_src(sb).at[k + j + 2]],
                                 rows[(slot + 2) % 3], gsem[(slot + 2) % 3])
            return cc

        lax.fori_loop(0, (_SCH - 4) // 3, _trip, 0)

        if sb + 1 < _SB:
            _idx_wait(sb + 1, (sb + 1) % 2)
            _step(sb, _SCH - 2)
            _step(sb, _SCH - 1)
            _step(sb + 1, 0)
            _step(sb + 1, 1)
            if sb + 2 < _SB:
                _idx_fetch(sb + 2, sb % 2)
        else:
            _step(sb, _SCH - 2, do_g=False)
            _step(sb, _SCH - 1, do_g=False)
            _wait_scatter(sb, _SCH - 1, (_SCH * sb + _SCH - 1) % 3)

    plsc.subcore_barrier()

    pltpu.sync_copy(aggr_sh.at[pl.ds(s * _RPT, _RPT)],
                    part_hbm.at[c, pl.ds(s * _RPT, _RPT)])


_R = 2000


def _tc_xw1_body(x_ref, w1_ref, b1_ref, b2_ref, o_ref):
    cdims = (((1,), (1,)), ((), ()))
    y = lax.dot_general(x_ref[...], w1_ref[...], cdims,
                        preferred_element_type=jnp.float32)
    o_ref[...] = y + b1_ref[...] + b2_ref[...]


def _tc_xw1(x, W1, b1_2d, b2_2d):
    return pl.pallas_call(
        _tc_xw1_body,
        out_shape=jax.ShapeDtypeStruct((_N, _D), jnp.float32),
        grid=(_N // _R,),
        in_specs=[
            pl.BlockSpec((_R, _D), lambda i: (i, 0)),
            pl.BlockSpec((_D, _D), lambda i: (0, 0)),
            pl.BlockSpec((1, _D), lambda i: (0, 0)),
            pl.BlockSpec((1, _D), lambda i: (0, 0)),
        ],
        out_specs=pl.BlockSpec((_R, _D), lambda i: (i, 0)),
    )(x, W1, b1_2d, b2_2d)


def _tc_combine_body(y1_ref, p_ref, w2_ref, o_ref):
    cdims = (((1,), (1,)), ((), ()))
    aggr = p_ref[0] + p_ref[1]
    o_ref[...] = y1_ref[...] + lax.dot_general(
        aggr, w2_ref[...], cdims, preferred_element_type=jnp.float32)


def _tc_combine(y1, partials, W2):
    return pl.pallas_call(
        _tc_combine_body,
        out_shape=jax.ShapeDtypeStruct((_N, _D), jnp.float32),
        grid=(_N // _R,),
        in_specs=[
            pl.BlockSpec((_R, _D), lambda i: (i, 0)),
            pl.BlockSpec((_NC, _R, _D), lambda i: (0, i, 0)),
            pl.BlockSpec((_D, _D), lambda i: (0, 0)),
        ],
        out_specs=pl.BlockSpec((_R, _D), lambda i: (i, 0)),
    )(y1, partials, W2)


def kernel(edge_index, shape_features, W1, b1, W2, b2):
    edges5d = edge_index.reshape(2, _NW, _SB, _SCH, _C)
    partials = _sc_aggregate(edges5d, shape_features)
    y1 = _tc_xw1(shape_features, W1, b1.reshape(1, _D), b2.reshape(1, _D))
    return _tc_combine(y1, partials, W2)

# --- scband reference (transcript-rebuilt; emitter-appended) ---
"""Pipeline reference for scband-graph-convolution-41523743818235 (READ-ONLY COPY).

The authoritative reference and input builder live on the scoring server;
editing this copy changes nothing except your own understanding.
"""

import jax, jax.numpy as jnp
import numpy as np

N = 10000
E = 320000
D_IN = 128
D_OUT = 128


def _xavier(key, shape, gain):
    fan_out, fan_in = shape
    limit = gain * np.sqrt(6.0 / (fan_in + fan_out))
    return jax.random.uniform(key, shape, dtype=jnp.float32, minval=-limit, maxval=limit)


def setup_inputs(seed: int = 0) -> dict:
    key = jax.random.key(seed)
    ks = jax.random.split(key, 4)
    shape_features = jax.random.normal(ks[0], (N, D_IN), dtype=jnp.float32)
    edge_index = jax.random.randint(ks[1], (2, E), 0, N, dtype=jnp.int32)
    W1 = _xavier(ks[2], (D_OUT, D_IN), 0.1)
    b1 = jnp.zeros((D_OUT,), dtype=jnp.float32)
    W2 = _xavier(ks[3], (D_OUT, D_IN), 0.1)
    b2 = jnp.zeros((D_OUT,), dtype=jnp.float32)
    return {"edge_index": edge_index, "shape_features": shape_features,
            "W1": W1, "b1": b1, "W2": W2, "b2": b2}


def reference(edge_index, shape_features, W1, b1, W2, b2):
    # Original loop: aggr[i] = sum_{j in neighbours[i]} shape_features[j]
    # Re-expressed with edge_index[0]=src (neighbour j), edge_index[1]=dst (node i):
    src = edge_index[0]
    dst = edge_index[1]
    gathered = jnp.take(shape_features, src, axis=0)          # gather (SparseCore)
    aggr = jax.ops.segment_sum(gathered, dst, num_segments=N)  # scatter-add
    out = shape_features @ W1.T + b1 + aggr @ W2.T + b2
    return out

if __name__ == "__main__":
    import jax
    _d = setup_inputs()
    print(jax.jit(kernel)(*tuple(_d.values())))

</pallas_src>

<mosaic_0001>
#map = affine_map<(d0, d1) -> (0, 0, 0, 0, 0)>
#map1 = affine_map<(d0, d1) -> (0, 0)>
#map2 = affine_map<(d0, d1) -> (0, 0, 0)>
module attributes {stable_mosaic.version = 14 : i64} {
  func.func @_sc_aggregate(%arg0: i32, %arg1: i32, %arg2: memref<2x32x5x25x80xi32, #tpu.memory_space<hbm>>, %arg3: memref<10000x128xf32, #tpu.memory_space<hbm>>, %arg4: memref<2x10240x128xf32, #tpu.memory_space<hbm>>, %arg5: memref<25x80xi32, #tpu.memory_space<vmem>>, %arg6: memref<25x80xi32, #tpu.memory_space<vmem>>, %arg7: memref<25x80xi32, #tpu.memory_space<vmem>>, %arg8: memref<25x80xi32, #tpu.memory_space<vmem>>, %arg9: memref<80x128xf32, #tpu.memory_space<vmem>>, %arg10: memref<80x128xf32, #tpu.memory_space<vmem>>, %arg11: memref<80x128xf32, #tpu.memory_space<vmem>>, %arg12: memref<10240x128xf32, #tpu.memory_space<vmem_shared>>, %arg13: memref<!tpu.dma_semaphore, #tpu.memory_space<semaphore_mem>>, %arg14: memref<!tpu.dma_semaphore, #tpu.memory_space<semaphore_mem>>, %arg15: memref<!tpu.dma_semaphore, #tpu.memory_space<semaphore_mem>>, %arg16: memref<!tpu.dma_semaphore, #tpu.memory_space<semaphore_mem>>, %arg17: memref<!tpu.dma_semaphore, #tpu.memory_space<semaphore_mem>>, %arg18: memref<!tpu.dma_semaphore, #tpu.memory_space<semaphore_mem>>, %arg19: memref<!tpu.dma_semaphore, #tpu.memory_space<semaphore_mem>>, %arg20: memref<!tpu.dma_semaphore, #tpu.memory_space<semaphore_mem>>) attributes {dimension_semantics = [#tpu.dimension_semantics<core_parallel>, #tpu.dimension_semantics<subcore_parallel>], iteration_bounds = array<i64: 2, 16>, scalar_prefetch = 0 : i64, scratch_operands = 16 : i64, tpu.core_type = #tpu.core_type<sc_vector_subcore>, window_params = [{transform_indices = #map}, {transform_indices = #map1}, {transform_indices = #map2}]} {
    %mul3A = arith.constant 2 : i32
    %mul3A_0 = arith.muli %arg1, %mul3A : i32
    %add3A = arith.addi %mul3A_0, %arg0 : i32
    %scan3A = arith.constant 0 : i32
    %scan3A_1 = arith.constant 0 : i32
    %scan3A_2 = arith.constant 80 : i32
    %scan3A_3 = arith.addi %scan3A_1, %scan3A_2 : i32
    %scan3A_4 = arith.constant 1 : i32
    scf.for %scan3A_831 = %scan3A_1 to %scan3A_3 step %scan3A_4  : i32 {
      %scan3A_832 = arith.constant 0 : i32
      %scan3A_833 = arith.constant 8 : i32
      %scan3A_834 = arith.addi %scan3A_832, %scan3A_833 : i32
      %scan3A_835 = arith.constant 1 : i32
      scf.for %scan3A_837 = %scan3A_832 to %scan3A_834 step %scan3A_835  : i32 {
        %broadcast_in_dim3A = arith.constant 0.000000e+00 : f32
        %broadcast_in_dim3A_838 = vector.broadcast %broadcast_in_dim3A : f32 to vector<16xf32>
        %mul3A_839 = arith.constant 16 : i32
        %mul3A_840 = arith.muli %scan3A_837, %mul3A_839 : i32
        %swap3A = arith.index_cast %scan3A_831 : i32 to index
        %swap3A_841 = arith.index_cast %mul3A_840 : i32 to index
        %swap3A_842 = tpu.vector_load %arg9[%swap3A, %swap3A_841] {strides = array<i32>} : memref<80x128xf32, #tpu.memory_space<vmem>>, vector<1x16xf32>,
        %swap3A_843 = vector.shape_cast %swap3A_842 : vector<1x16xf32> to vector<16xf32>
        %swap3A_844 = vector.shape_cast %broadcast_in_dim3A_838 : vector<16xf32> to vector<1x16xf32>
        tpu.vector_store %arg9[%swap3A, %swap3A_841], %swap3A_844 {strides = array<i32>} : memref<80x128xf32, #tpu.memory_space<vmem>>, vector<1x16xf32>,
      }
      %scan3A_836 = arith.constant 8 : i32
    }
    %scan3A_5 = arith.constant 80 : i32
    %mul3A_6 = arith.constant 640 : i32
    %mul3A_7 = arith.muli %arg1, %mul3A_6 : i32
    %add3A_8 = arith.constant 0 : i32
    %add3A_9 = arith.addi %mul3A_7, %add3A_8 : i32
    "tpu.region"() ({
      %run_scoped3A = tpu.sem_alloc : memref<!tpu.dma_semaphore, #tpu.memory_space<semaphore_mem>>
      %dma_start3A_831 = arith.constant 0 : i32
      %dma_start3A_832 = tpu.memref_slice %arg12[%add3A_9, %dma_start3A_831] : memref<10240x128xf32, #tpu.memory_space<vmem_shared>> -> memref<80x128xf32, #tpu.memory_space<vmem_shared>>
      %dma_start3A_833 = arith.constant 0 : i32
      %dma_start3A_834 = tpu.memref_slice %arg12[%add3A_9, %dma_start3A_833] : memref<10240x128xf32, #tpu.memory_space<vmem_shared>> -> memref<80x128xf32, #tpu.memory_space<vmem_shared>>
      tpu.enqueue_dma source(%arg9 : memref<80x128xf32, #tpu.memory_space<vmem>>) target(%dma_start3A_834 : memref<80x128xf32, #tpu.memory_space<vmem_shared>>) target_semaphore(%run_scoped3A : memref<!tpu.dma_semaphore, #tpu.memory_space<semaphore_mem>>)
      %dma_wait3A_835 = arith.constant 0 : i32
      %dma_wait3A_836 = tpu.memref_slice %arg12[%add3A_9, %dma_wait3A_835] : memref<10240x128xf32, #tpu.memory_space<vmem_shared>> -> memref<80x128xf32, #tpu.memory_space<vmem_shared>>
      %dma_wait3A_837 = arith.constant 0 : i32
      %dma_wait3A_838 = tpu.memref_slice %arg12[%add3A_9, %dma_wait3A_837] : memref<10240x128xf32, #tpu.memory_space<vmem_shared>> -> memref<80x128xf32, #tpu.memory_space<vmem_shared>>
      tpu.wait_dma2 semaphore(%run_scoped3A : memref<!tpu.dma_semaphore, #tpu.memory_space<semaphore_mem>>) src(%arg9 : memref<80x128xf32, #tpu.memory_space<vmem>>) dst(%dma_wait3A_838 : memref<80x128xf32, #tpu.memory_space<vmem_shared>>)
      tpu.yield
    }) : () -> ()
    %mul3A_10 = arith.constant 640 : i32
    %mul3A_11 = arith.muli %arg1, %mul3A_10 : i32
    %add3A_12 = arith.constant 80 : i32
    %add3A_13 = arith.addi %mul3A_11, %add3A_12 : i32
    "tpu.region"() ({
      %run_scoped3A = tpu.sem_alloc : memref<!tpu.dma_semaphore, #tpu.memory_space<semaphore_mem>>
      %dma_start3A_831 = arith.constant 0 : i32
      %dma_start3A_832 = tpu.memref_slice %arg12[%add3A_13, %dma_start3A_831] : memref<10240x128xf32, #tpu.memory_space<vmem_shared>> -> memref<80x128xf32, #tpu.memory_space<vmem_shared>>
      %dma_start3A_833 = arith.constant 0 : i32
      %dma_start3A_834 = tpu.memref_slice %arg12[%add3A_13, %dma_start3A_833] : memref<10240x128xf32, #tpu.memory_space<vmem_shared>> -> memref<80x128xf32, #tpu.memory_space<vmem_shared>>
      tpu.enqueue_dma source(%arg9 : memref<80x128xf32, #tpu.memory_space<vmem>>) target(%dma_start3A_834 : memref<80x128xf32, #tpu.memory_space<vmem_shared>>) target_semaphore(%run_scoped3A : memref<!tpu.dma_semaphore, #tpu.memory_space<semaphore_mem>>)
      %dma_wait3A_835 = arith.constant 0 : i32
      %dma_wait3A_836 = tpu.memref_slice %arg12[%add3A_13, %dma_wait3A_835] : memref<10240x128xf32, #tpu.memory_space<vmem_shared>> -> memref<80x128xf32, #tpu.memory_space<vmem_shared>>
      %dma_wait3A_837 = arith.constant 0 : i32
      %dma_wait3A_838 = tpu.memref_slice %arg12[%add3A_13, %dma_wait3A_837] : memref<10240x128xf32, #tpu.memory_space<vmem_shared>> -> memref<80x128xf32, #tpu.memory_space<vmem_shared>>
      tpu.wait_dma2 semaphore(%run_scoped3A : memref<!tpu.dma_semaphore, #tpu.memory_space<semaphore_mem>>) src(%arg9 : memref<80x128xf32, #tpu.memory_space<vmem>>) dst(%dma_wait3A_838 : memref<80x128xf32, #tpu.memory_space<vmem_shared>>)
      tpu.yield
    }) : () -> ()
    %mul3A_14 = arith.constant 640 : i32
    %mul3A_15 = arith.muli %arg1, %mul3A_14 : i32
    %add3A_16 = arith.constant 160 : i32
    %add3A_17 = arith.addi %mul3A_15, %add3A_16 : i32
    "tpu.region"() ({
      %run_scoped3A = tpu.sem_alloc : memref<!tpu.dma_semaphore, #tpu.memory_space<semaphore_mem>>
      %dma_start3A_831 = arith.constant 0 : i32
      %dma_start3A_832 = tpu.memref_slice %arg12[%add3A_17, %dma_start3A_831] : memref<10240x128xf32, #tpu.memory_space<vmem_shared>> -> memref<80x128xf32, #tpu.memory_space<vmem_shared>>
      %dma_start3A_833 = arith.constant 0 : i32
      %dma_start3A_834 = tpu.memref_slice %arg12[%add3A_17, %dma_start3A_833] : memref<10240x128xf32, #tpu.memory_space<vmem_shared>> -> memref<80x128xf32, #tpu.memory_space<vmem_shared>>
      tpu.enqueue_dma source(%arg9 : memref<80x128xf32, #tpu.memory_space<vmem>>) target(%dma_start3A_834 : memref<80x128xf32, #tpu.memory_space<vmem_shared>>) target_semaphore(%run_scoped3A : memref<!tpu.dma_semaphore, #tpu.memory_space<semaphore_mem>>)
      %dma_wait3A_835 = arith.constant 0 : i32
      %dma_wait3A_836 = tpu.memref_slice %arg12[%add3A_17, %dma_wait3A_835] : memref<10240x128xf32, #tpu.memory_space<vmem_shared>> -> memref<80x128xf32, #tpu.memory_space<vmem_shared>>
      %dma_wait3A_837 = arith.constant 0 : i32
      %dma_wait3A_838 = tpu.memref_slice %arg12[%add3A_17, %dma_wait3A_837] : memref<10240x128xf32, #tpu.memory_space<vmem_shared>> -> memref<80x128xf32, #tpu.memory_space<vmem_shared>>
      tpu.wait_dma2 semaphore(%run_scoped3A : memref<!tpu.dma_semaphore, #tpu.memory_space<semaphore_mem>>) src(%arg9 : memref<80x128xf32, #tpu.memory_space<vmem>>) dst(%dma_wait3A_838 : memref<80x128xf32, #tpu.memory_space<vmem_shared>>)
      tpu.yield
    }) : () -> ()
    %mul3A_18 = arith.constant 640 : i32
    %mul3A_19 = arith.muli %arg1, %mul3A_18 : i32
    %add3A_20 = arith.constant 240 : i32
    %add3A_21 = arith.addi %mul3A_19, %add3A_20 : i32
    "tpu.region"() ({
      %run_scoped3A = tpu.sem_alloc : memref<!tpu.dma_semaphore, #tpu.memory_space<semaphore_mem>>
      %dma_start3A_831 = arith.constant 0 : i32
      %dma_start3A_832 = tpu.memref_slice %arg12[%add3A_21, %dma_start3A_831] : memref<10240x128xf32, #tpu.memory_space<vmem_shared>> -> memref<80x128xf32, #tpu.memory_space<vmem_shared>>
      %dma_start3A_833 = arith.constant 0 : i32
      %dma_start3A_834 = tpu.memref_slice %arg12[%add3A_21, %dma_start3A_833] : memref<10240x128xf32, #tpu.memory_space<vmem_shared>> -> memref<80x128xf32, #tpu.memory_space<vmem_shared>>
      tpu.enqueue_dma source(%arg9 : memref<80x128xf32, #tpu.memory_space<vmem>>) target(%dma_start3A_834 : memref<80x128xf32, #tpu.memory_space<vmem_shared>>) target_semaphore(%run_scoped3A : memref<!tpu.dma_semaphore, #tpu.memory_space<semaphore_mem>>)
      %dma_wait3A_835 = arith.constant 0 : i32
      %dma_wait3A_836 = tpu.memref_slice %arg12[%add3A_21, %dma_wait3A_835] : memref<10240x128xf32, #tpu.memory_space<vmem_shared>> -> memref<80x128xf32, #tpu.memory_space<vmem_shared>>
      %dma_wait3A_837 = arith.constant 0 : i32
      %dma_wait3A_838 = tpu.memref_slice %arg12[%add3A_21, %dma_wait3A_837] : memref<10240x128xf32, #tpu.memory_space<vmem_shared>> -> memref<80x128xf32, #tpu.memory_space<vmem_shared>>
      tpu.wait_dma2 semaphore(%run_scoped3A : memref<!tpu.dma_semaphore, #tpu.memory_space<semaphore_mem>>) src(%arg9 : memref<80x128xf32, #tpu.memory_space<vmem>>) dst(%dma_wait3A_838 : memref<80x128xf32, #tpu.memory_space<vmem_shared>>)
      tpu.yield
    }) : () -> ()
    %mul3A_22 = arith.constant 640 : i32
    %mul3A_23 = arith.muli %arg1, %mul3A_22 : i32
    %add3A_24 = arith.constant 320 : i32
    %add3A_25 = arith.addi %mul3A_23, %add3A_24 : i32
    "tpu.region"() ({
      %run_scoped3A = tpu.sem_alloc : memref<!tpu.dma_semaphore, #tpu.memory_space<semaphore_mem>>
      %dma_start3A_831 = arith.constant 0 : i32
      %dma_start3A_832 = tpu.memref_slice %arg12[%add3A_25, %dma_start3A_831] : memref<10240x128xf32, #tpu.memory_space<vmem_shared>> -> memref<80x128xf32, #tpu.memory_space<vmem_shared>>
      %dma_start3A_833 = arith.constant 0 : i32
      %dma_start3A_834 = tpu.memref_slice %arg12[%add3A_25, %dma_start3A_833] : memref<10240x128xf32, #tpu.memory_space<vmem_shared>> -> memref<80x128xf32, #tpu.memory_space<vmem_shared>>
      tpu.enqueue_dma source(%arg9 : memref<80x128xf32, #tpu.memory_space<vmem>>) target(%dma_start3A_834 : memref<80x128xf32, #tpu.memory_space<vmem_shared>>) target_semaphore(%run_scoped3A : memref<!tpu.dma_semaphore, #tpu.memory_space<semaphore_mem>>)
      %dma_wait3A_835 = arith.constant 0 : i32
      %dma_wait3A_836 = tpu.memref_slice %arg12[%add3A_25, %dma_wait3A_835] : memref<10240x128xf32, #tpu.memory_space<vmem_shared>> -> memref<80x128xf32, #tpu.memory_space<vmem_shared>>
      %dma_wait3A_837 = arith.constant 0 : i32
      %dma_wait3A_838 = tpu.memref_slice %arg12[%add3A_25, %dma_wait3A_837] : memref<10240x128xf32, #tpu.memory_space<vmem_shared>> -> memref<80x128xf32, #tpu.memory_space<vmem_shared>>
      tpu.wait_dma2 semaphore(%run_scoped3A : memref<!tpu.dma_semaphore, #tpu.memory_space<semaphore_mem>>) src(%arg9 : memref<80x128xf32, #tpu.memory_space<vmem>>) dst(%dma_wait3A_838 : memref<80x128xf32, #tpu.memory_space<vmem_shared>>)
      tpu.yield
    }) : () -> ()
    %mul3A_26 = arith.constant 640 : i32
    %mul3A_27 = arith.muli %arg1, %mul3A_26 : i32
    %add3A_28 = arith.constant 400 : i32
    %add3A_29 = arith.addi %mul3A_27, %add3A_28 : i32
    "tpu.region"() ({
      %run_scoped3A = tpu.sem_alloc : memref<!tpu.dma_semaphore, #tpu.memory_space<semaphore_mem>>
      %dma_start3A_831 = arith.constant 0 : i32
      %dma_start3A_832 = tpu.memref_slice %arg12[%add3A_29, %dma_start3A_831] : memref<10240x128xf32, #tpu.memory_space<vmem_shared>> -> memref<80x128xf32, #tpu.memory_space<vmem_shared>>
      %dma_start3A_833 = arith.constant 0 : i32
      %dma_start3A_834 = tpu.memref_slice %arg12[%add3A_29, %dma_start3A_833] : memref<10240x128xf32, #tpu.memory_space<vmem_shared>> -> memref<80x128xf32, #tpu.memory_space<vmem_shared>>
      tpu.enqueue_dma source(%arg9 : memref<80x128xf32, #tpu.memory_space<vmem>>) target(%dma_start3A_834 : memref<80x128xf32, #tpu.memory_space<vmem_shared>>) target_semaphore(%run_scoped3A : memref<!tpu.dma_semaphore, #tpu.memory_space<semaphore_mem>>)
      %dma_wait3A_835 = arith.constant 0 : i32
      %dma_wait3A_836 = tpu.memref_slice %arg12[%add3A_29, %dma_wait3A_835] : memref<10240x128xf32, #tpu.memory_space<vmem_shared>> -> memref<80x128xf32, #tpu.memory_space<vmem_shared>>
      %dma_wait3A_837 = arith.constant 0 : i32
      %dma_wait3A_838 = tpu.memref_slice %arg12[%add3A_29, %dma_wait3A_837] : memref<10240x128xf32, #tpu.memory_space<vmem_shared>> -> memref<80x128xf32, #tpu.memory_space<vmem_shared>>
      tpu.wait_dma2 semaphore(%run_scoped3A : memref<!tpu.dma_semaphore, #tpu.memory_space<semaphore_mem>>) src(%arg9 : memref<80x128xf32, #tpu.memory_space<vmem>>) dst(%dma_wait3A_838 : memref<80x128xf32, #tpu.memory_space<vmem_shared>>)
      tpu.yield
    }) : () -> ()
    %mul3A_30 = arith.constant 640 : i32
    %mul3A_31 = arith.muli %arg1, %mul3A_30 : i32
    %add3A_32 = arith.constant 480 : i32
    %add3A_33 = arith.addi %mul3A_31, %add3A_32 : i32
    "tpu.region"() ({
      %run_scoped3A = tpu.sem_alloc : memref<!tpu.dma_semaphore, #tpu.memory_space<semaphore_mem>>
      %dma_start3A_831 = arith.constant 0 : i32
      %dma_start3A_832 = tpu.memref_slice %arg12[%add3A_33, %dma_start3A_831] : memref<10240x128xf32, #tpu.memory_space<vmem_shared>> -> memref<80x128xf32, #tpu.memory_space<vmem_shared>>
      %dma_start3A_833 = arith.constant 0 : i32
      %dma_start3A_834 = tpu.memref_slice %arg12[%add3A_33, %dma_start3A_833] : memref<10240x128xf32, #tpu.memory_space<vmem_shared>> -> memref<80x128xf32, #tpu.memory_space<vmem_shared>>
      tpu.enqueue_dma source(%arg9 : memref<80x128xf32, #tpu.memory_space<vmem>>) target(%dma_start3A_834 : memref<80x128xf32, #tpu.memory_space<vmem_shared>>) target_semaphore(%run_scoped3A : memref<!tpu.dma_semaphore, #tpu.memory_space<semaphore_mem>>)
      %dma_wait3A_835 = arith.constant 0 : i32
      %dma_wait3A_836 = tpu.memref_slice %arg12[%add3A_33, %dma_wait3A_835] : memref<10240x128xf32, #tpu.memory_space<vmem_shared>> -> memref<80x128xf32, #tpu.memory_space<vmem_shared>>
      %dma_wait3A_837 = arith.constant 0 : i32
      %dma_wait3A_838 = tpu.memref_slice %arg12[%add3A_33, %dma_wait3A_837] : memref<10240x128xf32, #tpu.memory_space<vmem_shared>> -> memref<80x128xf32, #tpu.memory_space<vmem_shared>>
      tpu.wait_dma2 semaphore(%run_scoped3A : memref<!tpu.dma_semaphore, #tpu.memory_space<semaphore_mem>>) src(%arg9 : memref<80x128xf32, #tpu.memory_space<vmem>>) dst(%dma_wait3A_838 : memref<80x128xf32, #tpu.memory_space<vmem_shared>>)
      tpu.yield
    }) : () -> ()
    %mul3A_34 = arith.constant 640 : i32
    %mul3A_35 = arith.muli %arg1, %mul3A_34 : i32
    %add3A_36 = arith.constant 560 : i32
    %add3A_37 = arith.addi %mul3A_35, %add3A_36 : i32
    "tpu.region"() ({
      %run_scoped3A = tpu.sem_alloc : memref<!tpu.dma_semaphore, #tpu.memory_space<semaphore_mem>>
      %dma_start3A_831 = arith.constant 0 : i32
      %dma_start3A_832 = tpu.memref_slice %arg12[%add3A_37, %dma_start3A_831] : memref<10240x128xf32, #tpu.memory_space<vmem_shared>> -> memref<80x128xf32, #tpu.memory_space<vmem_shared>>
      %dma_start3A_833 = arith.constant 0 : i32
      %dma_start3A_834 = tpu.memref_slice %arg12[%add3A_37, %dma_start3A_833] : memref<10240x128xf32, #tpu.memory_space<vmem_shared>> -> memref<80x128xf32, #tpu.memory_space<vmem_shared>>
      tpu.enqueue_dma source(%arg9 : memref<80x128xf32, #tpu.memory_space<vmem>>) target(%dma_start3A_834 : memref<80x128xf32, #tpu.memory_space<vmem_shared>>) target_semaphore(%run_scoped3A : memref<!tpu.dma_semaphore, #tpu.memory_space<semaphore_mem>>)
      %dma_wait3A_835 = arith.constant 0 : i32
      %dma_wait3A_836 = tpu.memref_slice %arg12[%add3A_37, %dma_wait3A_835] : memref<10240x128xf32, #tpu.memory_space<vmem_shared>> -> memref<80x128xf32, #tpu.memory_space<vmem_shared>>
      %dma_wait3A_837 = arith.constant 0 : i32
      %dma_wait3A_838 = tpu.memref_slice %arg12[%add3A_37, %dma_wait3A_837] : memref<10240x128xf32, #tpu.memory_space<vmem_shared>> -> memref<80x128xf32, #tpu.memory_space<vmem_shared>>
      tpu.wait_dma2 semaphore(%run_scoped3A : memref<!tpu.dma_semaphore, #tpu.memory_space<semaphore_mem>>) src(%arg9 : memref<80x128xf32, #tpu.memory_space<vmem>>) dst(%dma_wait3A_838 : memref<80x128xf32, #tpu.memory_space<vmem_shared>>)
      tpu.yield
    }) : () -> ()
    %barrier3A = arith.constant 0 : index
    tpu.barrier barrier_id(%barrier3A)
    %dma_start3A = arith.constant 0 : i32
    %dma_start3A_38 = arith.constant 0 : i32
    %dma_start3A_39 = arith.constant 0 : i32
    %dma_start3A_40 = arith.constant 0 : i32
    %dma_start3A_41 = tpu.memref_slice %arg2[%dma_start3A, %add3A, %dma_start3A_38, %dma_start3A_39, %dma_start3A_40] : memref<2x32x5x25x80xi32, #tpu.memory_space<hbm>> -> memref<1x1x1x25x80xi32, #tpu.memory_space<hbm>>
    %dma_start3A_42 = tpu.memref_squeeze %dma_start3A_41 : memref<1x1x1x25x80xi32, #tpu.memory_space<hbm>> -> memref<25x80xi32, #tpu.memory_space<hbm>>
    %dma_start3A_43 = arith.constant 0 : i32
    %dma_start3A_44 = arith.constant 0 : i32
    %dma_start3A_45 = tpu.memref_slice %arg2[%dma_start3A, %add3A, %dma_start3A_38, %dma_start3A_43, %dma_start3A_44] : memref<2x32x5x25x80xi32, #tpu.memory_space<hbm>> -> memref<1x1x1x25x80xi32, #tpu.memory_space<hbm>>
    %dma_start3A_46 = tpu.memref_squeeze %dma_start3A_45 : memref<1x1x1x25x80xi32, #tpu.memory_space<hbm>> -> memref<25x80xi32, #tpu.memory_space<hbm>>
    tpu.enqueue_dma source(%dma_start3A_46 : memref<25x80xi32, #tpu.memory_space<hbm>>) target(%arg5 : memref<25x80xi32, #tpu.memory_space<vmem>>) target_semaphore(%arg19 : memref<!tpu.dma_semaphore, #tpu.memory_space<semaphore_mem>>)
    %dma_start3A_47 = arith.constant 1 : i32
    %dma_start3A_48 = arith.constant 0 : i32
    %dma_start3A_49 = arith.constant 0 : i32
    %dma_start3A_50 = arith.constant 0 : i32
    %dma_start3A_51 = tpu.memref_slice %arg2[%dma_start3A_47, %add3A, %dma_start3A_48, %dma_start3A_49, %dma_start3A_50] : memref<2x32x5x25x80xi32, #tpu.memory_space<hbm>> -> memref<1x1x1x25x80xi32, #tpu.memory_space<hbm>>
    %dma_start3A_52 = tpu.memref_squeeze %dma_start3A_51 : memref<1x1x1x25x80xi32, #tpu.memory_space<hbm>> -> memref<25x80xi32, #tpu.memory_space<hbm>>
    %dma_start3A_53 = arith.constant 0 : i32
    %dma_start3A_54 = arith.constant 0 : i32
    %dma_start3A_55 = tpu.memref_slice %arg2[%dma_start3A_47, %add3A, %dma_start3A_48, %dma_start3A_53, %dma_start3A_54] : memref<2x32x5x25x80xi32, #tpu.memory_space<hbm>> -> memref<1x1x1x25x80xi32, #tpu.memory_space<hbm>>
    %dma_start3A_56 = tpu.memref_squeeze %dma_start3A_55 : memref<1x1x1x25x80xi32, #tpu.memory_space<hbm>> -> memref<25x80xi32, #tpu.memory_space<hbm>>
    tpu.enqueue_dma source(%dma_start3A_56 : memref<25x80xi32, #tpu.memory_space<hbm>>) target(%arg6 : memref<25x80xi32, #tpu.memory_space<vmem>>) target_semaphore(%arg19 : memref<!tpu.dma_semaphore, #tpu.memory_space<semaphore_mem>>)
    %dma_wait3A = arith.constant 0 : i32
    %dma_wait3A_57 = arith.constant 0 : i32
    %dma_wait3A_58 = arith.constant 0 : i32
    %dma_wait3A_59 = arith.constant 0 : i32
    %dma_wait3A_60 = tpu.memref_slice %arg2[%dma_wait3A, %add3A, %dma_wait3A_57, %dma_wait3A_58, %dma_wait3A_59] : memref<2x32x5x25x80xi32, #tpu.memory_space<hbm>> -> memref<1x1x1x25x80xi32, #tpu.memory_space<hbm>>
    %dma_wait3A_61 = tpu.memref_squeeze %dma_wait3A_60 : memref<1x1x1x25x80xi32, #tpu.memory_space<hbm>> -> memref<25x80xi32, #tpu.memory_space<hbm>>
    %dma_wait3A_62 = arith.constant 0 : i32
    %dma_wait3A_63 = arith.constant 0 : i32
    %dma_wait3A_64 = tpu.memref_slice %arg2[%dma_wait3A, %add3A, %dma_wait3A_57, %dma_wait3A_62, %dma_wait3A_63] : memref<2x32x5x25x80xi32, #tpu.memory_space<hbm>> -> memref<1x1x1x25x80xi32, #tpu.memory_space<hbm>>
    %dma_wait3A_65 = tpu.memref_squeeze %dma_wait3A_64 : memref<1x1x1x25x80xi32, #tpu.memory_space<hbm>> -> memref<25x80xi32, #tpu.memory_space<hbm>>
    tpu.wait_dma2 semaphore(%arg19 : memref<!tpu.dma_semaphore, #tpu.memory_space<semaphore_mem>>) src(%dma_wait3A_65 : memref<25x80xi32, #tpu.memory_space<hbm>>) dst(%arg5 : memref<25x80xi32, #tpu.memory_space<vmem>>)
    %dma_wait3A_66 = arith.constant 1 : i32
    %dma_wait3A_67 = arith.constant 0 : i32
    %dma_wait3A_68 = arith.constant 0 : i32
    %dma_wait3A_69 = arith.constant 0 : i32
    %dma_wait3A_70 = tpu.memref_slice %arg2[%dma_wait3A_66, %add3A, %dma_wait3A_67, %dma_wait3A_68, %dma_wait3A_69] : memref<2x32x5x25x80xi32, #tpu.memory_space<hbm>> -> memref<1x1x1x25x80xi32, #tpu.memory_space<hbm>>
    %dma_wait3A_71 = tpu.memref_squeeze %dma_wait3A_70 : memref<1x1x1x25x80xi32, #tpu.memory_space<hbm>> -> memref<25x80xi32, #tpu.memory_space<hbm>>
    %dma_wait3A_72 = arith.constant 0 : i32
    %dma_wait3A_73 = arith.constant 0 : i32
    %dma_wait3A_74 = tpu.memref_slice %arg2[%dma_wait3A_66, %add3A, %dma_wait3A_67, %dma_wait3A_72, %dma_wait3A_73] : memref<2x32x5x25x80xi32, #tpu.memory_space<hbm>> -> memref<1x1x1x25x80xi32, #tpu.memory_space<hbm>>
    %dma_wait3A_75 = tpu.memref_squeeze %dma_wait3A_74 : memref<1x1x1x25x80xi32, #tpu.memory_space<hbm>> -> memref<25x80xi32, #tpu.memory_space<hbm>>
    tpu.wait_dma2 semaphore(%arg19 : memref<!tpu.dma_semaphore, #tpu.memory_space<semaphore_mem>>) src(%dma_wait3A_75 : memref<25x80xi32, #tpu.memory_space<hbm>>) dst(%arg6 : memref<25x80xi32, #tpu.memory_space<vmem>>)
    %dma_start3A_76 = arith.constant 0 : i32
    %dma_start3A_77 = arith.constant 1 : i32
    %dma_start3A_78 = arith.constant 0 : i32
    %dma_start3A_79 = arith.constant 0 : i32
    %dma_start3A_80 = tpu.memref_slice %arg2[%dma_start3A_76, %add3A, %dma_start3A_77, %dma_start3A_78, %dma_start3A_79] : memref<2x32x5x25x80xi32, #tpu.memory_space<hbm>> -> memref<1x1x1x25x80xi32, #tpu.memory_space<hbm>>
    %dma_start3A_81 = tpu.memref_squeeze %dma_start3A_80 : memref<1x1x1x25x80xi32, #tpu.memory_space<hbm>> -> memref<25x80xi32, #tpu.memory_space<hbm>>
    %dma_start3A_82 = arith.constant 0 : i32
    %dma_start3A_83 = arith.constant 0 : i32
    %dma_start3A_84 = tpu.memref_slice %arg2[%dma_start3A_76, %add3A, %dma_start3A_77, %dma_start3A_82, %dma_start3A_83] : memref<2x32x5x25x80xi32, #tpu.memory_space<hbm>> -> memref<1x1x1x25x80xi32, #tpu.memory_space<hbm>>
    %dma_start3A_85 = tpu.memref_squeeze %dma_start3A_84 : memref<1x1x1x25x80xi32, #tpu.memory_space<hbm>> -> memref<25x80xi32, #tpu.memory_space<hbm>>
    tpu.enqueue_dma source(%dma_start3A_85 : memref<25x80xi32, #tpu.memory_space<hbm>>) target(%arg7 : memref<25x80xi32, #tpu.memory_space<vmem>>) target_semaphore(%arg20 : memref<!tpu.dma_semaphore, #tpu.memory_space<semaphore_mem>>)
    %dma_start3A_86 = arith.constant 1 : i32
    %dma_start3A_87 = arith.constant 1 : i32
    %dma_start3A_88 = arith.constant 0 : i32
    %dma_start3A_89 = arith.constant 0 : i32
    %dma_start3A_90 = tpu.memref_slice %arg2[%dma_start3A_86, %add3A, %dma_start3A_87, %dma_start3A_88, %dma_start3A_89] : memref<2x32x5x25x80xi32, #tpu.memory_space<hbm>> -> memref<1x1x1x25x80xi32, #tpu.memory_space<hbm>>
    %dma_start3A_91 = tpu.memref_squeeze %dma_start3A_90 : memref<1x1x1x25x80xi32, #tpu.memory_space<hbm>> -> memref<25x80xi32, #tpu.memory_space<hbm>>
    %dma_start3A_92 = arith.constant 0 : i32
    %dma_start3A_93 = arith.constant 0 : i32
    %dma_start3A_94 = tpu.memref_slice %arg2[%dma_start3A_86, %add3A, %dma_start3A_87, %dma_start3A_92, %dma_start3A_93] : memref<2x32x5x25x80xi32, #tpu.memory_space<hbm>> -> memref<1x1x1x25x80xi32, #tpu.memory_space<hbm>>
    %dma_start3A_95 = tpu.memref_squeeze %dma_start3A_94 : memref<1x1x1x25x80xi32, #tpu.memory_space<hbm>> -> memref<25x80xi32, #tpu.memory_space<hbm>>
    tpu.enqueue_dma source(%dma_start3A_95 : memref<25x80xi32, #tpu.memory_space<hbm>>) target(%arg8 : memref<25x80xi32, #tpu.memory_space<vmem>>) target_semaphore(%arg20 : memref<!tpu.dma_semaphore, #tpu.memory_space<semaphore_mem>>)
    %dma_start3A_96 = arith.constant 0 : i32
    %dma_start3A_97 = arith.constant 0 : i32
    %dma_start3A_98 = tpu.memref_slice %arg5[%dma_start3A_96, %dma_start3A_97] : memref<25x80xi32, #tpu.memory_space<vmem>> -> memref<1x80xi32, #tpu.memory_space<vmem>>
    %dma_start3A_99 = tpu.memref_squeeze %dma_start3A_98 : memref<1x80xi32, #tpu.memory_space<vmem>> -> memref<80xi32, #tpu.memory_space<vmem>>
    %dma_start3A_100 = arith.constant 0 : i32
    %dma_start3A_101 = arith.constant 0 : i32
    %dma_start3A_102 = tpu.memref_slice %arg3[%dma_start3A_100, %dma_start3A_101] : memref<10000x128xf32, #tpu.memory_space<hbm>> -> memref<10000x128xf32, #tpu.memory_space<hbm>>
    tpu.enqueue_indirect_dma source(%dma_start3A_102 : memref<10000x128xf32, #tpu.memory_space<hbm>>) target(%arg9 : memref<80x128xf32, #tpu.memory_space<vmem>>) offsets(%dma_start3A_99 : memref<80xi32, #tpu.memory_space<vmem>>) semaphore(%arg13 : memref<!tpu.dma_semaphore, #tpu.memory_space<semaphore_mem>>)
    %dma_start3A_103 = arith.constant 1 : i32
    %dma_start3A_104 = arith.constant 0 : i32
    %dma_start3A_105 = tpu.memref_slice %arg5[%dma_start3A_103, %dma_start3A_104] : memref<25x80xi32, #tpu.memory_space<vmem>> -> memref<1x80xi32, #tpu.memory_space<vmem>>
    %dma_start3A_106 = tpu.memref_squeeze %dma_start3A_105 : memref<1x80xi32, #tpu.memory_space<vmem>> -> memref<80xi32, #tpu.memory_space<vmem>>
    %dma_start3A_107 = arith.constant 0 : i32
    %dma_start3A_108 = arith.constant 0 : i32
    %dma_start3A_109 = tpu.memref_slice %arg3[%dma_start3A_107, %dma_start3A_108] : memref<10000x128xf32, #tpu.memory_space<hbm>> -> memref<10000x128xf32, #tpu.memory_space<hbm>>
    tpu.enqueue_indirect_dma source(%dma_start3A_109 : memref<10000x128xf32, #tpu.memory_space<hbm>>) target(%arg10 : memref<80x128xf32, #tpu.memory_space<vmem>>) offsets(%dma_start3A_106 : memref<80xi32, #tpu.memory_space<vmem>>) semaphore(%arg14 : memref<!tpu.dma_semaphore, #tpu.memory_space<semaphore_mem>>)
    %dma_wait3A_110 = arith.constant 0 : i32
    %dma_wait3A_111 = arith.constant 0 : i32
    %dma_wait3A_112 = tpu.memref_slice %arg5[%dma_wait3A_110, %dma_wait3A_111] : memref<25x80xi32, #tpu.memory_space<vmem>> -> memref<1x80xi32, #tpu.memory_space<vmem>>
    %dma_wait3A_113 = tpu.memref_squeeze %dma_wait3A_112 : memref<1x80xi32, #tpu.memory_space<vmem>> -> memref<80xi32, #tpu.memory_space<vmem>>
    %dma_wait3A_114 = arith.constant 0 : i32
    %dma_wait3A_115 = arith.constant 0 : i32
    %dma_wait3A_116 = tpu.memref_slice %arg3[%dma_wait3A_114, %dma_wait3A_115] : memref<10000x128xf32, #tpu.memory_space<hbm>> -> memref<10000x128xf32, #tpu.memory_space<hbm>>
    tpu.wait_indirect_dma semaphore(%arg13 : memref<!tpu.dma_semaphore, #tpu.memory_space<semaphore_mem>>) src(%dma_wait3A_116 : memref<10000x128xf32, #tpu.memory_space<hbm>>) dst(%arg9 : memref<80x128xf32, #tpu.memory_space<vmem>>)
    %dma_start3A_117 = arith.constant 0 : i32
    %dma_start3A_118 = arith.constant 0 : i32
    %dma_start3A_119 = tpu.memref_slice %arg6[%dma_start3A_117, %dma_start3A_118] : memref<25x80xi32, #tpu.memory_space<vmem>> -> memref<1x80xi32, #tpu.memory_space<vmem>>
    %dma_start3A_120 = tpu.memref_squeeze %dma_start3A_119 : memref<1x80xi32, #tpu.memory_space<vmem>> -> memref<80xi32, #tpu.memory_space<vmem>>
    %dma_start3A_121 = arith.constant 0 : i32
    %dma_start3A_122 = arith.constant 0 : i32
    %dma_start3A_123 = tpu.memref_slice %arg12[%dma_start3A_121, %dma_start3A_122] : memref<10240x128xf32, #tpu.memory_space<vmem_shared>> -> memref<10240x128xf32, #tpu.memory_space<vmem_shared>>
    tpu.enqueue_indirect_dma source(%arg9 : memref<80x128xf32, #tpu.memory_space<vmem>>) target(%dma_start3A_123 : memref<10240x128xf32, #tpu.memory_space<vmem_shared>>) offsets(%dma_start3A_120 : memref<80xi32, #tpu.memory_space<vmem>>) semaphore(%arg16 : memref<!tpu.dma_semaphore, #tpu.memory_space<semaphore_mem>>) {add = true}
    %dma_start3A_124 = arith.constant 2 : i32
    %dma_start3A_125 = arith.constant 0 : i32
    %dma_start3A_126 = tpu.memref_slice %arg5[%dma_start3A_124, %dma_start3A_125] : memref<25x80xi32, #tpu.memory_space<vmem>> -> memref<1x80xi32, #tpu.memory_space<vmem>>
    %dma_start3A_127 = tpu.memref_squeeze %dma_start3A_126 : memref<1x80xi32, #tpu.memory_space<vmem>> -> memref<80xi32, #tpu.memory_space<vmem>>
    %dma_start3A_128 = arith.constant 0 : i32
    %dma_start3A_129 = arith.constant 0 : i32
    %dma_start3A_130 = tpu.memref_slice %arg3[%dma_start3A_128, %dma_start3A_129] : memref<10000x128xf32, #tpu.memory_space<hbm>> -> memref<10000x128xf32, #tpu.memory_space<hbm>>
    tpu.enqueue_indirect_dma source(%dma_start3A_130 : memref<10000x128xf32, #tpu.memory_space<hbm>>) target(%arg11 : memref<80x128xf32, #tpu.memory_space<vmem>>) offsets(%dma_start3A_127 : memref<80xi32, #tpu.memory_space<vmem>>) semaphore(%arg15 : memref<!tpu.dma_semaphore, #tpu.memory_space<semaphore_mem>>)
    %dma_wait3A_131 = arith.constant 1 : i32
    %dma_wait3A_132 = arith.constant 0 : i32
    %dma_wait3A_133 = tpu.memref_slice %arg5[%dma_wait3A_131, %dma_wait3A_132] : memref<25x80xi32, #tpu.memory_space<vmem>> -> memref<1x80xi32, #tpu.memory_space<vmem>>
    %dma_wait3A_134 = tpu.memref_squeeze %dma_wait3A_133 : memref<1x80xi32, #tpu.memory_space<vmem>> -> memref<80xi32, #tpu.memory_space<vmem>>
    %dma_wait3A_135 = arith.constant 0 : i32
    %dma_wait3A_136 = arith.constant 0 : i32
    %dma_wait3A_137 = tpu.memref_slice %arg3[%dma_wait3A_135, %dma_wait3A_136] : memref<10000x128xf32, #tpu.memory_space<hbm>> -> memref<10000x128xf32, #tpu.memory_space<hbm>>
    tpu.wait_indirect_dma semaphore(%arg14 : memref<!tpu.dma_semaphore, #tpu.memory_space<semaphore_mem>>) src(%dma_wait3A_137 : memref<10000x128xf32, #tpu.memory_space<hbm>>) dst(%arg10 : memref<80x128xf32, #tpu.memory_space<vmem>>)
    %dma_start3A_138 = arith.constant 1 : i32
    %dma_start3A_139 = arith.constant 0 : i32
    %dma_start3A_140 = tpu.memref_slice %arg6[%dma_start3A_138, %dma_start3A_139] : memref<25x80xi32, #tpu.memory_space<vmem>> -> memref<1x80xi32, #tpu.memory_space<vmem>>
    %dma_start3A_141 = tpu.memref_squeeze %dma_start3A_140 : memref<1x80xi32, #tpu.memory_space<vmem>> -> memref<80xi32, #tpu.memory_space<vmem>>
    %dma_start3A_142 = arith.constant 0 : i32
    %dma_start3A_143 = arith.constant 0 : i32
    %dma_start3A_144 = tpu.memref_slice %arg12[%dma_start3A_142, %dma_start3A_143] : memref<10240x128xf32, #tpu.memory_space<vmem_shared>> -> memref<10240x128xf32, #tpu.memory_space<vmem_shared>>
    tpu.enqueue_indirect_dma source(%arg10 : memref<80x128xf32, #tpu.memory_space<vmem>>) target(%dma_start3A_144 : memref<10240x128xf32, #tpu.memory_space<vmem_shared>>) offsets(%dma_start3A_141 : memref<80xi32, #tpu.memory_space<vmem>>) semaphore(%arg17 : memref<!tpu.dma_semaphore, #tpu.memory_space<semaphore_mem>>) {add = true}
    %dma_wait3A_145 = arith.constant 0 : i32
    %dma_wait3A_146 = arith.constant 0 : i32
    %dma_wait3A_147 = tpu.memref_slice %arg6[%dma_wait3A_145, %dma_wait3A_146] : memref<25x80xi32, #tpu.memory_space<vmem>> -> memref<1x80xi32, #tpu.memory_space<vmem>>
    %dma_wait3A_148 = tpu.memref_squeeze %dma_wait3A_147 : memref<1x80xi32, #tpu.memory_space<vmem>> -> memref<80xi32, #tpu.memory_space<vmem>>
    %dma_wait3A_149 = arith.constant 0 : i32
    %dma_wait3A_150 = arith.constant 0 : i32
    %dma_wait3A_151 = tpu.memref_slice %arg12[%dma_wait3A_149, %dma_wait3A_150] : memref<10240x128xf32, #tpu.memory_space<vmem_shared>> -> memref<10240x128xf32, #tpu.memory_space<vmem_shared>>
    tpu.wait_indirect_dma semaphore(%arg16 : memref<!tpu.dma_semaphore, #tpu.memory_space<semaphore_mem>>) src(%arg9 : memref<80x128xf32, #tpu.memory_space<vmem>>) dst(%dma_wait3A_151 : memref<10240x128xf32, #tpu.memory_space<vmem_shared>>)
    %dma_start3A_152 = arith.constant 3 : i32
    %dma_start3A_153 = arith.constant 0 : i32
    %dma_start3A_154 = tpu.memref_slice %arg5[%dma_start3A_152, %dma_start3A_153] : memref<25x80xi32, #tpu.memory_space<vmem>> -> memref<1x80xi32, #tpu.memory_space<vmem>>
    %dma_start3A_155 = tpu.memref_squeeze %dma_start3A_154 : memref<1x80xi32, #tpu.memory_space<vmem>> -> memref<80xi32, #tpu.memory_space<vmem>>
    %dma_start3A_156 = arith.constant 0 : i32
    %dma_start3A_157 = arith.constant 0 : i32
    %dma_start3A_158 = tpu.memref_slice %arg3[%dma_start3A_156, %dma_start3A_157] : memref<10000x128xf32, #tpu.memory_space<hbm>> -> memref<10000x128xf32, #tpu.memory_space<hbm>>
    tpu.enqueue_indirect_dma source(%dma_start3A_158 : memref<10000x128xf32, #tpu.memory_space<hbm>>) target(%arg9 : memref<80x128xf32, #tpu.memory_space<vmem>>) offsets(%dma_start3A_155 : memref<80xi32, #tpu.memory_space<vmem>>) semaphore(%arg13 : memref<!tpu.dma_semaphore, #tpu.memory_space<semaphore_mem>>)
    %scan3A_159 = arith.constant 0 : i32
    %scan3A_160 = arith.constant 0 : i32
    %scan3A_161 = arith.constant 7 : i32
    %scan3A_162 = arith.addi %scan3A_160, %scan3A_161 : i32
    %scan3A_163 = arith.constant 1 : i32
    scf.for %scan3A_831 = %scan3A_160 to %scan3A_162 step %scan3A_163  : i32 {
      %mul3A_832 = arith.constant 3 : i32
      %mul3A_833 = arith.muli %mul3A_832, %scan3A_831 : i32
      %add3A_834 = arith.constant 2 : i32
      %add3A_835 = arith.addi %add3A_834, %mul3A_833 : i32
      %add3A_836 = arith.constant 0 : i32
      %add3A_837 = arith.addi %add3A_835, %add3A_836 : i32
      %dma_wait3A_838 = arith.constant 0 : i32
      %dma_wait3A_839 = tpu.memref_slice %arg5[%add3A_837, %dma_wait3A_838] : memref<25x80xi32, #tpu.memory_space<vmem>> -> memref<1x80xi32, #tpu.memory_space<vmem>>
      %dma_wait3A_840 = tpu.memref_squeeze %dma_wait3A_839 : memref<1x80xi32, #tpu.memory_space<vmem>> -> memref<80xi32, #tpu.memory_space<vmem>>
      %dma_wait3A_841 = arith.constant 0 : i32
      %dma_wait3A_842 = arith.constant 0 : i32
      %dma_wait3A_843 = tpu.memref_slice %arg3[%dma_wait3A_841, %dma_wait3A_842] : memref<10000x128xf32, #tpu.memory_space<hbm>> -> memref<10000x128xf32, #tpu.memory_space<hbm>>
      tpu.wait_indirect_dma semaphore(%arg15 : memref<!tpu.dma_semaphore, #tpu.memory_space<semaphore_mem>>) src(%dma_wait3A_843 : memref<10000x128xf32, #tpu.memory_space<hbm>>) dst(%arg11 : memref<80x128xf32, #tpu.memory_space<vmem>>)
      %add3A_844 = arith.constant 0 : i32
      %add3A_845 = arith.addi %add3A_835, %add3A_844 : i32
      %dma_start3A_846 = arith.constant 0 : i32
      %dma_start3A_847 = tpu.memref_slice %arg6[%add3A_845, %dma_start3A_846] : memref<25x80xi32, #tpu.memory_space<vmem>> -> memref<1x80xi32, #tpu.memory_space<vmem>>
      %dma_start3A_848 = tpu.memref_squeeze %dma_start3A_847 : memref<1x80xi32, #tpu.memory_space<vmem>> -> memref<80xi32, #tpu.memory_space<vmem>>
      %dma_start3A_849 = arith.constant 0 : i32
      %dma_start3A_850 = arith.constant 0 : i32
      %dma_start3A_851 = tpu.memref_slice %arg12[%dma_start3A_849, %dma_start3A_850] : memref<10240x128xf32, #tpu.memory_space<vmem_shared>> -> memref<10240x128xf32, #tpu.memory_space<vmem_shared>>
      tpu.enqueue_indirect_dma source(%arg11 : memref<80x128xf32, #tpu.memory_space<vmem>>) target(%dma_start3A_851 : memref<10240x128xf32, #tpu.memory_space<vmem_shared>>) offsets(%dma_start3A_848 : memref<80xi32, #tpu.memory_space<vmem>>) semaphore(%arg18 : memref<!tpu.dma_semaphore, #tpu.memory_space<semaphore_mem>>) {add = true}
      %add3A_852 = arith.constant 0 : i32
      %add3A_853 = arith.addi %add3A_835, %add3A_852 : i32
      %sub3A = arith.constant 1 : i32
      %sub3A_854 = arith.subi %add3A_853, %sub3A : i32
      %dma_wait3A_855 = arith.constant 0 : i32
      %dma_wait3A_856 = tpu.memref_slice %arg6[%sub3A_854, %dma_wait3A_855] : memref<25x80xi32, #tpu.memory_space<vmem>> -> memref<1x80xi32, #tpu.memory_space<vmem>>
      %dma_wait3A_857 = tpu.memref_squeeze %dma_wait3A_856 : memref<1x80xi32, #tpu.memory_space<vmem>> -> memref<80xi32, #tpu.memory_space<vmem>>
      %dma_wait3A_858 = arith.constant 0 : i32
      %dma_wait3A_859 = arith.constant 0 : i32
      %dma_wait3A_860 = tpu.memref_slice %arg12[%dma_wait3A_858, %dma_wait3A_859] : memref<10240x128xf32, #tpu.memory_space<vmem_shared>> -> memref<10240x128xf32, #tpu.memory_space<vmem_shared>>
      tpu.wait_indirect_dma semaphore(%arg17 : memref<!tpu.dma_semaphore, #tpu.memory_space<semaphore_mem>>) src(%arg10 : memref<80x128xf32, #tpu.memory_space<vmem>>) dst(%dma_wait3A_860 : memref<10240x128xf32, #tpu.memory_space<vmem_shared>>)
      %add3A_861 = arith.constant 0 : i32
      %add3A_862 = arith.addi %add3A_835, %add3A_861 : i32
      %add3A_863 = arith.constant 2 : i32
      %add3A_864 = arith.addi %add3A_862, %add3A_863 : i32
      %dma_start3A_865 = arith.constant 0 : i32
      %dma_start3A_866 = tpu.memref_slice %arg5[%add3A_864, %dma_start3A_865] : memref<25x80xi32, #tpu.memory_space<vmem>> -> memref<1x80xi32, #tpu.memory_space<vmem>>
      %dma_start3A_867 = tpu.memref_squeeze %dma_start3A_866 : memref<1x80xi32, #tpu.memory_space<vmem>> -> memref<80xi32, #tpu.memory_space<vmem>>
      %dma_start3A_868 = arith.constant 0 : i32
      %dma_start3A_869 = arith.constant 0 : i32
      %dma_start3A_870 = tpu.memref_slice %arg3[%dma_start3A_868, %dma_start3A_869] : memref<10000x128xf32, #tpu.memory_space<hbm>> -> memref<10000x128xf32, #tpu.memory_space<hbm>>
      tpu.enqueue_indirect_dma source(%dma_start3A_870 : memref<10000x128xf32, #tpu.memory_space<hbm>>) target(%arg10 : memref<80x128xf32, #tpu.memory_space<vmem>>) offsets(%dma_start3A_867 : memref<80xi32, #tpu.memory_space<vmem>>) semaphore(%arg14 : memref<!tpu.dma_semaphore, #tpu.memory_space<semaphore_mem>>)
      %add3A_871 = arith.constant 1 : i32
      %add3A_872 = arith.addi %add3A_835, %add3A_871 : i32
      %dma_wait3A_873 = arith.constant 0 : i32
      %dma_wait3A_874 = tpu.memref_slice %arg5[%add3A_872, %dma_wait3A_873] : memref<25x80xi32, #tpu.memory_space<vmem>> -> memref<1x80xi32, #tpu.memory_space<vmem>>
      %dma_wait3A_875 = tpu.memref_squeeze %dma_wait3A_874 : memref<1x80xi32, #tpu.memory_space<vmem>> -> memref<80xi32, #tpu.memory_space<vmem>>
      %dma_wait3A_876 = arith.constant 0 : i32
      %dma_wait3A_877 = arith.constant 0 : i32
      %dma_wait3A_878 = tpu.memref_slice %arg3[%dma_wait3A_876, %dma_wait3A_877] : memref<10000x128xf32, #tpu.memory_space<hbm>> -> memref<10000x128xf32, #tpu.memory_space<hbm>>
      tpu.wait_indirect_dma semaphore(%arg13 : memref<!tpu.dma_semaphore, #tpu.memory_space<semaphore_mem>>) src(%dma_wait3A_878 : memref<10000x128xf32, #tpu.memory_space<hbm>>) dst(%arg9 : memref<80x128xf32, #tpu.memory_space<vmem>>)
      %add3A_879 = arith.constant 1 : i32
      %add3A_880 = arith.addi %add3A_835, %add3A_879 : i32
      %dma_start3A_881 = arith.constant 0 : i32
      %dma_start3A_882 = tpu.memref_slice %arg6[%add3A_880, %dma_start3A_881] : memref<25x80xi32, #tpu.memory_space<vmem>> -> memref<1x80xi32, #tpu.memory_space<vmem>>
      %dma_start3A_883 = tpu.memref_squeeze %dma_start3A_882 : memref<1x80xi32, #tpu.memory_space<vmem>> -> memref<80xi32, #tpu.memory_space<vmem>>
      %dma_start3A_884 = arith.constant 0 : i32
      %dma_start3A_885 = arith.constant 0 : i32
      %dma_start3A_886 = tpu.memref_slice %arg12[%dma_start3A_884, %dma_start3A_885] : memref<10240x128xf32, #tpu.memory_space<vmem_shared>> -> memref<10240x128xf32, #tpu.memory_space<vmem_shared>>
      tpu.enqueue_indirect_dma source(%arg9 : memref<80x128xf32, #tpu.memory_space<vmem>>) target(%dma_start3A_886 : memref<10240x128xf32, #tpu.memory_space<vmem_shared>>) offsets(%dma_start3A_883 : memref<80xi32, #tpu.memory_space<vmem>>) semaphore(%arg16 : memref<!tpu.dma_semaphore, #tpu.memory_space<semaphore_mem>>) {add = true}
      %add3A_887 = arith.constant 1 : i32
      %add3A_888 = arith.addi %add3A_835, %add3A_887 : i32
      %sub3A_889 = arith.constant 1 : i32
      %sub3A_890 = arith.subi %add3A_888, %sub3A_889 : i32
      %dma_wait3A_891 = arith.constant 0 : i32
      %dma_wait3A_892 = tpu.memref_slice %arg6[%sub3A_890, %dma_wait3A_891] : memref<25x80xi32, #tpu.memory_space<vmem>> -> memref<1x80xi32, #tpu.memory_space<vmem>>
      %dma_wait3A_893 = tpu.memref_squeeze %dma_wait3A_892 : memref<1x80xi32, #tpu.memory_space<vmem>> -> memref<80xi32, #tpu.memory_space<vmem>>
      %dma_wait3A_894 = arith.constant 0 : i32
      %dma_wait3A_895 = arith.constant 0 : i32
      %dma_wait3A_896 = tpu.memref_slice %arg12[%dma_wait3A_894, %dma_wait3A_895] : memref<10240x128xf32, #tpu.memory_space<vmem_shared>> -> memref<10240x128xf32, #tpu.memory_space<vmem_shared>>
      tpu.wait_indirect_dma semaphore(%arg18 : memref<!tpu.dma_semaphore, #tpu.memory_space<semaphore_mem>>) src(%arg11 : memref<80x128xf32, #tpu.memory_space<vmem>>) dst(%dma_wait3A_896 : memref<10240x128xf32, #tpu.memory_space<vmem_shared>>)
      %add3A_897 = arith.constant 1 : i32
      %add3A_898 = arith.addi %add3A_835, %add3A_897 : i32
      %add3A_899 = arith.constant 2 : i32
      %add3A_900 = arith.addi %add3A_898, %add3A_899 : i32
      %dma_start3A_901 = arith.constant 0 : i32
      %dma_start3A_902 = tpu.memref_slice %arg5[%add3A_900, %dma_start3A_901] : memref<25x80xi32, #tpu.memory_space<vmem>> -> memref<1x80xi32, #tpu.memory_space<vmem>>
      %dma_start3A_903 = tpu.memref_squeeze %dma_start3A_902 : memref<1x80xi32, #tpu.memory_space<vmem>> -> memref<80xi32, #tpu.memory_space<vmem>>
      %dma_start3A_904 = arith.constant 0 : i32
      %dma_start3A_905 = arith.constant 0 : i32
      %dma_start3A_906 = tpu.memref_slice %arg3[%dma_start3A_904, %dma_start3A_905] : memref<10000x128xf32, #tpu.memory_space<hbm>> -> memref<10000x128xf32, #tpu.memory_space<hbm>>
      tpu.enqueue_indirect_dma source(%dma_start3A_906 : memref<10000x128xf32, #tpu.memory_space<hbm>>) target(%arg11 : memref<80x128xf32, #tpu.memory_space<vmem>>) offsets(%dma_start3A_903 : memref<80xi32, #tpu.memory_space<vmem>>) semaphore(%arg15 : memref<!tpu.dma_semaphore, #tpu.memory_space<semaphore_mem>>)
      %add3A_907 = arith.constant 2 : i32
      %add3A_908 = arith.addi %add3A_835, %add3A_907 : i32
      %dma_wait3A_909 = arith.constant 0 : i32
      %dma_wait3A_910 = tpu.memref_slice %arg5[%add3A_908, %dma_wait3A_909] : memref<25x80xi32, #tpu.memory_space<vmem>> -> memref<1x80xi32, #tpu.memory_space<vmem>>
      %dma_wait3A_911 = tpu.memref_squeeze %dma_wait3A_910 : memref<1x80xi32, #tpu.memory_space<vmem>> -> memref<80xi32, #tpu.memory_space<vmem>>
      %dma_wait3A_912 = arith.constant 0 : i32
      %dma_wait3A_913 = arith.constant 0 : i32
      %dma_wait3A_914 = tpu.memref_slice %arg3[%dma_wait3A_912, %dma_wait3A_913] : memref<10000x128xf32, #tpu.memory_space<hbm>> -> memref<10000x128xf32, #tpu.memory_space<hbm>>
      tpu.wait_indirect_dma semaphore(%arg14 : memref<!tpu.dma_semaphore, #tpu.memory_space<semaphore_mem>>) src(%dma_wait3A_914 : memref<10000x128xf32, #tpu.memory_space<hbm>>) dst(%arg10 : memref<80x128xf32, #tpu.memory_space<vmem>>)
      %add3A_915 = arith.constant 2 : i32
      %add3A_916 = arith.addi %add3A_835, %add3A_915 : i32
      %dma_start3A_917 = arith.constant 0 : i32
      %dma_start3A_918 = tpu.memref_slice %arg6[%add3A_916, %dma_start3A_917] : memref<25x80xi32, #tpu.memory_space<vmem>> -> memref<1x80xi32, #tpu.memory_space<vmem>>
      %dma_start3A_919 = tpu.memref_squeeze %dma_start3A_918 : memref<1x80xi32, #tpu.memory_space<vmem>> -> memref<80xi32, #tpu.memory_space<vmem>>
      %dma_start3A_920 = arith.constant 0 : i32
      %dma_start3A_921 = arith.constant 0 : i32
      %dma_start3A_922 = tpu.memref_slice %arg12[%dma_start3A_920, %dma_start3A_921] : memref<10240x128xf32, #tpu.memory_space<vmem_shared>> -> memref<10240x128xf32, #tpu.memory_space<vmem_shared>>
      tpu.enqueue_indirect_dma source(%arg10 : memref<80x128xf32, #tpu.memory_space<vmem>>) target(%dma_start3A_922 : memref<10240x128xf32, #tpu.memory_space<vmem_shared>>) offsets(%dma_start3A_919 : memref<80xi32, #tpu.memory_space<vmem>>) semaphore(%arg17 : memref<!tpu.dma_semaphore, #tpu.memory_space<semaphore_mem>>) {add = true}
      %add3A_923 = arith.constant 2 : i32
      %add3A_924 = arith.addi %add3A_835, %add3A_923 : i32
      %sub3A_925 = arith.constant 1 : i32
      %sub3A_926 = arith.subi %add3A_924, %sub3A_925 : i32
      %dma_wait3A_927 = arith.constant 0 : i32
      %dma_wait3A_928 = tpu.memref_slice %arg6[%sub3A_926, %dma_wait3A_927] : memref<25x80xi32, #tpu.memory_space<vmem>> -> memref<1x80xi32, #tpu.memory_space<vmem>>
      %dma_wait3A_929 = tpu.memref_squeeze %dma_wait3A_928 : memref<1x80xi32, #tpu.memory_space<vmem>> -> memref<80xi32, #tpu.memory_space<vmem>>
      %dma_wait3A_930 = arith.constant 0 : i32
      %dma_wait3A_931 = arith.constant 0 : i32
      %dma_wait3A_932 = tpu.memref_slice %arg12[%dma_wait3A_930, %dma_wait3A_931] : memref<10240x128xf32, #tpu.memory_space<vmem_shared>> -> memref<10240x128xf32, #tpu.memory_space<vmem_shared>>
      tpu.wait_indirect_dma semaphore(%arg16 : memref<!tpu.dma_semaphore, #tpu.memory_space<semaphore_mem>>) src(%arg9 : memref<80x128xf32, #tpu.memory_space<vmem>>) dst(%dma_wait3A_932 : memref<10240x128xf32, #tpu.memory_space<vmem_shared>>)
      %add3A_933 = arith.constant 2 : i32
      %add3A_934 = arith.addi %add3A_835, %add3A_933 : i32
      %add3A_935 = arith.constant 2 : i32
      %add3A_936 = arith.addi %add3A_934, %add3A_935 : i32
      %dma_start3A_937 = arith.constant 0 : i32
      %dma_start3A_938 = tpu.memref_slice %arg5[%add3A_936, %dma_start3A_937] : memref<25x80xi32, #tpu.memory_space<vmem>> -> memref<1x80xi32, #tpu.memory_space<vmem>>
      %dma_start3A_939 = tpu.memref_squeeze %dma_start3A_938 : memref<1x80xi32, #tpu.memory_space<vmem>> -> memref<80xi32, #tpu.memory_space<vmem>>
      %dma_start3A_940 = arith.constant 0 : i32
      %dma_start3A_941 = arith.constant 0 : i32
      %dma_start3A_942 = tpu.memref_slice %arg3[%dma_start3A_940, %dma_start3A_941] : memref<10000x128xf32, #tpu.memory_space<hbm>> -> memref<10000x128xf32, #tpu.memory_space<hbm>>
      tpu.enqueue_indirect_dma source(%dma_start3A_942 : memref<10000x128xf32, #tpu.memory_space<hbm>>) target(%arg9 : memref<80x128xf32, #tpu.memory_space<vmem>>) offsets(%dma_start3A_939 : memref<80xi32, #tpu.memory_space<vmem>>) semaphore(%arg13 : memref<!tpu.dma_semaphore, #tpu.memory_space<semaphore_mem>>)
    }
    %scan3A_164 = arith.constant 7 : i32
    %dma_wait3A_165 = arith.constant 0 : i32
    %dma_wait3A_166 = arith.constant 1 : i32
    %dma_wait3A_167 = arith.constant 0 : i32
    %dma_wait3A_168 = arith.constant 0 : i32
    %dma_wait3A_169 = tpu.memref_slice %arg2[%dma_wait3A_165, %add3A, %dma_wait3A_166, %dma_wait3A_167, %dma_wait3A_168] : memref<2x32x5x25x80xi32, #tpu.memory_space<hbm>> -> memref<1x1x1x25x80xi32, #tpu.memory_space<hbm>>
    %dma_wait3A_170 = tpu.memref_squeeze %dma_wait3A_169 : memref<1x1x1x25x80xi32, #tpu.memory_space<hbm>> -> memref<25x80xi32, #tpu.memory_space<hbm>>
    %dma_wait3A_171 = arith.constant 0 : i32
    %dma_wait3A_172 = arith.constant 0 : i32
    %dma_wait3A_173 = tpu.memref_slice %arg2[%dma_wait3A_165, %add3A, %dma_wait3A_166, %dma_wait3A_171, %dma_wait3A_172] : memref<2x32x5x25x80xi32, #tpu.memory_space<hbm>> -> memref<1x1x1x25x80xi32, #tpu.memory_space<hbm>>
    %dma_wait3A_174 = tpu.memref_squeeze %dma_wait3A_173 : memref<1x1x1x25x80xi32, #tpu.memory_space<hbm>> -> memref<25x80xi32, #tpu.memory_space<hbm>>
    tpu.wait_dma2 semaphore(%arg20 : memref<!tpu.dma_semaphore, #tpu.memory_space<semaphore_mem>>) src(%dma_wait3A_174 : memref<25x80xi32, #tpu.memory_space<hbm>>) dst(%arg7 : memref<25x80xi32, #tpu.memory_space<vmem>>)
    %dma_wait3A_175 = arith.constant 1 : i32
    %dma_wait3A_176 = arith.constant 1 : i32
    %dma_wait3A_177 = arith.constant 0 : i32
    %dma_wait3A_178 = arith.constant 0 : i32
    %dma_wait3A_179 = tpu.memref_slice %arg2[%dma_wait3A_175, %add3A, %dma_wait3A_176, %dma_wait3A_177, %dma_wait3A_178] : memref<2x32x5x25x80xi32, #tpu.memory_space<hbm>> -> memref<1x1x1x25x80xi32, #tpu.memory_space<hbm>>
    %dma_wait3A_180 = tpu.memref_squeeze %dma_wait3A_179 : memref<1x1x1x25x80xi32, #tpu.memory_space<hbm>> -> memref<25x80xi32, #tpu.memory_space<hbm>>
    %dma_wait3A_181 = arith.constant 0 : i32
    %dma_wait3A_182 = arith.constant 0 : i32
    %dma_wait3A_183 = tpu.memref_slice %arg2[%dma_wait3A_175, %add3A, %dma_wait3A_176, %dma_wait3A_181, %dma_wait3A_182] : memref<2x32x5x25x80xi32, #tpu.memory_space<hbm>> -> memref<1x1x1x25x80xi32, #tpu.memory_space<hbm>>
    %dma_wait3A_184 = tpu.memref_squeeze %dma_wait3A_183 : memref<1x1x1x25x80xi32, #tpu.memory_space<hbm>> -> memref<25x80xi32, #tpu.memory_space<hbm>>
    tpu.wait_dma2 semaphore(%arg20 : memref<!tpu.dma_semaphore, #tpu.memory_space<semaphore_mem>>) src(%dma_wait3A_184 : memref<25x80xi32, #tpu.memory_space<hbm>>) dst(%arg8 : memref<25x80xi32, #tpu.memory_space<vmem>>)
    %dma_wait3A_185 = arith.constant 23 : i32
    %dma_wait3A_186 = arith.constant 0 : i32
    %dma_wait3A_187 = tpu.memref_slice %arg5[%dma_wait3A_185, %dma_wait3A_186] : memref<25x80xi32, #tpu.memory_space<vmem>> -> memref<1x80xi32, #tpu.memory_space<vmem>>
    %dma_wait3A_188 = tpu.memref_squeeze %dma_wait3A_187 : memref<1x80xi32, #tpu.memory_space<vmem>> -> memref<80xi32, #tpu.memory_space<vmem>>
    %dma_wait3A_189 = arith.constant 0 : i32
    %dma_wait3A_190 = arith.constant 0 : i32
    %dma_wait3A_191 = tpu.memref_slice %arg3[%dma_wait3A_189, %dma_wait3A_190] : memref<10000x128xf32, #tpu.memory_space<hbm>> -> memref<10000x128xf32, #tpu.memory_space<hbm>>
    tpu.wait_indirect_dma semaphore(%arg15 : memref<!tpu.dma_semaphore, #tpu.memory_space<semaphore_mem>>) src(%dma_wait3A_191 : memref<10000x128xf32, #tpu.memory_space<hbm>>) dst(%arg11 : memref<80x128xf32, #tpu.memory_space<vmem>>)
    %dma_start3A_192 = arith.constant 23 : i32
    %dma_start3A_193 = arith.constant 0 : i32
    %dma_start3A_194 = tpu.memref_slice %arg6[%dma_start3A_192, %dma_start3A_193] : memref<25x80xi32, #tpu.memory_space<vmem>> -> memref<1x80xi32, #tpu.memory_space<vmem>>
    %dma_start3A_195 = tpu.memref_squeeze %dma_start3A_194 : memref<1x80xi32, #tpu.memory_space<vmem>> -> memref<80xi32, #tpu.memory_space<vmem>>
    %dma_start3A_196 = arith.constant 0 : i32
    %dma_start3A_197 = arith.constant 0 : i32
    %dma_start3A_198 = tpu.memref_slice %arg12[%dma_start3A_196, %dma_start3A_197] : memref<10240x128xf32, #tpu.memory_space<vmem_shared>> -> memref<10240x128xf32, #tpu.memory_space<vmem_shared>>
    tpu.enqueue_indirect_dma source(%arg11 : memref<80x128xf32, #tpu.memory_space<vmem>>) target(%dma_start3A_198 : memref<10240x128xf32, #tpu.memory_space<vmem_shared>>) offsets(%dma_start3A_195 : memref<80xi32, #tpu.memory_space<vmem>>) semaphore(%arg18 : memref<!tpu.dma_semaphore, #tpu.memory_space<semaphore_mem>>) {add = true}
    %dma_wait3A_199 = arith.constant 22 : i32
    %dma_wait3A_200 = arith.constant 0 : i32
    %dma_wait3A_201 = tpu.memref_slice %arg6[%dma_wait3A_199, %dma_wait3A_200] : memref<25x80xi32, #tpu.memory_space<vmem>> -> memref<1x80xi32, #tpu.memory_space<vmem>>
    %dma_wait3A_202 = tpu.memref_squeeze %dma_wait3A_201 : memref<1x80xi32, #tpu.memory_space<vmem>> -> memref<80xi32, #tpu.memory_space<vmem>>
    %dma_wait3A_203 = arith.constant 0 : i32
    %dma_wait3A_204 = arith.constant 0 : i32
    %dma_wait3A_205 = tpu.memref_slice %arg12[%dma_wait3A_203, %dma_wait3A_204] : memref<10240x128xf32, #tpu.memory_space<vmem_shared>> -> memref<10240x128xf32, #tpu.memory_space<vmem_shared>>
    tpu.wait_indirect_dma semaphore(%arg17 : memref<!tpu.dma_semaphore, #tpu.memory_space<semaphore_mem>>) src(%arg10 : memref<80x128xf32, #tpu.memory_space<vmem>>) dst(%dma_wait3A_205 : memref<10240x128xf32, #tpu.memory_space<vmem_shared>>)
    %dma_start3A_206 = arith.constant 0 : i32
    %dma_start3A_207 = arith.constant 0 : i32
    %dma_start3A_208 = tpu.memref_slice %arg7[%dma_start3A_206, %dma_start3A_207] : memref<25x80xi32, #tpu.memory_space<vmem>> -> memref<1x80xi32, #tpu.memory_space<vmem>>
    %dma_start3A_209 = tpu.memref_squeeze %dma_start3A_208 : memref<1x80xi32, #tpu.memory_space<vmem>> -> memref<80xi32, #tpu.memory_space<vmem>>
    %dma_start3A_210 = arith.constant 0 : i32
    %dma_start3A_211 = arith.constant 0 : i32
    %dma_start3A_212 = tpu.memref_slice %arg3[%dma_start3A_210, %dma_start3A_211] : memref<10000x128xf32, #tpu.memory_space<hbm>> -> memref<10000x128xf32, #tpu.memory_space<hbm>>
    tpu.enqueue_indirect_dma source(%dma_start3A_212 : memref<10000x128xf32, #tpu.memory_space<hbm>>) target(%arg10 : memref<80x128xf32, #tpu.memory_space<vmem>>) offsets(%dma_start3A_209 : memref<80xi32, #tpu.memory_space<vmem>>) semaphore(%arg14 : memref<!tpu.dma_semaphore, #tpu.memory_space<semaphore_mem>>)
    %dma_wait3A_213 = arith.constant 24 : i32
    %dma_wait3A_214 = arith.constant 0 : i32
    %dma_wait3A_215 = tpu.memref_slice %arg5[%dma_wait3A_213, %dma_wait3A_214] : memref<25x80xi32, #tpu.memory_space<vmem>> -> memref<1x80xi32, #tpu.memory_space<vmem>>
    %dma_wait3A_216 = tpu.memref_squeeze %dma_wait3A_215 : memref<1x80xi32, #tpu.memory_space<vmem>> -> memref<80xi32, #tpu.memory_space<vmem>>
    %dma_wait3A_217 = arith.constant 0 : i32
    %dma_wait3A_218 = arith.constant 0 : i32
    %dma_wait3A_219 = tpu.memref_slice %arg3[%dma_wait3A_217, %dma_wait3A_218] : memref<10000x128xf32, #tpu.memory_space<hbm>> -> memref<10000x128xf32, #tpu.memory_space<hbm>>
    tpu.wait_indirect_dma semaphore(%arg13 : memref<!tpu.dma_semaphore, #tpu.memory_space<semaphore_mem>>) src(%dma_wait3A_219 : memref<10000x128xf32, #tpu.memory_space<hbm>>) dst(%arg9 : memref<80x128xf32, #tpu.memory_space<vmem>>)
    %dma_start3A_220 = arith.constant 24 : i32
    %dma_start3A_221 = arith.constant 0 : i32
    %dma_start3A_222 = tpu.memref_slice %arg6[%dma_start3A_220, %dma_start3A_221] : memref<25x80xi32, #tpu.memory_space<vmem>> -> memref<1x80xi32, #tpu.memory_space<vmem>>
    %dma_start3A_223 = tpu.memref_squeeze %dma_start3A_222 : memref<1x80xi32, #tpu.memory_space<vmem>> -> memref<80xi32, #tpu.memory_space<vmem>>
    %dma_start3A_224 = arith.constant 0 : i32
    %dma_start3A_225 = arith.constant 0 : i32
    %dma_start3A_226 = tpu.memref_slice %arg12[%dma_start3A_224, %dma_start3A_225] : memref<10240x128xf32, #tpu.memory_space<vmem_shared>> -> memref<10240x128xf32, #tpu.memory_space<vmem_shared>>
    tpu.enqueue_indirect_dma source(%arg9 : memref<80x128xf32, #tpu.memory_space<vmem>>) target(%dma_start3A_226 : memref<10240x128xf32, #tpu.memory_space<vmem_shared>>) offsets(%dma_start3A_223 : memref<80xi32, #tpu.memory_space<vmem>>) semaphore(%arg16 : memref<!tpu.dma_semaphore, #tpu.memory_space<semaphore_mem>>) {add = true}
    %dma_wait3A_227 = arith.constant 23 : i32
    %dma_wait3A_228 = arith.constant 0 : i32
    %dma_wait3A_229 = tpu.memref_slice %arg6[%dma_wait3A_227, %dma_wait3A_228] : memref<25x80xi32, #tpu.memory_space<vmem>> -> memref<1x80xi32, #tpu.memory_space<vmem>>
    %dma_wait3A_230 = tpu.memref_squeeze %dma_wait3A_229 : memref<1x80xi32, #tpu.memory_space<vmem>> -> memref<80xi32, #tpu.memory_space<vmem>>
    %dma_wait3A_231 = arith.constant 0 : i32
    %dma_wait3A_232 = arith.constant 0 : i32
    %dma_wait3A_233 = tpu.memref_slice %arg12[%dma_wait3A_231, %dma_wait3A_232] : memref<10240x128xf32, #tpu.memory_space<vmem_shared>> -> memref<10240x128xf32, #tpu.memory_space<vmem_shared>>
    tpu.wait_indirect_dma semaphore(%arg18 : memref<!tpu.dma_semaphore, #tpu.memory_space<semaphore_mem>>) src(%arg11 : memref<80x128xf32, #tpu.memory_space<vmem>>) dst(%dma_wait3A_233 : memref<10240x128xf32, #tpu.memory_space<vmem_shared>>)
    %dma_start3A_234 = arith.constant 1 : i32
    %dma_start3A_235 = arith.constant 0 : i32
    %dma_start3A_236 = tpu.memref_slice %arg7[%dma_start3A_234, %dma_start3A_235] : memref<25x80xi32, #tpu.memory_space<vmem>> -> memref<1x80xi32, #tpu.memory_space<vmem>>
    %dma_start3A_237 = tpu.memref_squeeze %dma_start3A_236 : memref<1x80xi32, #tpu.memory_space<vmem>> -> memref<80xi32, #tpu.memory_space<vmem>>
    %dma_start3A_238 = arith.constant 0 : i32
    %dma_start3A_239 = arith.constant 0 : i32
    %dma_start3A_240 = tpu.memref_slice %arg3[%dma_start3A_238, %dma_start3A_239] : memref<10000x128xf32, #tpu.memory_space<hbm>> -> memref<10000x128xf32, #tpu.memory_space<hbm>>
    tpu.enqueue_indirect_dma source(%dma_start3A_240 : memref<10000x128xf32, #tpu.memory_space<hbm>>) target(%arg11 : memref<80x128xf32, #tpu.memory_space<vmem>>) offsets(%dma_start3A_237 : memref<80xi32, #tpu.memory_space<vmem>>) semaphore(%arg15 : memref<!tpu.dma_semaphore, #tpu.memory_space<semaphore_mem>>)
    %dma_wait3A_241 = arith.constant 0 : i32
    %dma_wait3A_242 = arith.constant 0 : i32
    %dma_wait3A_243 = tpu.memref_slice %arg7[%dma_wait3A_241, %dma_wait3A_242] : memref<25x80xi32, #tpu.memory_space<vmem>> -> memref<1x80xi32, #tpu.memory_space<vmem>>
    %dma_wait3A_244 = tpu.memref_squeeze %dma_wait3A_243 : memref<1x80xi32, #tpu.memory_space<vmem>> -> memref<80xi32, #tpu.memory_space<vmem>>
    %dma_wait3A_245 = arith.constant 0 : i32
    %dma_wait3A_246 = arith.constant 0 : i32
    %dma_wait3A_247 = tpu.memref_slice %arg3[%dma_wait3A_245, %dma_wait3A_246] : memref<10000x128xf32, #tpu.memory_space<hbm>> -> memref<10000x128xf32, #tpu.memory_space<hbm>>
    tpu.wait_indirect_dma semaphore(%arg14 : memref<!tpu.dma_semaphore, #tpu.memory_space<semaphore_mem>>) src(%dma_wait3A_247 : memref<10000x128xf32, #tpu.memory_space<hbm>>) dst(%arg10 : memref<80x128xf32, #tpu.memory_space<vmem>>)
    %dma_start3A_248 = arith.constant 0 : i32
    %dma_start3A_249 = arith.constant 0 : i32
    %dma_start3A_250 = tpu.memref_slice %arg8[%dma_start3A_248, %dma_start3A_249] : memref<25x80xi32, #tpu.memory_space<vmem>> -> memref<1x80xi32, #tpu.memory_space<vmem>>
    %dma_start3A_251 = tpu.memref_squeeze %dma_start3A_250 : memref<1x80xi32, #tpu.memory_space<vmem>> -> memref<80xi32, #tpu.memory_space<vmem>>
    %dma_start3A_252 = arith.constant 0 : i32
    %dma_start3A_253 = arith.constant 0 : i32
    %dma_start3A_254 = tpu.memref_slice %arg12[%dma_start3A_252, %dma_start3A_253] : memref<10240x128xf32, #tpu.memory_space<vmem_shared>> -> memref<10240x128xf32, #tpu.memory_space<vmem_shared>>
    tpu.enqueue_indirect_dma source(%arg10 : memref<80x128xf32, #tpu.memory_space<vmem>>) target(%dma_start3A_254 : memref<10240x128xf32, #tpu.memory_space<vmem_shared>>) offsets(%dma_start3A_251 : memref<80xi32, #tpu.memory_space<vmem>>) semaphore(%arg17 : memref<!tpu.dma_semaphore, #tpu.memory_space<semaphore_mem>>) {add = true}
    %dma_wait3A_255 = arith.constant 24 : i32
    %dma_wait3A_256 = arith.constant 0 : i32
    %dma_wait3A_257 = tpu.memref_slice %arg6[%dma_wait3A_255, %dma_wait3A_256] : memref<25x80xi32, #tpu.memory_space<vmem>> -> memref<1x80xi32, #tpu.memory_space<vmem>>
    %dma_wait3A_258 = tpu.memref_squeeze %dma_wait3A_257 : memref<1x80xi32, #tpu.memory_space<vmem>> -> memref<80xi32, #tpu.memory_space<vmem>>
    %dma_wait3A_259 = arith.constant 0 : i32
    %dma_wait3A_260 = arith.constant 0 : i32
    %dma_wait3A_261 = tpu.memref_slice %arg12[%dma_wait3A_259, %dma_wait3A_260] : memref<10240x128xf32, #tpu.memory_space<vmem_shared>> -> memref<10240x128xf32, #tpu.memory_space<vmem_shared>>
    tpu.wait_indirect_dma semaphore(%arg16 : memref<!tpu.dma_semaphore, #tpu.memory_space<semaphore_mem>>) src(%arg9 : memref<80x128xf32, #tpu.memory_space<vmem>>) dst(%dma_wait3A_261 : memref<10240x128xf32, #tpu.memory_space<vmem_shared>>)
    %dma_start3A_262 = arith.constant 2 : i32
    %dma_start3A_263 = arith.constant 0 : i32
    %dma_start3A_264 = tpu.memref_slice %arg7[%dma_start3A_262, %dma_start3A_263] : memref<25x80xi32, #tpu.memory_space<vmem>> -> memref<1x80xi32, #tpu.memory_space<vmem>>
    %dma_start3A_265 = tpu.memref_squeeze %dma_start3A_264 : memref<1x80xi32, #tpu.memory_space<vmem>> -> memref<80xi32, #tpu.memory_space<vmem>>
    %dma_start3A_266 = arith.constant 0 : i32
    %dma_start3A_267 = arith.constant 0 : i32
    %dma_start3A_268 = tpu.memref_slice %arg3[%dma_start3A_266, %dma_start3A_267] : memref<10000x128xf32, #tpu.memory_space<hbm>> -> memref<10000x128xf32, #tpu.memory_space<hbm>>
    tpu.enqueue_indirect_dma source(%dma_start3A_268 : memref<10000x128xf32, #tpu.memory_space<hbm>>) target(%arg9 : memref<80x128xf32, #tpu.memory_space<vmem>>) offsets(%dma_start3A_265 : memref<80xi32, #tpu.memory_space<vmem>>) semaphore(%arg13 : memref<!tpu.dma_semaphore, #tpu.memory_space<semaphore_mem>>)
    %dma_wait3A_269 = arith.constant 1 : i32
    %dma_wait3A_270 = arith.constant 0 : i32
    %dma_wait3A_271 = tpu.memref_slice %arg7[%dma_wait3A_269, %dma_wait3A_270] : memref<25x80xi32, #tpu.memory_space<vmem>> -> memref<1x80xi32, #tpu.memory_space<vmem>>
    %dma_wait3A_272 = tpu.memref_squeeze %dma_wait3A_271 : memref<1x80xi32, #tpu.memory_space<vmem>> -> memref<80xi32, #tpu.memory_space<vmem>>
    %dma_wait3A_273 = arith.constant 0 : i32
    %dma_wait3A_274 = arith.constant 0 : i32
    %dma_wait3A_275 = tpu.memref_slice %arg3[%dma_wait3A_273, %dma_wait3A_274] : memref<10000x128xf32, #tpu.memory_space<hbm>> -> memref<10000x128xf32, #tpu.memory_space<hbm>>
    tpu.wait_indirect_dma semaphore(%arg15 : memref<!tpu.dma_semaphore, #tpu.memory_space<semaphore_mem>>) src(%dma_wait3A_275 : memref<10000x128xf32, #tpu.memory_space<hbm>>) dst(%arg11 : memref<80x128xf32, #tpu.memory_space<vmem>>)
    %dma_start3A_276 = arith.constant 1 : i32
    %dma_start3A_277 = arith.constant 0 : i32
    %dma_start3A_278 = tpu.memref_slice %arg8[%dma_start3A_276, %dma_start3A_277] : memref<25x80xi32, #tpu.memory_space<vmem>> -> memref<1x80xi32, #tpu.memory_space<vmem>>
    %dma_start3A_279 = tpu.memref_squeeze %dma_start3A_278 : memref<1x80xi32, #tpu.memory_space<vmem>> -> memref<80xi32, #tpu.memory_space<vmem>>
    %dma_start3A_280 = arith.constant 0 : i32
    %dma_start3A_281 = arith.constant 0 : i32
    %dma_start3A_282 = tpu.memref_slice %arg12[%dma_start3A_280, %dma_start3A_281] : memref<10240x128xf32, #tpu.memory_space<vmem_shared>> -> memref<10240x128xf32, #tpu.memory_space<vmem_shared>>
    tpu.enqueue_indirect_dma source(%arg11 : memref<80x128xf32, #tpu.memory_space<vmem>>) target(%dma_start3A_282 : memref<10240x128xf32, #tpu.memory_space<vmem_shared>>) offsets(%dma_start3A_279 : memref<80xi32, #tpu.memory_space<vmem>>) semaphore(%arg18 : memref<!tpu.dma_semaphore, #tpu.memory_space<semaphore_mem>>) {add = true}
    %dma_wait3A_283 = arith.constant 0 : i32
    %dma_wait3A_284 = arith.constant 0 : i32
    %dma_wait3A_285 = tpu.memref_slice %arg8[%dma_wait3A_283, %dma_wait3A_284] : memref<25x80xi32, #tpu.memory_space<vmem>> -> memref<1x80xi32, #tpu.memory_space<vmem>>
    %dma_wait3A_286 = tpu.memref_squeeze %dma_wait3A_285 : memref<1x80xi32, #tpu.memory_space<vmem>> -> memref<80xi32, #tpu.memory_space<vmem>>
    %dma_wait3A_287 = arith.constant 0 : i32
    %dma_wait3A_288 = arith.constant 0 : i32
    %dma_wait3A_289 = tpu.memref_slice %arg12[%dma_wait3A_287, %dma_wait3A_288] : memref<10240x128xf32, #tpu.memory_space<vmem_shared>> -> memref<10240x128xf32, #tpu.memory_space<vmem_shared>>
    tpu.wait_indirect_dma semaphore(%arg17 : memref<!tpu.dma_semaphore, #tpu.memory_space<semaphore_mem>>) src(%arg10 : memref<80x128xf32, #tpu.memory_space<vmem>>) dst(%dma_wait3A_289 : memref<10240x128xf32, #tpu.memory_space<vmem_shared>>)
    %dma_start3A_290 = arith.constant 3 : i32
    %dma_start3A_291 = arith.constant 0 : i32
    %dma_start3A_292 = tpu.memref_slice %arg7[%dma_start3A_290, %dma_start3A_291] : memref<25x80xi32, #tpu.memory_space<vmem>> -> memref<1x80xi32, #tpu.memory_space<vmem>>
    %dma_start3A_293 = tpu.memref_squeeze %dma_start3A_292 : memref<1x80xi32, #tpu.memory_space<vmem>> -> memref<80xi32, #tpu.memory_space<vmem>>
    %dma_start3A_294 = arith.constant 0 : i32
    %dma_start3A_295 = arith.constant 0 : i32
    %dma_start3A_296 = tpu.memref_slice %arg3[%dma_start3A_294, %dma_start3A_295] : memref<10000x128xf32, #tpu.memory_space<hbm>> -> memref<10000x128xf32, #tpu.memory_space<hbm>>
    tpu.enqueue_indirect_dma source(%dma_start3A_296 : memref<10000x128xf32, #tpu.memory_space<hbm>>) target(%arg10 : memref<80x128xf32, #tpu.memory_space<vmem>>) offsets(%dma_start3A_293 : memref<80xi32, #tpu.memory_space<vmem>>) semaphore(%arg14 : memref<!tpu.dma_semaphore, #tpu.memory_space<semaphore_mem>>)
    %dma_start3A_297 = arith.constant 0 : i32
    %dma_start3A_298 = arith.constant 2 : i32
    %dma_start3A_299 = arith.constant 0 : i32
    %dma_start3A_300 = arith.constant 0 : i32
    %dma_start3A_301 = tpu.memref_slice %arg2[%dma_start3A_297, %add3A, %dma_start3A_298, %dma_start3A_299, %dma_start3A_300] : memref<2x32x5x25x80xi32, #tpu.memory_space<hbm>> -> memref<1x1x1x25x80xi32, #tpu.memory_space<hbm>>
    %dma_start3A_302 = tpu.memref_squeeze %dma_start3A_301 : memref<1x1x1x25x80xi32, #tpu.memory_space<hbm>> -> memref<25x80xi32, #tpu.memory_space<hbm>>
    %dma_start3A_303 = arith.constant 0 : i32
    %dma_start3A_304 = arith.constant 0 : i32
    %dma_start3A_305 = tpu.memref_slice %arg2[%dma_start3A_297, %add3A, %dma_start3A_298, %dma_start3A_303, %dma_start3A_304] : memref<2x32x5x25x80xi32, #tpu.memory_space<hbm>> -> memref<1x1x1x25x80xi32, #tpu.memory_space<hbm>>
    %dma_start3A_306 = tpu.memref_squeeze %dma_start3A_305 : memref<1x1x1x25x80xi32, #tpu.memory_space<hbm>> -> memref<25x80xi32, #tpu.memory_space<hbm>>
    tpu.enqueue_dma source(%dma_start3A_306 : memref<25x80xi32, #tpu.memory_space<hbm>>) target(%arg5 : memref<25x80xi32, #tpu.memory_space<vmem>>) target_semaphore(%arg19 : memref<!tpu.dma_semaphore, #tpu.memory_space<semaphore_mem>>)
    %dma_start3A_307 = arith.constant 1 : i32
    %dma_start3A_308 = arith.constant 2 : i32
    %dma_start3A_309 = arith.constant 0 : i32
    %dma_start3A_310 = arith.constant 0 : i32
    %dma_start3A_311 = tpu.memref_slice %arg2[%dma_start3A_307, %add3A, %dma_start3A_308, %dma_start3A_309, %dma_start3A_310] : memref<2x32x5x25x80xi32, #tpu.memory_space<hbm>> -> memref<1x1x1x25x80xi32, #tpu.memory_space<hbm>>
    %dma_start3A_312 = tpu.memref_squeeze %dma_start3A_311 : memref<1x1x1x25x80xi32, #tpu.memory_space<hbm>> -> memref<25x80xi32, #tpu.memory_space<hbm>>
    %dma_start3A_313 = arith.constant 0 : i32
    %dma_start3A_314 = arith.constant 0 : i32
    %dma_start3A_315 = tpu.memref_slice %arg2[%dma_start3A_307, %add3A, %dma_start3A_308, %dma_start3A_313, %dma_start3A_314] : memref<2x32x5x25x80xi32, #tpu.memory_space<hbm>> -> memref<1x1x1x25x80xi32, #tpu.memory_space<hbm>>
    %dma_start3A_316 = tpu.memref_squeeze %dma_start3A_315 : memref<1x1x1x25x80xi32, #tpu.memory_space<hbm>> -> memref<25x80xi32, #tpu.memory_space<hbm>>
    tpu.enqueue_dma source(%dma_start3A_316 : memref<25x80xi32, #tpu.memory_space<hbm>>) target(%arg6 : memref<25x80xi32, #tpu.memory_space<vmem>>) target_semaphore(%arg19 : memref<!tpu.dma_semaphore, #tpu.memory_space<semaphore_mem>>)
    %scan3A_317 = arith.constant 0 : i32
    %scan3A_318 = arith.constant 0 : i32
    %scan3A_319 = arith.constant 7 : i32
    %scan3A_320 = arith.addi %scan3A_318, %scan3A_319 : i32
    %scan3A_321 = arith.constant 1 : i32
    scf.for %scan3A_831 = %scan3A_318 to %scan3A_320 step %scan3A_321  : i32 {
      %mul3A_832 = arith.constant 3 : i32
      %mul3A_833 = arith.muli %mul3A_832, %scan3A_831 : i32
      %add3A_834 = arith.constant 2 : i32
      %add3A_835 = arith.addi %add3A_834, %mul3A_833 : i32
      %add3A_836 = arith.constant 0 : i32
      %add3A_837 = arith.addi %add3A_835, %add3A_836 : i32
      %dma_wait3A_838 = arith.constant 0 : i32
      %dma_wait3A_839 = tpu.memref_slice %arg7[%add3A_837, %dma_wait3A_838] : memref<25x80xi32, #tpu.memory_space<vmem>> -> memref<1x80xi32, #tpu.memory_space<vmem>>
      %dma_wait3A_840 = tpu.memref_squeeze %dma_wait3A_839 : memref<1x80xi32, #tpu.memory_space<vmem>> -> memref<80xi32, #tpu.memory_space<vmem>>
      %dma_wait3A_841 = arith.constant 0 : i32
      %dma_wait3A_842 = arith.constant 0 : i32
      %dma_wait3A_843 = tpu.memref_slice %arg3[%dma_wait3A_841, %dma_wait3A_842] : memref<10000x128xf32, #tpu.memory_space<hbm>> -> memref<10000x128xf32, #tpu.memory_space<hbm>>
      tpu.wait_indirect_dma semaphore(%arg13 : memref<!tpu.dma_semaphore, #tpu.memory_space<semaphore_mem>>) src(%dma_wait3A_843 : memref<10000x128xf32, #tpu.memory_space<hbm>>) dst(%arg9 : memref<80x128xf32, #tpu.memory_space<vmem>>)
      %add3A_844 = arith.constant 0 : i32
      %add3A_845 = arith.addi %add3A_835, %add3A_844 : i32
      %dma_start3A_846 = arith.constant 0 : i32
      %dma_start3A_847 = tpu.memref_slice %arg8[%add3A_845, %dma_start3A_846] : memref<25x80xi32, #tpu.memory_space<vmem>> -> memref<1x80xi32, #tpu.memory_space<vmem>>
      %dma_start3A_848 = tpu.memref_squeeze %dma_start3A_847 : memref<1x80xi32, #tpu.memory_space<vmem>> -> memref<80xi32, #tpu.memory_space<vmem>>
      %dma_start3A_849 = arith.constant 0 : i32
      %dma_start3A_850 = arith.constant 0 : i32
      %dma_start3A_851 = tpu.memref_slice %arg12[%dma_start3A_849, %dma_start3A_850] : memref<10240x128xf32, #tpu.memory_space<vmem_shared>> -> memref<10240x128xf32, #tpu.memory_space<vmem_shared>>
      tpu.enqueue_indirect_dma source(%arg9 : memref<80x128xf32, #tpu.memory_space<vmem>>) target(%dma_start3A_851 : memref<10240x128xf32, #tpu.memory_space<vmem_shared>>) offsets(%dma_start3A_848 : memref<80xi32, #tpu.memory_space<vmem>>) semaphore(%arg16 : memref<!tpu.dma_semaphore, #tpu.memory_space<semaphore_mem>>) {add = true}
      %add3A_852 = arith.constant 0 : i32
      %add3A_853 = arith.addi %add3A_835, %add3A_852 : i32
      %sub3A = arith.constant 1 : i32
      %sub3A_854 = arith.subi %add3A_853, %sub3A : i32
      %dma_wait3A_855 = arith.constant 0 : i32
      %dma_wait3A_856 = tpu.memref_slice %arg8[%sub3A_854, %dma_wait3A_855] : memref<25x80xi32, #tpu.memory_space<vmem>> -> memref<1x80xi32, #tpu.memory_space<vmem>>
      %dma_wait3A_857 = tpu.memref_squeeze %dma_wait3A_856 : memref<1x80xi32, #tpu.memory_space<vmem>> -> memref<80xi32, #tpu.memory_space<vmem>>
      %dma_wait3A_858 = arith.constant 0 : i32
      %dma_wait3A_859 = arith.constant 0 : i32
      %dma_wait3A_860 = tpu.memref_slice %arg12[%dma_wait3A_858, %dma_wait3A_859] : memref<10240x128xf32, #tpu.memory_space<vmem_shared>> -> memref<10240x128xf32, #tpu.memory_space<vmem_shared>>
      tpu.wait_indirect_dma semaphore(%arg18 : memref<!tpu.dma_semaphore, #tpu.memory_space<semaphore_mem>>) src(%arg11 : memref<80x128xf32, #tpu.memory_space<vmem>>) dst(%dma_wait3A_860 : memref<10240x128xf32, #tpu.memory_space<vmem_shared>>)
      %add3A_861 = arith.constant 0 : i32
      %add3A_862 = arith.addi %add3A_835, %add3A_861 : i32
      %add3A_863 = arith.constant 2 : i32
      %add3A_864 = arith.addi %add3A_862, %add3A_863 : i32
      %dma_start3A_865 = arith.constant 0 : i32
      %dma_start3A_866 = tpu.memref_slice %arg7[%add3A_864, %dma_start3A_865] : memref<25x80xi32, #tpu.memory_space<vmem>> -> memref<1x80xi32, #tpu.memory_space<vmem>>
      %dma_start3A_867 = tpu.memref_squeeze %dma_start3A_866 : memref<1x80xi32, #tpu.memory_space<vmem>> -> memref<80xi32, #tpu.memory_space<vmem>>
      %dma_start3A_868 = arith.constant 0 : i32
      %dma_start3A_869 = arith.constant 0 : i32
      %dma_start3A_870 = tpu.memref_slice %arg3[%dma_start3A_868, %dma_start3A_869] : memref<10000x128xf32, #tpu.memory_space<hbm>> -> memref<10000x128xf32, #tpu.memory_space<hbm>>
      tpu.enqueue_indirect_dma source(%dma_start3A_870 : memref<10000x128xf32, #tpu.memory_space<hbm>>) target(%arg11 : memref<80x128xf32, #tpu.memory_space<vmem>>) offsets(%dma_start3A_867 : memref<80xi32, #tpu.memory_space<vmem>>) semaphore(%arg15 : memref<!tpu.dma_semaphore, #tpu.memory_space<semaphore_mem>>)
      %add3A_871 = arith.constant 1 : i32
      %add3A_872 = arith.addi %add3A_835, %add3A_871 : i32
      %dma_wait3A_873 = arith.constant 0 : i32
      %dma_wait3A_874 = tpu.memref_slice %arg7[%add3A_872, %dma_wait3A_873] : memref<25x80xi32, #tpu.memory_space<vmem>> -> memref<1x80xi32, #tpu.memory_space<vmem>>
      %dma_wait3A_875 = tpu.memref_squeeze %dma_wait3A_874 : memref<1x80xi32, #tpu.memory_space<vmem>> -> memref<80xi32, #tpu.memory_space<vmem>>
      %dma_wait3A_876 = arith.constant 0 : i32
      %dma_wait3A_877 = arith.constant 0 : i32
      %dma_wait3A_878 = tpu.memref_slice %arg3[%dma_wait3A_876, %dma_wait3A_877] : memref<10000x128xf32, #tpu.memory_space<hbm>> -> memref<10000x128xf32, #tpu.memory_space<hbm>>
      tpu.wait_indirect_dma semaphore(%arg14 : memref<!tpu.dma_semaphore, #tpu.memory_space<semaphore_mem>>) src(%dma_wait3A_878 : memref<10000x128xf32, #tpu.memory_space<hbm>>) dst(%arg10 : memref<80x128xf32, #tpu.memory_space<vmem>>)
      %add3A_879 = arith.constant 1 : i32
      %add3A_880 = arith.addi %add3A_835, %add3A_879 : i32
      %dma_start3A_881 = arith.constant 0 : i32
      %dma_start3A_882 = tpu.memref_slice %arg8[%add3A_880, %dma_start3A_881] : memref<25x80xi32, #tpu.memory_space<vmem>> -> memref<1x80xi32, #tpu.memory_space<vmem>>
      %dma_start3A_883 = tpu.memref_squeeze %dma_start3A_882 : memref<1x80xi32, #tpu.memory_space<vmem>> -> memref<80xi32, #tpu.memory_space<vmem>>
      %dma_start3A_884 = arith.constant 0 : i32
      %dma_start3A_885 = arith.constant 0 : i32
      %dma_start3A_886 = tpu.memref_slice %arg12[%dma_start3A_884, %dma_start3A_885] : memref<10240x128xf32, #tpu.memory_space<vmem_shared>> -> memref<10240x128xf32, #tpu.memory_space<vmem_shared>>
      tpu.enqueue_indirect_dma source(%arg10 : memref<80x128xf32, #tpu.memory_space<vmem>>) target(%dma_start3A_886 : memref<10240x128xf32, #tpu.memory_space<vmem_shared>>) offsets(%dma_start3A_883 : memref<80xi32, #tpu.memory_space<vmem>>) semaphore(%arg17 : memref<!tpu.dma_semaphore, #tpu.memory_space<semaphore_mem>>) {add = true}
      %add3A_887 = arith.constant 1 : i32
      %add3A_888 = arith.addi %add3A_835, %add3A_887 : i32
      %sub3A_889 = arith.constant 1 : i32
      %sub3A_890 = arith.subi %add3A_888, %sub3A_889 : i32
      %dma_wait3A_891 = arith.constant 0 : i32
      %dma_wait3A_892 = tpu.memref_slice %arg8[%sub3A_890, %dma_wait3A_891] : memref<25x80xi32, #tpu.memory_space<vmem>> -> memref<1x80xi32, #tpu.memory_space<vmem>>
      %dma_wait3A_893 = tpu.memref_squeeze %dma_wait3A_892 : memref<1x80xi32, #tpu.memory_space<vmem>> -> memref<80xi32, #tpu.memory_space<vmem>>
      %dma_wait3A_894 = arith.constant 0 : i32
      %dma_wait3A_895 = arith.constant 0 : i32
      %dma_wait3A_896 = tpu.memref_slice %arg12[%dma_wait3A_894, %dma_wait3A_895] : memref<10240x128xf32, #tpu.memory_space<vmem_shared>> -> memref<10240x128xf32, #tpu.memory_space<vmem_shared>>
      tpu.wait_indirect_dma semaphore(%arg16 : memref<!tpu.dma_semaphore, #tpu.memory_space<semaphore_mem>>) src(%arg9 : memref<80x128xf32, #tpu.memory_space<vmem>>) dst(%dma_wait3A_896 : memref<10240x128xf32, #tpu.memory_space<vmem_shared>>)
      %add3A_897 = arith.constant 1 : i32
      %add3A_898 = arith.addi %add3A_835, %add3A_897 : i32
      %add3A_899 = arith.constant 2 : i32
      %add3A_900 = arith.addi %add3A_898, %add3A_899 : i32
      %dma_start3A_901 = arith.constant 0 : i32
      %dma_start3A_902 = tpu.memref_slice %arg7[%add3A_900, %dma_start3A_901] : memref<25x80xi32, #tpu.memory_space<vmem>> -> memref<1x80xi32, #tpu.memory_space<vmem>>
      %dma_start3A_903 = tpu.memref_squeeze %dma_start3A_902 : memref<1x80xi32, #tpu.memory_space<vmem>> -> memref<80xi32, #tpu.memory_space<vmem>>
      %dma_start3A_904 = arith.constant 0 : i32
      %dma_start3A_905 = arith.constant 0 : i32
      %dma_start3A_906 = tpu.memref_slice %arg3[%dma_start3A_904, %dma_start3A_905] : memref<10000x128xf32, #tpu.memory_space<hbm>> -> memref<10000x128xf32, #tpu.memory_space<hbm>>
      tpu.enqueue_indirect_dma source(%dma_start3A_906 : memref<10000x128xf32, #tpu.memory_space<hbm>>) target(%arg9 : memref<80x128xf32, #tpu.memory_space<vmem>>) offsets(%dma_start3A_903 : memref<80xi32, #tpu.memory_space<vmem>>) semaphore(%arg13 : memref<!tpu.dma_semaphore, #tpu.memory_space<semaphore_mem>>)
      %add3A_907 = arith.constant 2 : i32
      %add3A_908 = arith.addi %add3A_835, %add3A_907 : i32
      %dma_wait3A_909 = arith.constant 0 : i32
      %dma_wait3A_910 = tpu.memref_slice %arg7[%add3A_908, %dma_wait3A_909] : memref<25x80xi32, #tpu.memory_space<vmem>> -> memref<1x80xi32, #tpu.memory_space<vmem>>
      %dma_wait3A_911 = tpu.memref_squeeze %dma_wait3A_910 : memref<1x80xi32, #tpu.memory_space<vmem>> -> memref<80xi32, #tpu.memory_space<vmem>>
      %dma_wait3A_912 = arith.constant 0 : i32
      %dma_wait3A_913 = arith.constant 0 : i32
      %dma_wait3A_914 = tpu.memref_slice %arg3[%dma_wait3A_912, %dma_wait3A_913] : memref<10000x128xf32, #tpu.memory_space<hbm>> -> memref<10000x128xf32, #tpu.memory_space<hbm>>
      tpu.wait_indirect_dma semaphore(%arg15 : memref<!tpu.dma_semaphore, #tpu.memory_space<semaphore_mem>>) src(%dma_wait3A_914 : memref<10000x128xf32, #tpu.memory_space<hbm>>) dst(%arg11 : memref<80x128xf32, #tpu.memory_space<vmem>>)
      %add3A_915 = arith.constant 2 : i32
      %add3A_916 = arith.addi %add3A_835, %add3A_915 : i32
      %dma_start3A_917 = arith.constant 0 : i32
      %dma_start3A_918 = tpu.memref_slice %arg8[%add3A_916, %dma_start3A_917] : memref<25x80xi32, #tpu.memory_space<vmem>> -> memref<1x80xi32, #tpu.memory_space<vmem>>
      %dma_start3A_919 = tpu.memref_squeeze %dma_start3A_918 : memref<1x80xi32, #tpu.memory_space<vmem>> -> memref<80xi32, #tpu.memory_space<vmem>>
      %dma_start3A_920 = arith.constant 0 : i32
      %dma_start3A_921 = arith.constant 0 : i32
      %dma_start3A_922 = tpu.memref_slice %arg12[%dma_start3A_920, %dma_start3A_921] : memref<10240x128xf32, #tpu.memory_space<vmem_shared>> -> memref<10240x128xf32, #tpu.memory_space<vmem_shared>>
      tpu.enqueue_indirect_dma source(%arg11 : memref<80x128xf32, #tpu.memory_space<vmem>>) target(%dma_start3A_922 : memref<10240x128xf32, #tpu.memory_space<vmem_shared>>) offsets(%dma_start3A_919 : memref<80xi32, #tpu.memory_space<vmem>>) semaphore(%arg18 : memref<!tpu.dma_semaphore, #tpu.memory_space<semaphore_mem>>) {add = true}
      %add3A_923 = arith.constant 2 : i32
      %add3A_924 = arith.addi %add3A_835, %add3A_923 : i32
      %sub3A_925 = arith.constant 1 : i32
      %sub3A_926 = arith.subi %add3A_924, %sub3A_925 : i32
      %dma_wait3A_927 = arith.constant 0 : i32
      %dma_wait3A_928 = tpu.memref_slice %arg8[%sub3A_926, %dma_wait3A_927] : memref<25x80xi32, #tpu.memory_space<vmem>> -> memref<1x80xi32, #tpu.memory_space<vmem>>
      %dma_wait3A_929 = tpu.memref_squeeze %dma_wait3A_928 : memref<1x80xi32, #tpu.memory_space<vmem>> -> memref<80xi32, #tpu.memory_space<vmem>>
      %dma_wait3A_930 = arith.constant 0 : i32
      %dma_wait3A_931 = arith.constant 0 : i32
      %dma_wait3A_932 = tpu.memref_slice %arg12[%dma_wait3A_930, %dma_wait3A_931] : memref<10240x128xf32, #tpu.memory_space<vmem_shared>> -> memref<10240x128xf32, #tpu.memory_space<vmem_shared>>
      tpu.wait_indirect_dma semaphore(%arg17 : memref<!tpu.dma_semaphore, #tpu.memory_space<semaphore_mem>>) src(%arg10 : memref<80x128xf32, #tpu.memory_space<vmem>>) dst(%dma_wait3A_932 : memref<10240x128xf32, #tpu.memory_space<vmem_shared>>)
      %add3A_933 = arith.constant 2 : i32
      %add3A_934 = arith.addi %add3A_835, %add3A_933 : i32
      %add3A_935 = arith.constant 2 : i32
      %add3A_936 = arith.addi %add3A_934, %add3A_935 : i32
      %dma_start3A_937 = arith.constant 0 : i32
      %dma_start3A_938 = tpu.memref_slice %arg7[%add3A_936, %dma_start3A_937] : memref<25x80xi32, #tpu.memory_space<vmem>> -> memref<1x80xi32, #tpu.memory_space<vmem>>
      %dma_start3A_939 = tpu.memref_squeeze %dma_start3A_938 : memref<1x80xi32, #tpu.memory_space<vmem>> -> memref<80xi32, #tpu.memory_space<vmem>>
      %dma_start3A_940 = arith.constant 0 : i32
      %dma_start3A_941 = arith.constant 0 : i32
      %dma_start3A_942 = tpu.memref_slice %arg3[%dma_start3A_940, %dma_start3A_941] : memref<10000x128xf32, #tpu.memory_space<hbm>> -> memref<10000x128xf32, #tpu.memory_space<hbm>>
      tpu.enqueue_indirect_dma source(%dma_start3A_942 : memref<10000x128xf32, #tpu.memory_space<hbm>>) target(%arg10 : memref<80x128xf32, #tpu.memory_space<vmem>>) offsets(%dma_start3A_939 : memref<80xi32, #tpu.memory_space<vmem>>) semaphore(%arg14 : memref<!tpu.dma_semaphore, #tpu.memory_space<semaphore_mem>>)
    }
    %scan3A_322 = arith.constant 7 : i32
    %dma_wait3A_323 = arith.constant 0 : i32
    %dma_wait3A_324 = arith.constant 2 : i32
    %dma_wait3A_325 = arith.constant 0 : i32
    %dma_wait3A_326 = arith.constant 0 : i32
    %dma_wait3A_327 = tpu.memref_slice %arg2[%dma_wait3A_323, %add3A, %dma_wait3A_324, %dma_wait3A_325, %dma_wait3A_326] : memref<2x32x5x25x80xi32, #tpu.memory_space<hbm>> -> memref<1x1x1x25x80xi32, #tpu.memory_space<hbm>>
    %dma_wait3A_328 = tpu.memref_squeeze %dma_wait3A_327 : memref<1x1x1x25x80xi32, #tpu.memory_space<hbm>> -> memref<25x80xi32, #tpu.memory_space<hbm>>
    %dma_wait3A_329 = arith.constant 0 : i32
    %dma_wait3A_330 = arith.constant 0 : i32
    %dma_wait3A_331 = tpu.memref_slice %arg2[%dma_wait3A_323, %add3A, %dma_wait3A_324, %dma_wait3A_329, %dma_wait3A_330] : memref<2x32x5x25x80xi32, #tpu.memory_space<hbm>> -> memref<1x1x1x25x80xi32, #tpu.memory_space<hbm>>
    %dma_wait3A_332 = tpu.memref_squeeze %dma_wait3A_331 : memref<1x1x1x25x80xi32, #tpu.memory_space<hbm>> -> memref<25x80xi32, #tpu.memory_space<hbm>>
    tpu.wait_dma2 semaphore(%arg19 : memref<!tpu.dma_semaphore, #tpu.memory_space<semaphore_mem>>) src(%dma_wait3A_332 : memref<25x80xi32, #tpu.memory_space<hbm>>) dst(%arg5 : memref<25x80xi32, #tpu.memory_space<vmem>>)
    %dma_wait3A_333 = arith.constant 1 : i32
    %dma_wait3A_334 = arith.constant 2 : i32
    %dma_wait3A_335 = arith.constant 0 : i32
    %dma_wait3A_336 = arith.constant 0 : i32
    %dma_wait3A_337 = tpu.memref_slice %arg2[%dma_wait3A_333, %add3A, %dma_wait3A_334, %dma_wait3A_335, %dma_wait3A_336] : memref<2x32x5x25x80xi32, #tpu.memory_space<hbm>> -> memref<1x1x1x25x80xi32, #tpu.memory_space<hbm>>
    %dma_wait3A_338 = tpu.memref_squeeze %dma_wait3A_337 : memref<1x1x1x25x80xi32, #tpu.memory_space<hbm>> -> memref<25x80xi32, #tpu.memory_space<hbm>>
    %dma_wait3A_339 = arith.constant 0 : i32
    %dma_wait3A_340 = arith.constant 0 : i32
    %dma_wait3A_341 = tpu.memref_slice %arg2[%dma_wait3A_333, %add3A, %dma_wait3A_334, %dma_wait3A_339, %dma_wait3A_340] : memref<2x32x5x25x80xi32, #tpu.memory_space<hbm>> -> memref<1x1x1x25x80xi32, #tpu.memory_space<hbm>>
    %dma_wait3A_342 = tpu.memref_squeeze %dma_wait3A_341 : memref<1x1x1x25x80xi32, #tpu.memory_space<hbm>> -> memref<25x80xi32, #tpu.memory_space<hbm>>
    tpu.wait_dma2 semaphore(%arg19 : memref<!tpu.dma_semaphore, #tpu.memory_space<semaphore_mem>>) src(%dma_wait3A_342 : memref<25x80xi32, #tpu.memory_space<hbm>>) dst(%arg6 : memref<25x80xi32, #tpu.memory_space<vmem>>)
    %dma_wait3A_343 = arith.constant 23 : i32
    %dma_wait3A_344 = arith.constant 0 : i32
    %dma_wait3A_345 = tpu.memref_slice %arg7[%dma_wait3A_343, %dma_wait3A_344] : memref<25x80xi32, #tpu.memory_space<vmem>> -> memref<1x80xi32, #tpu.memory_space<vmem>>
    %dma_wait3A_346 = tpu.memref_squeeze %dma_wait3A_345 : memref<1x80xi32, #tpu.memory_space<vmem>> -> memref<80xi32, #tpu.memory_space<vmem>>
    %dma_wait3A_347 = arith.constant 0 : i32
    %dma_wait3A_348 = arith.constant 0 : i32
    %dma_wait3A_349 = tpu.memref_slice %arg3[%dma_wait3A_347, %dma_wait3A_348] : memref<10000x128xf32, #tpu.memory_space<hbm>> -> memref<10000x128xf32, #tpu.memory_space<hbm>>
    tpu.wait_indirect_dma semaphore(%arg13 : memref<!tpu.dma_semaphore, #tpu.memory_space<semaphore_mem>>) src(%dma_wait3A_349 : memref<10000x128xf32, #tpu.memory_space<hbm>>) dst(%arg9 : memref<80x128xf32, #tpu.memory_space<vmem>>)
    %dma_start3A_350 = arith.constant 23 : i32
    %dma_start3A_351 = arith.constant 0 : i32
    %dma_start3A_352 = tpu.memref_slice %arg8[%dma_start3A_350, %dma_start3A_351] : memref<25x80xi32, #tpu.memory_space<vmem>> -> memref<1x80xi32, #tpu.memory_space<vmem>>
    %dma_start3A_353 = tpu.memref_squeeze %dma_start3A_352 : memref<1x80xi32, #tpu.memory_space<vmem>> -> memref<80xi32, #tpu.memory_space<vmem>>
    %dma_start3A_354 = arith.constant 0 : i32
    %dma_start3A_355 = arith.constant 0 : i32
    %dma_start3A_356 = tpu.memref_slice %arg12[%dma_start3A_354, %dma_start3A_355] : memref<10240x128xf32, #tpu.memory_space<vmem_shared>> -> memref<10240x128xf32, #tpu.memory_space<vmem_shared>>
    tpu.enqueue_indirect_dma source(%arg9 : memref<80x128xf32, #tpu.memory_space<vmem>>) target(%dma_start3A_356 : memref<10240x128xf32, #tpu.memory_space<vmem_shared>>) offsets(%dma_start3A_353 : memref<80xi32, #tpu.memory_space<vmem>>) semaphore(%arg16 : memref<!tpu.dma_semaphore, #tpu.memory_space<semaphore_mem>>) {add = true}
    %dma_wait3A_357 = arith.constant 22 : i32
    %dma_wait3A_358 = arith.constant 0 : i32
    %dma_wait3A_359 = tpu.memref_slice %arg8[%dma_wait3A_357, %dma_wait3A_358] : memref<25x80xi32, #tpu.memory_space<vmem>> -> memref<1x80xi32, #tpu.memory_space<vmem>>
    %dma_wait3A_360 = tpu.memref_squeeze %dma_wait3A_359 : memref<1x80xi32, #tpu.memory_space<vmem>> -> memref<80xi32, #tpu.memory_space<vmem>>
    %dma_wait3A_361 = arith.constant 0 : i32
    %dma_wait3A_362 = arith.constant 0 : i32
    %dma_wait3A_363 = tpu.memref_slice %arg12[%dma_wait3A_361, %dma_wait3A_362] : memref<10240x128xf32, #tpu.memory_space<vmem_shared>> -> memref<10240x128xf32, #tpu.memory_space<vmem_shared>>
    tpu.wait_indirect_dma semaphore(%arg18 : memref<!tpu.dma_semaphore, #tpu.memory_space<semaphore_mem>>) src(%arg11 : memref<80x128xf32, #tpu.memory_space<vmem>>) dst(%dma_wait3A_363 : memref<10240x128xf32, #tpu.memory_space<vmem_shared>>)
    %dma_start3A_364 = arith.constant 0 : i32
    %dma_start3A_365 = arith.constant 0 : i32
    %dma_start3A_366 = tpu.memref_slice %arg5[%dma_start3A_364, %dma_start3A_365] : memref<25x80xi32, #tpu.memory_space<vmem>> -> memref<1x80xi32, #tpu.memory_space<vmem>>
    %dma_start3A_367 = tpu.memref_squeeze %dma_start3A_366 : memref<1x80xi32, #tpu.memory_space<vmem>> -> memref<80xi32, #tpu.memory_space<vmem>>
    %dma_start3A_368 = arith.constant 0 : i32
    %dma_start3A_369 = arith.constant 0 : i32
    %dma_start3A_370 = tpu.memref_slice %arg3[%dma_start3A_368, %dma_start3A_369] : memref<10000x128xf32, #tpu.memory_space<hbm>> -> memref<10000x128xf32, #tpu.memory_space<hbm>>
    tpu.enqueue_indirect_dma source(%dma_start3A_370 : memref<10000x128xf32, #tpu.memory_space<hbm>>) target(%arg11 : memref<80x128xf32, #tpu.memory_space<vmem>>) offsets(%dma_start3A_367 : memref<80xi32, #tpu.memory_space<vmem>>) semaphore(%arg15 : memref<!tpu.dma_semaphore, #tpu.memory_space<semaphore_mem>>)
    %dma_wait3A_371 = arith.constant 24 : i32
    %dma_wait3A_372 = arith.constant 0 : i32
    %dma_wait3A_373 = tpu.memref_slice %arg7[%dma_wait3A_371, %dma_wait3A_372] : memref<25x80xi32, #tpu.memory_space<vmem>> -> memref<1x80xi32, #tpu.memory_space<vmem>>
    %dma_wait3A_374 = tpu.memref_squeeze %dma_wait3A_373 : memref<1x80xi32, #tpu.memory_space<vmem>> -> memref<80xi32, #tpu.memory_space<vmem>>
    %dma_wait3A_375 = arith.constant 0 : i32
    %dma_wait3A_376 = arith.constant 0 : i32
    %dma_wait3A_377 = tpu.memref_slice %arg3[%dma_wait3A_375, %dma_wait3A_376] : memref<10000x128xf32, #tpu.memory_space<hbm>> -> memref<10000x128xf32, #tpu.memory_space<hbm>>
    tpu.wait_indirect_dma semaphore(%arg14 : memref<!tpu.dma_semaphore, #tpu.memory_space<semaphore_mem>>) src(%dma_wait3A_377 : memref<10000x128xf32, #tpu.memory_space<hbm>>) dst(%arg10 : memref<80x128xf32, #tpu.memory_space<vmem>>)
    %dma_start3A_378 = arith.constant 24 : i32
    %dma_start3A_379 = arith.constant 0 : i32
    %dma_start3A_380 = tpu.memref_slice %arg8[%dma_start3A_378, %dma_start3A_379] : memref<25x80xi32, #tpu.memory_space<vmem>> -> memref<1x80xi32, #tpu.memory_space<vmem>>
    %dma_start3A_381 = tpu.memref_squeeze %dma_start3A_380 : memref<1x80xi32, #tpu.memory_space<vmem>> -> memref<80xi32, #tpu.memory_space<vmem>>
    %dma_start3A_382 = arith.constant 0 : i32
    %dma_start3A_383 = arith.constant 0 : i32
    %dma_start3A_384 = tpu.memref_slice %arg12[%dma_start3A_382, %dma_start3A_383] : memref<10240x128xf32, #tpu.memory_space<vmem_shared>> -> memref<10240x128xf32, #tpu.memory_space<vmem_shared>>
    tpu.enqueue_indirect_dma source(%arg10 : memref<80x128xf32, #tpu.memory_space<vmem>>) target(%dma_start3A_384 : memref<10240x128xf32, #tpu.memory_space<vmem_shared>>) offsets(%dma_start3A_381 : memref<80xi32, #tpu.memory_space<vmem>>) semaphore(%arg17 : memref<!tpu.dma_semaphore, #tpu.memory_space<semaphore_mem>>) {add = true}
    %dma_wait3A_385 = arith.constant 23 : i32
    %dma_wait3A_386 = arith.constant 0 : i32
    %dma_wait3A_387 = tpu.memref_slice %arg8[%dma_wait3A_385, %dma_wait3A_386] : memref<25x80xi32, #tpu.memory_space<vmem>> -> memref<1x80xi32, #tpu.memory_space<vmem>>
    %dma_wait3A_388 = tpu.memref_squeeze %dma_wait3A_387 : memref<1x80xi32, #tpu.memory_space<vmem>> -> memref<80xi32, #tpu.memory_space<vmem>>
    %dma_wait3A_389 = arith.constant 0 : i32
    %dma_wait3A_390 = arith.constant 0 : i32
    %dma_wait3A_391 = tpu.memref_slice %arg12[%dma_wait3A_389, %dma_wait3A_390] : memref<10240x128xf32, #tpu.memory_space<vmem_shared>> -> memref<10240x128xf32, #tpu.memory_space<vmem_shared>>
    tpu.wait_indirect_dma semaphore(%arg16 : memref<!tpu.dma_semaphore, #tpu.memory_space<semaphore_mem>>) src(%arg9 : memref<80x128xf32, #tpu.memory_space<vmem>>) dst(%dma_wait3A_391 : memref<10240x128xf32, #tpu.memory_space<vmem_shared>>)
    %dma_start3A_392 = arith.constant 1 : i32
    %dma_start3A_393 = arith.constant 0 : i32
    %dma_start3A_394 = tpu.memref_slice %arg5[%dma_start3A_392, %dma_start3A_393] : memref<25x80xi32, #tpu.memory_space<vmem>> -> memref<1x80xi32, #tpu.memory_space<vmem>>
    %dma_start3A_395 = tpu.memref_squeeze %dma_start3A_394 : memref<1x80xi32, #tpu.memory_space<vmem>> -> memref<80xi32, #tpu.memory_space<vmem>>
    %dma_start3A_396 = arith.constant 0 : i32
    %dma_start3A_397 = arith.constant 0 : i32
    %dma_start3A_398 = tpu.memref_slice %arg3[%dma_start3A_396, %dma_start3A_397] : memref<10000x128xf32, #tpu.memory_space<hbm>> -> memref<10000x128xf32, #tpu.memory_space<hbm>>
    tpu.enqueue_indirect_dma source(%dma_start3A_398 : memref<10000x128xf32, #tpu.memory_space<hbm>>) target(%arg9 : memref<80x128xf32, #tpu.memory_space<vmem>>) offsets(%dma_start3A_395 : memref<80xi32, #tpu.memory_space<vmem>>) semaphore(%arg13 : memref<!tpu.dma_semaphore, #tpu.memory_space<semaphore_mem>>)
    %dma_wait3A_399 = arith.constant 0 : i32
    %dma_wait3A_400 = arith.constant 0 : i32
    %dma_wait3A_401 = tpu.memref_slice %arg5[%dma_wait3A_399, %dma_wait3A_400] : memref<25x80xi32, #tpu.memory_space<vmem>> -> memref<1x80xi32, #tpu.memory_space<vmem>>
    %dma_wait3A_402 = tpu.memref_squeeze %dma_wait3A_401 : memref<1x80xi32, #tpu.memory_space<vmem>> -> memref<80xi32, #tpu.memory_space<vmem>>
    %dma_wait3A_403 = arith.constant 0 : i32
    %dma_wait3A_404 = arith.constant 0 : i32
    %dma_wait3A_405 = tpu.memref_slice %arg3[%dma_wait3A_403, %dma_wait3A_404] : memref<10000x128xf32, #tpu.memory_space<hbm>> -> memref<10000x128xf32, #tpu.memory_space<hbm>>
    tpu.wait_indirect_dma semaphore(%arg15 : memref<!tpu.dma_semaphore, #tpu.memory_space<semaphore_mem>>) src(%dma_wait3A_405 : memref<10000x128xf32, #tpu.memory_space<hbm>>) dst(%arg11 : memref<80x128xf32, #tpu.memory_space<vmem>>)
    %dma_start3A_406 = arith.constant 0 : i32
    %dma_start3A_407 = arith.constant 0 : i32
    %dma_start3A_408 = tpu.memref_slice %arg6[%dma_start3A_406, %dma_start3A_407] : memref<25x80xi32, #tpu.memory_space<vmem>> -> memref<1x80xi32, #tpu.memory_space<vmem>>
    %dma_start3A_409 = tpu.memref_squeeze %dma_start3A_408 : memref<1x80xi32, #tpu.memory_space<vmem>> -> memref<80xi32, #tpu.memory_space<vmem>>
    %dma_start3A_410 = arith.constant 0 : i32
    %dma_start3A_411 = arith.constant 0 : i32
    %dma_start3A_412 = tpu.memref_slice %arg12[%dma_start3A_410, %dma_start3A_411] : memref<10240x128xf32, #tpu.memory_space<vmem_shared>> -> memref<10240x128xf32, #tpu.memory_space<vmem_shared>>
    tpu.enqueue_indirect_dma source(%arg11 : memref<80x128xf32, #tpu.memory_space<vmem>>) target(%dma_start3A_412 : memref<10240x128xf32, #tpu.memory_space<vmem_shared>>) offsets(%dma_start3A_409 : memref<80xi32, #tpu.memory_space<vmem>>) semaphore(%arg18 : memref<!tpu.dma_semaphore, #tpu.memory_space<semaphore_mem>>) {add = true}
    %dma_wait3A_413 = arith.constant 24 : i32
    %dma_wait3A_414 = arith.constant 0 : i32
    %dma_wait3A_415 = tpu.memref_slice %arg8[%dma_wait3A_413, %dma_wait3A_414] : memref<25x80xi32, #tpu.memory_space<vmem>> -> memref<1x80xi32, #tpu.memory_space<vmem>>
    %dma_wait3A_416 = tpu.memref_squeeze %dma_wait3A_415 : memref<1x80xi32, #tpu.memory_space<vmem>> -> memref<80xi32, #tpu.memory_space<vmem>>
    %dma_wait3A_417 = arith.constant 0 : i32
    %dma_wait3A_418 = arith.constant 0 : i32
    %dma_wait3A_419 = tpu.memref_slice %arg12[%dma_wait3A_417, %dma_wait3A_418] : memref<10240x128xf32, #tpu.memory_space<vmem_shared>> -> memref<10240x128xf32, #tpu.memory_space<vmem_shared>>
    tpu.wait_indirect_dma semaphore(%arg17 : memref<!tpu.dma_semaphore, #tpu.memory_space<semaphore_mem>>) src(%arg10 : memref<80x128xf32, #tpu.memory_space<vmem>>) dst(%dma_wait3A_419 : memref<10240x128xf32, #tpu.memory_space<vmem_shared>>)
    %dma_start3A_420 = arith.constant 2 : i32
    %dma_start3A_421 = arith.constant 0 : i32
    %dma_start3A_422 = tpu.memref_slice %arg5[%dma_start3A_420, %dma_start3A_421] : memref<25x80xi32, #tpu.memory_space<vmem>> -> memref<1x80xi32, #tpu.memory_space<vmem>>
    %dma_start3A_423 = tpu.memref_squeeze %dma_start3A_422 : memref<1x80xi32, #tpu.memory_space<vmem>> -> memref<80xi32, #tpu.memory_space<vmem>>
    %dma_start3A_424 = arith.constant 0 : i32
    %dma_start3A_425 = arith.constant 0 : i32
    %dma_start3A_426 = tpu.memref_slice %arg3[%dma_start3A_424, %dma_start3A_425] : memref<10000x128xf32, #tpu.memory_space<hbm>> -> memref<10000x128xf32, #tpu.memory_space<hbm>>
    tpu.enqueue_indirect_dma source(%dma_start3A_426 : memref<10000x128xf32, #tpu.memory_space<hbm>>) target(%arg10 : memref<80x128xf32, #tpu.memory_space<vmem>>) offsets(%dma_start3A_423 : memref<80xi32, #tpu.memory_space<vmem>>) semaphore(%arg14 : memref<!tpu.dma_semaphore, #tpu.memory_space<semaphore_mem>>)
    %dma_wait3A_427 = arith.constant 1 : i32
    %dma_wait3A_428 = arith.constant 0 : i32
    %dma_wait3A_429 = tpu.memref_slice %arg5[%dma_wait3A_427, %dma_wait3A_428] : memref<25x80xi32, #tpu.memory_space<vmem>> -> memref<1x80xi32, #tpu.memory_space<vmem>>
    %dma_wait3A_430 = tpu.memref_squeeze %dma_wait3A_429 : memref<1x80xi32, #tpu.memory_space<vmem>> -> memref<80xi32, #tpu.memory_space<vmem>>
    %dma_wait3A_431 = arith.constant 0 : i32
    %dma_wait3A_432 = arith.constant 0 : i32
    %dma_wait3A_433 = tpu.memref_slice %arg3[%dma_wait3A_431, %dma_wait3A_432] : memref<10000x128xf32, #tpu.memory_space<hbm>> -> memref<10000x128xf32, #tpu.memory_space<hbm>>
    tpu.wait_indirect_dma semaphore(%arg13 : memref<!tpu.dma_semaphore, #tpu.memory_space<semaphore_mem>>) src(%dma_wait3A_433 : memref<10000x128xf32, #tpu.memory_space<hbm>>) dst(%arg9 : memref<80x128xf32, #tpu.memory_space<vmem>>)
    %dma_start3A_434 = arith.constant 1 : i32
    %dma_start3A_435 = arith.constant 0 : i32
    %dma_start3A_436 = tpu.memref_slice %arg6[%dma_start3A_434, %dma_start3A_435] : memref<25x80xi32, #tpu.memory_space<vmem>> -> memref<1x80xi32, #tpu.memory_space<vmem>>
    %dma_start3A_437 = tpu.memref_squeeze %dma_start3A_436 : memref<1x80xi32, #tpu.memory_space<vmem>> -> memref<80xi32, #tpu.memory_space<vmem>>
    %dma_start3A_438 = arith.constant 0 : i32
    %dma_start3A_439 = arith.constant 0 : i32
    %dma_start3A_440 = tpu.memref_slice %arg12[%dma_start3A_438, %dma_start3A_439] : memref<10240x128xf32, #tpu.memory_space<vmem_shared>> -> memref<10240x128xf32, #tpu.memory_space<vmem_shared>>
    tpu.enqueue_indirect_dma source(%arg9 : memref<80x128xf32, #tpu.memory_space<vmem>>) target(%dma_start3A_440 : memref<10240x128xf32, #tpu.memory_space<vmem_shared>>) offsets(%dma_start3A_437 : memref<80xi32, #tpu.memory_space<vmem>>) semaphore(%arg16 : memref<!tpu.dma_semaphore, #tpu.memory_space<semaphore_mem>>) {add = true}
    %dma_wait3A_441 = arith.constant 0 : i32
    %dma_wait3A_442 = arith.constant 0 : i32
    %dma_wait3A_443 = tpu.memref_slice %arg6[%dma_wait3A_441, %dma_wait3A_442] : memref<25x80xi32, #tpu.memory_space<vmem>> -> memref<1x80xi32, #tpu.memory_space<vmem>>
    %dma_wait3A_444 = tpu.memref_squeeze %dma_wait3A_443 : memref<1x80xi32, #tpu.memory_space<vmem>> -> memref<80xi32, #tpu.memory_space<vmem>>
    %dma_wait3A_445 = arith.constant 0 : i32
    %dma_wait3A_446 = arith.constant 0 : i32
    %dma_wait3A_447 = tpu.memref_slice %arg12[%dma_wait3A_445, %dma_wait3A_446] : memref<10240x128xf32, #tpu.memory_space<vmem_shared>> -> memref<10240x128xf32, #tpu.memory_space<vmem_shared>>
    tpu.wait_indirect_dma semaphore(%arg18 : memref<!tpu.dma_semaphore, #tpu.memory_space<semaphore_mem>>) src(%arg11 : memref<80x128xf32, #tpu.memory_space<vmem>>) dst(%dma_wait3A_447 : memref<10240x128xf32, #tpu.memory_space<vmem_shared>>)
    %dma_start3A_448 = arith.constant 3 : i32
    %dma_start3A_449 = arith.constant 0 : i32
    %dma_start3A_450 = tpu.memref_slice %arg5[%dma_start3A_448, %dma_start3A_449] : memref<25x80xi32, #tpu.memory_space<vmem>> -> memref<1x80xi32, #tpu.memory_space<vmem>>
    %dma_start3A_451 = tpu.memref_squeeze %dma_start3A_450 : memref<1x80xi32, #tpu.memory_space<vmem>> -> memref<80xi32, #tpu.memory_space<vmem>>
    %dma_start3A_452 = arith.constant 0 : i32
    %dma_start3A_453 = arith.constant 0 : i32
    %dma_start3A_454 = tpu.memref_slice %arg3[%dma_start3A_452, %dma_start3A_453] : memref<10000x128xf32, #tpu.memory_space<hbm>> -> memref<10000x128xf32, #tpu.memory_space<hbm>>
    tpu.enqueue_indirect_dma source(%dma_start3A_454 : memref<10000x128xf32, #tpu.memory_space<hbm>>) target(%arg11 : memref<80x128xf32, #tpu.memory_space<vmem>>) offsets(%dma_start3A_451 : memref<80xi32, #tpu.memory_space<vmem>>) semaphore(%arg15 : memref<!tpu.dma_semaphore, #tpu.memory_space<semaphore_mem>>)
    %dma_start3A_455 = arith.constant 0 : i32
    %dma_start3A_456 = arith.constant 3 : i32
    %dma_start3A_457 = arith.constant 0 : i32
    %dma_start3A_458 = arith.constant 0 : i32
    %dma_start3A_459 = tpu.memref_slice %arg2[%dma_start3A_455, %add3A, %dma_start3A_456, %dma_start3A_457, %dma_start3A_458] : memref<2x32x5x25x80xi32, #tpu.memory_space<hbm>> -> memref<1x1x1x25x80xi32, #tpu.memory_space<hbm>>
    %dma_start3A_460 = tpu.memref_squeeze %dma_start3A_459 : memref<1x1x1x25x80xi32, #tpu.memory_space<hbm>> -> memref<25x80xi32, #tpu.memory_space<hbm>>
    %dma_start3A_461 = arith.constant 0 : i32
    %dma_start3A_462 = arith.constant 0 : i32
    %dma_start3A_463 = tpu.memref_slice %arg2[%dma_start3A_455, %add3A, %dma_start3A_456, %dma_start3A_461, %dma_start3A_462] : memref<2x32x5x25x80xi32, #tpu.memory_space<hbm>> -> memref<1x1x1x25x80xi32, #tpu.memory_space<hbm>>
    %dma_start3A_464 = tpu.memref_squeeze %dma_start3A_463 : memref<1x1x1x25x80xi32, #tpu.memory_space<hbm>> -> memref<25x80xi32, #tpu.memory_space<hbm>>
    tpu.enqueue_dma source(%dma_start3A_464 : memref<25x80xi32, #tpu.memory_space<hbm>>) target(%arg7 : memref<25x80xi32, #tpu.memory_space<vmem>>) target_semaphore(%arg20 : memref<!tpu.dma_semaphore, #tpu.memory_space<semaphore_mem>>)
    %dma_start3A_465 = arith.constant 1 : i32
    %dma_start3A_466 = arith.constant 3 : i32
    %dma_start3A_467 = arith.constant 0 : i32
    %dma_start3A_468 = arith.constant 0 : i32
    %dma_start3A_469 = tpu.memref_slice %arg2[%dma_start3A_465, %add3A, %dma_start3A_466, %dma_start3A_467, %dma_start3A_468] : memref<2x32x5x25x80xi32, #tpu.memory_space<hbm>> -> memref<1x1x1x25x80xi32, #tpu.memory_space<hbm>>
    %dma_start3A_470 = tpu.memref_squeeze %dma_start3A_469 : memref<1x1x1x25x80xi32, #tpu.memory_space<hbm>> -> memref<25x80xi32, #tpu.memory_space<hbm>>
    %dma_start3A_471 = arith.constant 0 : i32
    %dma_start3A_472 = arith.constant 0 : i32
    %dma_start3A_473 = tpu.memref_slice %arg2[%dma_start3A_465, %add3A, %dma_start3A_466, %dma_start3A_471, %dma_start3A_472] : memref<2x32x5x25x80xi32, #tpu.memory_space<hbm>> -> memref<1x1x1x25x80xi32, #tpu.memory_space<hbm>>
    %dma_start3A_474 = tpu.memref_squeeze %dma_start3A_473 : memref<1x1x1x25x80xi32, #tpu.memory_space<hbm>> -> memref<25x80xi32, #tpu.memory_space<hbm>>
    tpu.enqueue_dma source(%dma_start3A_474 : memref<25x80xi32, #tpu.memory_space<hbm>>) target(%arg8 : memref<25x80xi32, #tpu.memory_space<vmem>>) target_semaphore(%arg20 : memref<!tpu.dma_semaphore, #tpu.memory_space<semaphore_mem>>)
    %scan3A_475 = arith.constant 0 : i32
    %scan3A_476 = arith.constant 0 : i32
    %scan3A_477 = arith.constant 7 : i32
    %scan3A_478 = arith.addi %scan3A_476, %scan3A_477 : i32
    %scan3A_479 = arith.constant 1 : i32
    scf.for %scan3A_831 = %scan3A_476 to %scan3A_478 step %scan3A_479  : i32 {
      %mul3A_832 = arith.constant 3 : i32
      %mul3A_833 = arith.muli %mul3A_832, %scan3A_831 : i32
      %add3A_834 = arith.constant 2 : i32
      %add3A_835 = arith.addi %add3A_834, %mul3A_833 : i32
      %add3A_836 = arith.constant 0 : i32
      %add3A_837 = arith.addi %add3A_835, %add3A_836 : i32
      %dma_wait3A_838 = arith.constant 0 : i32
      %dma_wait3A_839 = tpu.memref_slice %arg5[%add3A_837, %dma_wait3A_838] : memref<25x80xi32, #tpu.memory_space<vmem>> -> memref<1x80xi32, #tpu.memory_space<vmem>>
      %dma_wait3A_840 = tpu.memref_squeeze %dma_wait3A_839 : memref<1x80xi32, #tpu.memory_space<vmem>> -> memref<80xi32, #tpu.memory_space<vmem>>
      %dma_wait3A_841 = arith.constant 0 : i32
      %dma_wait3A_842 = arith.constant 0 : i32
      %dma_wait3A_843 = tpu.memref_slice %arg3[%dma_wait3A_841, %dma_wait3A_842] : memref<10000x128xf32, #tpu.memory_space<hbm>> -> memref<10000x128xf32, #tpu.memory_space<hbm>>
      tpu.wait_indirect_dma semaphore(%arg14 : memref<!tpu.dma_semaphore, #tpu.memory_space<semaphore_mem>>) src(%dma_wait3A_843 : memref<10000x128xf32, #tpu.memory_space<hbm>>) dst(%arg10 : memref<80x128xf32, #tpu.memory_space<vmem>>)
      %add3A_844 = arith.constant 0 : i32
      %add3A_845 = arith.addi %add3A_835, %add3A_844 : i32
      %dma_start3A_846 = arith.constant 0 : i32
      %dma_start3A_847 = tpu.memref_slice %arg6[%add3A_845, %dma_start3A_846] : memref<25x80xi32, #tpu.memory_space<vmem>> -> memref<1x80xi32, #tpu.memory_space<vmem>>
      %dma_start3A_848 = tpu.memref_squeeze %dma_start3A_847 : memref<1x80xi32, #tpu.memory_space<vmem>> -> memref<80xi32, #tpu.memory_space<vmem>>
      %dma_start3A_849 = arith.constant 0 : i32
      %dma_start3A_850 = arith.constant 0 : i32
      %dma_start3A_851 = tpu.memref_slice %arg12[%dma_start3A_849, %dma_start3A_850] : memref<10240x128xf32, #tpu.memory_space<vmem_shared>> -> memref<10240x128xf32, #tpu.memory_space<vmem_shared>>
      tpu.enqueue_indirect_dma source(%arg10 : memref<80x128xf32, #tpu.memory_space<vmem>>) target(%dma_start3A_851 : memref<10240x128xf32, #tpu.memory_space<vmem_shared>>) offsets(%dma_start3A_848 : memref<80xi32, #tpu.memory_space<vmem>>) semaphore(%arg17 : memref<!tpu.dma_semaphore, #tpu.memory_space<semaphore_mem>>) {add = true}
      %add3A_852 = arith.constant 0 : i32
      %add3A_853 = arith.addi %add3A_835, %add3A_852 : i32
      %sub3A = arith.constant 1 : i32
      %sub3A_854 = arith.subi %add3A_853, %sub3A : i32
      %dma_wait3A_855 = arith.constant 0 : i32
      %dma_wait3A_856 = tpu.memref_slice %arg6[%sub3A_854, %dma_wait3A_855] : memref<25x80xi32, #tpu.memory_space<vmem>> -> memref<1x80xi32, #tpu.memory_space<vmem>>
      %dma_wait3A_857 = tpu.memref_squeeze %dma_wait3A_856 : memref<1x80xi32, #tpu.memory_space<vmem>> -> memref<80xi32, #tpu.memory_space<vmem>>
      %dma_wait3A_858 = arith.constant 0 : i32
      %dma_wait3A_859 = arith.constant 0 : i32
      %dma_wait3A_860 = tpu.memref_slice %arg12[%dma_wait3A_858, %dma_wait3A_859] : memref<10240x128xf32, #tpu.memory_space<vmem_shared>> -> memref<10240x128xf32, #tpu.memory_space<vmem_shared>>
      tpu.wait_indirect_dma semaphore(%arg16 : memref<!tpu.dma_semaphore, #tpu.memory_space<semaphore_mem>>) src(%arg9 : memref<80x128xf32, #tpu.memory_space<vmem>>) dst(%dma_wait3A_860 : memref<10240x128xf32, #tpu.memory_space<vmem_shared>>)
      %add3A_861 = arith.constant 0 : i32
      %add3A_862 = arith.addi %add3A_835, %add3A_861 : i32
      %add3A_863 = arith.constant 2 : i32
      %add3A_864 = arith.addi %add3A_862, %add3A_863 : i32
      %dma_start3A_865 = arith.constant 0 : i32
      %dma_start3A_866 = tpu.memref_slice %arg5[%add3A_864, %dma_start3A_865] : memref<25x80xi32, #tpu.memory_space<vmem>> -> memref<1x80xi32, #tpu.memory_space<vmem>>
      %dma_start3A_867 = tpu.memref_squeeze %dma_start3A_866 : memref<1x80xi32, #tpu.memory_space<vmem>> -> memref<80xi32, #tpu.memory_space<vmem>>
      %dma_start3A_868 = arith.constant 0 : i32
      %dma_start3A_869 = arith.constant 0 : i32
      %dma_start3A_870 = tpu.memref_slice %arg3[%dma_start3A_868, %dma_start3A_869] : memref<10000x128xf32, #tpu.memory_space<hbm>> -> memref<10000x128xf32, #tpu.memory_space<hbm>>
      tpu.enqueue_indirect_dma source(%dma_start3A_870 : memref<10000x128xf32, #tpu.memory_space<hbm>>) target(%arg9 : memref<80x128xf32, #tpu.memory_space<vmem>>) offsets(%dma_start3A_867 : memref<80xi32, #tpu.memory_space<vmem>>) semaphore(%arg13 : memref<!tpu.dma_semaphore, #tpu.memory_space<semaphore_mem>>)
      %add3A_871 = arith.constant 1 : i32
      %add3A_872 = arith.addi %add3A_835, %add3A_871 : i32
      %dma_wait3A_873 = arith.constant 0 : i32
      %dma_wait3A_874 = tpu.memref_slice %arg5[%add3A_872, %dma_wait3A_873] : memref<25x80xi32, #tpu.memory_space<vmem>> -> memref<1x80xi32, #tpu.memory_space<vmem>>
      %dma_wait3A_875 = tpu.memref_squeeze %dma_wait3A_874 : memref<1x80xi32, #tpu.memory_space<vmem>> -> memref<80xi32, #tpu.memory_space<vmem>>
      %dma_wait3A_876 = arith.constant 0 : i32
      %dma_wait3A_877 = arith.constant 0 : i32
      %dma_wait3A_878 = tpu.memref_slice %arg3[%dma_wait3A_876, %dma_wait3A_877] : memref<10000x128xf32, #tpu.memory_space<hbm>> -> memref<10000x128xf32, #tpu.memory_space<hbm>>
      tpu.wait_indirect_dma semaphore(%arg15 : memref<!tpu.dma_semaphore, #tpu.memory_space<semaphore_mem>>) src(%dma_wait3A_878 : memref<10000x128xf32, #tpu.memory_space<hbm>>) dst(%arg11 : memref<80x128xf32, #tpu.memory_space<vmem>>)
      %add3A_879 = arith.constant 1 : i32
      %add3A_880 = arith.addi %add3A_835, %add3A_879 : i32
      %dma_start3A_881 = arith.constant 0 : i32
      %dma_start3A_882 = tpu.memref_slice %arg6[%add3A_880, %dma_start3A_881] : memref<25x80xi32, #tpu.memory_space<vmem>> -> memref<1x80xi32, #tpu.memory_space<vmem>>
      %dma_start3A_883 = tpu.memref_squeeze %dma_start3A_882 : memref<1x80xi32, #tpu.memory_space<vmem>> -> memref<80xi32, #tpu.memory_space<vmem>>
      %dma_start3A_884 = arith.constant 0 : i32
      %dma_start3A_885 = arith.constant 0 : i32
      %dma_start3A_886 = tpu.memref_slice %arg12[%dma_start3A_884, %dma_start3A_885] : memref<10240x128xf32, #tpu.memory_space<vmem_shared>> -> memref<10240x128xf32, #tpu.memory_space<vmem_shared>>
      tpu.enqueue_indirect_dma source(%arg11 : memref<80x128xf32, #tpu.memory_space<vmem>>) target(%dma_start3A_886 : memref<10240x128xf32, #tpu.memory_space<vmem_shared>>) offsets(%dma_start3A_883 : memref<80xi32, #tpu.memory_space<vmem>>) semaphore(%arg18 : memref<!tpu.dma_semaphore, #tpu.memory_space<semaphore_mem>>) {add = true}
      %add3A_887 = arith.constant 1 : i32
      %add3A_888 = arith.addi %add3A_835, %add3A_887 : i32
      %sub3A_889 = arith.constant 1 : i32
      %sub3A_890 = arith.subi %add3A_888, %sub3A_889 : i32
      %dma_wait3A_891 = arith.constant 0 : i32
      %dma_wait3A_892 = tpu.memref_slice %arg6[%sub3A_890, %dma_wait3A_891] : memref<25x80xi32, #tpu.memory_space<vmem>> -> memref<1x80xi32, #tpu.memory_space<vmem>>
      %dma_wait3A_893 = tpu.memref_squeeze %dma_wait3A_892 : memref<1x80xi32, #tpu.memory_space<vmem>> -> memref<80xi32, #tpu.memory_space<vmem>>
      %dma_wait3A_894 = arith.constant 0 : i32
      %dma_wait3A_895 = arith.constant 0 : i32
      %dma_wait3A_896 = tpu.memref_slice %arg12[%dma_wait3A_894, %dma_wait3A_895] : memref<10240x128xf32, #tpu.memory_space<vmem_shared>> -> memref<10240x128xf32, #tpu.memory_space<vmem_shared>>
      tpu.wait_indirect_dma semaphore(%arg17 : memref<!tpu.dma_semaphore, #tpu.memory_space<semaphore_mem>>) src(%arg10 : memref<80x128xf32, #tpu.memory_space<vmem>>) dst(%dma_wait3A_896 : memref<10240x128xf32, #tpu.memory_space<vmem_shared>>)
      %add3A_897 = arith.constant 1 : i32
      %add3A_898 = arith.addi %add3A_835, %add3A_897 : i32
      %add3A_899 = arith.constant 2 : i32
      %add3A_900 = arith.addi %add3A_898, %add3A_899 : i32
      %dma_start3A_901 = arith.constant 0 : i32
      %dma_start3A_902 = tpu.memref_slice %arg5[%add3A_900, %dma_start3A_901] : memref<25x80xi32, #tpu.memory_space<vmem>> -> memref<1x80xi32, #tpu.memory_space<vmem>>
      %dma_start3A_903 = tpu.memref_squeeze %dma_start3A_902 : memref<1x80xi32, #tpu.memory_space<vmem>> -> memref<80xi32, #tpu.memory_space<vmem>>
      %dma_start3A_904 = arith.constant 0 : i32
      %dma_start3A_905 = arith.constant 0 : i32
      %dma_start3A_906 = tpu.memref_slice %arg3[%dma_start3A_904, %dma_start3A_905] : memref<10000x128xf32, #tpu.memory_space<hbm>> -> memref<10000x128xf32, #tpu.memory_space<hbm>>
      tpu.enqueue_indirect_dma source(%dma_start3A_906 : memref<10000x128xf32, #tpu.memory_space<hbm>>) target(%arg10 : memref<80x128xf32, #tpu.memory_space<vmem>>) offsets(%dma_start3A_903 : memref<80xi32, #tpu.memory_space<vmem>>) semaphore(%arg14 : memref<!tpu.dma_semaphore, #tpu.memory_space<semaphore_mem>>)
      %add3A_907 = arith.constant 2 : i32
      %add3A_908 = arith.addi %add3A_835, %add3A_907 : i32
      %dma_wait3A_909 = arith.constant 0 : i32
      %dma_wait3A_910 = tpu.memref_slice %arg5[%add3A_908, %dma_wait3A_909] : memref<25x80xi32, #tpu.memory_space<vmem>> -> memref<1x80xi32, #tpu.memory_space<vmem>>
      %dma_wait3A_911 = tpu.memref_squeeze %dma_wait3A_910 : memref<1x80xi32, #tpu.memory_space<vmem>> -> memref<80xi32, #tpu.memory_space<vmem>>
      %dma_wait3A_912 = arith.constant 0 : i32
      %dma_wait3A_913 = arith.constant 0 : i32
      %dma_wait3A_914 = tpu.memref_slice %arg3[%dma_wait3A_912, %dma_wait3A_913] : memref<10000x128xf32, #tpu.memory_space<hbm>> -> memref<10000x128xf32, #tpu.memory_space<hbm>>
      tpu.wait_indirect_dma semaphore(%arg13 : memref<!tpu.dma_semaphore, #tpu.memory_space<semaphore_mem>>) src(%dma_wait3A_914 : memref<10000x128xf32, #tpu.memory_space<hbm>>) dst(%arg9 : memref<80x128xf32, #tpu.memory_space<vmem>>)
      %add3A_915 = arith.constant 2 : i32
      %add3A_916 = arith.addi %add3A_835, %add3A_915 : i32
      %dma_start3A_917 = arith.constant 0 : i32
      %dma_start3A_918 = tpu.memref_slice %arg6[%add3A_916, %dma_start3A_917] : memref<25x80xi32, #tpu.memory_space<vmem>> -> memref<1x80xi32, #tpu.memory_space<vmem>>
      %dma_start3A_919 = tpu.memref_squeeze %dma_start3A_918 : memref<1x80xi32, #tpu.memory_space<vmem>> -> memref<80xi32, #tpu.memory_space<vmem>>
      %dma_start3A_920 = arith.constant 0 : i32
      %dma_start3A_921 = arith.constant 0 : i32
      %dma_start3A_922 = tpu.memref_slice %arg12[%dma_start3A_920, %dma_start3A_921] : memref<10240x128xf32, #tpu.memory_space<vmem_shared>> -> memref<10240x128xf32, #tpu.memory_space<vmem_shared>>
      tpu.enqueue_indirect_dma source(%arg9 : memref<80x128xf32, #tpu.memory_space<vmem>>) target(%dma_start3A_922 : memref<10240x128xf32, #tpu.memory_space<vmem_shared>>) offsets(%dma_start3A_919 : memref<80xi32, #tpu.memory_space<vmem>>) semaphore(%arg16 : memref<!tpu.dma_semaphore, #tpu.memory_space<semaphore_mem>>) {add = true}
      %add3A_923 = arith.constant 2 : i32
      %add3A_924 = arith.addi %add3A_835, %add3A_923 : i32
      %sub3A_925 = arith.constant 1 : i32
      %sub3A_926 = arith.subi %add3A_924, %sub3A_925 : i32
      %dma_wait3A_927 = arith.constant 0 : i32
      %dma_wait3A_928 = tpu.memref_slice %arg6[%sub3A_926, %dma_wait3A_927] : memref<25x80xi32, #tpu.memory_space<vmem>> -> memref<1x80xi32, #tpu.memory_space<vmem>>
      %dma_wait3A_929 = tpu.memref_squeeze %dma_wait3A_928 : memref<1x80xi32, #tpu.memory_space<vmem>> -> memref<80xi32, #tpu.memory_space<vmem>>
      %dma_wait3A_930 = arith.constant 0 : i32
      %dma_wait3A_931 = arith.constant 0 : i32
      %dma_wait3A_932 = tpu.memref_slice %arg12[%dma_wait3A_930, %dma_wait3A_931] : memref<10240x128xf32, #tpu.memory_space<vmem_shared>> -> memref<10240x128xf32, #tpu.memory_space<vmem_shared>>
      tpu.wait_indirect_dma semaphore(%arg18 : memref<!tpu.dma_semaphore, #tpu.memory_space<semaphore_mem>>) src(%arg11 : memref<80x128xf32, #tpu.memory_space<vmem>>) dst(%dma_wait3A_932 : memref<10240x128xf32, #tpu.memory_space<vmem_shared>>)
      %add3A_933 = arith.constant 2 : i32
      %add3A_934 = arith.addi %add3A_835, %add3A_933 : i32
      %add3A_935 = arith.constant 2 : i32
      %add3A_936 = arith.addi %add3A_934, %add3A_935 : i32
      %dma_start3A_937 = arith.constant 0 : i32
      %dma_start3A_938 = tpu.memref_slice %arg5[%add3A_936, %dma_start3A_937] : memref<25x80xi32, #tpu.memory_space<vmem>> -> memref<1x80xi32, #tpu.memory_space<vmem>>
      %dma_start3A_939 = tpu.memref_squeeze %dma_start3A_938 : memref<1x80xi32, #tpu.memory_space<vmem>> -> memref<80xi32, #tpu.memory_space<vmem>>
      %dma_start3A_940 = arith.constant 0 : i32
      %dma_start3A_941 = arith.constant 0 : i32
      %dma_start3A_942 = tpu.memref_slice %arg3[%dma_start3A_940, %dma_start3A_941] : memref<10000x128xf32, #tpu.memory_space<hbm>> -> memref<10000x128xf32, #tpu.memory_space<hbm>>
      tpu.enqueue_indirect_dma source(%dma_start3A_942 : memref<10000x128xf32, #tpu.memory_space<hbm>>) target(%arg11 : memref<80x128xf32, #tpu.memory_space<vmem>>) offsets(%dma_start3A_939 : memref<80xi32, #tpu.memory_space<vmem>>) semaphore(%arg15 : memref<!tpu.dma_semaphore, #tpu.memory_space<semaphore_mem>>)
    }
    %scan3A_480 = arith.constant 7 : i32
    %dma_wait3A_481 = arith.constant 0 : i32
    %dma_wait3A_482 = arith.constant 3 : i32
    %dma_wait3A_483 = arith.constant 0 : i32
    %dma_wait3A_484 = arith.constant 0 : i32
    %dma_wait3A_485 = tpu.memref_slice %arg2[%dma_wait3A_481, %add3A, %dma_wait3A_482, %dma_wait3A_483, %dma_wait3A_484] : memref<2x32x5x25x80xi32, #tpu.memory_space<hbm>> -> memref<1x1x1x25x80xi32, #tpu.memory_space<hbm>>
    %dma_wait3A_486 = tpu.memref_squeeze %dma_wait3A_485 : memref<1x1x1x25x80xi32, #tpu.memory_space<hbm>> -> memref<25x80xi32, #tpu.memory_space<hbm>>
    %dma_wait3A_487 = arith.constant 0 : i32
    %dma_wait3A_488 = arith.constant 0 : i32
    %dma_wait3A_489 = tpu.memref_slice %arg2[%dma_wait3A_481, %add3A, %dma_wait3A_482, %dma_wait3A_487, %dma_wait3A_488] : memref<2x32x5x25x80xi32, #tpu.memory_space<hbm>> -> memref<1x1x1x25x80xi32, #tpu.memory_space<hbm>>
    %dma_wait3A_490 = tpu.memref_squeeze %dma_wait3A_489 : memref<1x1x1x25x80xi32, #tpu.memory_space<hbm>> -> memref<25x80xi32, #tpu.memory_space<hbm>>
    tpu.wait_dma2 semaphore(%arg20 : memref<!tpu.dma_semaphore, #tpu.memory_space<semaphore_mem>>) src(%dma_wait3A_490 : memref<25x80xi32, #tpu.memory_space<hbm>>) dst(%arg7 : memref<25x80xi32, #tpu.memory_space<vmem>>)
    %dma_wait3A_491 = arith.constant 1 : i32
    %dma_wait3A_492 = arith.constant 3 : i32
    %dma_wait3A_493 = arith.constant 0 : i32
    %dma_wait3A_494 = arith.constant 0 : i32
    %dma_wait3A_495 = tpu.memref_slice %arg2[%dma_wait3A_491, %add3A, %dma_wait3A_492, %dma_wait3A_493, %dma_wait3A_494] : memref<2x32x5x25x80xi32, #tpu.memory_space<hbm>> -> memref<1x1x1x25x80xi32, #tpu.memory_space<hbm>>
    %dma_wait3A_496 = tpu.memref_squeeze %dma_wait3A_495 : memref<1x1x1x25x80xi32, #tpu.memory_space<hbm>> -> memref<25x80xi32, #tpu.memory_space<hbm>>
    %dma_wait3A_497 = arith.constant 0 : i32
    %dma_wait3A_498 = arith.constant 0 : i32
    %dma_wait3A_499 = tpu.memref_slice %arg2[%dma_wait3A_491, %add3A, %dma_wait3A_492, %dma_wait3A_497, %dma_wait3A_498] : memref<2x32x5x25x80xi32, #tpu.memory_space<hbm>> -> memref<1x1x1x25x80xi32, #tpu.memory_space<hbm>>
    %dma_wait3A_500 = tpu.memref_squeeze %dma_wait3A_499 : memref<1x1x1x25x80xi32, #tpu.memory_space<hbm>> -> memref<25x80xi32, #tpu.memory_space<hbm>>
    tpu.wait_dma2 semaphore(%arg20 : memref<!tpu.dma_semaphore, #tpu.memory_space<semaphore_mem>>) src(%dma_wait3A_500 : memref<25x80xi32, #tpu.memory_space<hbm>>) dst(%arg8 : memref<25x80xi32, #tpu.memory_space<vmem>>)
    %dma_wait3A_501 = arith.constant 23 : i32
    %dma_wait3A_502 = arith.constant 0 : i32
    %dma_wait3A_503 = tpu.memref_slice %arg5[%dma_wait3A_501, %dma_wait3A_502] : memref<25x80xi32, #tpu.memory_space<vmem>> -> memref<1x80xi32, #tpu.memory_space<vmem>>
    %dma_wait3A_504 = tpu.memref_squeeze %dma_wait3A_503 : memref<1x80xi32, #tpu.memory_space<vmem>> -> memref<80xi32, #tpu.memory_space<vmem>>
    %dma_wait3A_505 = arith.constant 0 : i32
    %dma_wait3A_506 = arith.constant 0 : i32
    %dma_wait3A_507 = tpu.memref_slice %arg3[%dma_wait3A_505, %dma_wait3A_506] : memref<10000x128xf32, #tpu.memory_space<hbm>> -> memref<10000x128xf32, #tpu.memory_space<hbm>>
    tpu.wait_indirect_dma semaphore(%arg14 : memref<!tpu.dma_semaphore, #tpu.memory_space<semaphore_mem>>) src(%dma_wait3A_507 : memref<10000x128xf32, #tpu.memory_space<hbm>>) dst(%arg10 : memref<80x128xf32, #tpu.memory_space<vmem>>)
    %dma_start3A_508 = arith.constant 23 : i32
    %dma_start3A_509 = arith.constant 0 : i32
    %dma_start3A_510 = tpu.memref_slice %arg6[%dma_start3A_508, %dma_start3A_509] : memref<25x80xi32, #tpu.memory_space<vmem>> -> memref<1x80xi32, #tpu.memory_space<vmem>>
    %dma_start3A_511 = tpu.memref_squeeze %dma_start3A_510 : memref<1x80xi32, #tpu.memory_space<vmem>> -> memref<80xi32, #tpu.memory_space<vmem>>
    %dma_start3A_512 = arith.constant 0 : i32
    %dma_start3A_513 = arith.constant 0 : i32
    %dma_start3A_514 = tpu.memref_slice %arg12[%dma_start3A_512, %dma_start3A_513] : memref<10240x128xf32, #tpu.memory_space<vmem_shared>> -> memref<10240x128xf32, #tpu.memory_space<vmem_shared>>
    tpu.enqueue_indirect_dma source(%arg10 : memref<80x128xf32, #tpu.memory_space<vmem>>) target(%dma_start3A_514 : memref<10240x128xf32, #tpu.memory_space<vmem_shared>>) offsets(%dma_start3A_511 : memref<80xi32, #tpu.memory_space<vmem>>) semaphore(%arg17 : memref<!tpu.dma_semaphore, #tpu.memory_space<semaphore_mem>>) {add = true}
    %dma_wait3A_515 = arith.constant 22 : i32
    %dma_wait3A_516 = arith.constant 0 : i32
    %dma_wait3A_517 = tpu.memref_slice %arg6[%dma_wait3A_515, %dma_wait3A_516] : memref<25x80xi32, #tpu.memory_space<vmem>> -> memref<1x80xi32, #tpu.memory_space<vmem>>
    %dma_wait3A_518 = tpu.memref_squeeze %dma_wait3A_517 : memref<1x80xi32, #tpu.memory_space<vmem>> -> memref<80xi32, #tpu.memory_space<vmem>>
    %dma_wait3A_519 = arith.constant 0 : i32
    %dma_wait3A_520 = arith.constant 0 : i32
    %dma_wait3A_521 = tpu.memref_slice %arg12[%dma_wait3A_519, %dma_wait3A_520] : memref<10240x128xf32, #tpu.memory_space<vmem_shared>> -> memref<10240x128xf32, #tpu.memory_space<vmem_shared>>
    tpu.wait_indirect_dma semaphore(%arg16 : memref<!tpu.dma_semaphore, #tpu.memory_space<semaphore_mem>>) src(%arg9 : memref<80x128xf32, #tpu.memory_space<vmem>>) dst(%dma_wait3A_521 : memref<10240x128xf32, #tpu.memory_space<vmem_shared>>)
    %dma_start3A_522 = arith.constant 0 : i32
    %dma_start3A_523 = arith.constant 0 : i32
    %dma_start3A_524 = tpu.memref_slice %arg7[%dma_start3A_522, %dma_start3A_523] : memref<25x80xi32, #tpu.memory_space<vmem>> -> memref<1x80xi32, #tpu.memory_space<vmem>>
    %dma_start3A_525 = tpu.memref_squeeze %dma_start3A_524 : memref<1x80xi32, #tpu.memory_space<vmem>> -> memref<80xi32, #tpu.memory_space<vmem>>
    %dma_start3A_526 = arith.constant 0 : i32
    %dma_start3A_527 = arith.constant 0 : i32
    %dma_start3A_528 = tpu.memref_slice %arg3[%dma_start3A_526, %dma_start3A_527] : memref<10000x128xf32, #tpu.memory_space<hbm>> -> memref<10000x128xf32, #tpu.memory_space<hbm>>
    tpu.enqueue_indirect_dma source(%dma_start3A_528 : memref<10000x128xf32, #tpu.memory_space<hbm>>) target(%arg9 : memref<80x128xf32, #tpu.memory_space<vmem>>) offsets(%dma_start3A_525 : memref<80xi32, #tpu.memory_space<vmem>>) semaphore(%arg13 : memref<!tpu.dma_semaphore, #tpu.memory_space<semaphore_mem>>)
    %dma_wait3A_529 = arith.constant 24 : i32
    %dma_wait3A_530 = arith.constant 0 : i32
    %dma_wait3A_531 = tpu.memref_slice %arg5[%dma_wait3A_529, %dma_wait3A_530] : memref<25x80xi32, #tpu.memory_space<vmem>> -> memref<1x80xi32, #tpu.memory_space<vmem>>
    %dma_wait3A_532 = tpu.memref_squeeze %dma_wait3A_531 : memref<1x80xi32, #tpu.memory_space<vmem>> -> memref<80xi32, #tpu.memory_space<vmem>>
    %dma_wait3A_533 = arith.constant 0 : i32
    %dma_wait3A_534 = arith.constant 0 : i32
    %dma_wait3A_535 = tpu.memref_slice %arg3[%dma_wait3A_533, %dma_wait3A_534] : memref<10000x128xf32, #tpu.memory_space<hbm>> -> memref<10000x128xf32, #tpu.memory_space<hbm>>
    tpu.wait_indirect_dma semaphore(%arg15 : memref<!tpu.dma_semaphore, #tpu.memory_space<semaphore_mem>>) src(%dma_wait3A_535 : memref<10000x128xf32, #tpu.memory_space<hbm>>) dst(%arg11 : memref<80x128xf32, #tpu.memory_space<vmem>>)
    %dma_start3A_536 = arith.constant 24 : i32
    %dma_start3A_537 = arith.constant 0 : i32
    %dma_start3A_538 = tpu.memref_slice %arg6[%dma_start3A_536, %dma_start3A_537] : memref<25x80xi32, #tpu.memory_space<vmem>> -> memref<1x80xi32, #tpu.memory_space<vmem>>
    %dma_start3A_539 = tpu.memref_squeeze %dma_start3A_538 : memref<1x80xi32, #tpu.memory_space<vmem>> -> memref<80xi32, #tpu.memory_space<vmem>>
    %dma_start3A_540 = arith.constant 0 : i32
    %dma_start3A_541 = arith.constant 0 : i32
    %dma_start3A_542 = tpu.memref_slice %arg12[%dma_start3A_540, %dma_start3A_541] : memref<10240x128xf32, #tpu.memory_space<vmem_shared>> -> memref<10240x128xf32, #tpu.memory_space<vmem_shared>>
    tpu.enqueue_indirect_dma source(%arg11 : memref<80x128xf32, #tpu.memory_space<vmem>>) target(%dma_start3A_542 : memref<10240x128xf32, #tpu.memory_space<vmem_shared>>) offsets(%dma_start3A_539 : memref<80xi32, #tpu.memory_space<vmem>>) semaphore(%arg18 : memref<!tpu.dma_semaphore, #tpu.memory_space<semaphore_mem>>) {add = true}
    %dma_wait3A_543 = arith.constant 23 : i32
    %dma_wait3A_544 = arith.constant 0 : i32
    %dma_wait3A_545 = tpu.memref_slice %arg6[%dma_wait3A_543, %dma_wait3A_544] : memref<25x80xi32, #tpu.memory_space<vmem>> -> memref<1x80xi32, #tpu.memory_space<vmem>>
    %dma_wait3A_546 = tpu.memref_squeeze %dma_wait3A_545 : memref<1x80xi32, #tpu.memory_space<vmem>> -> memref<80xi32, #tpu.memory_space<vmem>>
    %dma_wait3A_547 = arith.constant 0 : i32
    %dma_wait3A_548 = arith.constant 0 : i32
    %dma_wait3A_549 = tpu.memref_slice %arg12[%dma_wait3A_547, %dma_wait3A_548] : memref<10240x128xf32, #tpu.memory_space<vmem_shared>> -> memref<10240x128xf32, #tpu.memory_space<vmem_shared>>
    tpu.wait_indirect_dma semaphore(%arg17 : memref<!tpu.dma_semaphore, #tpu.memory_space<semaphore_mem>>) src(%arg10 : memref<80x128xf32, #tpu.memory_space<vmem>>) dst(%dma_wait3A_549 : memref<10240x128xf32, #tpu.memory_space<vmem_shared>>)
    %dma_start3A_550 = arith.constant 1 : i32
    %dma_start3A_551 = arith.constant 0 : i32
    %dma_start3A_552 = tpu.memref_slice %arg7[%dma_start3A_550, %dma_start3A_551] : memref<25x80xi32, #tpu.memory_space<vmem>> -> memref<1x80xi32, #tpu.memory_space<vmem>>
    %dma_start3A_553 = tpu.memref_squeeze %dma_start3A_552 : memref<1x80xi32, #tpu.memory_space<vmem>> -> memref<80xi32, #tpu.memory_space<vmem>>
    %dma_start3A_554 = arith.constant 0 : i32
    %dma_start3A_555 = arith.constant 0 : i32
    %dma_start3A_556 = tpu.memref_slice %arg3[%dma_start3A_554, %dma_start3A_555] : memref<10000x128xf32, #tpu.memory_space<hbm>> -> memref<10000x128xf32, #tpu.memory_space<hbm>>
    tpu.enqueue_indirect_dma source(%dma_start3A_556 : memref<10000x128xf32, #tpu.memory_space<hbm>>) target(%arg10 : memref<80x128xf32, #tpu.memory_space<vmem>>) offsets(%dma_start3A_553 : memref<80xi32, #tpu.memory_space<vmem>>) semaphore(%arg14 : memref<!tpu.dma_semaphore, #tpu.memory_space<semaphore_mem>>)
    %dma_wait3A_557 = arith.constant 0 : i32
    %dma_wait3A_558 = arith.constant 0 : i32
    %dma_wait3A_559 = tpu.memref_slice %arg7[%dma_wait3A_557, %dma_wait3A_558] : memref<25x80xi32, #tpu.memory_space<vmem>> -> memref<1x80xi32, #tpu.memory_space<vmem>>
    %dma_wait3A_560 = tpu.memref_squeeze %dma_wait3A_559 : memref<1x80xi32, #tpu.memory_space<vmem>> -> memref<80xi32, #tpu.memory_space<vmem>>
    %dma_wait3A_561 = arith.constant 0 : i32
    %dma_wait3A_562 = arith.constant 0 : i32
    %dma_wait3A_563 = tpu.memref_slice %arg3[%dma_wait3A_561, %dma_wait3A_562] : memref<10000x128xf32, #tpu.memory_space<hbm>> -> memref<10000x128xf32, #tpu.memory_space<hbm>>
    tpu.wait_indirect_dma semaphore(%arg13 : memref<!tpu.dma_semaphore, #tpu.memory_space<semaphore_mem>>) src(%dma_wait3A_563 : memref<10000x128xf32, #tpu.memory_space<hbm>>) dst(%arg9 : memref<80x128xf32, #tpu.memory_space<vmem>>)
    %dma_start3A_564 = arith.constant 0 : i32
    %dma_start3A_565 = arith.constant 0 : i32
    %dma_start3A_566 = tpu.memref_slice %arg8[%dma_start3A_564, %dma_start3A_565] : memref<25x80xi32, #tpu.memory_space<vmem>> -> memref<1x80xi32, #tpu.memory_space<vmem>>
    %dma_start3A_567 = tpu.memref_squeeze %dma_start3A_566 : memref<1x80xi32, #tpu.memory_space<vmem>> -> memref<80xi32, #tpu.memory_space<vmem>>
    %dma_start3A_568 = arith.constant 0 : i32
    %dma_start3A_569 = arith.constant 0 : i32
    %dma_start3A_570 = tpu.memref_slice %arg12[%dma_start3A_568, %dma_start3A_569] : memref<10240x128xf32, #tpu.memory_space<vmem_shared>> -> memref<10240x128xf32, #tpu.memory_space<vmem_shared>>
    tpu.enqueue_indirect_dma source(%arg9 : memref<80x128xf32, #tpu.memory_space<vmem>>) target(%dma_start3A_570 : memref<10240x128xf32, #tpu.memory_space<vmem_shared>>) offsets(%dma_start3A_567 : memref<80xi32, #tpu.memory_space<vmem>>) semaphore(%arg16 : memref<!tpu.dma_semaphore, #tpu.memory_space<semaphore_mem>>) {add = true}
    %dma_wait3A_571 = arith.constant 24 : i32
    %dma_wait3A_572 = arith.constant 0 : i32
    %dma_wait3A_573 = tpu.memref_slice %arg6[%dma_wait3A_571, %dma_wait3A_572] : memref<25x80xi32, #tpu.memory_space<vmem>> -> memref<1x80xi32, #tpu.memory_space<vmem>>
    %dma_wait3A_574 = tpu.memref_squeeze %dma_wait3A_573 : memref<1x80xi32, #tpu.memory_space<vmem>> -> memref<80xi32, #tpu.memory_space<vmem>>
    %dma_wait3A_575 = arith.constant 0 : i32
    %dma_wait3A_576 = arith.constant 0 : i32
    %dma_wait3A_577 = tpu.memref_slice %arg12[%dma_wait3A_575, %dma_wait3A_576] : memref<10240x128xf32, #tpu.memory_space<vmem_shared>> -> memref<10240x128xf32, #tpu.memory_space<vmem_shared>>
    tpu.wait_indirect_dma semaphore(%arg18 : memref<!tpu.dma_semaphore, #tpu.memory_space<semaphore_mem>>) src(%arg11 : memref<80x128xf32, #tpu.memory_space<vmem>>) dst(%dma_wait3A_577 : memref<10240x128xf32, #tpu.memory_space<vmem_shared>>)
    %dma_start3A_578 = arith.constant 2 : i32
    %dma_start3A_579 = arith.constant 0 : i32
    %dma_start3A_580 = tpu.memref_slice %arg7[%dma_start3A_578, %dma_start3A_579] : memref<25x80xi32, #tpu.memory_space<vmem>> -> memref<1x80xi32, #tpu.memory_space<vmem>>
    %dma_start3A_581 = tpu.memref_squeeze %dma_start3A_580 : memref<1x80xi32, #tpu.memory_space<vmem>> -> memref<80xi32, #tpu.memory_space<vmem>>
    %dma_start3A_582 = arith.constant 0 : i32
    %dma_start3A_583 = arith.constant 0 : i32
    %dma_start3A_584 = tpu.memref_slice %arg3[%dma_start3A_582, %dma_start3A_583] : memref<10000x128xf32, #tpu.memory_space<hbm>> -> memref<10000x128xf32, #tpu.memory_space<hbm>>
    tpu.enqueue_indirect_dma source(%dma_start3A_584 : memref<10000x128xf32, #tpu.memory_space<hbm>>) target(%arg11 : memref<80x128xf32, #tpu.memory_space<vmem>>) offsets(%dma_start3A_581 : memref<80xi32, #tpu.memory_space<vmem>>) semaphore(%arg15 : memref<!tpu.dma_semaphore, #tpu.memory_space<semaphore_mem>>)
    %dma_wait3A_585 = arith.constant 1 : i32
    %dma_wait3A_586 = arith.constant 0 : i32
    %dma_wait3A_587 = tpu.memref_slice %arg7[%dma_wait3A_585, %dma_wait3A_586] : memref<25x80xi32, #tpu.memory_space<vmem>> -> memref<1x80xi32, #tpu.memory_space<vmem>>
    %dma_wait3A_588 = tpu.memref_squeeze %dma_wait3A_587 : memref<1x80xi32, #tpu.memory_space<vmem>> -> memref<80xi32, #tpu.memory_space<vmem>>
    %dma_wait3A_589 = arith.constant 0 : i32
    %dma_wait3A_590 = arith.constant 0 : i32
    %dma_wait3A_591 = tpu.memref_slice %arg3[%dma_wait3A_589, %dma_wait3A_590] : memref<10000x128xf32, #tpu.memory_space<hbm>> -> memref<10000x128xf32, #tpu.memory_space<hbm>>
    tpu.wait_indirect_dma semaphore(%arg14 : memref<!tpu.dma_semaphore, #tpu.memory_space<semaphore_mem>>) src(%dma_wait3A_591 : memref<10000x128xf32, #tpu.memory_space<hbm>>) dst(%arg10 : memref<80x128xf32, #tpu.memory_space<vmem>>)
    %dma_start3A_592 = arith.constant 1 : i32
    %dma_start3A_593 = arith.constant 0 : i32
    %dma_start3A_594 = tpu.memref_slice %arg8[%dma_start3A_592, %dma_start3A_593] : memref<25x80xi32, #tpu.memory_space<vmem>> -> memref<1x80xi32, #tpu.memory_space<vmem>>
    %dma_start3A_595 = tpu.memref_squeeze %dma_start3A_594 : memref<1x80xi32, #tpu.memory_space<vmem>> -> memref<80xi32, #tpu.memory_space<vmem>>
    %dma_start3A_596 = arith.constant 0 : i32
    %dma_start3A_597 = arith.constant 0 : i32
    %dma_start3A_598 = tpu.memref_slice %arg12[%dma_start3A_596, %dma_start3A_597] : memref<10240x128xf32, #tpu.memory_space<vmem_shared>> -> memref<10240x128xf32, #tpu.memory_space<vmem_shared>>
    tpu.enqueue_indirect_dma source(%arg10 : memref<80x128xf32, #tpu.memory_space<vmem>>) target(%dma_start3A_598 : memref<10240x128xf32, #tpu.memory_space<vmem_shared>>) offsets(%dma_start3A_595 : memref<80xi32, #tpu.memory_space<vmem>>) semaphore(%arg17 : memref<!tpu.dma_semaphore, #tpu.memory_space<semaphore_mem>>) {add = true}
    %dma_wait3A_599 = arith.constant 0 : i32
    %dma_wait3A_600 = arith.constant 0 : i32
    %dma_wait3A_601 = tpu.memref_slice %arg8[%dma_wait3A_599, %dma_wait3A_600] : memref<25x80xi32, #tpu.memory_space<vmem>> -> memref<1x80xi32, #tpu.memory_space<vmem>>
    %dma_wait3A_602 = tpu.memref_squeeze %dma_wait3A_601 : memref<1x80xi32, #tpu.memory_space<vmem>> -> memref<80xi32, #tpu.memory_space<vmem>>
    %dma_wait3A_603 = arith.constant 0 : i32
    %dma_wait3A_604 = arith.constant 0 : i32
    %dma_wait3A_605 = tpu.memref_slice %arg12[%dma_wait3A_603, %dma_wait3A_604] : memref<10240x128xf32, #tpu.memory_space<vmem_shared>> -> memref<10240x128xf32, #tpu.memory_space<vmem_shared>>
    tpu.wait_indirect_dma semaphore(%arg16 : memref<!tpu.dma_semaphore, #tpu.memory_space<semaphore_mem>>) src(%arg9 : memref<80x128xf32, #tpu.memory_space<vmem>>) dst(%dma_wait3A_605 : memref<10240x128xf32, #tpu.memory_space<vmem_shared>>)
    %dma_start3A_606 = arith.constant 3 : i32
    %dma_start3A_607 = arith.constant 0 : i32
    %dma_start3A_608 = tpu.memref_slice %arg7[%dma_start3A_606, %dma_start3A_607] : memref<25x80xi32, #tpu.memory_space<vmem>> -> memref<1x80xi32, #tpu.memory_space<vmem>>
    %dma_start3A_609 = tpu.memref_squeeze %dma_start3A_608 : memref<1x80xi32, #tpu.memory_space<vmem>> -> memref<80xi32, #tpu.memory_space<vmem>>
    %dma_start3A_610 = arith.constant 0 : i32
    %dma_start3A_611 = arith.constant 0 : i32
    %dma_start3A_612 = tpu.memref_slice %arg3[%dma_start3A_610, %dma_start3A_611] : memref<10000x128xf32, #tpu.memory_space<hbm>> -> memref<10000x128xf32, #tpu.memory_space<hbm>>
    tpu.enqueue_indirect_dma source(%dma_start3A_612 : memref<10000x128xf32, #tpu.memory_space<hbm>>) target(%arg9 : memref<80x128xf32, #tpu.memory_space<vmem>>) offsets(%dma_start3A_609 : memref<80xi32, #tpu.memory_space<vmem>>) semaphore(%arg13 : memref<!tpu.dma_semaphore, #tpu.memory_space<semaphore_mem>>)
    %dma_start3A_613 = arith.constant 0 : i32
    %dma_start3A_614 = arith.constant 4 : i32
    %dma_start3A_615 = arith.constant 0 : i32
    %dma_start3A_616 = arith.constant 0 : i32
    %dma_start3A_617 = tpu.memref_slice %arg2[%dma_start3A_613, %add3A, %dma_start3A_614, %dma_start3A_615, %dma_start3A_616] : memref<2x32x5x25x80xi32, #tpu.memory_space<hbm>> -> memref<1x1x1x25x80xi32, #tpu.memory_space<hbm>>
    %dma_start3A_618 = tpu.memref_squeeze %dma_start3A_617 : memref<1x1x1x25x80xi32, #tpu.memory_space<hbm>> -> memref<25x80xi32, #tpu.memory_space<hbm>>
    %dma_start3A_619 = arith.constant 0 : i32
    %dma_start3A_620 = arith.constant 0 : i32
    %dma_start3A_621 = tpu.memref_slice %arg2[%dma_start3A_613, %add3A, %dma_start3A_614, %dma_start3A_619, %dma_start3A_620] : memref<2x32x5x25x80xi32, #tpu.memory_space<hbm>> -> memref<1x1x1x25x80xi32, #tpu.memory_space<hbm>>
    %dma_start3A_622 = tpu.memref_squeeze %dma_start3A_621 : memref<1x1x1x25x80xi32, #tpu.memory_space<hbm>> -> memref<25x80xi32, #tpu.memory_space<hbm>>
    tpu.enqueue_dma source(%dma_start3A_622 : memref<25x80xi32, #tpu.memory_space<hbm>>) target(%arg5 : memref<25x80xi32, #tpu.memory_space<vmem>>) target_semaphore(%arg19 : memref<!tpu.dma_semaphore, #tpu.memory_space<semaphore_mem>>)
    %dma_start3A_623 = arith.constant 1 : i32
    %dma_start3A_624 = arith.constant 4 : i32
    %dma_start3A_625 = arith.constant 0 : i32
    %dma_start3A_626 = arith.constant 0 : i32
    %dma_start3A_627 = tpu.memref_slice %arg2[%dma_start3A_623, %add3A, %dma_start3A_624, %dma_start3A_625, %dma_start3A_626] : memref<2x32x5x25x80xi32, #tpu.memory_space<hbm>> -> memref<1x1x1x25x80xi32, #tpu.memory_space<hbm>>
    %dma_start3A_628 = tpu.memref_squeeze %dma_start3A_627 : memref<1x1x1x25x80xi32, #tpu.memory_space<hbm>> -> memref<25x80xi32, #tpu.memory_space<hbm>>
    %dma_start3A_629 = arith.constant 0 : i32
    %dma_start3A_630 = arith.constant 0 : i32
    %dma_start3A_631 = tpu.memref_slice %arg2[%dma_start3A_623, %add3A, %dma_start3A_624, %dma_start3A_629, %dma_start3A_630] : memref<2x32x5x25x80xi32, #tpu.memory_space<hbm>> -> memref<1x1x1x25x80xi32, #tpu.memory_space<hbm>>
    %dma_start3A_632 = tpu.memref_squeeze %dma_start3A_631 : memref<1x1x1x25x80xi32, #tpu.memory_space<hbm>> -> memref<25x80xi32, #tpu.memory_space<hbm>>
    tpu.enqueue_dma source(%dma_start3A_632 : memref<25x80xi32, #tpu.memory_space<hbm>>) target(%arg6 : memref<25x80xi32, #tpu.memory_space<vmem>>) target_semaphore(%arg19 : memref<!tpu.dma_semaphore, #tpu.memory_space<semaphore_mem>>)
    %scan3A_633 = arith.constant 0 : i32
    %scan3A_634 = arith.constant 0 : i32
    %scan3A_635 = arith.constant 7 : i32
    %scan3A_636 = arith.addi %scan3A_634, %scan3A_635 : i32
    %scan3A_637 = arith.constant 1 : i32
    scf.for %scan3A_831 = %scan3A_634 to %scan3A_636 step %scan3A_637  : i32 {
      %mul3A_832 = arith.constant 3 : i32
      %mul3A_833 = arith.muli %mul3A_832, %scan3A_831 : i32
      %add3A_834 = arith.constant 2 : i32
      %add3A_835 = arith.addi %add3A_834, %mul3A_833 : i32
      %add3A_836 = arith.constant 0 : i32
      %add3A_837 = arith.addi %add3A_835, %add3A_836 : i32
      %dma_wait3A_838 = arith.constant 0 : i32
      %dma_wait3A_839 = tpu.memref_slice %arg7[%add3A_837, %dma_wait3A_838] : memref<25x80xi32, #tpu.memory_space<vmem>> -> memref<1x80xi32, #tpu.memory_space<vmem>>
      %dma_wait3A_840 = tpu.memref_squeeze %dma_wait3A_839 : memref<1x80xi32, #tpu.memory_space<vmem>> -> memref<80xi32, #tpu.memory_space<vmem>>
      %dma_wait3A_841 = arith.constant 0 : i32
      %dma_wait3A_842 = arith.constant 0 : i32
      %dma_wait3A_843 = tpu.memref_slice %arg3[%dma_wait3A_841, %dma_wait3A_842] : memref<10000x128xf32, #tpu.memory_space<hbm>> -> memref<10000x128xf32, #tpu.memory_space<hbm>>
      tpu.wait_indirect_dma semaphore(%arg15 : memref<!tpu.dma_semaphore, #tpu.memory_space<semaphore_mem>>) src(%dma_wait3A_843 : memref<10000x128xf32, #tpu.memory_space<hbm>>) dst(%arg11 : memref<80x128xf32, #tpu.memory_space<vmem>>)
      %add3A_844 = arith.constant 0 : i32
      %add3A_845 = arith.addi %add3A_835, %add3A_844 : i32
      %dma_start3A_846 = arith.constant 0 : i32
      %dma_start3A_847 = tpu.memref_slice %arg8[%add3A_845, %dma_start3A_846] : memref<25x80xi32, #tpu.memory_space<vmem>> -> memref<1x80xi32, #tpu.memory_space<vmem>>
      %dma_start3A_848 = tpu.memref_squeeze %dma_start3A_847 : memref<1x80xi32, #tpu.memory_space<vmem>> -> memref<80xi32, #tpu.memory_space<vmem>>
      %dma_start3A_849 = arith.constant 0 : i32
      %dma_start3A_850 = arith.constant 0 : i32
      %dma_start3A_851 = tpu.memref_slice %arg12[%dma_start3A_849, %dma_start3A_850] : memref<10240x128xf32, #tpu.memory_space<vmem_shared>> -> memref<10240x128xf32, #tpu.memory_space<vmem_shared>>
      tpu.enqueue_indirect_dma source(%arg11 : memref<80x128xf32, #tpu.memory_space<vmem>>) target(%dma_start3A_851 : memref<10240x128xf32, #tpu.memory_space<vmem_shared>>) offsets(%dma_start3A_848 : memref<80xi32, #tpu.memory_space<vmem>>) semaphore(%arg18 : memref<!tpu.dma_semaphore, #tpu.memory_space<semaphore_mem>>) {add = true}
      %add3A_852 = arith.constant 0 : i32
      %add3A_853 = arith.addi %add3A_835, %add3A_852 : i32
      %sub3A = arith.constant 1 : i32
      %sub3A_854 = arith.subi %add3A_853, %sub3A : i32
      %dma_wait3A_855 = arith.constant 0 : i32
      %dma_wait3A_856 = tpu.memref_slice %arg8[%sub3A_854, %dma_wait3A_855] : memref<25x80xi32, #tpu.memory_space<vmem>> -> memref<1x80xi32, #tpu.memory_space<vmem>>
      %dma_wait3A_857 = tpu.memref_squeeze %dma_wait3A_856 : memref<1x80xi32, #tpu.memory_space<vmem>> -> memref<80xi32, #tpu.memory_space<vmem>>
      %dma_wait3A_858 = arith.constant 0 : i32
      %dma_wait3A_859 = arith.constant 0 : i32
      %dma_wait3A_860 = tpu.memref_slice %arg12[%dma_wait3A_858, %dma_wait3A_859] : memref<10240x128xf32, #tpu.memory_space<vmem_shared>> -> memref<10240x128xf32, #tpu.memory_space<vmem_shared>>
      tpu.wait_indirect_dma semaphore(%arg17 : memref<!tpu.dma_semaphore, #tpu.memory_space<semaphore_mem>>) src(%arg10 : memref<80x128xf32, #tpu.memory_space<vmem>>) dst(%dma_wait3A_860 : memref<10240x128xf32, #tpu.memory_space<vmem_shared>>)
      %add3A_861 = arith.constant 0 : i32
      %add3A_862 = arith.addi %add3A_835, %add3A_861 : i32
      %add3A_863 = arith.constant 2 : i32
      %add3A_864 = arith.addi %add3A_862, %add3A_863 : i32
      %dma_start3A_865 = arith.constant 0 : i32
      %dma_start3A_866 = tpu.memref_slice %arg7[%add3A_864, %dma_start3A_865] : memref<25x80xi32, #tpu.memory_space<vmem>> -> memref<1x80xi32, #tpu.memory_space<vmem>>
      %dma_start3A_867 = tpu.memref_squeeze %dma_start3A_866 : memref<1x80xi32, #tpu.memory_space<vmem>> -> memref<80xi32, #tpu.memory_space<vmem>>
      %dma_start3A_868 = arith.constant 0 : i32
      %dma_start3A_869 = arith.constant 0 : i32
      %dma_start3A_870 = tpu.memref_slice %arg3[%dma_start3A_868, %dma_start3A_869] : memref<10000x128xf32, #tpu.memory_space<hbm>> -> memref<10000x128xf32, #tpu.memory_space<hbm>>
      tpu.enqueue_indirect_dma source(%dma_start3A_870 : memref<10000x128xf32, #tpu.memory_space<hbm>>) target(%arg10 : memref<80x128xf32, #tpu.memory_space<vmem>>) offsets(%dma_start3A_867 : memref<80xi32, #tpu.memory_space<vmem>>) semaphore(%arg14 : memref<!tpu.dma_semaphore, #tpu.memory_space<semaphore_mem>>)
      %add3A_871 = arith.constant 1 : i32
      %add3A_872 = arith.addi %add3A_835, %add3A_871 : i32
      %dma_wait3A_873 = arith.constant 0 : i32
      %dma_wait3A_874 = tpu.memref_slice %arg7[%add3A_872, %dma_wait3A_873] : memref<25x80xi32, #tpu.memory_space<vmem>> -> memref<1x80xi32, #tpu.memory_space<vmem>>
      %dma_wait3A_875 = tpu.memref_squeeze %dma_wait3A_874 : memref<1x80xi32, #tpu.memory_space<vmem>> -> memref<80xi32, #tpu.memory_space<vmem>>
      %dma_wait3A_876 = arith.constant 0 : i32
      %dma_wait3A_877 = arith.constant 0 : i32
      %dma_wait3A_878 = tpu.memref_slice %arg3[%dma_wait3A_876, %dma_wait3A_877] : memref<10000x128xf32, #tpu.memory_space<hbm>> -> memref<10000x128xf32, #tpu.memory_space<hbm>>
      tpu.wait_indirect_dma semaphore(%arg13 : memref<!tpu.dma_semaphore, #tpu.memory_space<semaphore_mem>>) src(%dma_wait3A_878 : memref<10000x128xf32, #tpu.memory_space<hbm>>) dst(%arg9 : memref<80x128xf32, #tpu.memory_space<vmem>>)
      %add3A_879 = arith.constant 1 : i32
      %add3A_880 = arith.addi %add3A_835, %add3A_879 : i32
      %dma_start3A_881 = arith.constant 0 : i32
      %dma_start3A_882 = tpu.memref_slice %arg8[%add3A_880, %dma_start3A_881] : memref<25x80xi32, #tpu.memory_space<vmem>> -> memref<1x80xi32, #tpu.memory_space<vmem>>
      %dma_start3A_883 = tpu.memref_squeeze %dma_start3A_882 : memref<1x80xi32, #tpu.memory_space<vmem>> -> memref<80xi32, #tpu.memory_space<vmem>>
      %dma_start3A_884 = arith.constant 0 : i32
      %dma_start3A_885 = arith.constant 0 : i32
      %dma_start3A_886 = tpu.memref_slice %arg12[%dma_start3A_884, %dma_start3A_885] : memref<10240x128xf32, #tpu.memory_space<vmem_shared>> -> memref<10240x128xf32, #tpu.memory_space<vmem_shared>>
      tpu.enqueue_indirect_dma source(%arg9 : memref<80x128xf32, #tpu.memory_space<vmem>>) target(%dma_start3A_886 : memref<10240x128xf32, #tpu.memory_space<vmem_shared>>) offsets(%dma_start3A_883 : memref<80xi32, #tpu.memory_space<vmem>>) semaphore(%arg16 : memref<!tpu.dma_semaphore, #tpu.memory_space<semaphore_mem>>) {add = true}
      %add3A_887 = arith.constant 1 : i32
      %add3A_888 = arith.addi %add3A_835, %add3A_887 : i32
      %sub3A_889 = arith.constant 1 : i32
      %sub3A_890 = arith.subi %add3A_888, %sub3A_889 : i32
      %dma_wait3A_891 = arith.constant 0 : i32
      %dma_wait3A_892 = tpu.memref_slice %arg8[%sub3A_890, %dma_wait3A_891] : memref<25x80xi32, #tpu.memory_space<vmem>> -> memref<1x80xi32, #tpu.memory_space<vmem>>
      %dma_wait3A_893 = tpu.memref_squeeze %dma_wait3A_892 : memref<1x80xi32, #tpu.memory_space<vmem>> -> memref<80xi32, #tpu.memory_space<vmem>>
      %dma_wait3A_894 = arith.constant 0 : i32
      %dma_wait3A_895 = arith.constant 0 : i32
      %dma_wait3A_896 = tpu.memref_slice %arg12[%dma_wait3A_894, %dma_wait3A_895] : memref<10240x128xf32, #tpu.memory_space<vmem_shared>> -> memref<10240x128xf32, #tpu.memory_space<vmem_shared>>
      tpu.wait_indirect_dma semaphore(%arg18 : memref<!tpu.dma_semaphore, #tpu.memory_space<semaphore_mem>>) src(%arg11 : memref<80x128xf32, #tpu.memory_space<vmem>>) dst(%dma_wait3A_896 : memref<10240x128xf32, #tpu.memory_space<vmem_shared>>)
      %add3A_897 = arith.constant 1 : i32
      %add3A_898 = arith.addi %add3A_835, %add3A_897 : i32
      %add3A_899 = arith.constant 2 : i32
      %add3A_900 = arith.addi %add3A_898, %add3A_899 : i32
      %dma_start3A_901 = arith.constant 0 : i32
      %dma_start3A_902 = tpu.memref_slice %arg7[%add3A_900, %dma_start3A_901] : memref<25x80xi32, #tpu.memory_space<vmem>> -> memref<1x80xi32, #tpu.memory_space<vmem>>
      %dma_start3A_903 = tpu.memref_squeeze %dma_start3A_902 : memref<1x80xi32, #tpu.memory_space<vmem>> -> memref<80xi32, #tpu.memory_space<vmem>>
      %dma_start3A_904 = arith.constant 0 : i32
      %dma_start3A_905 = arith.constant 0 : i32
      %dma_start3A_906 = tpu.memref_slice %arg3[%dma_start3A_904, %dma_start3A_905] : memref<10000x128xf32, #tpu.memory_space<hbm>> -> memref<10000x128xf32, #tpu.memory_space<hbm>>
      tpu.enqueue_indirect_dma source(%dma_start3A_906 : memref<10000x128xf32, #tpu.memory_space<hbm>>) target(%arg11 : memref<80x128xf32, #tpu.memory_space<vmem>>) offsets(%dma_start3A_903 : memref<80xi32, #tpu.memory_space<vmem>>) semaphore(%arg15 : memref<!tpu.dma_semaphore, #tpu.memory_space<semaphore_mem>>)
      %add3A_907 = arith.constant 2 : i32
      %add3A_908 = arith.addi %add3A_835, %add3A_907 : i32
      %dma_wait3A_909 = arith.constant 0 : i32
      %dma_wait3A_910 = tpu.memref_slice %arg7[%add3A_908, %dma_wait3A_909] : memref<25x80xi32, #tpu.memory_space<vmem>> -> memref<1x80xi32, #tpu.memory_space<vmem>>
      %dma_wait3A_911 = tpu.memref_squeeze %dma_wait3A_910 : memref<1x80xi32, #tpu.memory_space<vmem>> -> memref<80xi32, #tpu.memory_space<vmem>>
      %dma_wait3A_912 = arith.constant 0 : i32
      %dma_wait3A_913 = arith.constant 0 : i32
      %dma_wait3A_914 = tpu.memref_slice %arg3[%dma_wait3A_912, %dma_wait3A_913] : memref<10000x128xf32, #tpu.memory_space<hbm>> -> memref<10000x128xf32, #tpu.memory_space<hbm>>
      tpu.wait_indirect_dma semaphore(%arg14 : memref<!tpu.dma_semaphore, #tpu.memory_space<semaphore_mem>>) src(%dma_wait3A_914 : memref<10000x128xf32, #tpu.memory_space<hbm>>) dst(%arg10 : memref<80x128xf32, #tpu.memory_space<vmem>>)
      %add3A_915 = arith.constant 2 : i32
      %add3A_916 = arith.addi %add3A_835, %add3A_915 : i32
      %dma_start3A_917 = arith.constant 0 : i32
      %dma_start3A_918 = tpu.memref_slice %arg8[%add3A_916, %dma_start3A_917] : memref<25x80xi32, #tpu.memory_space<vmem>> -> memref<1x80xi32, #tpu.memory_space<vmem>>
      %dma_start3A_919 = tpu.memref_squeeze %dma_start3A_918 : memref<1x80xi32, #tpu.memory_space<vmem>> -> memref<80xi32, #tpu.memory_space<vmem>>
      %dma_start3A_920 = arith.constant 0 : i32
      %dma_start3A_921 = arith.constant 0 : i32
      %dma_start3A_922 = tpu.memref_slice %arg12[%dma_start3A_920, %dma_start3A_921] : memref<10240x128xf32, #tpu.memory_space<vmem_shared>> -> memref<10240x128xf32, #tpu.memory_space<vmem_shared>>
      tpu.enqueue_indirect_dma source(%arg10 : memref<80x128xf32, #tpu.memory_space<vmem>>) target(%dma_start3A_922 : memref<10240x128xf32, #tpu.memory_space<vmem_shared>>) offsets(%dma_start3A_919 : memref<80xi32, #tpu.memory_space<vmem>>) semaphore(%arg17 : memref<!tpu.dma_semaphore, #tpu.memory_space<semaphore_mem>>) {add = true}
      %add3A_923 = arith.constant 2 : i32
      %add3A_924 = arith.addi %add3A_835, %add3A_923 : i32
      %sub3A_925 = arith.constant 1 : i32
      %sub3A_926 = arith.subi %add3A_924, %sub3A_925 : i32
      %dma_wait3A_927 = arith.constant 0 : i32
      %dma_wait3A_928 = tpu.memref_slice %arg8[%sub3A_926, %dma_wait3A_927] : memref<25x80xi32, #tpu.memory_space<vmem>> -> memref<1x80xi32, #tpu.memory_space<vmem>>
      %dma_wait3A_929 = tpu.memref_squeeze %dma_wait3A_928 : memref<1x80xi32, #tpu.memory_space<vmem>> -> memref<80xi32, #tpu.memory_space<vmem>>
      %dma_wait3A_930 = arith.constant 0 : i32
      %dma_wait3A_931 = arith.constant 0 : i32
      %dma_wait3A_932 = tpu.memref_slice %arg12[%dma_wait3A_930, %dma_wait3A_931] : memref<10240x128xf32, #tpu.memory_space<vmem_shared>> -> memref<10240x128xf32, #tpu.memory_space<vmem_shared>>
      tpu.wait_indirect_dma semaphore(%arg16 : memref<!tpu.dma_semaphore, #tpu.memory_space<semaphore_mem>>) src(%arg9 : memref<80x128xf32, #tpu.memory_space<vmem>>) dst(%dma_wait3A_932 : memref<10240x128xf32, #tpu.memory_space<vmem_shared>>)
      %add3A_933 = arith.constant 2 : i32
      %add3A_934 = arith.addi %add3A_835, %add3A_933 : i32
      %add3A_935 = arith.constant 2 : i32
      %add3A_936 = arith.addi %add3A_934, %add3A_935 : i32
      %dma_start3A_937 = arith.constant 0 : i32
      %dma_start3A_938 = tpu.memref_slice %arg7[%add3A_936, %dma_start3A_937] : memref<25x80xi32, #tpu.memory_space<vmem>> -> memref<1x80xi32, #tpu.memory_space<vmem>>
      %dma_start3A_939 = tpu.memref_squeeze %dma_start3A_938 : memref<1x80xi32, #tpu.memory_space<vmem>> -> memref<80xi32, #tpu.memory_space<vmem>>
      %dma_start3A_940 = arith.constant 0 : i32
      %dma_start3A_941 = arith.constant 0 : i32
      %dma_start3A_942 = tpu.memref_slice %arg3[%dma_start3A_940, %dma_start3A_941] : memref<10000x128xf32, #tpu.memory_space<hbm>> -> memref<10000x128xf32, #tpu.memory_space<hbm>>
      tpu.enqueue_indirect_dma source(%dma_start3A_942 : memref<10000x128xf32, #tpu.memory_space<hbm>>) target(%arg9 : memref<80x128xf32, #tpu.memory_space<vmem>>) offsets(%dma_start3A_939 : memref<80xi32, #tpu.memory_space<vmem>>) semaphore(%arg13 : memref<!tpu.dma_semaphore, #tpu.memory_space<semaphore_mem>>)
    }
    %scan3A_638 = arith.constant 7 : i32
    %dma_wait3A_639 = arith.constant 0 : i32
    %dma_wait3A_640 = arith.constant 4 : i32
    %dma_wait3A_641 = arith.constant 0 : i32
    %dma_wait3A_642 = arith.constant 0 : i32
    %dma_wait3A_643 = tpu.memref_slice %arg2[%dma_wait3A_639, %add3A, %dma_wait3A_640, %dma_wait3A_641, %dma_wait3A_642] : memref<2x32x5x25x80xi32, #tpu.memory_space<hbm>> -> memref<1x1x1x25x80xi32, #tpu.memory_space<hbm>>
    %dma_wait3A_644 = tpu.memref_squeeze %dma_wait3A_643 : memref<1x1x1x25x80xi32, #tpu.memory_space<hbm>> -> memref<25x80xi32, #tpu.memory_space<hbm>>
    %dma_wait3A_645 = arith.constant 0 : i32
    %dma_wait3A_646 = arith.constant 0 : i32
    %dma_wait3A_647 = tpu.memref_slice %arg2[%dma_wait3A_639, %add3A, %dma_wait3A_640, %dma_wait3A_645, %dma_wait3A_646] : memref<2x32x5x25x80xi32, #tpu.memory_space<hbm>> -> memref<1x1x1x25x80xi32, #tpu.memory_space<hbm>>
    %dma_wait3A_648 = tpu.memref_squeeze %dma_wait3A_647 : memref<1x1x1x25x80xi32, #tpu.memory_space<hbm>> -> memref<25x80xi32, #tpu.memory_space<hbm>>
    tpu.wait_dma2 semaphore(%arg19 : memref<!tpu.dma_semaphore, #tpu.memory_space<semaphore_mem>>) src(%dma_wait3A_648 : memref<25x80xi32, #tpu.memory_space<hbm>>) dst(%arg5 : memref<25x80xi32, #tpu.memory_space<vmem>>)
    %dma_wait3A_649 = arith.constant 1 : i32
    %dma_wait3A_650 = arith.constant 4 : i32
    %dma_wait3A_651 = arith.constant 0 : i32
    %dma_wait3A_652 = arith.constant 0 : i32
    %dma_wait3A_653 = tpu.memref_slice %arg2[%dma_wait3A_649, %add3A, %dma_wait3A_650, %dma_wait3A_651, %dma_wait3A_652] : memref<2x32x5x25x80xi32, #tpu.memory_space<hbm>> -> memref<1x1x1x25x80xi32, #tpu.memory_space<hbm>>
    %dma_wait3A_654 = tpu.memref_squeeze %dma_wait3A_653 : memref<1x1x1x25x80xi32, #tpu.memory_space<hbm>> -> memref<25x80xi32, #tpu.memory_space<hbm>>
    %dma_wait3A_655 = arith.constant 0 : i32
    %dma_wait3A_656 = arith.constant 0 : i32
    %dma_wait3A_657 = tpu.memref_slice %arg2[%dma_wait3A_649, %add3A, %dma_wait3A_650, %dma_wait3A_655, %dma_wait3A_656] : memref<2x32x5x25x80xi32, #tpu.memory_space<hbm>> -> memref<1x1x1x25x80xi32, #tpu.memory_space<hbm>>
    %dma_wait3A_658 = tpu.memref_squeeze %dma_wait3A_657 : memref<1x1x1x25x80xi32, #tpu.memory_space<hbm>> -> memref<25x80xi32, #tpu.memory_space<hbm>>
    tpu.wait_dma2 semaphore(%arg19 : memref<!tpu.dma_semaphore, #tpu.memory_space<semaphore_mem>>) src(%dma_wait3A_658 : memref<25x80xi32, #tpu.memory_space<hbm>>) dst(%arg6 : memref<25x80xi32, #tpu.memory_space<vmem>>)
    %dma_wait3A_659 = arith.constant 23 : i32
    %dma_wait3A_660 = arith.constant 0 : i32
    %dma_wait3A_661 = tpu.memref_slice %arg7[%dma_wait3A_659, %dma_wait3A_660] : memref<25x80xi32, #tpu.memory_space<vmem>> -> memref<1x80xi32, #tpu.memory_space<vmem>>
    %dma_wait3A_662 = tpu.memref_squeeze %dma_wait3A_661 : memref<1x80xi32, #tpu.memory_space<vmem>> -> memref<80xi32, #tpu.memory_space<vmem>>
    %dma_wait3A_663 = arith.constant 0 : i32
    %dma_wait3A_664 = arith.constant 0 : i32
    %dma_wait3A_665 = tpu.memref_slice %arg3[%dma_wait3A_663, %dma_wait3A_664] : memref<10000x128xf32, #tpu.memory_space<hbm>> -> memref<10000x128xf32, #tpu.memory_space<hbm>>
    tpu.wait_indirect_dma semaphore(%arg15 : memref<!tpu.dma_semaphore, #tpu.memory_space<semaphore_mem>>) src(%dma_wait3A_665 : memref<10000x128xf32, #tpu.memory_space<hbm>>) dst(%arg11 : memref<80x128xf32, #tpu.memory_space<vmem>>)
    %dma_start3A_666 = arith.constant 23 : i32
    %dma_start3A_667 = arith.constant 0 : i32
    %dma_start3A_668 = tpu.memref_slice %arg8[%dma_start3A_666, %dma_start3A_667] : memref<25x80xi32, #tpu.memory_space<vmem>> -> memref<1x80xi32, #tpu.memory_space<vmem>>
    %dma_start3A_669 = tpu.memref_squeeze %dma_start3A_668 : memref<1x80xi32, #tpu.memory_space<vmem>> -> memref<80xi32, #tpu.memory_space<vmem>>
    %dma_start3A_670 = arith.constant 0 : i32
    %dma_start3A_671 = arith.constant 0 : i32
    %dma_start3A_672 = tpu.memref_slice %arg12[%dma_start3A_670, %dma_start3A_671] : memref<10240x128xf32, #tpu.memory_space<vmem_shared>> -> memref<10240x128xf32, #tpu.memory_space<vmem_shared>>
    tpu.enqueue_indirect_dma source(%arg11 : memref<80x128xf32, #tpu.memory_space<vmem>>) target(%dma_start3A_672 : memref<10240x128xf32, #tpu.memory_space<vmem_shared>>) offsets(%dma_start3A_669 : memref<80xi32, #tpu.memory_space<vmem>>) semaphore(%arg18 : memref<!tpu.dma_semaphore, #tpu.memory_space<semaphore_mem>>) {add = true}
    %dma_wait3A_673 = arith.constant 22 : i32
    %dma_wait3A_674 = arith.constant 0 : i32
    %dma_wait3A_675 = tpu.memref_slice %arg8[%dma_wait3A_673, %dma_wait3A_674] : memref<25x80xi32, #tpu.memory_space<vmem>> -> memref<1x80xi32, #tpu.memory_space<vmem>>
    %dma_wait3A_676 = tpu.memref_squeeze %dma_wait3A_675 : memref<1x80xi32, #tpu.memory_space<vmem>> -> memref<80xi32, #tpu.memory_space<vmem>>
    %dma_wait3A_677 = arith.constant 0 : i32
    %dma_wait3A_678 = arith.constant 0 : i32
    %dma_wait3A_679 = tpu.memref_slice %arg12[%dma_wait3A_677, %dma_wait3A_678] : memref<10240x128xf32, #tpu.memory_space<vmem_shared>> -> memref<10240x128xf32, #tpu.memory_space<vmem_shared>>
    tpu.wait_indirect_dma semaphore(%arg17 : memref<!tpu.dma_semaphore, #tpu.memory_space<semaphore_mem>>) src(%arg10 : memref<80x128xf32, #tpu.memory_space<vmem>>) dst(%dma_wait3A_679 : memref<10240x128xf32, #tpu.memory_space<vmem_shared>>)
    %dma_start3A_680 = arith.constant 0 : i32
    %dma_start3A_681 = arith.constant 0 : i32
    %dma_start3A_682 = tpu.memref_slice %arg5[%dma_start3A_680, %dma_start3A_681] : memref<25x80xi32, #tpu.memory_space<vmem>> -> memref<1x80xi32, #tpu.memory_space<vmem>>
    %dma_start3A_683 = tpu.memref_squeeze %dma_start3A_682 : memref<1x80xi32, #tpu.memory_space<vmem>> -> memref<80xi32, #tpu.memory_space<vmem>>
    %dma_start3A_684 = arith.constant 0 : i32
    %dma_start3A_685 = arith.constant 0 : i32
    %dma_start3A_686 = tpu.memref_slice %arg3[%dma_start3A_684, %dma_start3A_685] : memref<10000x128xf32, #tpu.memory_space<hbm>> -> memref<10000x128xf32, #tpu.memory_space<hbm>>
    tpu.enqueue_indirect_dma source(%dma_start3A_686 : memref<10000x128xf32, #tpu.memory_space<hbm>>) target(%arg10 : memref<80x128xf32, #tpu.memory_space<vmem>>) offsets(%dma_start3A_683 : memref<80xi32, #tpu.memory_space<vmem>>) semaphore(%arg14 : memref<!tpu.dma_semaphore, #tpu.memory_space<semaphore_mem>>)
    %dma_wait3A_687 = arith.constant 24 : i32
    %dma_wait3A_688 = arith.constant 0 : i32
    %dma_wait3A_689 = tpu.memref_slice %arg7[%dma_wait3A_687, %dma_wait3A_688] : memref<25x80xi32, #tpu.memory_space<vmem>> -> memref<1x80xi32, #tpu.memory_space<vmem>>
    %dma_wait3A_690 = tpu.memref_squeeze %dma_wait3A_689 : memref<1x80xi32, #tpu.memory_space<vmem>> -> memref<80xi32, #tpu.memory_space<vmem>>
    %dma_wait3A_691 = arith.constant 0 : i32
    %dma_wait3A_692 = arith.constant 0 : i32
    %dma_wait3A_693 = tpu.memref_slice %arg3[%dma_wait3A_691, %dma_wait3A_692] : memref<10000x128xf32, #tpu.memory_space<hbm>> -> memref<10000x128xf32, #tpu.memory_space<hbm>>
    tpu.wait_indirect_dma semaphore(%arg13 : memref<!tpu.dma_semaphore, #tpu.memory_space<semaphore_mem>>) src(%dma_wait3A_693 : memref<10000x128xf32, #tpu.memory_space<hbm>>) dst(%arg9 : memref<80x128xf32, #tpu.memory_space<vmem>>)
    %dma_start3A_694 = arith.constant 24 : i32
    %dma_start3A_695 = arith.constant 0 : i32
    %dma_start3A_696 = tpu.memref_slice %arg8[%dma_start3A_694, %dma_start3A_695] : memref<25x80xi32, #tpu.memory_space<vmem>> -> memref<1x80xi32, #tpu.memory_space<vmem>>
    %dma_start3A_697 = tpu.memref_squeeze %dma_start3A_696 : memref<1x80xi32, #tpu.memory_space<vmem>> -> memref<80xi32, #tpu.memory_space<vmem>>
    %dma_start3A_698 = arith.constant 0 : i32
    %dma_start3A_699 = arith.constant 0 : i32
    %dma_start3A_700 = tpu.memref_slice %arg12[%dma_start3A_698, %dma_start3A_699] : memref<10240x128xf32, #tpu.memory_space<vmem_shared>> -> memref<10240x128xf32, #tpu.memory_space<vmem_shared>>
    tpu.enqueue_indirect_dma source(%arg9 : memref<80x128xf32, #tpu.memory_space<vmem>>) target(%dma_start3A_700 : memref<10240x128xf32, #tpu.memory_space<vmem_shared>>) offsets(%dma_start3A_697 : memref<80xi32, #tpu.memory_space<vmem>>) semaphore(%arg16 : memref<!tpu.dma_semaphore, #tpu.memory_space<semaphore_mem>>) {add = true}
    %dma_wait3A_701 = arith.constant 23 : i32
    %dma_wait3A_702 = arith.constant 0 : i32
    %dma_wait3A_703 = tpu.memref_slice %arg8[%dma_wait3A_701, %dma_wait3A_702] : memref<25x80xi32, #tpu.memory_space<vmem>> -> memref<1x80xi32, #tpu.memory_space<vmem>>
    %dma_wait3A_704 = tpu.memref_squeeze %dma_wait3A_703 : memref<1x80xi32, #tpu.memory_space<vmem>> -> memref<80xi32, #tpu.memory_space<vmem>>
    %dma_wait3A_705 = arith.constant 0 : i32
    %dma_wait3A_706 = arith.constant 0 : i32
    %dma_wait3A_707 = tpu.memref_slice %arg12[%dma_wait3A_705, %dma_wait3A_706] : memref<10240x128xf32, #tpu.memory_space<vmem_shared>> -> memref<10240x128xf32, #tpu.memory_space<vmem_shared>>
    tpu.wait_indirect_dma semaphore(%arg18 : memref<!tpu.dma_semaphore, #tpu.memory_space<semaphore_mem>>) src(%arg11 : memref<80x128xf32, #tpu.memory_space<vmem>>) dst(%dma_wait3A_707 : memref<10240x128xf32, #tpu.memory_space<vmem_shared>>)
    %dma_start3A_708 = arith.constant 1 : i32
    %dma_start3A_709 = arith.constant 0 : i32
    %dma_start3A_710 = tpu.memref_slice %arg5[%dma_start3A_708, %dma_start3A_709] : memref<25x80xi32, #tpu.memory_space<vmem>> -> memref<1x80xi32, #tpu.memory_space<vmem>>
    %dma_start3A_711 = tpu.memref_squeeze %dma_start3A_710 : memref<1x80xi32, #tpu.memory_space<vmem>> -> memref<80xi32, #tpu.memory_space<vmem>>
    %dma_start3A_712 = arith.constant 0 : i32
    %dma_start3A_713 = arith.constant 0 : i32
    %dma_start3A_714 = tpu.memref_slice %arg3[%dma_start3A_712, %dma_start3A_713] : memref<10000x128xf32, #tpu.memory_space<hbm>> -> memref<10000x128xf32, #tpu.memory_space<hbm>>
    tpu.enqueue_indirect_dma source(%dma_start3A_714 : memref<10000x128xf32, #tpu.memory_space<hbm>>) target(%arg11 : memref<80x128xf32, #tpu.memory_space<vmem>>) offsets(%dma_start3A_711 : memref<80xi32, #tpu.memory_space<vmem>>) semaphore(%arg15 : memref<!tpu.dma_semaphore, #tpu.memory_space<semaphore_mem>>)
    %dma_wait3A_715 = arith.constant 0 : i32
    %dma_wait3A_716 = arith.constant 0 : i32
    %dma_wait3A_717 = tpu.memref_slice %arg5[%dma_wait3A_715, %dma_wait3A_716] : memref<25x80xi32, #tpu.memory_space<vmem>> -> memref<1x80xi32, #tpu.memory_space<vmem>>
    %dma_wait3A_718 = tpu.memref_squeeze %dma_wait3A_717 : memref<1x80xi32, #tpu.memory_space<vmem>> -> memref<80xi32, #tpu.memory_space<vmem>>
    %dma_wait3A_719 = arith.constant 0 : i32
    %dma_wait3A_720 = arith.constant 0 : i32
    %dma_wait3A_721 = tpu.memref_slice %arg3[%dma_wait3A_719, %dma_wait3A_720] : memref<10000x128xf32, #tpu.memory_space<hbm>> -> memref<10000x128xf32, #tpu.memory_space<hbm>>
    tpu.wait_indirect_dma semaphore(%arg14 : memref<!tpu.dma_semaphore, #tpu.memory_space<semaphore_mem>>) src(%dma_wait3A_721 : memref<10000x128xf32, #tpu.memory_space<hbm>>) dst(%arg10 : memref<80x128xf32, #tpu.memory_space<vmem>>)
    %dma_start3A_722 = arith.constant 0 : i32
    %dma_start3A_723 = arith.constant 0 : i32
    %dma_start3A_724 = tpu.memref_slice %arg6[%dma_start3A_722, %dma_start3A_723] : memref<25x80xi32, #tpu.memory_space<vmem>> -> memref<1x80xi32, #tpu.memory_space<vmem>>
    %dma_start3A_725 = tpu.memref_squeeze %dma_start3A_724 : memref<1x80xi32, #tpu.memory_space<vmem>> -> memref<80xi32, #tpu.memory_space<vmem>>
    %dma_start3A_726 = arith.constant 0 : i32
    %dma_start3A_727 = arith.constant 0 : i32
    %dma_start3A_728 = tpu.memref_slice %arg12[%dma_start3A_726, %dma_start3A_727] : memref<10240x128xf32, #tpu.memory_space<vmem_shared>> -> memref<10240x128xf32, #tpu.memory_space<vmem_shared>>
    tpu.enqueue_indirect_dma source(%arg10 : memref<80x128xf32, #tpu.memory_space<vmem>>) target(%dma_start3A_728 : memref<10240x128xf32, #tpu.memory_space<vmem_shared>>) offsets(%dma_start3A_725 : memref<80xi32, #tpu.memory_space<vmem>>) semaphore(%arg17 : memref<!tpu.dma_semaphore, #tpu.memory_space<semaphore_mem>>) {add = true}
    %dma_wait3A_729 = arith.constant 24 : i32
    %dma_wait3A_730 = arith.constant 0 : i32
    %dma_wait3A_731 = tpu.memref_slice %arg8[%dma_wait3A_729, %dma_wait3A_730] : memref<25x80xi32, #tpu.memory_space<vmem>> -> memref<1x80xi32, #tpu.memory_space<vmem>>
    %dma_wait3A_732 = tpu.memref_squeeze %dma_wait3A_731 : memref<1x80xi32, #tpu.memory_space<vmem>> -> memref<80xi32, #tpu.memory_space<vmem>>
    %dma_wait3A_733 = arith.constant 0 : i32
    %dma_wait3A_734 = arith.constant 0 : i32
    %dma_wait3A_735 = tpu.memref_slice %arg12[%dma_wait3A_733, %dma_wait3A_734] : memref<10240x128xf32, #tpu.memory_space<vmem_shared>> -> memref<10240x128xf32, #tpu.memory_space<vmem_shared>>
    tpu.wait_indirect_dma semaphore(%arg16 : memref<!tpu.dma_semaphore, #tpu.memory_space<semaphore_mem>>) src(%arg9 : memref<80x128xf32, #tpu.memory_space<vmem>>) dst(%dma_wait3A_735 : memref<10240x128xf32, #tpu.memory_space<vmem_shared>>)
    %dma_start3A_736 = arith.constant 2 : i32
    %dma_start3A_737 = arith.constant 0 : i32
    %dma_start3A_738 = tpu.memref_slice %arg5[%dma_start3A_736, %dma_start3A_737] : memref<25x80xi32, #tpu.memory_space<vmem>> -> memref<1x80xi32, #tpu.memory_space<vmem>>
    %dma_start3A_739 = tpu.memref_squeeze %dma_start3A_738 : memref<1x80xi32, #tpu.memory_space<vmem>> -> memref<80xi32, #tpu.memory_space<vmem>>
    %dma_start3A_740 = arith.constant 0 : i32
    %dma_start3A_741 = arith.constant 0 : i32
    %dma_start3A_742 = tpu.memref_slice %arg3[%dma_start3A_740, %dma_start3A_741] : memref<10000x128xf32, #tpu.memory_space<hbm>> -> memref<10000x128xf32, #tpu.memory_space<hbm>>
    tpu.enqueue_indirect_dma source(%dma_start3A_742 : memref<10000x128xf32, #tpu.memory_space<hbm>>) target(%arg9 : memref<80x128xf32, #tpu.memory_space<vmem>>) offsets(%dma_start3A_739 : memref<80xi32, #tpu.memory_space<vmem>>) semaphore(%arg13 : memref<!tpu.dma_semaphore, #tpu.memory_space<semaphore_mem>>)
    %dma_wait3A_743 = arith.constant 1 : i32
    %dma_wait3A_744 = arith.constant 0 : i32
    %dma_wait3A_745 = tpu.memref_slice %arg5[%dma_wait3A_743, %dma_wait3A_744] : memref<25x80xi32, #tpu.memory_space<vmem>> -> memref<1x80xi32, #tpu.memory_space<vmem>>
    %dma_wait3A_746 = tpu.memref_squeeze %dma_wait3A_745 : memref<1x80xi32, #tpu.memory_space<vmem>> -> memref<80xi32, #tpu.memory_space<vmem>>
    %dma_wait3A_747 = arith.constant 0 : i32
    %dma_wait3A_748 = arith.constant 0 : i32
    %dma_wait3A_749 = tpu.memref_slice %arg3[%dma_wait3A_747, %dma_wait3A_748] : memref<10000x128xf32, #tpu.memory_space<hbm>> -> memref<10000x128xf32, #tpu.memory_space<hbm>>
    tpu.wait_indirect_dma semaphore(%arg15 : memref<!tpu.dma_semaphore, #tpu.memory_space<semaphore_mem>>) src(%dma_wait3A_749 : memref<10000x128xf32, #tpu.memory_space<hbm>>) dst(%arg11 : memref<80x128xf32, #tpu.memory_space<vmem>>)
    %dma_start3A_750 = arith.constant 1 : i32
    %dma_start3A_751 = arith.constant 0 : i32
    %dma_start3A_752 = tpu.memref_slice %arg6[%dma_start3A_750, %dma_start3A_751] : memref<25x80xi32, #tpu.memory_space<vmem>> -> memref<1x80xi32, #tpu.memory_space<vmem>>
    %dma_start3A_753 = tpu.memref_squeeze %dma_start3A_752 : memref<1x80xi32, #tpu.memory_space<vmem>> -> memref<80xi32, #tpu.memory_space<vmem>>
    %dma_start3A_754 = arith.constant 0 : i32
    %dma_start3A_755 = arith.constant 0 : i32
    %dma_start3A_756 = tpu.memref_slice %arg12[%dma_start3A_754, %dma_start3A_755] : memref<10240x128xf32, #tpu.memory_space<vmem_shared>> -> memref<10240x128xf32, #tpu.memory_space<vmem_shared>>
    tpu.enqueue_indirect_dma source(%arg11 : memref<80x128xf32, #tpu.memory_space<vmem>>) target(%dma_start3A_756 : memref<10240x128xf32, #tpu.memory_space<vmem_shared>>) offsets(%dma_start3A_753 : memref<80xi32, #tpu.memory_space<vmem>>) semaphore(%arg18 : memref<!tpu.dma_semaphore, #tpu.memory_space<semaphore_mem>>) {add = true}
    %dma_wait3A_757 = arith.constant 0 : i32
    %dma_wait3A_758 = arith.constant 0 : i32
    %dma_wait3A_759 = tpu.memref_slice %arg6[%dma_wait3A_757, %dma_wait3A_758] : memref<25x80xi32, #tpu.memory_space<vmem>> -> memref<1x80xi32, #tpu.memory_space<vmem>>
    %dma_wait3A_760 = tpu.memref_squeeze %dma_wait3A_759 : memref<1x80xi32, #tpu.memory_space<vmem>> -> memref<80xi32, #tpu.memory_space<vmem>>
    %dma_wait3A_761 = arith.constant 0 : i32
    %dma_wait3A_762 = arith.constant 0 : i32
    %dma_wait3A_763 = tpu.memref_slice %arg12[%dma_wait3A_761, %dma_wait3A_762] : memref<10240x128xf32, #tpu.memory_space<vmem_shared>> -> memref<10240x128xf32, #tpu.memory_space<vmem_shared>>
    tpu.wait_indirect_dma semaphore(%arg17 : memref<!tpu.dma_semaphore, #tpu.memory_space<semaphore_mem>>) src(%arg10 : memref<80x128xf32, #tpu.memory_space<vmem>>) dst(%dma_wait3A_763 : memref<10240x128xf32, #tpu.memory_space<vmem_shared>>)
    %dma_start3A_764 = arith.constant 3 : i32
    %dma_start3A_765 = arith.constant 0 : i32
    %dma_start3A_766 = tpu.memref_slice %arg5[%dma_start3A_764, %dma_start3A_765] : memref<25x80xi32, #tpu.memory_space<vmem>> -> memref<1x80xi32, #tpu.memory_space<vmem>>
    %dma_start3A_767 = tpu.memref_squeeze %dma_start3A_766 : memref<1x80xi32, #tpu.memory_space<vmem>> -> memref<80xi32, #tpu.memory_space<vmem>>
    %dma_start3A_768 = arith.constant 0 : i32
    %dma_start3A_769 = arith.constant 0 : i32
    %dma_start3A_770 = tpu.memref_slice %arg3[%dma_start3A_768, %dma_start3A_769] : memref<10000x128xf32, #tpu.memory_space<hbm>> -> memref<10000x128xf32, #tpu.memory_space<hbm>>
    tpu.enqueue_indirect_dma source(%dma_start3A_770 : memref<10000x128xf32, #tpu.memory_space<hbm>>) target(%arg10 : memref<80x128xf32, #tpu.memory_space<vmem>>) offsets(%dma_start3A_767 : memref<80xi32, #tpu.memory_space<vmem>>) semaphore(%arg14 : memref<!tpu.dma_semaphore, #tpu.memory_space<semaphore_mem>>)
    %scan3A_771 = arith.constant 0 : i32
    %scan3A_772 = arith.constant 0 : i32
    %scan3A_773 = arith.constant 7 : i32
    %scan3A_774 = arith.addi %scan3A_772, %scan3A_773 : i32
    %scan3A_775 = arith.constant 1 : i32
    scf.for %scan3A_831 = %scan3A_772 to %scan3A_774 step %scan3A_775  : i32 {
      %mul3A_832 = arith.constant 3 : i32
      %mul3A_833 = arith.muli %mul3A_832, %scan3A_831 : i32
      %add3A_834 = arith.constant 2 : i32
      %add3A_835 = arith.addi %add3A_834, %mul3A_833 : i32
      %add3A_836 = arith.constant 0 : i32
      %add3A_837 = arith.addi %add3A_835, %add3A_836 : i32
      %dma_wait3A_838 = arith.constant 0 : i32
      %dma_wait3A_839 = tpu.memref_slice %arg5[%add3A_837, %dma_wait3A_838] : memref<25x80xi32, #tpu.memory_space<vmem>> -> memref<1x80xi32, #tpu.memory_space<vmem>>
      %dma_wait3A_840 = tpu.memref_squeeze %dma_wait3A_839 : memref<1x80xi32, #tpu.memory_space<vmem>> -> memref<80xi32, #tpu.memory_space<vmem>>
      %dma_wait3A_841 = arith.constant 0 : i32
      %dma_wait3A_842 = arith.constant 0 : i32
      %dma_wait3A_843 = tpu.memref_slice %arg3[%dma_wait3A_841, %dma_wait3A_842] : memref<10000x128xf32, #tpu.memory_space<hbm>> -> memref<10000x128xf32, #tpu.memory_space<hbm>>
      tpu.wait_indirect_dma semaphore(%arg13 : memref<!tpu.dma_semaphore, #tpu.memory_space<semaphore_mem>>) src(%dma_wait3A_843 : memref<10000x128xf32, #tpu.memory_space<hbm>>) dst(%arg9 : memref<80x128xf32, #tpu.memory_space<vmem>>)
      %add3A_844 = arith.constant 0 : i32
      %add3A_845 = arith.addi %add3A_835, %add3A_844 : i32
      %dma_start3A_846 = arith.constant 0 : i32
      %dma_start3A_847 = tpu.memref_slice %arg6[%add3A_845, %dma_start3A_846] : memref<25x80xi32, #tpu.memory_space<vmem>> -> memref<1x80xi32, #tpu.memory_space<vmem>>
      %dma_start3A_848 = tpu.memref_squeeze %dma_start3A_847 : memref<1x80xi32, #tpu.memory_space<vmem>> -> memref<80xi32, #tpu.memory_space<vmem>>
      %dma_start3A_849 = arith.constant 0 : i32
      %dma_start3A_850 = arith.constant 0 : i32
      %dma_start3A_851 = tpu.memref_slice %arg12[%dma_start3A_849, %dma_start3A_850] : memref<10240x128xf32, #tpu.memory_space<vmem_shared>> -> memref<10240x128xf32, #tpu.memory_space<vmem_shared>>
      tpu.enqueue_indirect_dma source(%arg9 : memref<80x128xf32, #tpu.memory_space<vmem>>) target(%dma_start3A_851 : memref<10240x128xf32, #tpu.memory_space<vmem_shared>>) offsets(%dma_start3A_848 : memref<80xi32, #tpu.memory_space<vmem>>) semaphore(%arg16 : memref<!tpu.dma_semaphore, #tpu.memory_space<semaphore_mem>>) {add = true}
      %add3A_852 = arith.constant 0 : i32
      %add3A_853 = arith.addi %add3A_835, %add3A_852 : i32
      %sub3A = arith.constant 1 : i32
      %sub3A_854 = arith.subi %add3A_853, %sub3A : i32
      %dma_wait3A_855 = arith.constant 0 : i32
      %dma_wait3A_856 = tpu.memref_slice %arg6[%sub3A_854, %dma_wait3A_855] : memref<25x80xi32, #tpu.memory_space<vmem>> -> memref<1x80xi32, #tpu.memory_space<vmem>>
      %dma_wait3A_857 = tpu.memref_squeeze %dma_wait3A_856 : memref<1x80xi32, #tpu.memory_space<vmem>> -> memref<80xi32, #tpu.memory_space<vmem>>
      %dma_wait3A_858 = arith.constant 0 : i32
      %dma_wait3A_859 = arith.constant 0 : i32
      %dma_wait3A_860 = tpu.memref_slice %arg12[%dma_wait3A_858, %dma_wait3A_859] : memref<10240x128xf32, #tpu.memory_space<vmem_shared>> -> memref<10240x128xf32, #tpu.memory_space<vmem_shared>>
      tpu.wait_indirect_dma semaphore(%arg18 : memref<!tpu.dma_semaphore, #tpu.memory_space<semaphore_mem>>) src(%arg11 : memref<80x128xf32, #tpu.memory_space<vmem>>) dst(%dma_wait3A_860 : memref<10240x128xf32, #tpu.memory_space<vmem_shared>>)
      %add3A_861 = arith.constant 0 : i32
      %add3A_862 = arith.addi %add3A_835, %add3A_861 : i32
      %add3A_863 = arith.constant 2 : i32
      %add3A_864 = arith.addi %add3A_862, %add3A_863 : i32
      %dma_start3A_865 = arith.constant 0 : i32
      %dma_start3A_866 = tpu.memref_slice %arg5[%add3A_864, %dma_start3A_865] : memref<25x80xi32, #tpu.memory_space<vmem>> -> memref<1x80xi32, #tpu.memory_space<vmem>>
      %dma_start3A_867 = tpu.memref_squeeze %dma_start3A_866 : memref<1x80xi32, #tpu.memory_space<vmem>> -> memref<80xi32, #tpu.memory_space<vmem>>
      %dma_start3A_868 = arith.constant 0 : i32
      %dma_start3A_869 = arith.constant 0 : i32
      %dma_start3A_870 = tpu.memref_slice %arg3[%dma_start3A_868, %dma_start3A_869] : memref<10000x128xf32, #tpu.memory_space<hbm>> -> memref<10000x128xf32, #tpu.memory_space<hbm>>
      tpu.enqueue_indirect_dma source(%dma_start3A_870 : memref<10000x128xf32, #tpu.memory_space<hbm>>) target(%arg11 : memref<80x128xf32, #tpu.memory_space<vmem>>) offsets(%dma_start3A_867 : memref<80xi32, #tpu.memory_space<vmem>>) semaphore(%arg15 : memref<!tpu.dma_semaphore, #tpu.memory_space<semaphore_mem>>)
      %add3A_871 = arith.constant 1 : i32
      %add3A_872 = arith.addi %add3A_835, %add3A_871 : i32
      %dma_wait3A_873 = arith.constant 0 : i32
      %dma_wait3A_874 = tpu.memref_slice %arg5[%add3A_872, %dma_wait3A_873] : memref<25x80xi32, #tpu.memory_space<vmem>> -> memref<1x80xi32, #tpu.memory_space<vmem>>
      %dma_wait3A_875 = tpu.memref_squeeze %dma_wait3A_874 : memref<1x80xi32, #tpu.memory_space<vmem>> -> memref<80xi32, #tpu.memory_space<vmem>>
      %dma_wait3A_876 = arith.constant 0 : i32
      %dma_wait3A_877 = arith.constant 0 : i32
      %dma_wait3A_878 = tpu.memref_slice %arg3[%dma_wait3A_876, %dma_wait3A_877] : memref<10000x128xf32, #tpu.memory_space<hbm>> -> memref<10000x128xf32, #tpu.memory_space<hbm>>
      tpu.wait_indirect_dma semaphore(%arg14 : memref<!tpu.dma_semaphore, #tpu.memory_space<semaphore_mem>>) src(%dma_wait3A_878 : memref<10000x128xf32, #tpu.memory_space<hbm>>) dst(%arg10 : memref<80x128xf32, #tpu.memory_space<vmem>>)
      %add3A_879 = arith.constant 1 : i32
      %add3A_880 = arith.addi %add3A_835, %add3A_879 : i32
      %dma_start3A_881 = arith.constant 0 : i32
      %dma_start3A_882 = tpu.memref_slice %arg6[%add3A_880, %dma_start3A_881] : memref<25x80xi32, #tpu.memory_space<vmem>> -> memref<1x80xi32, #tpu.memory_space<vmem>>
      %dma_start3A_883 = tpu.memref_squeeze %dma_start3A_882 : memref<1x80xi32, #tpu.memory_space<vmem>> -> memref<80xi32, #tpu.memory_space<vmem>>
      %dma_start3A_884 = arith.constant 0 : i32
      %dma_start3A_885 = arith.constant 0 : i32
      %dma_start3A_886 = tpu.memref_slice %arg12[%dma_start3A_884, %dma_start3A_885] : memref<10240x128xf32, #tpu.memory_space<vmem_shared>> -> memref<10240x128xf32, #tpu.memory_space<vmem_shared>>
      tpu.enqueue_indirect_dma source(%arg10 : memref<80x128xf32, #tpu.memory_space<vmem>>) target(%dma_start3A_886 : memref<10240x128xf32, #tpu.memory_space<vmem_shared>>) offsets(%dma_start3A_883 : memref<80xi32, #tpu.memory_space<vmem>>) semaphore(%arg17 : memref<!tpu.dma_semaphore, #tpu.memory_space<semaphore_mem>>) {add = true}
      %add3A_887 = arith.constant 1 : i32
      %add3A_888 = arith.addi %add3A_835, %add3A_887 : i32
      %sub3A_889 = arith.constant 1 : i32
      %sub3A_890 = arith.subi %add3A_888, %sub3A_889 : i32
      %dma_wait3A_891 = arith.constant 0 : i32
      %dma_wait3A_892 = tpu.memref_slice %arg6[%sub3A_890, %dma_wait3A_891] : memref<25x80xi32, #tpu.memory_space<vmem>> -> memref<1x80xi32, #tpu.memory_space<vmem>>
      %dma_wait3A_893 = tpu.memref_squeeze %dma_wait3A_892 : memref<1x80xi32, #tpu.memory_space<vmem>> -> memref<80xi32, #tpu.memory_space<vmem>>
      %dma_wait3A_894 = arith.constant 0 : i32
      %dma_wait3A_895 = arith.constant 0 : i32
      %dma_wait3A_896 = tpu.memref_slice %arg12[%dma_wait3A_894, %dma_wait3A_895] : memref<10240x128xf32, #tpu.memory_space<vmem_shared>> -> memref<10240x128xf32, #tpu.memory_space<vmem_shared>>
      tpu.wait_indirect_dma semaphore(%arg16 : memref<!tpu.dma_semaphore, #tpu.memory_space<semaphore_mem>>) src(%arg9 : memref<80x128xf32, #tpu.memory_space<vmem>>) dst(%dma_wait3A_896 : memref<10240x128xf32, #tpu.memory_space<vmem_shared>>)
      %add3A_897 = arith.constant 1 : i32
      %add3A_898 = arith.addi %add3A_835, %add3A_897 : i32
      %add3A_899 = arith.constant 2 : i32
      %add3A_900 = arith.addi %add3A_898, %add3A_899 : i32
      %dma_start3A_901 = arith.constant 0 : i32
      %dma_start3A_902 = tpu.memref_slice %arg5[%add3A_900, %dma_start3A_901] : memref<25x80xi32, #tpu.memory_space<vmem>> -> memref<1x80xi32, #tpu.memory_space<vmem>>
      %dma_start3A_903 = tpu.memref_squeeze %dma_start3A_902 : memref<1x80xi32, #tpu.memory_space<vmem>> -> memref<80xi32, #tpu.memory_space<vmem>>
      %dma_start3A_904 = arith.constant 0 : i32
      %dma_start3A_905 = arith.constant 0 : i32
      %dma_start3A_906 = tpu.memref_slice %arg3[%dma_start3A_904, %dma_start3A_905] : memref<10000x128xf32, #tpu.memory_space<hbm>> -> memref<10000x128xf32, #tpu.memory_space<hbm>>
      tpu.enqueue_indirect_dma source(%dma_start3A_906 : memref<10000x128xf32, #tpu.memory_space<hbm>>) target(%arg9 : memref<80x128xf32, #tpu.memory_space<vmem>>) offsets(%dma_start3A_903 : memref<80xi32, #tpu.memory_space<vmem>>) semaphore(%arg13 : memref<!tpu.dma_semaphore, #tpu.memory_space<semaphore_mem>>)
      %add3A_907 = arith.constant 2 : i32
      %add3A_908 = arith.addi %add3A_835, %add3A_907 : i32
      %dma_wait3A_909 = arith.constant 0 : i32
      %dma_wait3A_910 = tpu.memref_slice %arg5[%add3A_908, %dma_wait3A_909] : memref<25x80xi32, #tpu.memory_space<vmem>> -> memref<1x80xi32, #tpu.memory_space<vmem>>
      %dma_wait3A_911 = tpu.memref_squeeze %dma_wait3A_910 : memref<1x80xi32, #tpu.memory_space<vmem>> -> memref<80xi32, #tpu.memory_space<vmem>>
      %dma_wait3A_912 = arith.constant 0 : i32
      %dma_wait3A_913 = arith.constant 0 : i32
      %dma_wait3A_914 = tpu.memref_slice %arg3[%dma_wait3A_912, %dma_wait3A_913] : memref<10000x128xf32, #tpu.memory_space<hbm>> -> memref<10000x128xf32, #tpu.memory_space<hbm>>
      tpu.wait_indirect_dma semaphore(%arg15 : memref<!tpu.dma_semaphore, #tpu.memory_space<semaphore_mem>>) src(%dma_wait3A_914 : memref<10000x128xf32, #tpu.memory_space<hbm>>) dst(%arg11 : memref<80x128xf32, #tpu.memory_space<vmem>>)
      %add3A_915 = arith.constant 2 : i32
      %add3A_916 = arith.addi %add3A_835, %add3A_915 : i32
      %dma_start3A_917 = arith.constant 0 : i32
      %dma_start3A_918 = tpu.memref_slice %arg6[%add3A_916, %dma_start3A_917] : memref<25x80xi32, #tpu.memory_space<vmem>> -> memref<1x80xi32, #tpu.memory_space<vmem>>
      %dma_start3A_919 = tpu.memref_squeeze %dma_start3A_918 : memref<1x80xi32, #tpu.memory_space<vmem>> -> memref<80xi32, #tpu.memory_space<vmem>>
      %dma_start3A_920 = arith.constant 0 : i32
      %dma_start3A_921 = arith.constant 0 : i32
      %dma_start3A_922 = tpu.memref_slice %arg12[%dma_start3A_920, %dma_start3A_921] : memref<10240x128xf32, #tpu.memory_space<vmem_shared>> -> memref<10240x128xf32, #tpu.memory_space<vmem_shared>>
      tpu.enqueue_indirect_dma source(%arg11 : memref<80x128xf32, #tpu.memory_space<vmem>>) target(%dma_start3A_922 : memref<10240x128xf32, #tpu.memory_space<vmem_shared>>) offsets(%dma_start3A_919 : memref<80xi32, #tpu.memory_space<vmem>>) semaphore(%arg18 : memref<!tpu.dma_semaphore, #tpu.memory_space<semaphore_mem>>) {add = true}
      %add3A_923 = arith.constant 2 : i32
      %add3A_924 = arith.addi %add3A_835, %add3A_923 : i32
      %sub3A_925 = arith.constant 1 : i32
      %sub3A_926 = arith.subi %add3A_924, %sub3A_925 : i32
      %dma_wait3A_927 = arith.constant 0 : i32
      %dma_wait3A_928 = tpu.memref_slice %arg6[%sub3A_926, %dma_wait3A_927] : memref<25x80xi32, #tpu.memory_space<vmem>> -> memref<1x80xi32, #tpu.memory_space<vmem>>
      %dma_wait3A_929 = tpu.memref_squeeze %dma_wait3A_928 : memref<1x80xi32, #tpu.memory_space<vmem>> -> memref<80xi32, #tpu.memory_space<vmem>>
      %dma_wait3A_930 = arith.constant 0 : i32
      %dma_wait3A_931 = arith.constant 0 : i32
      %dma_wait3A_932 = tpu.memref_slice %arg12[%dma_wait3A_930, %dma_wait3A_931] : memref<10240x128xf32, #tpu.memory_space<vmem_shared>> -> memref<10240x128xf32, #tpu.memory_space<vmem_shared>>
      tpu.wait_indirect_dma semaphore(%arg17 : memref<!tpu.dma_semaphore, #tpu.memory_space<semaphore_mem>>) src(%arg10 : memref<80x128xf32, #tpu.memory_space<vmem>>) dst(%dma_wait3A_932 : memref<10240x128xf32, #tpu.memory_space<vmem_shared>>)
      %add3A_933 = arith.constant 2 : i32
      %add3A_934 = arith.addi %add3A_835, %add3A_933 : i32
      %add3A_935 = arith.constant 2 : i32
      %add3A_936 = arith.addi %add3A_934, %add3A_935 : i32
      %dma_start3A_937 = arith.constant 0 : i32
      %dma_start3A_938 = tpu.memref_slice %arg5[%add3A_936, %dma_start3A_937] : memref<25x80xi32, #tpu.memory_space<vmem>> -> memref<1x80xi32, #tpu.memory_space<vmem>>
      %dma_start3A_939 = tpu.memref_squeeze %dma_start3A_938 : memref<1x80xi32, #tpu.memory_space<vmem>> -> memref<80xi32, #tpu.memory_space<vmem>>
      %dma_start3A_940 = arith.constant 0 : i32
      %dma_start3A_941 = arith.constant 0 : i32
      %dma_start3A_942 = tpu.memref_slice %arg3[%dma_start3A_940, %dma_start3A_941] : memref<10000x128xf32, #tpu.memory_space<hbm>> -> memref<10000x128xf32, #tpu.memory_space<hbm>>
      tpu.enqueue_indirect_dma source(%dma_start3A_942 : memref<10000x128xf32, #tpu.memory_space<hbm>>) target(%arg10 : memref<80x128xf32, #tpu.memory_space<vmem>>) offsets(%dma_start3A_939 : memref<80xi32, #tpu.memory_space<vmem>>) semaphore(%arg14 : memref<!tpu.dma_semaphore, #tpu.memory_space<semaphore_mem>>)
    }
    %scan3A_776 = arith.constant 7 : i32
    %dma_wait3A_777 = arith.constant 23 : i32
    %dma_wait3A_778 = arith.constant 0 : i32
    %dma_wait3A_779 = tpu.memref_slice %arg5[%dma_wait3A_777, %dma_wait3A_778] : memref<25x80xi32, #tpu.memory_space<vmem>> -> memref<1x80xi32, #tpu.memory_space<vmem>>
    %dma_wait3A_780 = tpu.memref_squeeze %dma_wait3A_779 : memref<1x80xi32, #tpu.memory_space<vmem>> -> memref<80xi32, #tpu.memory_space<vmem>>
    %dma_wait3A_781 = arith.constant 0 : i32
    %dma_wait3A_782 = arith.constant 0 : i32
    %dma_wait3A_783 = tpu.memref_slice %arg3[%dma_wait3A_781, %dma_wait3A_782] : memref<10000x128xf32, #tpu.memory_space<hbm>> -> memref<10000x128xf32, #tpu.memory_space<hbm>>
    tpu.wait_indirect_dma semaphore(%arg13 : memref<!tpu.dma_semaphore, #tpu.memory_space<semaphore_mem>>) src(%dma_wait3A_783 : memref<10000x128xf32, #tpu.memory_space<hbm>>) dst(%arg9 : memref<80x128xf32, #tpu.memory_space<vmem>>)
    %dma_start3A_784 = arith.constant 23 : i32
    %dma_start3A_785 = arith.constant 0 : i32
    %dma_start3A_786 = tpu.memref_slice %arg6[%dma_start3A_784, %dma_start3A_785] : memref<25x80xi32, #tpu.memory_space<vmem>> -> memref<1x80xi32, #tpu.memory_space<vmem>>
    %dma_start3A_787 = tpu.memref_squeeze %dma_start3A_786 : memref<1x80xi32, #tpu.memory_space<vmem>> -> memref<80xi32, #tpu.memory_space<vmem>>
    %dma_start3A_788 = arith.constant 0 : i32
    %dma_start3A_789 = arith.constant 0 : i32
    %dma_start3A_790 = tpu.memref_slice %arg12[%dma_start3A_788, %dma_start3A_789] : memref<10240x128xf32, #tpu.memory_space<vmem_shared>> -> memref<10240x128xf32, #tpu.memory_space<vmem_shared>>
    tpu.enqueue_indirect_dma source(%arg9 : memref<80x128xf32, #tpu.memory_space<vmem>>) target(%dma_start3A_790 : memref<10240x128xf32, #tpu.memory_space<vmem_shared>>) offsets(%dma_start3A_787 : memref<80xi32, #tpu.memory_space<vmem>>) semaphore(%arg16 : memref<!tpu.dma_semaphore, #tpu.memory_space<semaphore_mem>>) {add = true}
    %dma_wait3A_791 = arith.constant 22 : i32
    %dma_wait3A_792 = arith.constant 0 : i32
    %dma_wait3A_793 = tpu.memref_slice %arg6[%dma_wait3A_791, %dma_wait3A_792] : memref<25x80xi32, #tpu.memory_space<vmem>> -> memref<1x80xi32, #tpu.memory_space<vmem>>
    %dma_wait3A_794 = tpu.memref_squeeze %dma_wait3A_793 : memref<1x80xi32, #tpu.memory_space<vmem>> -> memref<80xi32, #tpu.memory_space<vmem>>
    %dma_wait3A_795 = arith.constant 0 : i32
    %dma_wait3A_796 = arith.constant 0 : i32
    %dma_wait3A_797 = tpu.memref_slice %arg12[%dma_wait3A_795, %dma_wait3A_796] : memref<10240x128xf32, #tpu.memory_space<vmem_shared>> -> memref<10240x128xf32, #tpu.memory_space<vmem_shared>>
    tpu.wait_indirect_dma semaphore(%arg18 : memref<!tpu.dma_semaphore, #tpu.memory_space<semaphore_mem>>) src(%arg11 : memref<80x128xf32, #tpu.memory_space<vmem>>) dst(%dma_wait3A_797 : memref<10240x128xf32, #tpu.memory_space<vmem_shared>>)
    %dma_wait3A_798 = arith.constant 24 : i32
    %dma_wait3A_799 = arith.constant 0 : i32
    %dma_wait3A_800 = tpu.memref_slice %arg5[%dma_wait3A_798, %dma_wait3A_799] : memref<25x80xi32, #tpu.memory_space<vmem>> -> memref<1x80xi32, #tpu.memory_space<vmem>>
    %dma_wait3A_801 = tpu.memref_squeeze %dma_wait3A_800 : memref<1x80xi32, #tpu.memory_space<vmem>> -> memref<80xi32, #tpu.memory_space<vmem>>
    %dma_wait3A_802 = arith.constant 0 : i32
    %dma_wait3A_803 = arith.constant 0 : i32
    %dma_wait3A_804 = tpu.memref_slice %arg3[%dma_wait3A_802, %dma_wait3A_803] : memref<10000x128xf32, #tpu.memory_space<hbm>> -> memref<10000x128xf32, #tpu.memory_space<hbm>>
    tpu.wait_indirect_dma semaphore(%arg14 : memref<!tpu.dma_semaphore, #tpu.memory_space<semaphore_mem>>) src(%dma_wait3A_804 : memref<10000x128xf32, #tpu.memory_space<hbm>>) dst(%arg10 : memref<80x128xf32, #tpu.memory_space<vmem>>)
    %dma_start3A_805 = arith.constant 24 : i32
    %dma_start3A_806 = arith.constant 0 : i32
    %dma_start3A_807 = tpu.memref_slice %arg6[%dma_start3A_805, %dma_start3A_806] : memref<25x80xi32, #tpu.memory_space<vmem>> -> memref<1x80xi32, #tpu.memory_space<vmem>>
    %dma_start3A_808 = tpu.memref_squeeze %dma_start3A_807 : memref<1x80xi32, #tpu.memory_space<vmem>> -> memref<80xi32, #tpu.memory_space<vmem>>
    %dma_start3A_809 = arith.constant 0 : i32
    %dma_start3A_810 = arith.constant 0 : i32
    %dma_start3A_811 = tpu.memref_slice %arg12[%dma_start3A_809, %dma_start3A_810] : memref<10240x128xf32, #tpu.memory_space<vmem_shared>> -> memref<10240x128xf32, #tpu.memory_space<vmem_shared>>
    tpu.enqueue_indirect_dma source(%arg10 : memref<80x128xf32, #tpu.memory_space<vmem>>) target(%dma_start3A_811 : memref<10240x128xf32, #tpu.memory_space<vmem_shared>>) offsets(%dma_start3A_808 : memref<80xi32, #tpu.memory_space<vmem>>) semaphore(%arg17 : memref<!tpu.dma_semaphore, #tpu.memory_space<semaphore_mem>>) {add = true}
    %dma_wait3A_812 = arith.constant 23 : i32
    %dma_wait3A_813 = arith.constant 0 : i32
    %dma_wait3A_814 = tpu.memref_slice %arg6[%dma_wait3A_812, %dma_wait3A_813] : memref<25x80xi32, #tpu.memory_space<vmem>> -> memref<1x80xi32, #tpu.memory_space<vmem>>
    %dma_wait3A_815 = tpu.memref_squeeze %dma_wait3A_814 : memref<1x80xi32, #tpu.memory_space<vmem>> -> memref<80xi32, #tpu.memory_space<vmem>>
    %dma_wait3A_816 = arith.constant 0 : i32
    %dma_wait3A_817 = arith.constant 0 : i32
    %dma_wait3A_818 = tpu.memref_slice %arg12[%dma_wait3A_816, %dma_wait3A_817] : memref<10240x128xf32, #tpu.memory_space<vmem_shared>> -> memref<10240x128xf32, #tpu.memory_space<vmem_shared>>
    tpu.wait_indirect_dma semaphore(%arg16 : memref<!tpu.dma_semaphore, #tpu.memory_space<semaphore_mem>>) src(%arg9 : memref<80x128xf32, #tpu.memory_space<vmem>>) dst(%dma_wait3A_818 : memref<10240x128xf32, #tpu.memory_space<vmem_shared>>)
    %dma_wait3A_819 = arith.constant 24 : i32
    %dma_wait3A_820 = arith.constant 0 : i32
    %dma_wait3A_821 = tpu.memref_slice %arg6[%dma_wait3A_819, %dma_wait3A_820] : memref<25x80xi32, #tpu.memory_space<vmem>> -> memref<1x80xi32, #tpu.memory_space<vmem>>
    %dma_wait3A_822 = tpu.memref_squeeze %dma_wait3A_821 : memref<1x80xi32, #tpu.memory_space<vmem>> -> memref<80xi32, #tpu.memory_space<vmem>>
    %dma_wait3A_823 = arith.constant 0 : i32
    %dma_wait3A_824 = arith.constant 0 : i32
    %dma_wait3A_825 = tpu.memref_slice %arg12[%dma_wait3A_823, %dma_wait3A_824] : memref<10240x128xf32, #tpu.memory_space<vmem_shared>> -> memref<10240x128xf32, #tpu.memory_space<vmem_shared>>
    tpu.wait_indirect_dma semaphore(%arg17 : memref<!tpu.dma_semaphore, #tpu.memory_space<semaphore_mem>>) src(%arg10 : memref<80x128xf32, #tpu.memory_space<vmem>>) dst(%dma_wait3A_825 : memref<10240x128xf32, #tpu.memory_space<vmem_shared>>)
    %barrier3A_826 = arith.constant 0 : index
    tpu.barrier barrier_id(%barrier3A_826)
    %mul3A_827 = arith.constant 640 : i32
    %mul3A_828 = arith.muli %arg1, %mul3A_827 : i32
    %mul3A_829 = arith.constant 640 : i32
    %mul3A_830 = arith.muli %arg1, %mul3A_829 : i32
    "tpu.region"() ({
      %run_scoped3A = tpu.sem_alloc : memref<!tpu.dma_semaphore, #tpu.memory_space<semaphore_mem>>
      %dma_start3A_831 = arith.constant 0 : i32
      %dma_start3A_832 = tpu.memref_slice %arg4[%arg0, %mul3A_830, %dma_start3A_831] : memref<2x10240x128xf32, #tpu.memory_space<hbm>> -> memref<1x640x128xf32, #tpu.memory_space<hbm>>
      %dma_start3A_833 = tpu.memref_squeeze %dma_start3A_832 : memref<1x640x128xf32, #tpu.memory_space<hbm>> -> memref<640x128xf32, #tpu.memory_space<hbm>>
      %dma_start3A_834 = arith.constant 0 : i32
      %dma_start3A_835 = tpu.memref_slice %arg12[%mul3A_828, %dma_start3A_834] : memref<10240x128xf32, #tpu.memory_space<vmem_shared>> -> memref<640x128xf32, #tpu.memory_space<vmem_shared>>
      tpu.enqueue_dma source(%dma_start3A_835 : memref<640x128xf32, #tpu.memory_space<vmem_shared>>) target(%dma_start3A_833 : memref<640x128xf32, #tpu.memory_space<hbm>>) target_semaphore(%run_scoped3A : memref<!tpu.dma_semaphore, #tpu.memory_space<semaphore_mem>>)
      %dma_wait3A_836 = arith.constant 0 : i32
      %dma_wait3A_837 = tpu.memref_slice %arg4[%arg0, %mul3A_830, %dma_wait3A_836] : memref<2x10240x128xf32, #tpu.memory_space<hbm>> -> memref<1x640x128xf32, #tpu.memory_space<hbm>>
      %dma_wait3A_838 = tpu.memref_squeeze %dma_wait3A_837 : memref<1x640x128xf32, #tpu.memory_space<hbm>> -> memref<640x128xf32, #tpu.memory_space<hbm>>
      %dma_wait3A_839 = arith.constant 0 : i32
      %dma_wait3A_840 = tpu.memref_slice %arg12[%mul3A_828, %dma_wait3A_839] : memref<10240x128xf32, #tpu.memory_space<vmem_shared>> -> memref<640x128xf32, #tpu.memory_space<vmem_shared>>
      tpu.wait_dma2 semaphore(%run_scoped3A : memref<!tpu.dma_semaphore, #tpu.memory_space<semaphore_mem>>) src(%dma_wait3A_840 : memref<640x128xf32, #tpu.memory_space<vmem_shared>>) dst(%dma_wait3A_838 : memref<640x128xf32, #tpu.memory_space<hbm>>)
      tpu.yield
    }) : () -> ()
    return
  }
}

module attributes {stable_mosaic.version = 14 : i64} {
  func.func @_tc_combine_body(%arg0: i32, %arg1: memref<2000x128xf32, #tpu.memory_space<vmem>>, %arg2: memref<2x2000x128xf32, #tpu.memory_space<vmem>>, %arg3: memref<128x128xf32, #tpu.memory_space<vmem>>, %arg4: memref<2000x128xf32, #tpu.memory_space<vmem>>) attributes {dimension_semantics = [#tpu.dimension_semantics<arbitrary>], iteration_bounds = array<i64: 5>, scalar_prefetch = 0 : i64, scratch_operands = 0 : i64, tpu.core_type = #tpu.core_type<tc>, window_params = [{transform_indices = @transform_0, window_bounds = array<i64: 2000, 128>}, {transform_indices = @transform_1, window_bounds = array<i64: 2, 2000, 128>}, {pipeline_mode = #tpu.pipeline_mode<synchronous>, transform_indices = @transform_2, window_bounds = array<i64: 128, 128>}, {transform_indices = @transform_3, window_bounds = array<i64: 2000, 128>}]} {
    %get3A = arith.constant 0 : index
    %get3A_0 = arith.constant 0 : index
    %get3A_1 = arith.constant 0 : index
    %get3A_2 = vector.load %arg2[%get3A, %get3A_0, %get3A_1] : memref<2x2000x128xf32, #tpu.memory_space<vmem>>, vector<1x2000x128xf32>
    %get3A_3 = vector.shape_cast %get3A_2 : vector<1x2000x128xf32> to vector<2000x128xf32>
    %get3A_4 = arith.constant 1 : index
    %get3A_5 = arith.constant 0 : index
    %get3A_6 = arith.constant 0 : index
    %get3A_7 = vector.load %arg2[%get3A_4, %get3A_5, %get3A_6] : memref<2x2000x128xf32, #tpu.memory_space<vmem>>, vector<1x2000x128xf32>
    %get3A_8 = vector.shape_cast %get3A_7 : vector<1x2000x128xf32> to vector<2000x128xf32>
    %add3A = arith.addf %get3A_3, %get3A_8 : vector<2000x128xf32>
    %get3A_9 = arith.constant 0 : index
    %get3A_10 = arith.constant 0 : index
    %get3A_11 = vector.load %arg1[%get3A_9, %get3A_10] : memref<2000x128xf32, #tpu.memory_space<vmem>>, vector<2000x128xf32>
    %get3A_12 = arith.constant 0 : index
    %get3A_13 = arith.constant 0 : index
    %get3A_14 = vector.load %arg3[%get3A_12, %get3A_13] : memref<128x128xf32, #tpu.memory_space<vmem>>, vector<128x128xf32>
    %dot_general3A = arith.constant dense<0.000000e+00> : vector<2000x128xf32>
    %dot_general3A_15 = tpu.matmul %add3A, %get3A_14, %dot_general3A {dimension_numbers = #tpu.dot_dimension_numbers<[1], [1], [0], [0], [0, 0, 1, 0], [], []>, transpose_lhs_hint = false} : vector<2000x128xf32>, vector<128x128xf32>, vector<2000x128xf32> -> vector<2000x128xf32>
    %add3A_16 = arith.addf %get3A_11, %dot_general3A_15 : vector<2000x128xf32>
    %swap3A = arith.constant 0 : index
    %swap3A_17 = arith.constant 0 : index
    %swap3A_18 = vector.load %arg4[%swap3A, %swap3A_17] : memref<2000x128xf32, #tpu.memory_space<vmem>>, vector<2000x128xf32>
    tpu.vector_store %arg4[%swap3A, %swap3A_17], %add3A_16 {strides = array<i32>} : memref<2000x128xf32, #tpu.memory_space<vmem>>, vector<2000x128xf32>,
    return
  }
  func.func @transform_0(%arg0: i32) -> (i32, i32) {
    %c0_i32 = arith.constant 0 : i32
    %c0_i32_0 = arith.constant 0 : i32
    return %arg0, %c0_i32 : i32, i32
  }
  func.func @transform_1(%arg0: i32) -> (i32, i32, i32) {
    %c0_i32 = arith.constant 0 : i32
    %c0_i32_0 = arith.constant 0 : i32
    %c0_i32_1 = arith.constant 0 : i32
    return %c0_i32, %arg0, %c0_i32_0 : i32, i32, i32
  }
  func.func @transform_2(%arg0: i32) -> (i32, i32) {
    %c0_i32 = arith.constant 0 : i32
    %c0_i32_0 = arith.constant 0 : i32
    %c0_i32_1 = arith.constant 0 : i32
    return %c0_i32, %c0_i32_0 : i32, i32
  }
  func.func @transform_3(%arg0: i32) -> (i32, i32) {
    %c0_i32 = arith.constant 0 : i32
    %c0_i32_0 = arith.constant 0 : i32
    return %arg0, %c0_i32 : i32, i32
  }
}

module attributes {stable_mosaic.version = 14 : i64} {
  func.func @_tc_xw1_body(%arg0: i32, %arg1: memref<2000x128xf32, #tpu.memory_space<vmem>>, %arg2: memref<128x128xf32, #tpu.memory_space<vmem>>, %arg3: memref<1x128xf32, #tpu.memory_space<vmem>>, %arg4: memref<1x128xf32, #tpu.memory_space<vmem>>, %arg5: memref<2000x128xf32, #tpu.memory_space<vmem>>) attributes {dimension_semantics = [#tpu.dimension_semantics<arbitrary>], iteration_bounds = array<i64: 5>, scalar_prefetch = 0 : i64, scratch_operands = 0 : i64, tpu.core_type = #tpu.core_type<tc>, window_params = [{transform_indices = @transform_0, window_bounds = array<i64: 2000, 128>}, {pipeline_mode = #tpu.pipeline_mode<synchronous>, transform_indices = @transform_1, window_bounds = array<i64: 128, 128>}, {pipeline_mode = #tpu.pipeline_mode<synchronous>, transform_indices = @transform_2, window_bounds = array<i64: 1, 128>}, {pipeline_mode = #tpu.pipeline_mode<synchronous>, transform_indices = @transform_3, window_bounds = array<i64: 1, 128>}, {transform_indices = @transform_4, window_bounds = array<i64: 2000, 128>}]} {
    %get3A = arith.constant 0 : index
    %get3A_0 = arith.constant 0 : index
    %get3A_1 = vector.load %arg1[%get3A, %get3A_0] : memref<2000x128xf32, #tpu.memory_space<vmem>>, vector<2000x128xf32>
    %get3A_2 = arith.constant 0 : index
    %get3A_3 = arith.constant 0 : index
    %get3A_4 = vector.load %arg2[%get3A_2, %get3A_3] : memref<128x128xf32, #tpu.memory_space<vmem>>, vector<128x128xf32>
    %dot_general3A = arith.constant dense<0.000000e+00> : vector<2000x128xf32>
    %dot_general3A_5 = tpu.matmul %get3A_1, %get3A_4, %dot_general3A {dimension_numbers = #tpu.dot_dimension_numbers<[1], [1], [0], [0], [0, 0, 1, 0], [], []>, transpose_lhs_hint = false} : vector<2000x128xf32>, vector<128x128xf32>, vector<2000x128xf32> -> vector<2000x128xf32>
    %get3A_6 = arith.constant 0 : index
    %get3A_7 = arith.constant 0 : index
    %get3A_8 = vector.load %arg3[%get3A_6, %get3A_7] : memref<1x128xf32, #tpu.memory_space<vmem>>, vector<1x128xf32>
    %add3A = vector.broadcast %get3A_8 : vector<1x128xf32> to vector<2000x128xf32>
    %add3A_9 = arith.addf %dot_general3A_5, %add3A : vector<2000x128xf32>
    %get3A_10 = arith.constant 0 : index
    %get3A_11 = arith.constant 0 : index
    %get3A_12 = vector.load %arg4[%get3A_10, %get3A_11] : memref<1x128xf32, #tpu.memory_space<vmem>>, vector<1x128xf32>
    %add3A_13 = vector.broadcast %get3A_12 : vector<1x128xf32> to vector<2000x128xf32>
    %add3A_14 = arith.addf %add3A_9, %add3A_13 : vector<2000x128xf32>
    %swap3A = arith.constant 0 : index
    %swap3A_15 = arith.constant 0 : index
    %swap3A_16 = vector.load %arg5[%swap3A, %swap3A_15] : memref<2000x128xf32, #tpu.memory_space<vmem>>, vector<2000x128xf32>
    tpu.vector_store %arg5[%swap3A, %swap3A_15], %add3A_14 {strides = array<i32>} : memref<2000x128xf32, #tpu.memory_space<vmem>>, vector<2000x128xf32>,
    return
  }
  func.func @transform_0(%arg0: i32) -> (i32, i32) {
    %c0_i32 = arith.constant 0 : i32
    %c0_i32_0 = arith.constant 0 : i32
    return %arg0, %c0_i32 : i32, i32
  }
  func.func @transform_1(%arg0: i32) -> (i32, i32) {
    %c0_i32 = arith.constant 0 : i32
    %c0_i32_0 = arith.constant 0 : i32
    %c0_i32_1 = arith.constant 0 : i32
    return %c0_i32, %c0_i32_0 : i32, i32
  }
  func.func @transform_2(%arg0: i32) -> (i32, i32) {
    %c0_i32 = arith.constant 0 : i32
    %c0_i32_0 = arith.constant 0 : i32
    %c0_i32_1 = arith.constant 0 : i32
    return %c0_i32, %c0_i32_0 : i32, i32
  }
  func.func @transform_3(%arg0: i32) -> (i32, i32) {
    %c0_i32 = arith.constant 0 : i32
    %c0_i32_0 = arith.constant 0 : i32
    %c0_i32_1 = arith.constant 0 : i32
    return %c0_i32, %c0_i32_0 : i32, i32
  }
  func.func @transform_4(%arg0: i32) -> (i32, i32) {
    %c0_i32 = arith.constant 0 : i32
    %c0_i32_0 = arith.constant 0 : i32
    return %arg0, %c0_i32 : i32, i32
  }
}

</mosaic_0001>

<sc_bundles>
// kernel: kernel.5.cloned.1.call-start
scs
__scs_entry_jumppad:
0x0: {  	(pc) =	sbr.rel $0x88, $3  }
0x1: {  	(tag) =	ssettag $0x0;
	lr =	simm.s32 $0x1  }
0x2: {  	[smem:$0x3F9B] =	sst lr;
	_ =	strace $0xD0000000  }
0x3: {  	_ = 	snop  }
0x4: {  	_ = 	snop  }
0x5: {  	_ = 	snop  }
0x6: {  	_ = 	snop  }
0x7: {  	_ = 	snop  }
__scs_overlays_trampoline_lowered:
0x8: {  	[smem:$0x3FAA] =	sst s0  }
0x9: {  	[smem:$0x3FAB] =	sst s1  }
0xa: {  	[smem:$0x3FAC] =	sst s2  }
0xb: {  	[smem:$0x3FAD] =	sst s3  }
0xc: {  	[smem:$0x3FAE] =	sst s4  }
0xd: {  	[smem:$0x3FAF] =	sst s5  }
0xe: {  	[smem:$0x3FB0] =	sst s6  }
0xf: {  	[smem:$0x3FB1] =	sst s7  }
0x10: {  	[smem:$0x3FB2] =	sst s8  }
0x11: {  	[smem:$0x3FB3] =	sst s9;
	s0 =	simm.s32 @!p0 $0x0  }
0x12: {  	s1 =	sld [smem:$0x3F99];
	s0 =	simm.s32 @p0 $0x1  }
0x13: {  	[smem:$0x3FB4] =	sst s0;
	s0 =	simm.s32 @!p1 $0x0  }
0x14: {  	s2 =	sld [smem:$0x3F98];
	s0 =	simm.s32 @p1 $0x1  }
0x15: {  	[smem:$0x3FB5] =	sst s0;
	s0 =	simm.s32 @!p2 $0x0  }
0x16: {  	s3 =	sld [smem:$0x3FDB];
	s0 =	simm.s32 @p2 $0x1  }
0x17: {  	s4 =	simm.s32 $0x1BF5;
	[smem:$0x3FB7] =	sst s0  }
0x18: {  	s0 =	sld [smem:$0x3F9A];
	_ =	swait.ge [sflag:s4], $0x0  }
0x19: {  	s7 =	sld [smem:$0x3F9B]  }
0x1a: {  	s8 =	sadd.s32 $0xFFFFE003, lr  }
0x1b: {  	s9 =	sadd.s32 $0xFFFFFEF7, lr;
	s5 =	simm.s32 $0xFFFFFFFF;
	p2 =	slt.u32 s8, $0xFFFFF086  }
0x1c: {  	p1 =	slt.u32 s9, $0xF7A;
	s5 =	simm.s32 @!p2 $0x0  }
0x1d: {  	s5 =	simm.s32 @p1 $0x1;
	p0 =	seq.s32 s7, s2  }
0x1e: {  	s7 =	smul.u32 @!p0 $0xF7A, s2;
	p2 =	seq.s32 @!p0 s5, $0x0  }
0x1f: {  	s9 =	smul.u32 $0xF7A, s1;
	s8 =	simm.s32 @!p0 $0x1BF5;
	p2 =	por !p2, p0  }
0x20: {  	[sflag:s8] =	ssyncset.s32 @!p0 $0xFFFFF086;
	s6 =	sadd.s32 @!p0 s3, s7;
	s7 =	simm.s32 @!p0 $0x108  }
0x21: {  	s3 =	sadd.s32 s3, s9;
	s6 =	sadd.s32 @!p0 $0x88, s6;
	s7 =	simm.s32 @p2 $0x1082  }
0x22: {  	[simem:s7], [sflag:s8] =	dma.local @!p0 [hbm:s6], $0xF7A  }
0x23: {  	s9 =	sor.u32 $0xD0000000, s2;
	s6 =	simm.s32 $0x108;
	_ =	swait.ge @!p0 [sflag:s8], $0x0  }
0x24: {  	s3 =	sadd.s32 $0x88, s3;
	s6 =	simm.s32 @!p1 $0x1082;
	[sflag:s4] =	ssyncset.s32 $0xFFFFF086  }
0x25: {  	[simem:s6], [sflag:s4] =	dma.local [hbm:s3], $0xF7A  }
0x26: {  	[smem:$0x3F9B] =	sst s1;
	(tag) =	ssettag s2;
	_ =	strace s9  }
0x27: {  	s1 =	sld [smem:$0x3FAB]  }
0x28: {  	s2 =	sld [smem:$0x3FAC]  }
0x29: {  	s4 =	sld [smem:$0x3FAE]  }
0x2a: {  	p0 =	seq.s32 s5, $0x0;
	s5 =	sld [smem:$0x3FAF]  }
0x2b: {  	s6 =	sld [smem:$0x3FB0]  }
0x2c: {  	s7 =	sld [smem:$0x3FB1]  }
0x2d: {  	s3 =	simm.s32 $0x108;
	s8 =	sld [smem:$0x3FB2]  }
0x2e: {  	s3 =	simm.s32 @!p0 $0x1082;
	s9 =	sld [smem:$0x3FB3]  }
0x2f: {  	lr =	sadd.s32 s0, s3;
	s0 =	sld [smem:$0x3FAA]  }
0x30: {  	s3 =	sld [smem:$0x3FAD]  }
0x31: {  	[smem:$0x3FB6] =	sst s10  }
0x32: {  	s10 =	sld [smem:$0x3FB4];
	_ =	sdelay $0x3  }
0x33: {  	p0 =	seq.s32 s10, $0x1;
	s10 =	sld [smem:$0x3FB6];
	_ =	sdelay $0x3  }
0x34: {  	[smem:$0x3FB6] =	sst s10  }
0x35: {  	s10 =	sld [smem:$0x3FB5];
	_ =	sdelay $0x3  }
0x36: {  	p1 =	seq.s32 s10, $0x1;
	s10 =	sld [smem:$0x3FB6];
	_ =	sdelay $0x3  }
0x37: {  	[smem:$0x3FB6] =	sst s10  }
0x38: {  	s10 =	sld [smem:$0x3FB7]  }
0x39: {  	_ = 	snop;
	(pc) =	sbr.ind lr, $3  }
0x3a: {  	_ = 	snop  }
0x3b: {  	_ = 	snop  }
0x3c: {  	p2 =	seq.s32 s10, $0x1;
	s10 =	sld [smem:$0x3FB6]  }
0x3d: {  	_ =	shalt  }
0x3e: {  	_ =	shalt  }
0x3f: {  	_ =	shalt  }
0x40: {  	_ =	shalt  }
0x41: {  	_ =	shalt  }
0x42: {  	_ =	shalt  }
0x43: {  	_ =	shalt  }
0x44: {  	_ =	shalt  }
0x45: {  	_ =	shalt  }
0x46: {  	_ =	shalt  }
0x47: {  	_ =	shalt  }
0x48: {  	_ =	shalt  }
0x49: {  	_ =	shalt  }
0x4a: {  	_ =	shalt  }
0x4b: {  	_ =	shalt  }
0x4c: {  	_ =	shalt  }
0x4d: {  	_ =	shalt  }
0x4e: {  	_ =	shalt  }
0x4f: {  	_ =	shalt  }
0x50: {  	_ =	shalt  }
0x51: {  	_ =	shalt  }
0x52: {  	_ =	shalt  }
0x53: {  	_ =	shalt  }
0x54: {  	_ =	shalt  }
0x55: {  	_ =	shalt  }
0x56: {  	_ =	shalt  }
0x57: {  	_ =	shalt  }
0x58: {  	_ =	shalt  }
0x59: {  	_ =	shalt  }
0x5a: {  	_ =	shalt  }
0x5b: {  	_ =	shalt  }
0x5c: {  	_ =	shalt  }
0x5d: {  	_ =	shalt  }
0x5e: {  	_ =	shalt  }
0x5f: {  	_ =	shalt  }
0x60: {  	_ =	shalt  }
0x61: {  	_ =	shalt  }
0x62: {  	_ =	shalt  }
0x63: {  	_ =	shalt  }
0x64: {  	_ =	shalt  }
0x65: {  	_ =	shalt  }
0x66: {  	_ =	shalt  }
0x67: {  	_ =	shalt  }
0x68: {  	_ =	shalt  }
0x69: {  	_ =	shalt  }
0x6a: {  	_ =	shalt  }
0x6b: {  	_ =	shalt  }
0x6c: {  	_ =	shalt  }
0x6d: {  	_ =	shalt  }
0x6e: {  	_ =	shalt  }
0x6f: {  	_ =	shalt  }
0x70: {  	_ =	shalt  }
0x71: {  	_ =	shalt  }
0x72: {  	_ =	shalt  }
0x73: {  	_ =	shalt  }
0x74: {  	_ =	shalt  }
0x75: {  	_ =	shalt  }
0x76: {  	_ =	shalt  }
0x77: {  	_ =	shalt  }
0x78: {  	_ =	shalt  }
0x79: {  	_ =	shalt  }
0x7a: {  	_ =	shalt  }
0x7b: {  	_ =	shalt  }
0x7c: {  	_ =	shalt  }
0x7d: {  	_ =	shalt  }
0x7e: {  	_ =	shalt  }
0x7f: {  	_ =	shalt  }
0x80: {  	_ =	shalt  }
0x81: {  	_ =	shalt  }
0x82: {  	_ =	shalt  }
0x83: {  	_ =	shalt  }
0x84: {  	_ =	shalt  }
0x85: {  	_ =	shalt  }
0x86: {  	_ =	shalt  }
0x87: {  	_ =	shalt  }
.Lfunc_end0:
.L_simem_size_0:
called_computation_lowered:
.L_overlay_start_0:
0x88: {  	s2 =	sld [smem:$0x3FD9]  }
0x89: {  	s3 =	sld [smem:$0x3FFE];
	_ =	sdelay $0x1  }
0x8a: {  	s1 =	srdreg.scid  }
0x8b: {  	s0 =	sand.u32 $0x1, s1  }
0x8c: {  	s17 =	sshll.u32 s0, $0xA;
	s2 =	sadd.s32 s3, s2  }
0x8d: {  	s2 =	sadd.s32 s2, s17  }
0x8e: {  	[smem:$0x3FC2] =	sst s2  }
0x8f: {  	_ = 	snop  }
0x90: {  	s2 =	sld [smem:$0x3FC8];
	(tm) =	ssettm $0x1  }
0x91: {  	s18 =	sld [smem:$0x3FFB];
	_ =	sdelay $0x3  }
0x92: {  	_ =	strace s18  }
0x93: {  	s3 =	sld [smem:$0x3FFC];
	_ =	sdelay $0x3  }
0x94: {  	_ =	strace s3  }
0x95: {  	s3 =	sld [smem:$0x3FFD];
	_ =	sdelay $0x3  }
0x96: {  	_ =	strace s3  }
0x97: {  	_ =	strace $0x8FFFFFFF  }
0x98: {  	s19 =	sld [smem:$0x3FDB];
	_ =	sdelay $0x1  }
0x99: {  	s4 =	simm.s32 $_scs_section_size  }
0x9a: {  	s5 =	simm.s32 $_size__tile_overlayer_lowered;
	s6 =	simm.s32 $_tile_overlayer_lowered  }
0x9b: {  	s22 =	simm.s32 $0x1BFF;
	s21 =	sshll.u32 s6, $0x1;
	s3 =	sadd.s32 s4, s19  }
0x9c: {  	s7 =	simm.s32 $0x0;
	s20 =	sshll.u32 s5, $0x1;
	s5 =	sadd.s32 s21, s3  }
0x9d: {  	[timem:s7], [sflag:s22] =	dma.local [hbm:s5], s20  }
0x9e: {  	_ =	swait.ge [sflag:s22], s20  }
0x9f: {  	s4 =	ssub.s32 $0x0, s20;
	[sflag:s22] =	ssyncset.done $0x0  }
0xa0: {  	[sflag:s22] =	ssyncadd.s32 s4;
	_ =	sdelay $0x1  }
0xa1: {  	s23 =	simm.s32 $0x1B8B  }
0xa2: {  	_ =	swait.ge [sflag:s23], $0x1  }
0xa3: {  	[sflag:s23] =	ssyncset.done $0x0  }
0xa4: {  	s25 =	simm.s32 $0x1B8E;
	s24 =	sld [smem:$0x3FFE];
	[sflag:s23] =	ssyncadd.s32 $0xFFFFFFFF  }
0xa5: {  	s26 =	simm.s32 $execute0_lowered;
	[smem:$0x3FD2] =	sst s25  }
0xa6: {  	s5 =	sshll.u32 s26, $0x1;
	_ =	strace $0x80000046;
	[dreg:$0x1] =	wrdreg $0xFFFFFFFF  }
0xa7: {  	s28 =	simm.s32 $_size_execute0_lowered;
	s3 =	sadd.s32 s3, s5;
	[dreg:$0x0] =	wrdreg $0x0  }
0xa8: {  	s5 =	sshll.u32 s28, $0x1;
	[dreg:$0x2] =	wrdreg s3  }
0xa9: {  	[dreg:$0x3] =	wrdreg s5  }
0xaa: {  	[dreg:$0x4] =	wrdreg $0xC0  }
0xab: {  	_ =	task [dreg:s7], $0x5FFFF  }
0xac: {  	[dreg:$0x1] =	wrdreg $0xFFFFFFFF  }
0xad: {  	[dreg:$0x0] =	wrdreg $0x60  }
0xae: {  	[dreg:$0x2] =	wrdreg s24  }
0xaf: {  	[dreg:$0x3] =	wrdreg s2  }
0xb0: {  	[dreg:$0x4] =	wrdreg $0xB8000  }
0xb1: {  	[dreg:$0x5] =	wrdreg $0x9  }
0xb2: {  	_ =	task.clear_ibuf [dreg:s7], $0x6FFFF;
	_ =	strace $0x90000046  }
0xb3: {  	s29 =	simm.s32 $0x9;
	_ =	strace $0x80000048  }
0xb4: {  	_ =	swait.ge [sflag:s29], $0x1  }
0xb5: {  	[sflag:s29] =	ssyncadd.s32 $0xFFFFFFFF  }
0xb6: {  	_ =	strace $0x90000048  }
0xb7: {  	_ =	sfence  }
0xb8: {  	s30 =	sld [smem:$0x0];
	_ =	sdelay $0x2  }
0xb9: {  	s31 =	sshll.u32 s1, $0xD;
	s1 =	sshrl.u32 s1, $0x2  }
0xba: {  	s3 =	sand.u32 $0x4000, s31;
	s1 =	sadd.s32 s1, s30  }
0xbb: {  	s0 =	sor.u32 s3, s0;
	s1 =	sshll.u32 s1, $0x11  }
0xbc: {  	s0 =	sor.u32 s1, s0  }
0xbd: {  	s0 =	sadd.s32 $0x8F2B, s0  }
0xbe: {  	[sflag:s0] =	ssyncadd.remote.s32 $0x1  }
0xbf: {  	_ =	sfence.sel $0xFFFF  }
0xc0: {  	[dreg:$0x0] =	wrdreg $0xFFFFFFFF;
	(pc) =	sbr.abs _section_cstart, $3  }
0xc1: {  	[dreg:$0x1] =	wrdreg $0xFFFFFFFF  }
0xc2: {  	_ =	task.clear_ibuf [dreg:s7], $0x2FFFF;
	_ =	strace $0x9FFFFFFF  }
0xc3: {  	(tm) =	ssettm $0x7FFFFFFF  }
tec
execute0_lowered:
.L_overlay_start_1:
0x0: {  	(tag) =	ssettag $0x1  }
0x1: {  	s0 =	srdreg.scid  }
0x2: {  	s8 =	stileid.u32;
	s1 =	rddreg [dreg:$0x0]  }
0x3: {  	s2 =	rddreg [dreg:$0x1];
	s7 =	smul.u32 $0x14000, s8  }
0x4: {  	s0 =	sand.u32 $0x1, s0;
	s3 =	sshll.u32 s8, $0x1;
	s8 =	smul.u32 $0x50000, s8  }
0x5: {  	s29 =	simm.s32 $0x7;
	s4 =	sor.u32 s0, s3;
	s3 =	rddreg [dreg:$0x2]  }
0x6: {  	s5 =	smul.u32 $0x5000, s4;
	s4 =	simm.s32 $0x0;
	s8 =	sshrl.u32 s8, $0x2  }
0x7: {  	s28 =	simm.s32 $0x2080;
	[smem:$0x7FF] =	sst s4;
	s10 =	sadd.s32 s8, s3  }
0x8: {  	_ =	strace $0x80000047;
	s11 =	sadd.s32 $0x2800, s10;
	[dreg:$0x17] =	wrdreg s10  }
0x9: {  	s6 =	smul.u32 $0x140000, s0;
	s12 =	sadd.s32 $0x5000, s10;
	[dreg:$0x4] =	wrdreg s11  }
0xa: {  	s0 =	ssub.s32 $0x2, s0;
	s13 =	sadd.s32 $0x7800, s10;
	[dreg:$0x5] =	wrdreg s12  }
0xb: {  	s6 =	sadd.s32 s7, s6;
	s14 =	sadd.s32 $0xA000, s10;
	[dreg:$0x6] =	wrdreg s13  }
0xc: {  	s7 =	sshrl.u32 s0, $0x1;
	s15 =	sadd.s32 $0xC800, s10;
	[dreg:$0x7] =	wrdreg s14  }
0xd: {  	s5 =	sshrl.u32 s5, $0x3;
	s16 =	sadd.s32 $0xF000, s10;
	[dreg:$0x8] =	wrdreg s15  }
0xe: {  	s0 =	ssub.s32 s0, s7;
	s17 =	sadd.s32 $0x11800, s10;
	[dreg:$0x9] =	wrdreg s16  }
0xf: {  	s9 =	sadd.s32 s5, s1;
	[dreg:$0xa] =	wrdreg s17;
	s0 =	smax.u32 s0, $0x1  }
0x10: {  	s30 =	simm.s32 $0x3180;
	s18 =	sadd.s32 $0x1600, s9;
	[dreg:$0x16] =	wrdreg s0  }
0x11: {  	s8 =	simm.s32 $0x0;
	s19 =	sadd.s32 $0x15600, s9;
	[dreg:$0xb] =	wrdreg s18  }
0x12: {  	s7 =	simm.s32 $0x1;
	s20 =	sadd.s32 $0x1800, s9;
	[dreg:$0xc] =	wrdreg s19  }
0x13: {  	s10 =	simm.s32 $0x2;
	s21 =	sadd.s32 $0x15800, s9;
	[dreg:$0xd] =	wrdreg s20  }
0x14: {  	s5 =	sshrl.u32 s6, $0x3;
	s22 =	sadd.s32 $0x1A00, s9;
	[dreg:$0xe] =	wrdreg s21  }
0x15: {  	s6 =	simm.s32 $0x6800;
	s23 =	sadd.s32 $0x15A00, s9;
	[dreg:$0xf] =	wrdreg s22  }
0x16: {  	s12 =	simm.s32 $0x4;
	s24 =	sadd.s32 $0x1C00, s9;
	[dreg:$0x10] =	wrdreg s23  }
0x17: {  	s14 =	simm.s32 $0x3;
	s25 =	sadd.s32 $0x15C00, s9;
	[dreg:$0x11] =	wrdreg s24  }
0x18: {  	s16 =	simm.s32 $0x5;
	s26 =	sadd.s32 $0x1E00, s9;
	[dreg:$0x12] =	wrdreg s25  }
0x19: {  	s17 =	simm.s32 $0x2280;
	s31 =	sadd.s32 $0x15E00, s9;
	[dreg:$0x13] =	wrdreg s26  }
0x1a: {  	s1 =	sadd.s32 s5, s1;
	s9 =	simm.s32 $0x9000;
	[dreg:$0x14] =	wrdreg s31  }
0x1b: {  	s1 =	sadd.s32 $0x29600, s1;
	s25 =	simm.s32 $0x4000;
	s26 =	simm.s32 $0x9  }
0x1c: {  	s19 =	simm.s32 $0x6;
	s23 =	simm.s32 $0x8;
	s18 =	simm.s32 $0x2100  }
0x1d: {  	s20 =	simm.s32 $0x3080;
	s21 =	simm.s32 $0x2180;
	s22 =	simm.s32 $0x3100  }
0x1e: {  	v0 =	vimm.f32 $0.0e+00;
	s24 =	simm.s32 $0x2200;
	[dreg:$0x15] =	wrdreg s1;
	s1 =	simm.s32 $0x50  }
.LBB2_1:
0x1f: {  	s11 =	simm.s32 $0x70;
	s13 =	simm.s32 $0x3C0  }
.LBB2_2:
0x20: {  	p0 =	sne.s32 s13, $0x9FC0;
	[tilespmem:s11+$0x4000] =	vst v0  }
0x21: {  	[tilespmem:s11+$0x3F90] =	vst v0  }
0x22: {  	[tilespmem:s11+$0x3FA0] =	vst v0  }
.Ltmp0:
0x23: {  	[tilespmem:s11+$0x3FB0] =	vst v0;
	(pc) =	sbr.rel @p0 .LBB2_2-.Ltmp0, $4  }
0x24: {  	[tilespmem:s11+$0x3FC0] =	vst v0  }
0x25: {  	[tilespmem:s11+$0x3FD0] =	vst v0  }
0x26: {  	[tilespmem:s11+$0x3FE0] =	vst v0  }
0x27: {  	[tilespmem:s11+$0x3FF0] =	vst v0;
	s11 =	sshra.s32 s13, $0x2;
	s13 =	sadd.s32 $0x200, s13  }
0x28: {  	[tilespmem:s11+$0x4000] =	vst v0  }
0x29: {  	[tilespmem:s11+$0x3F90] =	vst v0  }
0x2a: {  	[tilespmem:s11+$0x3FA0] =	vst v0  }
0x2b: {  	[tilespmem:s11+$0x3FB0] =	vst v0  }
0x2c: {  	[tilespmem:s11+$0x3FC0] =	vst v0  }
0x2d: {  	[tilespmem:s11+$0x3FD0] =	vst v0  }
0x2e: {  	[tilespmem:s11+$0x3FE0] =	vst v0  }
0x2f: {  	[tilespmem:s11+$0x3FF0] =	vst v0;
	s0 =	rddreg [dreg:$0x17]  }
0x30: {  	[spmem:s0] =	stream.linear.scatter [tilespmem:s25], [sflag:$0x9], $0x2800, $0x38;
	[tilespmem:$0x1F800] =	vst v63  }
0x31: {  	_ =	swait.ge [sflag:s26], $0x2800  }
0x32: {  	[sflag:s26] =	ssyncset.done $0x0  }
0x33: {  	s15 =	rddreg [dreg:$0x4];
	[sflag:s26] =	ssyncadd.s32 $0xFFFFD800  }
0x34: {  	[spmem:s15] =	stream.linear.scatter [tilespmem:s25], [sflag:$0x9], $0x2800, $0x38;
	[tilespmem:$0x1F800] =	vst v63  }
0x35: {  	_ =	swait.ge [sflag:s26], $0x2800  }
0x36: {  	[sflag:s26] =	ssyncset.done $0x0  }
0x37: {  	s31 =	rddreg [dreg:$0x5];
	[sflag:s26] =	ssyncadd.s32 $0xFFFFD800  }
0x38: {  	[spmem:s31] =	stream.linear.scatter [tilespmem:s25], [sflag:$0x9], $0x2800, $0x38;
	[tilespmem:$0x1F800] =	vst v63  }
0x39: {  	_ =	swait.ge [sflag:s26], $0x2800  }
0x3a: {  	[sflag:s26] =	ssyncset.done $0x0  }
0x3b: {  	s0 =	rddreg [dreg:$0x6];
	[sflag:s26] =	ssyncadd.s32 $0xFFFFD800  }
0x3c: {  	[spmem:s0] =	stream.linear.scatter [tilespmem:s25], [sflag:$0x9], $0x2800, $0x38;
	[tilespmem:$0x1F800] =	vst v63  }
0x3d: {  	_ =	swait.ge [sflag:s26], $0x2800  }
0x3e: {  	[sflag:s26] =	ssyncset.done $0x0  }
0x3f: {  	s5 =	rddreg [dreg:$0x7];
	[sflag:s26] =	ssyncadd.s32 $0xFFFFD800  }
0x40: {  	[spmem:s5] =	stream.linear.scatter [tilespmem:s25], [sflag:$0x9], $0x2800, $0x38;
	[tilespmem:$0x1F800] =	vst v63  }
0x41: {  	_ =	swait.ge [sflag:s26], $0x2800  }
0x42: {  	[sflag:s26] =	ssyncset.done $0x0  }
0x43: {  	s13 =	rddreg [dreg:$0x8];
	[sflag:s26] =	ssyncadd.s32 $0xFFFFD800  }
0x44: {  	[spmem:s13] =	stream.linear.scatter [tilespmem:s25], [sflag:$0x9], $0x2800, $0x38;
	[tilespmem:$0x1F800] =	vst v63  }
0x45: {  	_ =	swait.ge [sflag:s26], $0x2800  }
0x46: {  	[sflag:s26] =	ssyncset.done $0x0  }
0x47: {  	s15 =	rddreg [dreg:$0x9];
	[sflag:s26] =	ssyncadd.s32 $0xFFFFD800  }
0x48: {  	[spmem:s15] =	stream.linear.scatter [tilespmem:s25], [sflag:$0x9], $0x2800, $0x38;
	[tilespmem:$0x1F800] =	vst v63  }
0x49: {  	_ =	swait.ge [sflag:s26], $0x2800  }
0x4a: {  	[sflag:s26] =	ssyncset.done $0x0  }
0x4b: {  	s31 =	rddreg [dreg:$0xa];
	[sflag:s26] =	ssyncadd.s32 $0xFFFFD800  }
0x4c: {  	[spmem:s31] =	stream.linear.scatter [tilespmem:s25], [sflag:$0x9], $0x2800, $0x38;
	[tilespmem:$0x1F800] =	vst v63  }
0x4d: {  	_ =	swait.ge [sflag:s26], $0x2800  }
0x4e: {  	[sflag:s26] =	ssyncset.done $0x0  }
0x4f: {  	[sflag:s26] =	ssyncadd.s32 $0xFFFFD800  }
0x50: {  	[bflag:$0x0] =	sbarrier.arrive $0xFFFF  }
0x51: {  	s0 =	rddreg [dreg:$0xb]  }
0x52: {  	[tilespmem:s4], [sflag:$0x7] =	stream.linear.gather [hbm4b:s0+s4], $0xC80, $0x38;
	[tilespmem:$0x1F800] =	vst v63  }
0x53: {  	s5 =	rddreg [dreg:$0xc];
	s0 =	simm.s32 $0x1000  }
0x54: {  	[tilespmem:s0], [sflag:$0x7] =	stream.linear.gather [hbm4b:s5+s4], $0xC80, $0x38;
	[tilespmem:$0x1F800] =	vst v63  }
0x55: {  	_ =	swait.ge [sflag:s29], $0xC80  }
0x56: {  	[sflag:s29] =	ssyncset.done $0x0  }
0x57: {  	[sflag:s29] =	ssyncadd.s32 $0xFFFFF380  }
0x58: {  	_ =	swait.ge [sflag:s29], $0xC80  }
0x59: {  	[sflag:s29] =	ssyncset.done $0x0  }
0x5a: {  	s31 =	simm.s32 $0x2000;
	s13 =	rddreg [dreg:$0xd];
	[sflag:s29] =	ssyncadd.s32 $0xFFFFF380  }
0x5b: {  	[tilespmem:s31], [sflag:$0x8] =	stream.linear.gather [hbm4b:s13+s4], $0xC80, $0x38;
	[tilespmem:$0x1F800] =	vst v63  }
0x5c: {  	s5 =	simm.s32 $0x3000;
	s15 =	rddreg [dreg:$0xe]  }
0x5d: {  	[tilespmem:s5], [sflag:$0x8] =	stream.linear.gather [hbm4b:s15+s4], $0xC80, $0x38;
	[tilespmem:$0x1F800] =	vst v63  }
0x5e: {  	_ = 	snop  }
0x5f: {  	[tilespmem:s25], [sflag:$0x1] =	stream.indirect.gather [hbm4b:s2+s1], $0x80, s4, s1, $0xb8;
	[tilespmem:$0x1F800] =	vst v63  }
0x60: {  	s13 =	simm.s32 $0x80  }
0x61: {  	[tilespmem:s6], [sflag:$0x2] =	stream.indirect.gather [hbm4b:s2+s1], $0x80, s13, s1, $0xb8;
	[tilespmem:$0x1F800] =	vst v63  }
0x62: {  	_ =	swait.ge [sflag:s7], $0x2800  }
0x63: {  	[sflag:s7] =	ssyncset.done $0x0  }
0x64: {  	[sflag:s7] =	ssyncadd.s32 $0xFFFFD800  }
0x65: {  	[spmem:s3] =	stream.indirect.scatter.add.f32 [tilespmem:s25], [sflag:$0x4], $0x80, s0, s1, $0xb8;
	[tilespmem:$0x1F800] =	vst v63  }
0x66: {  	s15 =	simm.s32 $0x100  }
0x67: {  	[tilespmem:s9], [sflag:$0x3] =	stream.indirect.gather [hbm4b:s2+s1], $0x80, s15, s1, $0xb8;
	[tilespmem:$0x1F800] =	vst v63  }
0x68: {  	_ =	swait.ge [sflag:s10], $0x2800  }
0x69: {  	[sflag:s10] =	ssyncset.done $0x0  }
0x6a: {  	s13 =	simm.s32 $0x1080;
	[sflag:s10] =	ssyncadd.s32 $0xFFFFD800  }
0x6b: {  	[spmem:s3] =	stream.indirect.scatter.add.f32 [tilespmem:s6], [sflag:$0x5], $0x80, s13, s1, $0xb8;
	[tilespmem:$0x1F800] =	vst v63  }
0x6c: {  	_ =	swait.ge [sflag:s12], $0x2800  }
0x6d: {  	[sflag:s12] =	ssyncset.done $0x0  }
0x6e: {  	s15 =	simm.s32 $0x180;
	[sflag:s12] =	ssyncadd.s32 $0xFFFFD800  }
0x6f: {  	[tilespmem:s25], [sflag:$0x1] =	stream.indirect.gather [hbm4b:s2+s1], $0x80, s15, s1, $0xb8;
	[tilespmem:$0x1F800] =	vst v63  }
0x70: {  	_ =	swait.ge [sflag:s14], $0x2800  }
0x71: {  	[sflag:s14] =	ssyncset.done $0x0  }
0x72: {  	s13 =	simm.s32 $0x1100;
	[sflag:s14] =	ssyncadd.s32 $0xFFFFD800  }
0x73: {  	[spmem:s3] =	stream.indirect.scatter.add.f32 [tilespmem:s9], [sflag:$0x6], $0x80, s13, s1, $0xb8;
	[tilespmem:$0x1F800] =	vst v63  }
0x74: {  	_ =	swait.ge [sflag:s16], $0x2800  }
0x75: {  	[sflag:s16] =	ssyncset.done $0x0  }
0x76: {  	s15 =	simm.s32 $0x200;
	[sflag:s16] =	ssyncadd.s32 $0xFFFFD800  }
0x77: {  	[tilespmem:s6], [sflag:$0x2] =	stream.indirect.gather [hbm4b:s2+s1], $0x80, s15, s1, $0xb8;
	[tilespmem:$0x1F800] =	vst v63  }
0x78: {  	_ =	swait.ge [sflag:s7], $0x2800  }
0x79: {  	[sflag:s7] =	ssyncset.done $0x0  }
0x7a: {  	s13 =	simm.s32 $0x1180;
	[sflag:s7] =	ssyncadd.s32 $0xFFFFD800  }
0x7b: {  	[spmem:s3] =	stream.indirect.scatter.add.f32 [tilespmem:s25], [sflag:$0x4], $0x80, s13, s1, $0xb8;
	[tilespmem:$0x1F800] =	vst v63  }
0x7c: {  	_ =	swait.ge [sflag:s19], $0x2800  }
0x7d: {  	[sflag:s19] =	ssyncset.done $0x0  }
0x7e: {  	s15 =	simm.s32 $0x280;
	[sflag:s19] =	ssyncadd.s32 $0xFFFFD800  }
0x7f: {  	[tilespmem:s9], [sflag:$0x3] =	stream.indirect.gather [hbm4b:s2+s1], $0x80, s15, s1, $0xb8;
	[tilespmem:$0x1F800] =	vst v63  }
0x80: {  	_ =	swait.ge [sflag:s10], $0x2800  }
0x81: {  	[sflag:s10] =	ssyncset.done $0x0  }
0x82: {  	s13 =	simm.s32 $0x1200;
	[sflag:s10] =	ssyncadd.s32 $0xFFFFD800  }
0x83: {  	[spmem:s3] =	stream.indirect.scatter.add.f32 [tilespmem:s6], [sflag:$0x5], $0x80, s13, s1, $0xb8;
	[tilespmem:$0x1F800] =	vst v63  }
0x84: {  	_ =	swait.ge [sflag:s12], $0x2800  }
0x85: {  	[sflag:s12] =	ssyncset.done $0x0  }
0x86: {  	s15 =	simm.s32 $0x300;
	[sflag:s12] =	ssyncadd.s32 $0xFFFFD800  }
0x87: {  	[tilespmem:s25], [sflag:$0x1] =	stream.indirect.gather [hbm4b:s2+s1], $0x80, s15, s1, $0xb8;
	[tilespmem:$0x1F800] =	vst v63  }
0x88: {  	_ =	swait.ge [sflag:s14], $0x2800  }
0x89: {  	[sflag:s14] =	ssyncset.done $0x0  }
0x8a: {  	s13 =	simm.s32 $0x1280;
	[sflag:s14] =	ssyncadd.s32 $0xFFFFD800  }
0x8b: {  	[spmem:s3] =	stream.indirect.scatter.add.f32 [tilespmem:s9], [sflag:$0x6], $0x80, s13, s1, $0xb8;
	[tilespmem:$0x1F800] =	vst v63  }
0x8c: {  	_ =	swait.ge [sflag:s16], $0x2800  }
0x8d: {  	[sflag:s16] =	ssyncset.done $0x0  }
0x8e: {  	s15 =	simm.s32 $0x380;
	[sflag:s16] =	ssyncadd.s32 $0xFFFFD800  }
0x8f: {  	[tilespmem:s6], [sflag:$0x2] =	stream.indirect.gather [hbm4b:s2+s1], $0x80, s15, s1, $0xb8;
	[tilespmem:$0x1F800] =	vst v63  }
0x90: {  	_ =	swait.ge [sflag:s7], $0x2800  }
0x91: {  	[sflag:s7] =	ssyncset.done $0x0  }
0x92: {  	s13 =	simm.s32 $0x1300;
	[sflag:s7] =	ssyncadd.s32 $0xFFFFD800  }
0x93: {  	[spmem:s3] =	stream.indirect.scatter.add.f32 [tilespmem:s25], [sflag:$0x4], $0x80, s13, s1, $0xb8;
	[tilespmem:$0x1F800] =	vst v63  }
0x94: {  	_ =	swait.ge [sflag:s19], $0x2800  }
0x95: {  	[sflag:s19] =	ssyncset.done $0x0  }
0x96: {  	s15 =	simm.s32 $0x400;
	[sflag:s19] =	ssyncadd.s32 $0xFFFFD800  }
0x97: {  	[tilespmem:s9], [sflag:$0x3] =	stream.indirect.gather [hbm4b:s2+s1], $0x80, s15, s1, $0xb8;
	[tilespmem:$0x1F800] =	vst v63  }
0x98: {  	_ =	swait.ge [sflag:s10], $0x2800  }
0x99: {  	[sflag:s10] =	ssyncset.done $0x0  }
0x9a: {  	s13 =	simm.s32 $0x1380;
	[sflag:s10] =	ssyncadd.s32 $0xFFFFD800  }
0x9b: {  	[spmem:s3] =	stream.indirect.scatter.add.f32 [tilespmem:s6], [sflag:$0x5], $0x80, s13, s1, $0xb8;
	[tilespmem:$0x1F800] =	vst v63  }
0x9c: {  	_ =	swait.ge [sflag:s12], $0x2800  }
0x9d: {  	[sflag:s12] =	ssyncset.done $0x0  }
0x9e: {  	s15 =	simm.s32 $0x480;
	[sflag:s12] =	ssyncadd.s32 $0xFFFFD800  }
0x9f: {  	[tilespmem:s25], [sflag:$0x1] =	stream.indirect.gather [hbm4b:s2+s1], $0x80, s15, s1, $0xb8;
	[tilespmem:$0x1F800] =	vst v63  }
0xa0: {  	_ =	swait.ge [sflag:s14], $0x2800  }
0xa1: {  	[sflag:s14] =	ssyncset.done $0x0  }
0xa2: {  	s13 =	simm.s32 $0x1400;
	[sflag:s14] =	ssyncadd.s32 $0xFFFFD800  }
0xa3: {  	[spmem:s3] =	stream.indirect.scatter.add.f32 [tilespmem:s9], [sflag:$0x6], $0x80, s13, s1, $0xb8;
	[tilespmem:$0x1F800] =	vst v63  }
0xa4: {  	_ =	swait.ge [sflag:s16], $0x2800  }
0xa5: {  	[sflag:s16] =	ssyncset.done $0x0  }
0xa6: {  	s15 =	simm.s32 $0x500;
	[sflag:s16] =	ssyncadd.s32 $0xFFFFD800  }
0xa7: {  	[tilespmem:s6], [sflag:$0x2] =	stream.indirect.gather [hbm4b:s2+s1], $0x80, s15, s1, $0xb8;
	[tilespmem:$0x1F800] =	vst v63  }
0xa8: {  	_ =	swait.ge [sflag:s7], $0x2800  }
0xa9: {  	[sflag:s7] =	ssyncset.done $0x0  }
0xaa: {  	s13 =	simm.s32 $0x1480;
	[sflag:s7] =	ssyncadd.s32 $0xFFFFD800  }
0xab: {  	[spmem:s3] =	stream.indirect.scatter.add.f32 [tilespmem:s25], [sflag:$0x4], $0x80, s13, s1, $0xb8;
	[tilespmem:$0x1F800] =	vst v63  }
0xac: {  	_ =	swait.ge [sflag:s19], $0x2800  }
0xad: {  	[sflag:s19] =	ssyncset.done $0x0  }
0xae: {  	s15 =	simm.s32 $0x580;
	[sflag:s19] =	ssyncadd.s32 $0xFFFFD800  }
0xaf: {  	[tilespmem:s9], [sflag:$0x3] =	stream.indirect.gather [hbm4b:s2+s1], $0x80, s15, s1, $0xb8;
	[tilespmem:$0x1F800] =	vst v63  }
0xb0: {  	_ =	swait.ge [sflag:s10], $0x2800  }
0xb1: {  	[sflag:s10] =	ssyncset.done $0x0  }
0xb2: {  	s13 =	simm.s32 $0x1500;
	[sflag:s10] =	ssyncadd.s32 $0xFFFFD800  }
0xb3: {  	[spmem:s3] =	stream.indirect.scatter.add.f32 [tilespmem:s6], [sflag:$0x5], $0x80, s13, s1, $0xb8;
	[tilespmem:$0x1F800] =	vst v63  }
0xb4: {  	_ =	swait.ge [sflag:s12], $0x2800  }
0xb5: {  	[sflag:s12] =	ssyncset.done $0x0  }
0xb6: {  	s15 =	simm.s32 $0x600;
	[sflag:s12] =	ssyncadd.s32 $0xFFFFD800  }
0xb7: {  	[tilespmem:s25], [sflag:$0x1] =	stream.indirect.gather [hbm4b:s2+s1], $0x80, s15, s1, $0xb8;
	[tilespmem:$0x1F800] =	vst v63  }
0xb8: {  	_ =	swait.ge [sflag:s14], $0x2800  }
0xb9: {  	[sflag:s14] =	ssyncset.done $0x0  }
0xba: {  	s13 =	simm.s32 $0x1580;
	[sflag:s14] =	ssyncadd.s32 $0xFFFFD800  }
0xbb: {  	[spmem:s3] =	stream.indirect.scatter.add.f32 [tilespmem:s9], [sflag:$0x6], $0x80, s13, s1, $0xb8;
	[tilespmem:$0x1F800] =	vst v63  }
0xbc: {  	_ =	swait.ge [sflag:s16], $0x2800  }
0xbd: {  	[sflag:s16] =	ssyncset.done $0x0  }
0xbe: {  	s15 =	simm.s32 $0x680;
	[sflag:s16] =	ssyncadd.s32 $0xFFFFD800  }
0xbf: {  	[tilespmem:s6], [sflag:$0x2] =	stream.indirect.gather [hbm4b:s2+s1], $0x80, s15, s1, $0xb8;
	[tilespmem:$0x1F800] =	vst v63  }
0xc0: {  	_ =	swait.ge [sflag:s7], $0x2800  }
0xc1: {  	[sflag:s7] =	ssyncset.done $0x0  }
0xc2: {  	s13 =	simm.s32 $0x1600;
	[sflag:s7] =	ssyncadd.s32 $0xFFFFD800  }
0xc3: {  	[spmem:s3] =	stream.indirect.scatter.add.f32 [tilespmem:s25], [sflag:$0x4], $0x80, s13, s1, $0xb8;
	[tilespmem:$0x1F800] =	vst v63  }
0xc4: {  	_ =	swait.ge [sflag:s19], $0x2800  }
0xc5: {  	[sflag:s19] =	ssyncset.done $0x0  }
0xc6: {  	s15 =	simm.s32 $0x700;
	[sflag:s19] =	ssyncadd.s32 $0xFFFFD800  }
0xc7: {  	[tilespmem:s9], [sflag:$0x3] =	stream.indirect.gather [hbm4b:s2+s1], $0x80, s15, s1, $0xb8;
	[tilespmem:$0x1F800] =	vst v63  }
0xc8: {  	_ =	swait.ge [sflag:s10], $0x2800  }
0xc9: {  	[sflag:s10] =	ssyncset.done $0x0  }
0xca: {  	s13 =	simm.s32 $0x1680;
	[sflag:s10] =	ssyncadd.s32 $0xFFFFD800  }
0xcb: {  	[spmem:s3] =	stream.indirect.scatter.add.f32 [tilespmem:s6], [sflag:$0x5], $0x80, s13, s1, $0xb8;
	[tilespmem:$0x1F800] =	vst v63  }
0xcc: {  	_ =	swait.ge [sflag:s12], $0x2800  }
0xcd: {  	[sflag:s12] =	ssyncset.done $0x0  }
0xce: {  	s15 =	simm.s32 $0x780;
	[sflag:s12] =	ssyncadd.s32 $0xFFFFD800  }
0xcf: {  	[tilespmem:s25], [sflag:$0x1] =	stream.indirect.gather [hbm4b:s2+s1], $0x80, s15, s1, $0xb8;
	[tilespmem:$0x1F800] =	vst v63  }
0xd0: {  	_ =	swait.ge [sflag:s14], $0x2800  }
0xd1: {  	[sflag:s14] =	ssyncset.done $0x0  }
0xd2: {  	s13 =	simm.s32 $0x1700;
	[sflag:s14] =	ssyncadd.s32 $0xFFFFD800  }
0xd3: {  	[spmem:s3] =	stream.indirect.scatter.add.f32 [tilespmem:s9], [sflag:$0x6], $0x80, s13, s1, $0xb8;
	[tilespmem:$0x1F800] =	vst v63  }
0xd4: {  	_ =	swait.ge [sflag:s16], $0x2800  }
0xd5: {  	[sflag:s16] =	ssyncset.done $0x0  }
0xd6: {  	s15 =	simm.s32 $0x800;
	[sflag:s16] =	ssyncadd.s32 $0xFFFFD800  }
0xd7: {  	[tilespmem:s6], [sflag:$0x2] =	stream.indirect.gather [hbm4b:s2+s1], $0x80, s15, s1, $0xb8;
	[tilespmem:$0x1F800] =	vst v63  }
0xd8: {  	_ =	swait.ge [sflag:s7], $0x2800  }
0xd9: {  	[sflag:s7] =	ssyncset.done $0x0  }
0xda: {  	s13 =	simm.s32 $0x1780;
	[sflag:s7] =	ssyncadd.s32 $0xFFFFD800  }
0xdb: {  	[spmem:s3] =	stream.indirect.scatter.add.f32 [tilespmem:s25], [sflag:$0x4], $0x80, s13, s1, $0xb8;
	[tilespmem:$0x1F800] =	vst v63  }
0xdc: {  	_ =	swait.ge [sflag:s19], $0x2800  }
0xdd: {  	[sflag:s19] =	ssyncset.done $0x0  }
0xde: {  	s15 =	simm.s32 $0x880;
	[sflag:s19] =	ssyncadd.s32 $0xFFFFD800  }
0xdf: {  	[tilespmem:s9], [sflag:$0x3] =	stream.indirect.gather [hbm4b:s2+s1], $0x80, s15, s1, $0xb8;
	[tilespmem:$0x1F800] =	vst v63  }
0xe0: {  	_ =	swait.ge [sflag:s10], $0x2800  }
0xe1: {  	[sflag:s10] =	ssyncset.done $0x0  }
0xe2: {  	s13 =	simm.s32 $0x1800;
	[sflag:s10] =	ssyncadd.s32 $0xFFFFD800  }
0xe3: {  	[spmem:s3] =	stream.indirect.scatter.add.f32 [tilespmem:s6], [sflag:$0x5], $0x80, s13, s1, $0xb8;
	[tilespmem:$0x1F800] =	vst v63  }
0xe4: {  	_ =	swait.ge [sflag:s12], $0x2800  }
0xe5: {  	[sflag:s12] =	ssyncset.done $0x0  }
0xe6: {  	s15 =	simm.s32 $0x900;
	[sflag:s12] =	ssyncadd.s32 $0xFFFFD800  }
0xe7: {  	[tilespmem:s25], [sflag:$0x1] =	stream.indirect.gather [hbm4b:s2+s1], $0x80, s15, s1, $0xb8;
	[tilespmem:$0x1F800] =	vst v63  }
0xe8: {  	_ =	swait.ge [sflag:s14], $0x2800  }
0xe9: {  	[sflag:s14] =	ssyncset.done $0x0  }
0xea: {  	s13 =	simm.s32 $0x1880;
	[sflag:s14] =	ssyncadd.s32 $0xFFFFD800  }
0xeb: {  	[spmem:s3] =	stream.indirect.scatter.add.f32 [tilespmem:s9], [sflag:$0x6], $0x80, s13, s1, $0xb8;
	[tilespmem:$0x1F800] =	vst v63  }
0xec: {  	_ =	swait.ge [sflag:s16], $0x2800  }
0xed: {  	[sflag:s16] =	ssyncset.done $0x0  }
0xee: {  	s15 =	simm.s32 $0x980;
	[sflag:s16] =	ssyncadd.s32 $0xFFFFD800  }
0xef: {  	[tilespmem:s6], [sflag:$0x2] =	stream.indirect.gather [hbm4b:s2+s1], $0x80, s15, s1, $0xb8;
	[tilespmem:$0x1F800] =	vst v63  }
0xf0: {  	_ =	swait.ge [sflag:s7], $0x2800  }
0xf1: {  	[sflag:s7] =	ssyncset.done $0x0  }
0xf2: {  	s13 =	simm.s32 $0x1900;
	[sflag:s7] =	ssyncadd.s32 $0xFFFFD800  }
0xf3: {  	[spmem:s3] =	stream.indirect.scatter.add.f32 [tilespmem:s25], [sflag:$0x4], $0x80, s13, s1, $0xb8;
	[tilespmem:$0x1F800] =	vst v63  }
0xf4: {  	_ =	swait.ge [sflag:s19], $0x2800  }
0xf5: {  	[sflag:s19] =	ssyncset.done $0x0  }
0xf6: {  	s15 =	simm.s32 $0xA00;
	[sflag:s19] =	ssyncadd.s32 $0xFFFFD800  }
0xf7: {  	[tilespmem:s9], [sflag:$0x3] =	stream.indirect.gather [hbm4b:s2+s1], $0x80, s15, s1, $0xb8;
	[tilespmem:$0x1F800] =	vst v63  }
0xf8: {  	_ =	swait.ge [sflag:s10], $0x2800  }
0xf9: {  	[sflag:s10] =	ssyncset.done $0x0  }
0xfa: {  	s13 =	simm.s32 $0x1980;
	[sflag:s10] =	ssyncadd.s32 $0xFFFFD800  }
0xfb: {  	[spmem:s3] =	stream.indirect.scatter.add.f32 [tilespmem:s6], [sflag:$0x5], $0x80, s13, s1, $0xb8;
	[tilespmem:$0x1F800] =	vst v63  }
0xfc: {  	_ =	swait.ge [sflag:s12], $0x2800  }
0xfd: {  	[sflag:s12] =	ssyncset.done $0x0  }
0xfe: {  	s15 =	simm.s32 $0xA80;
	[sflag:s12] =	ssyncadd.s32 $0xFFFFD800  }
0xff: {  	[tilespmem:s25], [sflag:$0x1] =	stream.indirect.gather [hbm4b:s2+s1], $0x80, s15, s1, $0xb8;
	[tilespmem:$0x1F800] =	vst v63  }
0x100: {  	_ =	swait.ge [sflag:s14], $0x2800  }
0x101: {  	[sflag:s14] =	ssyncset.done $0x0  }
0x102: {  	s13 =	simm.s32 $0x1A00;
	[sflag:s14] =	ssyncadd.s32 $0xFFFFD800  }
0x103: {  	[spmem:s3] =	stream.indirect.scatter.add.f32 [tilespmem:s9], [sflag:$0x6], $0x80, s13, s1, $0xb8;
	[tilespmem:$0x1F800] =	vst v63  }
0x104: {  	_ =	swait.ge [sflag:s16], $0x2800  }
0x105: {  	[sflag:s16] =	ssyncset.done $0x0  }
0x106: {  	s15 =	simm.s32 $0xB00;
	[sflag:s16] =	ssyncadd.s32 $0xFFFFD800  }
0x107: {  	[tilespmem:s6], [sflag:$0x2] =	stream.indirect.gather [hbm4b:s2+s1], $0x80, s15, s1, $0xb8;
	[tilespmem:$0x1F800] =	vst v63  }
0x108: {  	_ =	swait.ge [sflag:s7], $0x2800  }
0x109: {  	[sflag:s7] =	ssyncset.done $0x0  }
0x10a: {  	s13 =	simm.s32 $0x1A80;
	[sflag:s7] =	ssyncadd.s32 $0xFFFFD800  }
0x10b: {  	[spmem:s3] =	stream.indirect.scatter.add.f32 [tilespmem:s25], [sflag:$0x4], $0x80, s13, s1, $0xb8;
	[tilespmem:$0x1F800] =	vst v63  }
0x10c: {  	_ =	swait.ge [sflag:s19], $0x2800  }
0x10d: {  	[sflag:s19] =	ssyncset.done $0x0  }
0x10e: {  	s15 =	simm.s32 $0xB80;
	[sflag:s19] =	ssyncadd.s32 $0xFFFFD800  }
0x10f: {  	[tilespmem:s9], [sflag:$0x3] =	stream.indirect.gather [hbm4b:s2+s1], $0x80, s15, s1, $0xb8;
	[tilespmem:$0x1F800] =	vst v63  }
0x110: {  	_ =	swait.ge [sflag:s10], $0x2800  }
0x111: {  	[sflag:s10] =	ssyncset.done $0x0  }
0x112: {  	s13 =	simm.s32 $0x1B00;
	[sflag:s10] =	ssyncadd.s32 $0xFFFFD800  }
0x113: {  	[spmem:s3] =	stream.indirect.scatter.add.f32 [tilespmem:s6], [sflag:$0x5], $0x80, s13, s1, $0xb8;
	[tilespmem:$0x1F800] =	vst v63  }
0x114: {  	_ =	swait.ge [sflag:s12], $0x2800  }
0x115: {  	[sflag:s12] =	ssyncset.done $0x0  }
0x116: {  	s15 =	simm.s32 $0xC00;
	[sflag:s12] =	ssyncadd.s32 $0xFFFFD800  }
0x117: {  	[tilespmem:s25], [sflag:$0x1] =	stream.indirect.gather [hbm4b:s2+s1], $0x80, s15, s1, $0xb8;
	[tilespmem:$0x1F800] =	vst v63  }
0x118: {  	_ =	swait.ge [sflag:s23], $0xC80  }
0x119: {  	[sflag:s23] =	ssyncset.done $0x0  }
0x11a: {  	[sflag:s23] =	ssyncadd.s32 $0xFFFFF380  }
0x11b: {  	_ =	swait.ge [sflag:s23], $0xC80  }
0x11c: {  	[sflag:s23] =	ssyncset.done $0x0  }
0x11d: {  	[sflag:s23] =	ssyncadd.s32 $0xFFFFF380  }
0x11e: {  	_ =	swait.ge [sflag:s14], $0x2800  }
0x11f: {  	[sflag:s14] =	ssyncset.done $0x0  }
0x120: {  	s13 =	simm.s32 $0x1B80;
	[sflag:s14] =	ssyncadd.s32 $0xFFFFD800  }
0x121: {  	[spmem:s3] =	stream.indirect.scatter.add.f32 [tilespmem:s9], [sflag:$0x6], $0x80, s13, s1, $0xb8;
	[tilespmem:$0x1F800] =	vst v63  }
0x122: {  	_ =	swait.ge [sflag:s16], $0x2800  }
0x123: {  	[sflag:s16] =	ssyncset.done $0x0  }
0x124: {  	[sflag:s16] =	ssyncadd.s32 $0xFFFFD800  }
0x125: {  	[tilespmem:s6], [sflag:$0x2] =	stream.indirect.gather [hbm4b:s2+s1], $0x80, s31, s1, $0xb8;
	[tilespmem:$0x1F800] =	vst v63  }
0x126: {  	_ =	swait.ge [sflag:s7], $0x2800  }
0x127: {  	[sflag:s7] =	ssyncset.done $0x0  }
0x128: {  	s15 =	simm.s32 $0x1C00;
	[sflag:s7] =	ssyncadd.s32 $0xFFFFD800  }
0x129: {  	[spmem:s3] =	stream.indirect.scatter.add.f32 [tilespmem:s25], [sflag:$0x4], $0x80, s15, s1, $0xb8;
	[tilespmem:$0x1F800] =	vst v63  }
0x12a: {  	_ =	swait.ge [sflag:s19], $0x2800  }
0x12b: {  	[sflag:s19] =	ssyncset.done $0x0  }
0x12c: {  	[sflag:s19] =	ssyncadd.s32 $0xFFFFD800  }
0x12d: {  	[tilespmem:s9], [sflag:$0x3] =	stream.indirect.gather [hbm4b:s2+s1], $0x80, s28, s1, $0xb8;
	[tilespmem:$0x1F800] =	vst v63  }
0x12e: {  	_ =	swait.ge [sflag:s10], $0x2800  }
0x12f: {  	[sflag:s10] =	ssyncset.done $0x0  }
0x130: {  	[sflag:s10] =	ssyncadd.s32 $0xFFFFD800  }
0x131: {  	[spmem:s3] =	stream.indirect.scatter.add.f32 [tilespmem:s6], [sflag:$0x5], $0x80, s5, s1, $0xb8;
	[tilespmem:$0x1F800] =	vst v63  }
0x132: {  	_ =	swait.ge [sflag:s12], $0x2800  }
0x133: {  	[sflag:s12] =	ssyncset.done $0x0  }
0x134: {  	[sflag:s12] =	ssyncadd.s32 $0xFFFFD800  }
0x135: {  	[tilespmem:s25], [sflag:$0x1] =	stream.indirect.gather [hbm4b:s2+s1], $0x80, s18, s1, $0xb8;
	[tilespmem:$0x1F800] =	vst v63  }
0x136: {  	_ =	swait.ge [sflag:s14], $0x2800  }
0x137: {  	[sflag:s14] =	ssyncset.done $0x0  }
0x138: {  	[sflag:s14] =	ssyncadd.s32 $0xFFFFD800  }
0x139: {  	[spmem:s3] =	stream.indirect.scatter.add.f32 [tilespmem:s9], [sflag:$0x6], $0x80, s20, s1, $0xb8;
	[tilespmem:$0x1F800] =	vst v63  }
0x13a: {  	_ =	swait.ge [sflag:s16], $0x2800  }
0x13b: {  	[sflag:s16] =	ssyncset.done $0x0  }
0x13c: {  	[sflag:s16] =	ssyncadd.s32 $0xFFFFD800  }
0x13d: {  	[tilespmem:s6], [sflag:$0x2] =	stream.indirect.gather [hbm4b:s2+s1], $0x80, s21, s1, $0xb8;
	[tilespmem:$0x1F800] =	vst v63  }
0x13e: {  	s13 =	rddreg [dreg:$0xf]  }
0x13f: {  	[tilespmem:s4], [sflag:$0x7] =	stream.linear.gather [hbm4b:s13+s4], $0xC80, $0x38;
	[tilespmem:$0x1F800] =	vst v63  }
0x140: {  	s15 =	rddreg [dreg:$0x10]  }
0x141: {  	[tilespmem:s0], [sflag:$0x7] =	stream.linear.gather [hbm4b:s15+s4], $0xC80, $0x38;
	[tilespmem:$0x1F800] =	vst v63  }
0x142: {  	_ =	swait.ge [sflag:s7], $0x2800  }
0x143: {  	[sflag:s7] =	ssyncset.done $0x0  }
0x144: {  	[sflag:s7] =	ssyncadd.s32 $0xFFFFD800  }
0x145: {  	[spmem:s3] =	stream.indirect.scatter.add.f32 [tilespmem:s25], [sflag:$0x4], $0x80, s22, s1, $0xb8;
	[tilespmem:$0x1F800] =	vst v63  }
0x146: {  	_ =	swait.ge [sflag:s19], $0x2800  }
0x147: {  	[sflag:s19] =	ssyncset.done $0x0  }
0x148: {  	[sflag:s19] =	ssyncadd.s32 $0xFFFFD800  }
0x149: {  	[tilespmem:s9], [sflag:$0x3] =	stream.indirect.gather [hbm4b:s2+s1], $0x80, s24, s1, $0xb8;
	[tilespmem:$0x1F800] =	vst v63  }
0x14a: {  	_ =	swait.ge [sflag:s10], $0x2800  }
0x14b: {  	[sflag:s10] =	ssyncset.done $0x0  }
0x14c: {  	[sflag:s10] =	ssyncadd.s32 $0xFFFFD800  }
0x14d: {  	[spmem:s3] =	stream.indirect.scatter.add.f32 [tilespmem:s6], [sflag:$0x5], $0x80, s30, s1, $0xb8;
	[tilespmem:$0x1F800] =	vst v63  }
0x14e: {  	_ =	swait.ge [sflag:s12], $0x2800  }
0x14f: {  	[sflag:s12] =	ssyncset.done $0x0  }
0x150: {  	[sflag:s12] =	ssyncadd.s32 $0xFFFFD800  }
0x151: {  	[tilespmem:s25], [sflag:$0x1] =	stream.indirect.gather [hbm4b:s2+s1], $0x80, s17, s1, $0xb8;
	[tilespmem:$0x1F800] =	vst v63  }
0x152: {  	_ =	swait.ge [sflag:s14], $0x2800  }
0x153: {  	[sflag:s14] =	ssyncset.done $0x0  }
0x154: {  	s13 =	simm.s32 $0x3200;
	[sflag:s14] =	ssyncadd.s32 $0xFFFFD800  }
0x155: {  	[spmem:s3] =	stream.indirect.scatter.add.f32 [tilespmem:s9], [sflag:$0x6], $0x80, s13, s1, $0xb8;
	[tilespmem:$0x1F800] =	vst v63  }
0x156: {  	_ =	swait.ge [sflag:s16], $0x2800  }
0x157: {  	[sflag:s16] =	ssyncset.done $0x0  }
0x158: {  	s15 =	simm.s32 $0x2300;
	[sflag:s16] =	ssyncadd.s32 $0xFFFFD800  }
0x159: {  	[tilespmem:s6], [sflag:$0x2] =	stream.indirect.gather [hbm4b:s2+s1], $0x80, s15, s1, $0xb8;
	[tilespmem:$0x1F800] =	vst v63  }
0x15a: {  	_ =	swait.ge [sflag:s7], $0x2800  }
0x15b: {  	[sflag:s7] =	ssyncset.done $0x0  }
0x15c: {  	s11 =	simm.s32 $0x3280;
	[sflag:s7] =	ssyncadd.s32 $0xFFFFD800  }
0x15d: {  	[spmem:s3] =	stream.indirect.scatter.add.f32 [tilespmem:s25], [sflag:$0x4], $0x80, s11, s1, $0xb8;
	[tilespmem:$0x1F800] =	vst v63  }
0x15e: {  	_ =	swait.ge [sflag:s19], $0x2800  }
0x15f: {  	[sflag:s19] =	ssyncset.done $0x0  }
0x160: {  	s11 =	simm.s32 $0x2380;
	[sflag:s19] =	ssyncadd.s32 $0xFFFFD800  }
0x161: {  	[tilespmem:s9], [sflag:$0x3] =	stream.indirect.gather [hbm4b:s2+s1], $0x80, s11, s1, $0xb8;
	[tilespmem:$0x1F800] =	vst v63  }
0x162: {  	_ =	swait.ge [sflag:s10], $0x2800  }
0x163: {  	[sflag:s10] =	ssyncset.done $0x0  }
0x164: {  	s11 =	simm.s32 $0x3300;
	[sflag:s10] =	ssyncadd.s32 $0xFFFFD800  }
0x165: {  	[spmem:s3] =	stream.indirect.scatter.add.f32 [tilespmem:s6], [sflag:$0x5], $0x80, s11, s1, $0xb8;
	[tilespmem:$0x1F800] =	vst v63  }
0x166: {  	_ =	swait.ge [sflag:s12], $0x2800  }
0x167: {  	[sflag:s12] =	ssyncset.done $0x0  }
0x168: {  	s11 =	simm.s32 $0x2400;
	[sflag:s12] =	ssyncadd.s32 $0xFFFFD800  }
0x169: {  	[tilespmem:s25], [sflag:$0x1] =	stream.indirect.gather [hbm4b:s2+s1], $0x80, s11, s1, $0xb8;
	[tilespmem:$0x1F800] =	vst v63  }
0x16a: {  	_ =	swait.ge [sflag:s14], $0x2800  }
0x16b: {  	[sflag:s14] =	ssyncset.done $0x0  }
0x16c: {  	s11 =	simm.s32 $0x3380;
	[sflag:s14] =	ssyncadd.s32 $0xFFFFD800  }
0x16d: {  	[spmem:s3] =	stream.indirect.scatter.add.f32 [tilespmem:s9], [sflag:$0x6], $0x80, s11, s1, $0xb8;
	[tilespmem:$0x1F800] =	vst v63  }
0x16e: {  	_ =	swait.ge [sflag:s16], $0x2800  }
0x16f: {  	[sflag:s16] =	ssyncset.done $0x0  }
0x170: {  	s11 =	simm.s32 $0x2480;
	[sflag:s16] =	ssyncadd.s32 $0xFFFFD800  }
0x171: {  	[tilespmem:s6], [sflag:$0x2] =	stream.indirect.gather [hbm4b:s2+s1], $0x80, s11, s1, $0xb8;
	[tilespmem:$0x1F800] =	vst v63  }
0x172: {  	_ =	swait.ge [sflag:s7], $0x2800  }
0x173: {  	[sflag:s7] =	ssyncset.done $0x0  }
0x174: {  	s11 =	simm.s32 $0x3400;
	[sflag:s7] =	ssyncadd.s32 $0xFFFFD800  }
0x175: {  	[spmem:s3] =	stream.indirect.scatter.add.f32 [tilespmem:s25], [sflag:$0x4], $0x80, s11, s1, $0xb8;
	[tilespmem:$0x1F800] =	vst v63  }
0x176: {  	_ =	swait.ge [sflag:s19], $0x2800  }
0x177: {  	[sflag:s19] =	ssyncset.done $0x0  }
0x178: {  	s11 =	simm.s32 $0x2500;
	[sflag:s19] =	ssyncadd.s32 $0xFFFFD800  }
0x179: {  	[tilespmem:s9], [sflag:$0x3] =	stream.indirect.gather [hbm4b:s2+s1], $0x80, s11, s1, $0xb8;
	[tilespmem:$0x1F800] =	vst v63  }
0x17a: {  	_ =	swait.ge [sflag:s10], $0x2800  }
0x17b: {  	[sflag:s10] =	ssyncset.done $0x0  }
0x17c: {  	s11 =	simm.s32 $0x3480;
	[sflag:s10] =	ssyncadd.s32 $0xFFFFD800  }
0x17d: {  	[spmem:s3] =	stream.indirect.scatter.add.f32 [tilespmem:s6], [sflag:$0x5], $0x80, s11, s1, $0xb8;
	[tilespmem:$0x1F800] =	vst v63  }
0x17e: {  	_ =	swait.ge [sflag:s12], $0x2800  }
0x17f: {  	[sflag:s12] =	ssyncset.done $0x0  }
0x180: {  	s11 =	simm.s32 $0x2580;
	[sflag:s12] =	ssyncadd.s32 $0xFFFFD800  }
0x181: {  	[tilespmem:s25], [sflag:$0x1] =	stream.indirect.gather [hbm4b:s2+s1], $0x80, s11, s1, $0xb8;
	[tilespmem:$0x1F800] =	vst v63  }
0x182: {  	_ =	swait.ge [sflag:s14], $0x2800  }
0x183: {  	[sflag:s14] =	ssyncset.done $0x0  }
0x184: {  	s11 =	simm.s32 $0x3500;
	[sflag:s14] =	ssyncadd.s32 $0xFFFFD800  }
0x185: {  	[spmem:s3] =	stream.indirect.scatter.add.f32 [tilespmem:s9], [sflag:$0x6], $0x80, s11, s1, $0xb8;
	[tilespmem:$0x1F800] =	vst v63  }
0x186: {  	_ =	swait.ge [sflag:s16], $0x2800  }
0x187: {  	[sflag:s16] =	ssyncset.done $0x0  }
0x188: {  	s11 =	simm.s32 $0x2600;
	[sflag:s16] =	ssyncadd.s32 $0xFFFFD800  }
0x189: {  	[tilespmem:s6], [sflag:$0x2] =	stream.indirect.gather [hbm4b:s2+s1], $0x80, s11, s1, $0xb8;
	[tilespmem:$0x1F800] =	vst v63  }
0x18a: {  	_ =	swait.ge [sflag:s7], $0x2800  }
0x18b: {  	[sflag:s7] =	ssyncset.done $0x0  }
0x18c: {  	s11 =	simm.s32 $0x3580;
	[sflag:s7] =	ssyncadd.s32 $0xFFFFD800  }
0x18d: {  	[spmem:s3] =	stream.indirect.scatter.add.f32 [tilespmem:s25], [sflag:$0x4], $0x80, s11, s1, $0xb8;
	[tilespmem:$0x1F800] =	vst v63  }
0x18e: {  	_ =	swait.ge [sflag:s19], $0x2800  }
0x18f: {  	[sflag:s19] =	ssyncset.done $0x0  }
0x190: {  	s11 =	simm.s32 $0x2680;
	[sflag:s19] =	ssyncadd.s32 $0xFFFFD800  }
0x191: {  	[tilespmem:s9], [sflag:$0x3] =	stream.indirect.gather [hbm4b:s2+s1], $0x80, s11, s1, $0xb8;
	[tilespmem:$0x1F800] =	vst v63  }
0x192: {  	_ =	swait.ge [sflag:s10], $0x2800  }
0x193: {  	[sflag:s10] =	ssyncset.done $0x0  }
0x194: {  	s11 =	simm.s32 $0x3600;
	[sflag:s10] =	ssyncadd.s32 $0xFFFFD800  }
0x195: {  	[spmem:s3] =	stream.indirect.scatter.add.f32 [tilespmem:s6], [sflag:$0x5], $0x80, s11, s1, $0xb8;
	[tilespmem:$0x1F800] =	vst v63  }
0x196: {  	_ =	swait.ge [sflag:s12], $0x2800  }
0x197: {  	[sflag:s12] =	ssyncset.done $0x0  }
0x198: {  	s11 =	simm.s32 $0x2700;
	[sflag:s12] =	ssyncadd.s32 $0xFFFFD800  }
0x199: {  	[tilespmem:s25], [sflag:$0x1] =	stream.indirect.gather [hbm4b:s2+s1], $0x80, s11, s1, $0xb8;
	[tilespmem:$0x1F800] =	vst v63  }
0x19a: {  	_ =	swait.ge [sflag:s14], $0x2800  }
0x19b: {  	[sflag:s14] =	ssyncset.done $0x0  }
0x19c: {  	s11 =	simm.s32 $0x3680;
	[sflag:s14] =	ssyncadd.s32 $0xFFFFD800  }
0x19d: {  	[spmem:s3] =	stream.indirect.scatter.add.f32 [tilespmem:s9], [sflag:$0x6], $0x80, s11, s1, $0xb8;
	[tilespmem:$0x1F800] =	vst v63  }
0x19e: {  	_ =	swait.ge [sflag:s16], $0x2800  }
0x19f: {  	[sflag:s16] =	ssyncset.done $0x0  }
0x1a0: {  	s11 =	simm.s32 $0x2780;
	[sflag:s16] =	ssyncadd.s32 $0xFFFFD800  }
0x1a1: {  	[tilespmem:s6], [sflag:$0x2] =	stream.indirect.gather [hbm4b:s2+s1], $0x80, s11, s1, $0xb8;
	[tilespmem:$0x1F800] =	vst v63  }
0x1a2: {  	_ =	swait.ge [sflag:s7], $0x2800  }
0x1a3: {  	[sflag:s7] =	ssyncset.done $0x0  }
0x1a4: {  	s11 =	simm.s32 $0x3700;
	[sflag:s7] =	ssyncadd.s32 $0xFFFFD800  }
0x1a5: {  	[spmem:s3] =	stream.indirect.scatter.add.f32 [tilespmem:s25], [sflag:$0x4], $0x80, s11, s1, $0xb8;
	[tilespmem:$0x1F800] =	vst v63  }
0x1a6: {  	_ =	swait.ge [sflag:s19], $0x2800  }
0x1a7: {  	[sflag:s19] =	ssyncset.done $0x0  }
0x1a8: {  	s11 =	simm.s32 $0x2800;
	[sflag:s19] =	ssyncadd.s32 $0xFFFFD800  }
0x1a9: {  	[tilespmem:s9], [sflag:$0x3] =	stream.indirect.gather [hbm4b:s2+s1], $0x80, s11, s1, $0xb8;
	[tilespmem:$0x1F800] =	vst v63  }
0x1aa: {  	_ =	swait.ge [sflag:s10], $0x2800  }
0x1ab: {  	[sflag:s10] =	ssyncset.done $0x0  }
0x1ac: {  	s11 =	simm.s32 $0x3780;
	[sflag:s10] =	ssyncadd.s32 $0xFFFFD800  }
0x1ad: {  	[spmem:s3] =	stream.indirect.scatter.add.f32 [tilespmem:s6], [sflag:$0x5], $0x80, s11, s1, $0xb8;
	[tilespmem:$0x1F800] =	vst v63  }
0x1ae: {  	_ =	swait.ge [sflag:s12], $0x2800  }
0x1af: {  	[sflag:s12] =	ssyncset.done $0x0  }
0x1b0: {  	s11 =	simm.s32 $0x2880;
	[sflag:s12] =	ssyncadd.s32 $0xFFFFD800  }
0x1b1: {  	[tilespmem:s25], [sflag:$0x1] =	stream.indirect.gather [hbm4b:s2+s1], $0x80, s11, s1, $0xb8;
	[tilespmem:$0x1F800] =	vst v63  }
0x1b2: {  	_ =	swait.ge [sflag:s14], $0x2800  }
0x1b3: {  	[sflag:s14] =	ssyncset.done $0x0  }
0x1b4: {  	s11 =	simm.s32 $0x3800;
	[sflag:s14] =	ssyncadd.s32 $0xFFFFD800  }
0x1b5: {  	[spmem:s3] =	stream.indirect.scatter.add.f32 [tilespmem:s9], [sflag:$0x6], $0x80, s11, s1, $0xb8;
	[tilespmem:$0x1F800] =	vst v63  }
0x1b6: {  	_ =	swait.ge [sflag:s16], $0x2800  }
0x1b7: {  	[sflag:s16] =	ssyncset.done $0x0  }
0x1b8: {  	s11 =	simm.s32 $0x2900;
	[sflag:s16] =	ssyncadd.s32 $0xFFFFD800  }
0x1b9: {  	[tilespmem:s6], [sflag:$0x2] =	stream.indirect.gather [hbm4b:s2+s1], $0x80, s11, s1, $0xb8;
	[tilespmem:$0x1F800] =	vst v63  }
0x1ba: {  	_ =	swait.ge [sflag:s7], $0x2800  }
0x1bb: {  	[sflag:s7] =	ssyncset.done $0x0  }
0x1bc: {  	s11 =	simm.s32 $0x3880;
	[sflag:s7] =	ssyncadd.s32 $0xFFFFD800  }
0x1bd: {  	[spmem:s3] =	stream.indirect.scatter.add.f32 [tilespmem:s25], [sflag:$0x4], $0x80, s11, s1, $0xb8;
	[tilespmem:$0x1F800] =	vst v63  }
0x1be: {  	_ =	swait.ge [sflag:s19], $0x2800  }
0x1bf: {  	[sflag:s19] =	ssyncset.done $0x0  }
0x1c0: {  	s11 =	simm.s32 $0x2980;
	[sflag:s19] =	ssyncadd.s32 $0xFFFFD800  }
0x1c1: {  	[tilespmem:s9], [sflag:$0x3] =	stream.indirect.gather [hbm4b:s2+s1], $0x80, s11, s1, $0xb8;
	[tilespmem:$0x1F800] =	vst v63  }
0x1c2: {  	_ =	swait.ge [sflag:s10], $0x2800  }
0x1c3: {  	[sflag:s10] =	ssyncset.done $0x0  }
0x1c4: {  	s11 =	simm.s32 $0x3900;
	[sflag:s10] =	ssyncadd.s32 $0xFFFFD800  }
0x1c5: {  	[spmem:s3] =	stream.indirect.scatter.add.f32 [tilespmem:s6], [sflag:$0x5], $0x80, s11, s1, $0xb8;
	[tilespmem:$0x1F800] =	vst v63  }
0x1c6: {  	_ =	swait.ge [sflag:s12], $0x2800  }
0x1c7: {  	[sflag:s12] =	ssyncset.done $0x0  }
0x1c8: {  	s11 =	simm.s32 $0x2A00;
	[sflag:s12] =	ssyncadd.s32 $0xFFFFD800  }
0x1c9: {  	[tilespmem:s25], [sflag:$0x1] =	stream.indirect.gather [hbm4b:s2+s1], $0x80, s11, s1, $0xb8;
	[tilespmem:$0x1F800] =	vst v63  }
0x1ca: {  	_ =	swait.ge [sflag:s14], $0x2800  }
0x1cb: {  	[sflag:s14] =	ssyncset.done $0x0  }
0x1cc: {  	s11 =	simm.s32 $0x3980;
	[sflag:s14] =	ssyncadd.s32 $0xFFFFD800  }
0x1cd: {  	[spmem:s3] =	stream.indirect.scatter.add.f32 [tilespmem:s9], [sflag:$0x6], $0x80, s11, s1, $0xb8;
	[tilespmem:$0x1F800] =	vst v63  }
0x1ce: {  	_ =	swait.ge [sflag:s16], $0x2800  }
0x1cf: {  	[sflag:s16] =	ssyncset.done $0x0  }
0x1d0: {  	s11 =	simm.s32 $0x2A80;
	[sflag:s16] =	ssyncadd.s32 $0xFFFFD800  }
0x1d1: {  	[tilespmem:s6], [sflag:$0x2] =	stream.indirect.gather [hbm4b:s2+s1], $0x80, s11, s1, $0xb8;
	[tilespmem:$0x1F800] =	vst v63  }
0x1d2: {  	_ =	swait.ge [sflag:s7], $0x2800  }
0x1d3: {  	[sflag:s7] =	ssyncset.done $0x0  }
0x1d4: {  	s11 =	simm.s32 $0x3A00;
	[sflag:s7] =	ssyncadd.s32 $0xFFFFD800  }
0x1d5: {  	[spmem:s3] =	stream.indirect.scatter.add.f32 [tilespmem:s25], [sflag:$0x4], $0x80, s11, s1, $0xb8;
	[tilespmem:$0x1F800] =	vst v63  }
0x1d6: {  	_ =	swait.ge [sflag:s19], $0x2800  }
0x1d7: {  	[sflag:s19] =	ssyncset.done $0x0  }
0x1d8: {  	s11 =	simm.s32 $0x2B00;
	[sflag:s19] =	ssyncadd.s32 $0xFFFFD800  }
0x1d9: {  	[tilespmem:s9], [sflag:$0x3] =	stream.indirect.gather [hbm4b:s2+s1], $0x80, s11, s1, $0xb8;
	[tilespmem:$0x1F800] =	vst v63  }
0x1da: {  	_ =	swait.ge [sflag:s10], $0x2800  }
0x1db: {  	[sflag:s10] =	ssyncset.done $0x0  }
0x1dc: {  	s11 =	simm.s32 $0x3A80;
	[sflag:s10] =	ssyncadd.s32 $0xFFFFD800  }
0x1dd: {  	[spmem:s3] =	stream.indirect.scatter.add.f32 [tilespmem:s6], [sflag:$0x5], $0x80, s11, s1, $0xb8;
	[tilespmem:$0x1F800] =	vst v63  }
0x1de: {  	_ =	swait.ge [sflag:s12], $0x2800  }
0x1df: {  	[sflag:s12] =	ssyncset.done $0x0  }
0x1e0: {  	s11 =	simm.s32 $0x2B80;
	[sflag:s12] =	ssyncadd.s32 $0xFFFFD800  }
0x1e1: {  	[tilespmem:s25], [sflag:$0x1] =	stream.indirect.gather [hbm4b:s2+s1], $0x80, s11, s1, $0xb8;
	[tilespmem:$0x1F800] =	vst v63  }
0x1e2: {  	_ =	swait.ge [sflag:s14], $0x2800  }
0x1e3: {  	[sflag:s14] =	ssyncset.done $0x0  }
0x1e4: {  	s11 =	simm.s32 $0x3B00;
	[sflag:s14] =	ssyncadd.s32 $0xFFFFD800  }
0x1e5: {  	[spmem:s3] =	stream.indirect.scatter.add.f32 [tilespmem:s9], [sflag:$0x6], $0x80, s11, s1, $0xb8;
	[tilespmem:$0x1F800] =	vst v63  }
0x1e6: {  	_ =	swait.ge [sflag:s16], $0x2800  }
0x1e7: {  	[sflag:s16] =	ssyncset.done $0x0  }
0x1e8: {  	s11 =	simm.s32 $0x2C00;
	[sflag:s16] =	ssyncadd.s32 $0xFFFFD800  }
0x1e9: {  	[tilespmem:s6], [sflag:$0x2] =	stream.indirect.gather [hbm4b:s2+s1], $0x80, s11, s1, $0xb8;
	[tilespmem:$0x1F800] =	vst v63  }
0x1ea: {  	_ =	swait.ge [sflag:s29], $0xC80  }
0x1eb: {  	[sflag:s29] =	ssyncset.done $0x0  }
0x1ec: {  	[sflag:s29] =	ssyncadd.s32 $0xFFFFF380  }
0x1ed: {  	_ =	swait.ge [sflag:s29], $0xC80  }
0x1ee: {  	[sflag:s29] =	ssyncset.done $0x0  }
0x1ef: {  	[sflag:s29] =	ssyncadd.s32 $0xFFFFF380  }
0x1f0: {  	_ =	swait.ge [sflag:s7], $0x2800  }
0x1f1: {  	[sflag:s7] =	ssyncset.done $0x0  }
0x1f2: {  	s11 =	simm.s32 $0x3B80;
	[sflag:s7] =	ssyncadd.s32 $0xFFFFD800  }
0x1f3: {  	[spmem:s3] =	stream.indirect.scatter.add.f32 [tilespmem:s25], [sflag:$0x4], $0x80, s11, s1, $0xb8;
	[tilespmem:$0x1F800] =	vst v63  }
0x1f4: {  	_ =	swait.ge [sflag:s19], $0x2800  }
0x1f5: {  	[sflag:s19] =	ssyncset.done $0x0  }
0x1f6: {  	[sflag:s19] =	ssyncadd.s32 $0xFFFFD800  }
0x1f7: {  	[tilespmem:s9], [sflag:$0x3] =	stream.indirect.gather [hbm4b:s2+s1], $0x80, s4, s1, $0xb8;
	[tilespmem:$0x1F800] =	vst v63  }
0x1f8: {  	_ =	swait.ge [sflag:s10], $0x2800  }
0x1f9: {  	[sflag:s10] =	ssyncset.done $0x0  }
0x1fa: {  	s11 =	simm.s32 $0x3C00;
	[sflag:s10] =	ssyncadd.s32 $0xFFFFD800  }
0x1fb: {  	[spmem:s3] =	stream.indirect.scatter.add.f32 [tilespmem:s6], [sflag:$0x5], $0x80, s11, s1, $0xb8;
	[tilespmem:$0x1F800] =	vst v63  }
0x1fc: {  	_ =	swait.ge [sflag:s12], $0x2800  }
0x1fd: {  	[sflag:s12] =	ssyncset.done $0x0  }
0x1fe: {  	s11 =	simm.s32 $0x80;
	[sflag:s12] =	ssyncadd.s32 $0xFFFFD800  }
0x1ff: {  	[tilespmem:s25], [sflag:$0x1] =	stream.indirect.gather [hbm4b:s2+s1], $0x80, s11, s1, $0xb8;
	[tilespmem:$0x1F800] =	vst v63  }
0x200: {  	_ =	swait.ge [sflag:s14], $0x2800  }
0x201: {  	[sflag:s14] =	ssyncset.done $0x0  }
0x202: {  	[sflag:s14] =	ssyncadd.s32 $0xFFFFD800  }
0x203: {  	[spmem:s3] =	stream.indirect.scatter.add.f32 [tilespmem:s9], [sflag:$0x6], $0x80, s0, s1, $0xb8;
	[tilespmem:$0x1F800] =	vst v63  }
0x204: {  	_ =	swait.ge [sflag:s16], $0x2800  }
0x205: {  	[sflag:s16] =	ssyncset.done $0x0  }
0x206: {  	s11 =	simm.s32 $0x100;
	[sflag:s16] =	ssyncadd.s32 $0xFFFFD800  }
0x207: {  	[tilespmem:s6], [sflag:$0x2] =	stream.indirect.gather [hbm4b:s2+s1], $0x80, s11, s1, $0xb8;
	[tilespmem:$0x1F800] =	vst v63  }
0x208: {  	_ =	swait.ge [sflag:s7], $0x2800  }
0x209: {  	[sflag:s7] =	ssyncset.done $0x0  }
0x20a: {  	s11 =	simm.s32 $0x1080;
	[sflag:s7] =	ssyncadd.s32 $0xFFFFD800  }
0x20b: {  	[spmem:s3] =	stream.indirect.scatter.add.f32 [tilespmem:s25], [sflag:$0x4], $0x80, s11, s1, $0xb8;
	[tilespmem:$0x1F800] =	vst v63  }
0x20c: {  	_ =	swait.ge [sflag:s19], $0x2800  }
0x20d: {  	[sflag:s19] =	ssyncset.done $0x0  }
0x20e: {  	s11 =	simm.s32 $0x180;
	[sflag:s19] =	ssyncadd.s32 $0xFFFFD800  }
0x20f: {  	[tilespmem:s9], [sflag:$0x3] =	stream.indirect.gather [hbm4b:s2+s1], $0x80, s11, s1, $0xb8;
	[tilespmem:$0x1F800] =	vst v63  }
0x210: {  	s11 =	rddreg [dreg:$0x11]  }
0x211: {  	[tilespmem:s31], [sflag:$0x8] =	stream.linear.gather [hbm4b:s11+s4], $0xC80, $0x38;
	[tilespmem:$0x1F800] =	vst v63  }
0x212: {  	s11 =	rddreg [dreg:$0x12]  }
0x213: {  	[tilespmem:s5], [sflag:$0x8] =	stream.linear.gather [hbm4b:s11+s4], $0xC80, $0x38;
	[tilespmem:$0x1F800] =	vst v63  }
0x214: {  	_ =	swait.ge [sflag:s10], $0x2800  }
0x215: {  	[sflag:s10] =	ssyncset.done $0x0  }
0x216: {  	s11 =	simm.s32 $0x1100;
	[sflag:s10] =	ssyncadd.s32 $0xFFFFD800  }
0x217: {  	[spmem:s3] =	stream.indirect.scatter.add.f32 [tilespmem:s6], [sflag:$0x5], $0x80, s11, s1, $0xb8;
	[tilespmem:$0x1F800] =	vst v63  }
0x218: {  	_ =	swait.ge [sflag:s12], $0x2800  }
0x219: {  	[sflag:s12] =	ssyncset.done $0x0  }
0x21a: {  	s11 =	simm.s32 $0x200;
	[sflag:s12] =	ssyncadd.s32 $0xFFFFD800  }
0x21b: {  	[tilespmem:s25], [sflag:$0x1] =	stream.indirect.gather [hbm4b:s2+s1], $0x80, s11, s1, $0xb8;
	[tilespmem:$0x1F800] =	vst v63  }
0x21c: {  	_ =	swait.ge [sflag:s14], $0x2800  }
0x21d: {  	[sflag:s14] =	ssyncset.done $0x0  }
0x21e: {  	s11 =	simm.s32 $0x1180;
	[sflag:s14] =	ssyncadd.s32 $0xFFFFD800  }
0x21f: {  	[spmem:s3] =	stream.indirect.scatter.add.f32 [tilespmem:s9], [sflag:$0x6], $0x80, s11, s1, $0xb8;
	[tilespmem:$0x1F800] =	vst v63  }
0x220: {  	_ =	swait.ge [sflag:s16], $0x2800  }
0x221: {  	[sflag:s16] =	ssyncset.done $0x0  }
0x222: {  	s11 =	simm.s32 $0x280;
	[sflag:s16] =	ssyncadd.s32 $0xFFFFD800  }
0x223: {  	[tilespmem:s6], [sflag:$0x2] =	stream.indirect.gather [hbm4b:s2+s1], $0x80, s11, s1, $0xb8;
	[tilespmem:$0x1F800] =	vst v63  }
0x224: {  	_ =	swait.ge [sflag:s7], $0x2800  }
0x225: {  	[sflag:s7] =	ssyncset.done $0x0  }
0x226: {  	s11 =	simm.s32 $0x1200;
	[sflag:s7] =	ssyncadd.s32 $0xFFFFD800  }
0x227: {  	[spmem:s3] =	stream.indirect.scatter.add.f32 [tilespmem:s25], [sflag:$0x4], $0x80, s11, s1, $0xb8;
	[tilespmem:$0x1F800] =	vst v63  }
0x228: {  	_ =	swait.ge [sflag:s19], $0x2800  }
0x229: {  	[sflag:s19] =	ssyncset.done $0x0  }
0x22a: {  	s11 =	simm.s32 $0x300;
	[sflag:s19] =	ssyncadd.s32 $0xFFFFD800  }
0x22b: {  	[tilespmem:s9], [sflag:$0x3] =	stream.indirect.gather [hbm4b:s2+s1], $0x80, s11, s1, $0xb8;
	[tilespmem:$0x1F800] =	vst v63  }
0x22c: {  	_ =	swait.ge [sflag:s10], $0x2800  }
0x22d: {  	[sflag:s10] =	ssyncset.done $0x0  }
0x22e: {  	s11 =	simm.s32 $0x1280;
	[sflag:s10] =	ssyncadd.s32 $0xFFFFD800  }
0x22f: {  	[spmem:s3] =	stream.indirect.scatter.add.f32 [tilespmem:s6], [sflag:$0x5], $0x80, s11, s1, $0xb8;
	[tilespmem:$0x1F800] =	vst v63  }
0x230: {  	_ =	swait.ge [sflag:s12], $0x2800  }
0x231: {  	[sflag:s12] =	ssyncset.done $0x0  }
0x232: {  	s11 =	simm.s32 $0x380;
	[sflag:s12] =	ssyncadd.s32 $0xFFFFD800  }
0x233: {  	[tilespmem:s25], [sflag:$0x1] =	stream.indirect.gather [hbm4b:s2+s1], $0x80, s11, s1, $0xb8;
	[tilespmem:$0x1F800] =	vst v63  }
0x234: {  	_ =	swait.ge [sflag:s14], $0x2800  }
0x235: {  	[sflag:s14] =	ssyncset.done $0x0  }
0x236: {  	s11 =	simm.s32 $0x1300;
	[sflag:s14] =	ssyncadd.s32 $0xFFFFD800  }
0x237: {  	[spmem:s3] =	stream.indirect.scatter.add.f32 [tilespmem:s9], [sflag:$0x6], $0x80, s11, s1, $0xb8;
	[tilespmem:$0x1F800] =	vst v63  }
0x238: {  	_ =	swait.ge [sflag:s16], $0x2800  }
0x239: {  	[sflag:s16] =	ssyncset.done $0x0  }
0x23a: {  	s11 =	simm.s32 $0x400;
	[sflag:s16] =	ssyncadd.s32 $0xFFFFD800  }
0x23b: {  	[tilespmem:s6], [sflag:$0x2] =	stream.indirect.gather [hbm4b:s2+s1], $0x80, s11, s1, $0xb8;
	[tilespmem:$0x1F800] =	vst v63  }
0x23c: {  	_ =	swait.ge [sflag:s7], $0x2800  }
0x23d: {  	[sflag:s7] =	ssyncset.done $0x0  }
0x23e: {  	s11 =	simm.s32 $0x1380;
	[sflag:s7] =	ssyncadd.s32 $0xFFFFD800  }
0x23f: {  	[spmem:s3] =	stream.indirect.scatter.add.f32 [tilespmem:s25], [sflag:$0x4], $0x80, s11, s1, $0xb8;
	[tilespmem:$0x1F800] =	vst v63  }
0x240: {  	_ =	swait.ge [sflag:s19], $0x2800  }
0x241: {  	[sflag:s19] =	ssyncset.done $0x0  }
0x242: {  	s11 =	simm.s32 $0x480;
	[sflag:s19] =	ssyncadd.s32 $0xFFFFD800  }
0x243: {  	[tilespmem:s9], [sflag:$0x3] =	stream.indirect.gather [hbm4b:s2+s1], $0x80, s11, s1, $0xb8;
	[tilespmem:$0x1F800] =	vst v63  }
0x244: {  	_ =	swait.ge [sflag:s10], $0x2800  }
0x245: {  	[sflag:s10] =	ssyncset.done $0x0  }
0x246: {  	s11 =	simm.s32 $0x1400;
	[sflag:s10] =	ssyncadd.s32 $0xFFFFD800  }
0x247: {  	[spmem:s3] =	stream.indirect.scatter.add.f32 [tilespmem:s6], [sflag:$0x5], $0x80, s11, s1, $0xb8;
	[tilespmem:$0x1F800] =	vst v63  }
0x248: {  	_ =	swait.ge [sflag:s12], $0x2800  }
0x249: {  	[sflag:s12] =	ssyncset.done $0x0  }
0x24a: {  	s11 =	simm.s32 $0x500;
	[sflag:s12] =	ssyncadd.s32 $0xFFFFD800  }
0x24b: {  	[tilespmem:s25], [sflag:$0x1] =	stream.indirect.gather [hbm4b:s2+s1], $0x80, s11, s1, $0xb8;
	[tilespmem:$0x1F800] =	vst v63  }
0x24c: {  	_ =	swait.ge [sflag:s14], $0x2800  }
0x24d: {  	[sflag:s14] =	ssyncset.done $0x0  }
0x24e: {  	s11 =	simm.s32 $0x1480;
	[sflag:s14] =	ssyncadd.s32 $0xFFFFD800  }
0x24f: {  	[spmem:s3] =	stream.indirect.scatter.add.f32 [tilespmem:s9], [sflag:$0x6], $0x80, s11, s1, $0xb8;
	[tilespmem:$0x1F800] =	vst v63  }
0x250: {  	_ =	swait.ge [sflag:s16], $0x2800  }
0x251: {  	[sflag:s16] =	ssyncset.done $0x0  }
0x252: {  	s11 =	simm.s32 $0x580;
	[sflag:s16] =	ssyncadd.s32 $0xFFFFD800  }
0x253: {  	[tilespmem:s6], [sflag:$0x2] =	stream.indirect.gather [hbm4b:s2+s1], $0x80, s11, s1, $0xb8;
	[tilespmem:$0x1F800] =	vst v63  }
0x254: {  	_ =	swait.ge [sflag:s7], $0x2800  }
0x255: {  	[sflag:s7] =	ssyncset.done $0x0  }
0x256: {  	s11 =	simm.s32 $0x1500;
	[sflag:s7] =	ssyncadd.s32 $0xFFFFD800  }
0x257: {  	[spmem:s3] =	stream.indirect.scatter.add.f32 [tilespmem:s25], [sflag:$0x4], $0x80, s11, s1, $0xb8;
	[tilespmem:$0x1F800] =	vst v63  }
0x258: {  	_ =	swait.ge [sflag:s19], $0x2800  }
0x259: {  	[sflag:s19] =	ssyncset.done $0x0  }
0x25a: {  	s11 =	simm.s32 $0x600;
	[sflag:s19] =	ssyncadd.s32 $0xFFFFD800  }
0x25b: {  	[tilespmem:s9], [sflag:$0x3] =	stream.indirect.gather [hbm4b:s2+s1], $0x80, s11, s1, $0xb8;
	[tilespmem:$0x1F800] =	vst v63  }
0x25c: {  	_ =	swait.ge [sflag:s10], $0x2800  }
0x25d: {  	[sflag:s10] =	ssyncset.done $0x0  }
0x25e: {  	s11 =	simm.s32 $0x1580;
	[sflag:s10] =	ssyncadd.s32 $0xFFFFD800  }
0x25f: {  	[spmem:s3] =	stream.indirect.scatter.add.f32 [tilespmem:s6], [sflag:$0x5], $0x80, s11, s1, $0xb8;
	[tilespmem:$0x1F800] =	vst v63  }
0x260: {  	_ =	swait.ge [sflag:s12], $0x2800  }
0x261: {  	[sflag:s12] =	ssyncset.done $0x0  }
0x262: {  	s11 =	simm.s32 $0x680;
	[sflag:s12] =	ssyncadd.s32 $0xFFFFD800  }
0x263: {  	[tilespmem:s25], [sflag:$0x1] =	stream.indirect.gather [hbm4b:s2+s1], $0x80, s11, s1, $0xb8;
	[tilespmem:$0x1F800] =	vst v63  }
0x264: {  	_ =	swait.ge [sflag:s14], $0x2800  }
0x265: {  	[sflag:s14] =	ssyncset.done $0x0  }
0x266: {  	s11 =	simm.s32 $0x1600;
	[sflag:s14] =	ssyncadd.s32 $0xFFFFD800  }
0x267: {  	[spmem:s3] =	stream.indirect.scatter.add.f32 [tilespmem:s9], [sflag:$0x6], $0x80, s11, s1, $0xb8;
	[tilespmem:$0x1F800] =	vst v63  }
0x268: {  	_ =	swait.ge [sflag:s16], $0x2800  }
0x269: {  	[sflag:s16] =	ssyncset.done $0x0  }
0x26a: {  	s11 =	simm.s32 $0x700;
	[sflag:s16] =	ssyncadd.s32 $0xFFFFD800  }
0x26b: {  	[tilespmem:s6], [sflag:$0x2] =	stream.indirect.gather [hbm4b:s2+s1], $0x80, s11, s1, $0xb8;
	[tilespmem:$0x1F800] =	vst v63  }
0x26c: {  	_ =	swait.ge [sflag:s7], $0x2800  }
0x26d: {  	[sflag:s7] =	ssyncset.done $0x0  }
0x26e: {  	s11 =	simm.s32 $0x1680;
	[sflag:s7] =	ssyncadd.s32 $0xFFFFD800  }
0x26f: {  	[spmem:s3] =	stream.indirect.scatter.add.f32 [tilespmem:s25], [sflag:$0x4], $0x80, s11, s1, $0xb8;
	[tilespmem:$0x1F800] =	vst v63  }
0x270: {  	_ =	swait.ge [sflag:s19], $0x2800  }
0x271: {  	[sflag:s19] =	ssyncset.done $0x0  }
0x272: {  	s11 =	simm.s32 $0x780;
	[sflag:s19] =	ssyncadd.s32 $0xFFFFD800  }
0x273: {  	[tilespmem:s9], [sflag:$0x3] =	stream.indirect.gather [hbm4b:s2+s1], $0x80, s11, s1, $0xb8;
	[tilespmem:$0x1F800] =	vst v63  }
0x274: {  	_ =	swait.ge [sflag:s10], $0x2800  }
0x275: {  	[sflag:s10] =	ssyncset.done $0x0  }
0x276: {  	s11 =	simm.s32 $0x1700;
	[sflag:s10] =	ssyncadd.s32 $0xFFFFD800  }
0x277: {  	[spmem:s3] =	stream.indirect.scatter.add.f32 [tilespmem:s6], [sflag:$0x5], $0x80, s11, s1, $0xb8;
	[tilespmem:$0x1F800] =	vst v63  }
0x278: {  	_ =	swait.ge [sflag:s12], $0x2800  }
0x279: {  	[sflag:s12] =	ssyncset.done $0x0  }
0x27a: {  	s11 =	simm.s32 $0x800;
	[sflag:s12] =	ssyncadd.s32 $0xFFFFD800  }
0x27b: {  	[tilespmem:s25], [sflag:$0x1] =	stream.indirect.gather [hbm4b:s2+s1], $0x80, s11, s1, $0xb8;
	[tilespmem:$0x1F800] =	vst v63  }
0x27c: {  	_ =	swait.ge [sflag:s14], $0x2800  }
0x27d: {  	[sflag:s14] =	ssyncset.done $0x0  }
0x27e: {  	s11 =	simm.s32 $0x1780;
	[sflag:s14] =	ssyncadd.s32 $0xFFFFD800  }
0x27f: {  	[spmem:s3] =	stream.indirect.scatter.add.f32 [tilespmem:s9], [sflag:$0x6], $0x80, s11, s1, $0xb8;
	[tilespmem:$0x1F800] =	vst v63  }
0x280: {  	_ =	swait.ge [sflag:s16], $0x2800  }
0x281: {  	[sflag:s16] =	ssyncset.done $0x0  }
0x282: {  	s11 =	simm.s32 $0x880;
	[sflag:s16] =	ssyncadd.s32 $0xFFFFD800  }
0x283: {  	[tilespmem:s6], [sflag:$0x2] =	stream.indirect.gather [hbm4b:s2+s1], $0x80, s11, s1, $0xb8;
	[tilespmem:$0x1F800] =	vst v63  }
0x284: {  	_ =	swait.ge [sflag:s7], $0x2800  }
0x285: {  	[sflag:s7] =	ssyncset.done $0x0  }
0x286: {  	s11 =	simm.s32 $0x1800;
	[sflag:s7] =	ssyncadd.s32 $0xFFFFD800  }
0x287: {  	[spmem:s3] =	stream.indirect.scatter.add.f32 [tilespmem:s25], [sflag:$0x4], $0x80, s11, s1, $0xb8;
	[tilespmem:$0x1F800] =	vst v63  }
0x288: {  	_ =	swait.ge [sflag:s19], $0x2800  }
0x289: {  	[sflag:s19] =	ssyncset.done $0x0  }
0x28a: {  	s11 =	simm.s32 $0x900;
	[sflag:s19] =	ssyncadd.s32 $0xFFFFD800  }
0x28b: {  	[tilespmem:s9], [sflag:$0x3] =	stream.indirect.gather [hbm4b:s2+s1], $0x80, s11, s1, $0xb8;
	[tilespmem:$0x1F800] =	vst v63  }
0x28c: {  	_ =	swait.ge [sflag:s10], $0x2800  }
0x28d: {  	[sflag:s10] =	ssyncset.done $0x0  }
0x28e: {  	s11 =	simm.s32 $0x1880;
	[sflag:s10] =	ssyncadd.s32 $0xFFFFD800  }
0x28f: {  	[spmem:s3] =	stream.indirect.scatter.add.f32 [tilespmem:s6], [sflag:$0x5], $0x80, s11, s1, $0xb8;
	[tilespmem:$0x1F800] =	vst v63  }
0x290: {  	_ =	swait.ge [sflag:s12], $0x2800  }
0x291: {  	[sflag:s12] =	ssyncset.done $0x0  }
0x292: {  	s11 =	simm.s32 $0x980;
	[sflag:s12] =	ssyncadd.s32 $0xFFFFD800  }
0x293: {  	[tilespmem:s25], [sflag:$0x1] =	stream.indirect.gather [hbm4b:s2+s1], $0x80, s11, s1, $0xb8;
	[tilespmem:$0x1F800] =	vst v63  }
0x294: {  	_ =	swait.ge [sflag:s14], $0x2800  }
0x295: {  	[sflag:s14] =	ssyncset.done $0x0  }
0x296: {  	s11 =	simm.s32 $0x1900;
	[sflag:s14] =	ssyncadd.s32 $0xFFFFD800  }
0x297: {  	[spmem:s3] =	stream.indirect.scatter.add.f32 [tilespmem:s9], [sflag:$0x6], $0x80, s11, s1, $0xb8;
	[tilespmem:$0x1F800] =	vst v63  }
0x298: {  	_ =	swait.ge [sflag:s16], $0x2800  }
0x299: {  	[sflag:s16] =	ssyncset.done $0x0  }
0x29a: {  	s11 =	simm.s32 $0xA00;
	[sflag:s16] =	ssyncadd.s32 $0xFFFFD800  }
0x29b: {  	[tilespmem:s6], [sflag:$0x2] =	stream.indirect.gather [hbm4b:s2+s1], $0x80, s11, s1, $0xb8;
	[tilespmem:$0x1F800] =	vst v63  }
0x29c: {  	_ =	swait.ge [sflag:s7], $0x2800  }
0x29d: {  	[sflag:s7] =	ssyncset.done $0x0  }
0x29e: {  	s11 =	simm.s32 $0x1980;
	[sflag:s7] =	ssyncadd.s32 $0xFFFFD800  }
0x29f: {  	[spmem:s3] =	stream.indirect.scatter.add.f32 [tilespmem:s25], [sflag:$0x4], $0x80, s11, s1, $0xb8;
	[tilespmem:$0x1F800] =	vst v63  }
0x2a0: {  	_ =	swait.ge [sflag:s19], $0x2800  }
0x2a1: {  	[sflag:s19] =	ssyncset.done $0x0  }
0x2a2: {  	s11 =	simm.s32 $0xA80;
	[sflag:s19] =	ssyncadd.s32 $0xFFFFD800  }
0x2a3: {  	[tilespmem:s9], [sflag:$0x3] =	stream.indirect.gather [hbm4b:s2+s1], $0x80, s11, s1, $0xb8;
	[tilespmem:$0x1F800] =	vst v63  }
0x2a4: {  	_ =	swait.ge [sflag:s10], $0x2800  }
0x2a5: {  	[sflag:s10] =	ssyncset.done $0x0  }
0x2a6: {  	s11 =	simm.s32 $0x1A00;
	[sflag:s10] =	ssyncadd.s32 $0xFFFFD800  }
0x2a7: {  	[spmem:s3] =	stream.indirect.scatter.add.f32 [tilespmem:s6], [sflag:$0x5], $0x80, s11, s1, $0xb8;
	[tilespmem:$0x1F800] =	vst v63  }
0x2a8: {  	_ =	swait.ge [sflag:s12], $0x2800  }
0x2a9: {  	[sflag:s12] =	ssyncset.done $0x0  }
0x2aa: {  	s11 =	simm.s32 $0xB00;
	[sflag:s12] =	ssyncadd.s32 $0xFFFFD800  }
0x2ab: {  	[tilespmem:s25], [sflag:$0x1] =	stream.indirect.gather [hbm4b:s2+s1], $0x80, s11, s1, $0xb8;
	[tilespmem:$0x1F800] =	vst v63  }
0x2ac: {  	_ =	swait.ge [sflag:s14], $0x2800  }
0x2ad: {  	[sflag:s14] =	ssyncset.done $0x0  }
0x2ae: {  	s11 =	simm.s32 $0x1A80;
	[sflag:s14] =	ssyncadd.s32 $0xFFFFD800  }
0x2af: {  	[spmem:s3] =	stream.indirect.scatter.add.f32 [tilespmem:s9], [sflag:$0x6], $0x80, s11, s1, $0xb8;
	[tilespmem:$0x1F800] =	vst v63  }
0x2b0: {  	_ =	swait.ge [sflag:s16], $0x2800  }
0x2b1: {  	[sflag:s16] =	ssyncset.done $0x0  }
0x2b2: {  	s11 =	simm.s32 $0xB80;
	[sflag:s16] =	ssyncadd.s32 $0xFFFFD800  }
0x2b3: {  	[tilespmem:s6], [sflag:$0x2] =	stream.indirect.gather [hbm4b:s2+s1], $0x80, s11, s1, $0xb8;
	[tilespmem:$0x1F800] =	vst v63  }
0x2b4: {  	_ =	swait.ge [sflag:s7], $0x2800  }
0x2b5: {  	[sflag:s7] =	ssyncset.done $0x0  }
0x2b6: {  	s11 =	simm.s32 $0x1B00;
	[sflag:s7] =	ssyncadd.s32 $0xFFFFD800  }
0x2b7: {  	[spmem:s3] =	stream.indirect.scatter.add.f32 [tilespmem:s25], [sflag:$0x4], $0x80, s11, s1, $0xb8;
	[tilespmem:$0x1F800] =	vst v63  }
0x2b8: {  	_ =	swait.ge [sflag:s19], $0x2800  }
0x2b9: {  	[sflag:s19] =	ssyncset.done $0x0  }
0x2ba: {  	s11 =	simm.s32 $0xC00;
	[sflag:s19] =	ssyncadd.s32 $0xFFFFD800  }
0x2bb: {  	[tilespmem:s9], [sflag:$0x3] =	stream.indirect.gather [hbm4b:s2+s1], $0x80, s11, s1, $0xb8;
	[tilespmem:$0x1F800] =	vst v63  }
0x2bc: {  	_ =	swait.ge [sflag:s23], $0xC80  }
0x2bd: {  	[sflag:s23] =	ssyncset.done $0x0  }
0x2be: {  	[sflag:s23] =	ssyncadd.s32 $0xFFFFF380  }
0x2bf: {  	_ =	swait.ge [sflag:s23], $0xC80  }
0x2c0: {  	[sflag:s23] =	ssyncset.done $0x0  }
0x2c1: {  	[sflag:s23] =	ssyncadd.s32 $0xFFFFF380  }
0x2c2: {  	_ =	swait.ge [sflag:s10], $0x2800  }
0x2c3: {  	[sflag:s10] =	ssyncset.done $0x0  }
0x2c4: {  	s11 =	simm.s32 $0x1B80;
	[sflag:s10] =	ssyncadd.s32 $0xFFFFD800  }
0x2c5: {  	[spmem:s3] =	stream.indirect.scatter.add.f32 [tilespmem:s6], [sflag:$0x5], $0x80, s11, s1, $0xb8;
	[tilespmem:$0x1F800] =	vst v63  }
0x2c6: {  	_ =	swait.ge [sflag:s12], $0x2800  }
0x2c7: {  	[sflag:s12] =	ssyncset.done $0x0  }
0x2c8: {  	[sflag:s12] =	ssyncadd.s32 $0xFFFFD800  }
0x2c9: {  	[tilespmem:s25], [sflag:$0x1] =	stream.indirect.gather [hbm4b:s2+s1], $0x80, s31, s1, $0xb8;
	[tilespmem:$0x1F800] =	vst v63  }
0x2ca: {  	_ =	swait.ge [sflag:s14], $0x2800  }
0x2cb: {  	[sflag:s14] =	ssyncset.done $0x0  }
0x2cc: {  	s31 =	simm.s32 $0x1C00;
	[sflag:s14] =	ssyncadd.s32 $0xFFFFD800  }
0x2cd: {  	[spmem:s3] =	stream.indirect.scatter.add.f32 [tilespmem:s9], [sflag:$0x6], $0x80, s31, s1, $0xb8;
	[tilespmem:$0x1F800] =	vst v63  }
0x2ce: {  	_ =	swait.ge [sflag:s16], $0x2800  }
0x2cf: {  	[sflag:s16] =	ssyncset.done $0x0  }
0x2d0: {  	[sflag:s16] =	ssyncadd.s32 $0xFFFFD800  }
0x2d1: {  	[tilespmem:s6], [sflag:$0x2] =	stream.indirect.gather [hbm4b:s2+s1], $0x80, s28, s1, $0xb8;
	[tilespmem:$0x1F800] =	vst v63  }
0x2d2: {  	_ =	swait.ge [sflag:s7], $0x2800  }
0x2d3: {  	[sflag:s7] =	ssyncset.done $0x0  }
0x2d4: {  	[sflag:s7] =	ssyncadd.s32 $0xFFFFD800  }
0x2d5: {  	[spmem:s3] =	stream.indirect.scatter.add.f32 [tilespmem:s25], [sflag:$0x4], $0x80, s5, s1, $0xb8;
	[tilespmem:$0x1F800] =	vst v63  }
0x2d6: {  	_ =	swait.ge [sflag:s19], $0x2800  }
0x2d7: {  	[sflag:s19] =	ssyncset.done $0x0  }
0x2d8: {  	[sflag:s19] =	ssyncadd.s32 $0xFFFFD800  }
0x2d9: {  	[tilespmem:s9], [sflag:$0x3] =	stream.indirect.gather [hbm4b:s2+s1], $0x80, s18, s1, $0xb8;
	[tilespmem:$0x1F800] =	vst v63  }
0x2da: {  	_ =	swait.ge [sflag:s10], $0x2800  }
0x2db: {  	[sflag:s10] =	ssyncset.done $0x0  }
0x2dc: {  	[sflag:s10] =	ssyncadd.s32 $0xFFFFD800  }
0x2dd: {  	[spmem:s3] =	stream.indirect.scatter.add.f32 [tilespmem:s6], [sflag:$0x5], $0x80, s20, s1, $0xb8;
	[tilespmem:$0x1F800] =	vst v63  }
0x2de: {  	_ =	swait.ge [sflag:s12], $0x2800  }
0x2df: {  	[sflag:s12] =	ssyncset.done $0x0  }
0x2e0: {  	[sflag:s12] =	ssyncadd.s32 $0xFFFFD800  }
0x2e1: {  	[tilespmem:s25], [sflag:$0x1] =	stream.indirect.gather [hbm4b:s2+s1], $0x80, s21, s1, $0xb8;
	[tilespmem:$0x1F800] =	vst v63  }
0x2e2: {  	s5 =	rddreg [dreg:$0x13]  }
0x2e3: {  	[tilespmem:s4], [sflag:$0x7] =	stream.linear.gather [hbm4b:s5+s4], $0xC80, $0x38;
	[tilespmem:$0x1F800] =	vst v63  }
0x2e4: {  	s5 =	rddreg [dreg:$0x14]  }
0x2e5: {  	[tilespmem:s0], [sflag:$0x7] =	stream.linear.gather [hbm4b:s5+s4], $0xC80, $0x38;
	[tilespmem:$0x1F800] =	vst v63  }
0x2e6: {  	_ =	swait.ge [sflag:s14], $0x2800  }
0x2e7: {  	[sflag:s14] =	ssyncset.done $0x0  }
0x2e8: {  	[sflag:s14] =	ssyncadd.s32 $0xFFFFD800  }
0x2e9: {  	[spmem:s3] =	stream.indirect.scatter.add.f32 [tilespmem:s9], [sflag:$0x6], $0x80, s22, s1, $0xb8;
	[tilespmem:$0x1F800] =	vst v63  }
0x2ea: {  	_ =	swait.ge [sflag:s16], $0x2800  }
0x2eb: {  	[sflag:s16] =	ssyncset.done $0x0  }
0x2ec: {  	[sflag:s16] =	ssyncadd.s32 $0xFFFFD800  }
0x2ed: {  	[tilespmem:s6], [sflag:$0x2] =	stream.indirect.gather [hbm4b:s2+s1], $0x80, s24, s1, $0xb8;
	[tilespmem:$0x1F800] =	vst v63  }
0x2ee: {  	_ =	swait.ge [sflag:s7], $0x2800  }
0x2ef: {  	[sflag:s7] =	ssyncset.done $0x0  }
0x2f0: {  	[sflag:s7] =	ssyncadd.s32 $0xFFFFD800  }
0x2f1: {  	[spmem:s3] =	stream.indirect.scatter.add.f32 [tilespmem:s25], [sflag:$0x4], $0x80, s30, s1, $0xb8;
	[tilespmem:$0x1F800] =	vst v63  }
0x2f2: {  	_ =	swait.ge [sflag:s19], $0x2800  }
0x2f3: {  	[sflag:s19] =	ssyncset.done $0x0  }
0x2f4: {  	[sflag:s19] =	ssyncadd.s32 $0xFFFFD800  }
0x2f5: {  	[tilespmem:s9], [sflag:$0x3] =	stream.indirect.gather [hbm4b:s2+s1], $0x80, s17, s1, $0xb8;
	[tilespmem:$0x1F800] =	vst v63  }
0x2f6: {  	_ =	swait.ge [sflag:s10], $0x2800  }
0x2f7: {  	[sflag:s10] =	ssyncset.done $0x0  }
0x2f8: {  	[sflag:s10] =	ssyncadd.s32 $0xFFFFD800  }
0x2f9: {  	[spmem:s3] =	stream.indirect.scatter.add.f32 [tilespmem:s6], [sflag:$0x5], $0x80, s13, s1, $0xb8;
	[tilespmem:$0x1F800] =	vst v63  }
0x2fa: {  	_ =	swait.ge [sflag:s12], $0x2800  }
0x2fb: {  	[sflag:s12] =	ssyncset.done $0x0  }
0x2fc: {  	[sflag:s12] =	ssyncadd.s32 $0xFFFFD800  }
0x2fd: {  	[tilespmem:s25], [sflag:$0x1] =	stream.indirect.gather [hbm4b:s2+s1], $0x80, s15, s1, $0xb8;
	[tilespmem:$0x1F800] =	vst v63  }
0x2fe: {  	_ =	swait.ge [sflag:s14], $0x2800  }
0x2ff: {  	[sflag:s14] =	ssyncset.done $0x0  }
0x300: {  	s11 =	simm.s32 $0x3280;
	[sflag:s14] =	ssyncadd.s32 $0xFFFFD800  }
0x301: {  	[spmem:s3] =	stream.indirect.scatter.add.f32 [tilespmem:s9], [sflag:$0x6], $0x80, s11, s1, $0xb8;
	[tilespmem:$0x1F800] =	vst v63  }
0x302: {  	_ =	swait.ge [sflag:s16], $0x2800  }
0x303: {  	[sflag:s16] =	ssyncset.done $0x0  }
0x304: {  	s13 =	simm.s32 $0x2380;
	[sflag:s16] =	ssyncadd.s32 $0xFFFFD800  }
0x305: {  	[tilespmem:s6], [sflag:$0x2] =	stream.indirect.gather [hbm4b:s2+s1], $0x80, s13, s1, $0xb8;
	[tilespmem:$0x1F800] =	vst v63  }
0x306: {  	_ =	swait.ge [sflag:s7], $0x2800  }
0x307: {  	[sflag:s7] =	ssyncset.done $0x0  }
0x308: {  	s15 =	simm.s32 $0x3300;
	[sflag:s7] =	ssyncadd.s32 $0xFFFFD800  }
0x309: {  	[spmem:s3] =	stream.indirect.scatter.add.f32 [tilespmem:s25], [sflag:$0x4], $0x80, s15, s1, $0xb8;
	[tilespmem:$0x1F800] =	vst v63  }
0x30a: {  	_ =	swait.ge [sflag:s19], $0x2800  }
0x30b: {  	[sflag:s19] =	ssyncset.done $0x0  }
0x30c: {  	s11 =	simm.s32 $0x2400;
	[sflag:s19] =	ssyncadd.s32 $0xFFFFD800  }
0x30d: {  	[tilespmem:s9], [sflag:$0x3] =	stream.indirect.gather [hbm4b:s2+s1], $0x80, s11, s1, $0xb8;
	[tilespmem:$0x1F800] =	vst v63  }
0x30e: {  	_ =	swait.ge [sflag:s10], $0x2800  }
0x30f: {  	[sflag:s10] =	ssyncset.done $0x0  }
0x310: {  	s13 =	simm.s32 $0x3380;
	[sflag:s10] =	ssyncadd.s32 $0xFFFFD800  }
0x311: {  	[spmem:s3] =	stream.indirect.scatter.add.f32 [tilespmem:s6], [sflag:$0x5], $0x80, s13, s1, $0xb8;
	[tilespmem:$0x1F800] =	vst v63  }
0x312: {  	_ =	swait.ge [sflag:s12], $0x2800  }
0x313: {  	[sflag:s12] =	ssyncset.done $0x0  }
0x314: {  	s15 =	simm.s32 $0x2480;
	[sflag:s12] =	ssyncadd.s32 $0xFFFFD800  }
0x315: {  	[tilespmem:s25], [sflag:$0x1] =	stream.indirect.gather [hbm4b:s2+s1], $0x80, s15, s1, $0xb8;
	[tilespmem:$0x1F800] =	vst v63  }
0x316: {  	_ =	swait.ge [sflag:s14], $0x2800  }
0x317: {  	[sflag:s14] =	ssyncset.done $0x0  }
0x318: {  	s11 =	simm.s32 $0x3400;
	[sflag:s14] =	ssyncadd.s32 $0xFFFFD800  }
0x319: {  	[spmem:s3] =	stream.indirect.scatter.add.f32 [tilespmem:s9], [sflag:$0x6], $0x80, s11, s1, $0xb8;
	[tilespmem:$0x1F800] =	vst v63  }
0x31a: {  	_ =	swait.ge [sflag:s16], $0x2800  }
0x31b: {  	[sflag:s16] =	ssyncset.done $0x0  }
0x31c: {  	s13 =	simm.s32 $0x2500;
	[sflag:s16] =	ssyncadd.s32 $0xFFFFD800  }
0x31d: {  	[tilespmem:s6], [sflag:$0x2] =	stream.indirect.gather [hbm4b:s2+s1], $0x80, s13, s1, $0xb8;
	[tilespmem:$0x1F800] =	vst v63  }
0x31e: {  	_ =	swait.ge [sflag:s7], $0x2800  }
0x31f: {  	[sflag:s7] =	ssyncset.done $0x0  }
0x320: {  	s15 =	simm.s32 $0x3480;
	[sflag:s7] =	ssyncadd.s32 $0xFFFFD800  }
0x321: {  	[spmem:s3] =	stream.indirect.scatter.add.f32 [tilespmem:s25], [sflag:$0x4], $0x80, s15, s1, $0xb8;
	[tilespmem:$0x1F800] =	vst v63  }
0x322: {  	_ =	swait.ge [sflag:s19], $0x2800  }
0x323: {  	[sflag:s19] =	ssyncset.done $0x0  }
0x324: {  	s11 =	simm.s32 $0x2580;
	[sflag:s19] =	ssyncadd.s32 $0xFFFFD800  }
0x325: {  	[tilespmem:s9], [sflag:$0x3] =	stream.indirect.gather [hbm4b:s2+s1], $0x80, s11, s1, $0xb8;
	[tilespmem:$0x1F800] =	vst v63  }
0x326: {  	_ =	swait.ge [sflag:s10], $0x2800  }
0x327: {  	[sflag:s10] =	ssyncset.done $0x0  }
0x328: {  	s13 =	simm.s32 $0x3500;
	[sflag:s10] =	ssyncadd.s32 $0xFFFFD800  }
0x329: {  	[spmem:s3] =	stream.indirect.scatter.add.f32 [tilespmem:s6], [sflag:$0x5], $0x80, s13, s1, $0xb8;
	[tilespmem:$0x1F800] =	vst v63  }
0x32a: {  	_ =	swait.ge [sflag:s12], $0x2800  }
0x32b: {  	[sflag:s12] =	ssyncset.done $0x0  }
0x32c: {  	s15 =	simm.s32 $0x2600;
	[sflag:s12] =	ssyncadd.s32 $0xFFFFD800  }
0x32d: {  	[tilespmem:s25], [sflag:$0x1] =	stream.indirect.gather [hbm4b:s2+s1], $0x80, s15, s1, $0xb8;
	[tilespmem:$0x1F800] =	vst v63  }
0x32e: {  	_ =	swait.ge [sflag:s14], $0x2800  }
0x32f: {  	[sflag:s14] =	ssyncset.done $0x0  }
0x330: {  	s11 =	simm.s32 $0x3580;
	[sflag:s14] =	ssyncadd.s32 $0xFFFFD800  }
0x331: {  	[spmem:s3] =	stream.indirect.scatter.add.f32 [tilespmem:s9], [sflag:$0x6], $0x80, s11, s1, $0xb8;
	[tilespmem:$0x1F800] =	vst v63  }
0x332: {  	_ =	swait.ge [sflag:s16], $0x2800  }
0x333: {  	[sflag:s16] =	ssyncset.done $0x0  }
0x334: {  	s13 =	simm.s32 $0x2680;
	[sflag:s16] =	ssyncadd.s32 $0xFFFFD800  }
0x335: {  	[tilespmem:s6], [sflag:$0x2] =	stream.indirect.gather [hbm4b:s2+s1], $0x80, s13, s1, $0xb8;
	[tilespmem:$0x1F800] =	vst v63  }
0x336: {  	_ =	swait.ge [sflag:s7], $0x2800  }
0x337: {  	[sflag:s7] =	ssyncset.done $0x0  }
0x338: {  	s15 =	simm.s32 $0x3600;
	[sflag:s7] =	ssyncadd.s32 $0xFFFFD800  }
0x339: {  	[spmem:s3] =	stream.indirect.scatter.add.f32 [tilespmem:s25], [sflag:$0x4], $0x80, s15, s1, $0xb8;
	[tilespmem:$0x1F800] =	vst v63  }
0x33a: {  	_ =	swait.ge [sflag:s19], $0x2800  }
0x33b: {  	[sflag:s19] =	ssyncset.done $0x0  }
0x33c: {  	s11 =	simm.s32 $0x2700;
	[sflag:s19] =	ssyncadd.s32 $0xFFFFD800  }
0x33d: {  	[tilespmem:s9], [sflag:$0x3] =	stream.indirect.gather [hbm4b:s2+s1], $0x80, s11, s1, $0xb8;
	[tilespmem:$0x1F800] =	vst v63  }
0x33e: {  	_ =	swait.ge [sflag:s10], $0x2800  }
0x33f: {  	[sflag:s10] =	ssyncset.done $0x0  }
0x340: {  	s13 =	simm.s32 $0x3680;
	[sflag:s10] =	ssyncadd.s32 $0xFFFFD800  }
0x341: {  	[spmem:s3] =	stream.indirect.scatter.add.f32 [tilespmem:s6], [sflag:$0x5], $0x80, s13, s1, $0xb8;
	[tilespmem:$0x1F800] =	vst v63  }
0x342: {  	_ =	swait.ge [sflag:s12], $0x2800  }
0x343: {  	[sflag:s12] =	ssyncset.done $0x0  }
0x344: {  	s15 =	simm.s32 $0x2780;
	[sflag:s12] =	ssyncadd.s32 $0xFFFFD800  }
0x345: {  	[tilespmem:s25], [sflag:$0x1] =	stream.indirect.gather [hbm4b:s2+s1], $0x80, s15, s1, $0xb8;
	[tilespmem:$0x1F800] =	vst v63  }
0x346: {  	_ =	swait.ge [sflag:s14], $0x2800  }
0x347: {  	[sflag:s14] =	ssyncset.done $0x0  }
0x348: {  	s11 =	simm.s32 $0x3700;
	[sflag:s14] =	ssyncadd.s32 $0xFFFFD800  }
0x349: {  	[spmem:s3] =	stream.indirect.scatter.add.f32 [tilespmem:s9], [sflag:$0x6], $0x80, s11, s1, $0xb8;
	[tilespmem:$0x1F800] =	vst v63  }
0x34a: {  	_ =	swait.ge [sflag:s16], $0x2800  }
0x34b: {  	[sflag:s16] =	ssyncset.done $0x0  }
0x34c: {  	s13 =	simm.s32 $0x2800;
	[sflag:s16] =	ssyncadd.s32 $0xFFFFD800  }
0x34d: {  	[tilespmem:s6], [sflag:$0x2] =	stream.indirect.gather [hbm4b:s2+s1], $0x80, s13, s1, $0xb8;
	[tilespmem:$0x1F800] =	vst v63  }
0x34e: {  	_ =	swait.ge [sflag:s7], $0x2800  }
0x34f: {  	[sflag:s7] =	ssyncset.done $0x0  }
0x350: {  	s15 =	simm.s32 $0x3780;
	[sflag:s7] =	ssyncadd.s32 $0xFFFFD800  }
0x351: {  	[spmem:s3] =	stream.indirect.scatter.add.f32 [tilespmem:s25], [sflag:$0x4], $0x80, s15, s1, $0xb8;
	[tilespmem:$0x1F800] =	vst v63  }
0x352: {  	_ =	swait.ge [sflag:s19], $0x2800  }
0x353: {  	[sflag:s19] =	ssyncset.done $0x0  }
0x354: {  	s11 =	simm.s32 $0x2880;
	[sflag:s19] =	ssyncadd.s32 $0xFFFFD800  }
0x355: {  	[tilespmem:s9], [sflag:$0x3] =	stream.indirect.gather [hbm4b:s2+s1], $0x80, s11, s1, $0xb8;
	[tilespmem:$0x1F800] =	vst v63  }
0x356: {  	_ =	swait.ge [sflag:s10], $0x2800  }
0x357: {  	[sflag:s10] =	ssyncset.done $0x0  }
0x358: {  	s13 =	simm.s32 $0x3800;
	[sflag:s10] =	ssyncadd.s32 $0xFFFFD800  }
0x359: {  	[spmem:s3] =	stream.indirect.scatter.add.f32 [tilespmem:s6], [sflag:$0x5], $0x80, s13, s1, $0xb8;
	[tilespmem:$0x1F800] =	vst v63  }
0x35a: {  	_ =	swait.ge [sflag:s12], $0x2800  }
0x35b: {  	[sflag:s12] =	ssyncset.done $0x0  }
0x35c: {  	s15 =	simm.s32 $0x2900;
	[sflag:s12] =	ssyncadd.s32 $0xFFFFD800  }
0x35d: {  	[tilespmem:s25], [sflag:$0x1] =	stream.indirect.gather [hbm4b:s2+s1], $0x80, s15, s1, $0xb8;
	[tilespmem:$0x1F800] =	vst v63  }
0x35e: {  	_ =	swait.ge [sflag:s14], $0x2800  }
0x35f: {  	[sflag:s14] =	ssyncset.done $0x0  }
0x360: {  	s11 =	simm.s32 $0x3880;
	[sflag:s14] =	ssyncadd.s32 $0xFFFFD800  }
0x361: {  	[spmem:s3] =	stream.indirect.scatter.add.f32 [tilespmem:s9], [sflag:$0x6], $0x80, s11, s1, $0xb8;
	[tilespmem:$0x1F800] =	vst v63  }
0x362: {  	_ =	swait.ge [sflag:s16], $0x2800  }
0x363: {  	[sflag:s16] =	ssyncset.done $0x0  }
0x364: {  	s13 =	simm.s32 $0x2980;
	[sflag:s16] =	ssyncadd.s32 $0xFFFFD800  }
0x365: {  	[tilespmem:s6], [sflag:$0x2] =	stream.indirect.gather [hbm4b:s2+s1], $0x80, s13, s1, $0xb8;
	[tilespmem:$0x1F800] =	vst v63  }
0x366: {  	_ =	swait.ge [sflag:s7], $0x2800  }
0x367: {  	[sflag:s7] =	ssyncset.done $0x0  }
0x368: {  	s15 =	simm.s32 $0x3900;
	[sflag:s7] =	ssyncadd.s32 $0xFFFFD800  }
0x369: {  	[spmem:s3] =	stream.indirect.scatter.add.f32 [tilespmem:s25], [sflag:$0x4], $0x80, s15, s1, $0xb8;
	[tilespmem:$0x1F800] =	vst v63  }
0x36a: {  	_ =	swait.ge [sflag:s19], $0x2800  }
0x36b: {  	[sflag:s19] =	ssyncset.done $0x0  }
0x36c: {  	s11 =	simm.s32 $0x2A00;
	[sflag:s19] =	ssyncadd.s32 $0xFFFFD800  }
0x36d: {  	[tilespmem:s9], [sflag:$0x3] =	stream.indirect.gather [hbm4b:s2+s1], $0x80, s11, s1, $0xb8;
	[tilespmem:$0x1F800] =	vst v63  }
0x36e: {  	_ =	swait.ge [sflag:s10], $0x2800  }
0x36f: {  	[sflag:s10] =	ssyncset.done $0x0  }
0x370: {  	s13 =	simm.s32 $0x3980;
	[sflag:s10] =	ssyncadd.s32 $0xFFFFD800  }
0x371: {  	[spmem:s3] =	stream.indirect.scatter.add.f32 [tilespmem:s6], [sflag:$0x5], $0x80, s13, s1, $0xb8;
	[tilespmem:$0x1F800] =	vst v63  }
0x372: {  	_ =	swait.ge [sflag:s12], $0x2800  }
0x373: {  	[sflag:s12] =	ssyncset.done $0x0  }
0x374: {  	s15 =	simm.s32 $0x2A80;
	[sflag:s12] =	ssyncadd.s32 $0xFFFFD800  }
0x375: {  	[tilespmem:s25], [sflag:$0x1] =	stream.indirect.gather [hbm4b:s2+s1], $0x80, s15, s1, $0xb8;
	[tilespmem:$0x1F800] =	vst v63  }
0x376: {  	_ =	swait.ge [sflag:s14], $0x2800  }
0x377: {  	[sflag:s14] =	ssyncset.done $0x0  }
0x378: {  	s11 =	simm.s32 $0x3A00;
	[sflag:s14] =	ssyncadd.s32 $0xFFFFD800  }
0x379: {  	[spmem:s3] =	stream.indirect.scatter.add.f32 [tilespmem:s9], [sflag:$0x6], $0x80, s11, s1, $0xb8;
	[tilespmem:$0x1F800] =	vst v63  }
0x37a: {  	_ =	swait.ge [sflag:s16], $0x2800  }
0x37b: {  	[sflag:s16] =	ssyncset.done $0x0  }
0x37c: {  	s13 =	simm.s32 $0x2B00;
	[sflag:s16] =	ssyncadd.s32 $0xFFFFD800  }
0x37d: {  	[tilespmem:s6], [sflag:$0x2] =	stream.indirect.gather [hbm4b:s2+s1], $0x80, s13, s1, $0xb8;
	[tilespmem:$0x1F800] =	vst v63  }
0x37e: {  	_ =	swait.ge [sflag:s7], $0x2800  }
0x37f: {  	[sflag:s7] =	ssyncset.done $0x0  }
0x380: {  	s15 =	simm.s32 $0x3A80;
	[sflag:s7] =	ssyncadd.s32 $0xFFFFD800  }
0x381: {  	[spmem:s3] =	stream.indirect.scatter.add.f32 [tilespmem:s25], [sflag:$0x4], $0x80, s15, s1, $0xb8;
	[tilespmem:$0x1F800] =	vst v63  }
0x382: {  	_ =	swait.ge [sflag:s19], $0x2800  }
0x383: {  	[sflag:s19] =	ssyncset.done $0x0  }
0x384: {  	s11 =	simm.s32 $0x2B80;
	[sflag:s19] =	ssyncadd.s32 $0xFFFFD800  }
0x385: {  	[tilespmem:s9], [sflag:$0x3] =	stream.indirect.gather [hbm4b:s2+s1], $0x80, s11, s1, $0xb8;
	[tilespmem:$0x1F800] =	vst v63  }
0x386: {  	_ =	swait.ge [sflag:s10], $0x2800  }
0x387: {  	[sflag:s10] =	ssyncset.done $0x0  }
0x388: {  	s13 =	simm.s32 $0x3B00;
	[sflag:s10] =	ssyncadd.s32 $0xFFFFD800  }
0x389: {  	[spmem:s3] =	stream.indirect.scatter.add.f32 [tilespmem:s6], [sflag:$0x5], $0x80, s13, s1, $0xb8;
	[tilespmem:$0x1F800] =	vst v63  }
0x38a: {  	_ =	swait.ge [sflag:s12], $0x2800  }
0x38b: {  	[sflag:s12] =	ssyncset.done $0x0  }
0x38c: {  	s15 =	simm.s32 $0x2C00;
	[sflag:s12] =	ssyncadd.s32 $0xFFFFD800  }
0x38d: {  	[tilespmem:s25], [sflag:$0x1] =	stream.indirect.gather [hbm4b:s2+s1], $0x80, s15, s1, $0xb8;
	[tilespmem:$0x1F800] =	vst v63  }
0x38e: {  	_ =	swait.ge [sflag:s29], $0xC80  }
0x38f: {  	[sflag:s29] =	ssyncset.done $0x0  }
0x390: {  	[sflag:s29] =	ssyncadd.s32 $0xFFFFF380  }
0x391: {  	_ =	swait.ge [sflag:s29], $0xC80  }
0x392: {  	[sflag:s29] =	ssyncset.done $0x0  }
0x393: {  	[sflag:s29] =	ssyncadd.s32 $0xFFFFF380  }
0x394: {  	_ =	swait.ge [sflag:s14], $0x2800  }
0x395: {  	[sflag:s14] =	ssyncset.done $0x0  }
0x396: {  	s11 =	simm.s32 $0x3B80;
	[sflag:s14] =	ssyncadd.s32 $0xFFFFD800  }
0x397: {  	[spmem:s3] =	stream.indirect.scatter.add.f32 [tilespmem:s9], [sflag:$0x6], $0x80, s11, s1, $0xb8;
	[tilespmem:$0x1F800] =	vst v63  }
0x398: {  	_ =	swait.ge [sflag:s16], $0x2800  }
0x399: {  	[sflag:s16] =	ssyncset.done $0x0  }
0x39a: {  	[sflag:s16] =	ssyncadd.s32 $0xFFFFD800  }
0x39b: {  	[tilespmem:s6], [sflag:$0x2] =	stream.indirect.gather [hbm4b:s2+s1], $0x80, s4, s1, $0xb8;
	[tilespmem:$0x1F800] =	vst v63  }
0x39c: {  	_ =	swait.ge [sflag:s7], $0x2800  }
0x39d: {  	[sflag:s7] =	ssyncset.done $0x0  }
0x39e: {  	s13 =	simm.s32 $0x3C00;
	[sflag:s7] =	ssyncadd.s32 $0xFFFFD800  }
0x39f: {  	[spmem:s3] =	stream.indirect.scatter.add.f32 [tilespmem:s25], [sflag:$0x4], $0x80, s13, s1, $0xb8;
	[tilespmem:$0x1F800] =	vst v63  }
0x3a0: {  	_ =	swait.ge [sflag:s19], $0x2800  }
0x3a1: {  	[sflag:s19] =	ssyncset.done $0x0  }
0x3a2: {  	s15 =	simm.s32 $0x80;
	[sflag:s19] =	ssyncadd.s32 $0xFFFFD800  }
0x3a3: {  	[tilespmem:s9], [sflag:$0x3] =	stream.indirect.gather [hbm4b:s2+s1], $0x80, s15, s1, $0xb8;
	[tilespmem:$0x1F800] =	vst v63  }
0x3a4: {  	_ =	swait.ge [sflag:s10], $0x2800  }
0x3a5: {  	[sflag:s10] =	ssyncset.done $0x0  }
0x3a6: {  	[sflag:s10] =	ssyncadd.s32 $0xFFFFD800  }
0x3a7: {  	[spmem:s3] =	stream.indirect.scatter.add.f32 [tilespmem:s6], [sflag:$0x5], $0x80, s0, s1, $0xb8;
	[tilespmem:$0x1F800] =	vst v63  }
0x3a8: {  	_ =	swait.ge [sflag:s12], $0x2800  }
0x3a9: {  	[sflag:s12] =	ssyncset.done $0x0  }
0x3aa: {  	s11 =	simm.s32 $0x100;
	[sflag:s12] =	ssyncadd.s32 $0xFFFFD800  }
0x3ab: {  	[tilespmem:s25], [sflag:$0x1] =	stream.indirect.gather [hbm4b:s2+s1], $0x80, s11, s1, $0xb8;
	[tilespmem:$0x1F800] =	vst v63  }
0x3ac: {  	_ =	swait.ge [sflag:s14], $0x2800  }
0x3ad: {  	[sflag:s14] =	ssyncset.done $0x0  }
0x3ae: {  	s13 =	simm.s32 $0x1080;
	[sflag:s14] =	ssyncadd.s32 $0xFFFFD800  }
0x3af: {  	[spmem:s3] =	stream.indirect.scatter.add.f32 [tilespmem:s9], [sflag:$0x6], $0x80, s13, s1, $0xb8;
	[tilespmem:$0x1F800] =	vst v63  }
0x3b0: {  	_ =	swait.ge [sflag:s16], $0x2800  }
0x3b1: {  	[sflag:s16] =	ssyncset.done $0x0  }
0x3b2: {  	s15 =	simm.s32 $0x180;
	[sflag:s16] =	ssyncadd.s32 $0xFFFFD800  }
0x3b3: {  	[tilespmem:s6], [sflag:$0x2] =	stream.indirect.gather [hbm4b:s2+s1], $0x80, s15, s1, $0xb8;
	[tilespmem:$0x1F800] =	vst v63  }
0x3b4: {  	_ =	swait.ge [sflag:s7], $0x2800  }
0x3b5: {  	[sflag:s7] =	ssyncset.done $0x0  }
0x3b6: {  	s5 =	simm.s32 $0x1100;
	[sflag:s7] =	ssyncadd.s32 $0xFFFFD800  }
0x3b7: {  	[spmem:s3] =	stream.indirect.scatter.add.f32 [tilespmem:s25], [sflag:$0x4], $0x80, s5, s1, $0xb8;
	[tilespmem:$0x1F800] =	vst v63  }
0x3b8: {  	_ =	swait.ge [sflag:s19], $0x2800  }
0x3b9: {  	[sflag:s19] =	ssyncset.done $0x0  }
0x3ba: {  	s11 =	simm.s32 $0x200;
	[sflag:s19] =	ssyncadd.s32 $0xFFFFD800  }
0x3bb: {  	[tilespmem:s9], [sflag:$0x3] =	stream.indirect.gather [hbm4b:s2+s1], $0x80, s11, s1, $0xb8;
	[tilespmem:$0x1F800] =	vst v63  }
0x3bc: {  	_ =	swait.ge [sflag:s10], $0x2800  }
0x3bd: {  	[sflag:s10] =	ssyncset.done $0x0  }
0x3be: {  	s13 =	simm.s32 $0x1180;
	[sflag:s10] =	ssyncadd.s32 $0xFFFFD800  }
0x3bf: {  	[spmem:s3] =	stream.indirect.scatter.add.f32 [tilespmem:s6], [sflag:$0x5], $0x80, s13, s1, $0xb8;
	[tilespmem:$0x1F800] =	vst v63  }
0x3c0: {  	_ =	swait.ge [sflag:s12], $0x2800  }
0x3c1: {  	[sflag:s12] =	ssyncset.done $0x0  }
0x3c2: {  	s15 =	simm.s32 $0x280;
	[sflag:s12] =	ssyncadd.s32 $0xFFFFD800  }
0x3c3: {  	[tilespmem:s25], [sflag:$0x1] =	stream.indirect.gather [hbm4b:s2+s1], $0x80, s15, s1, $0xb8;
	[tilespmem:$0x1F800] =	vst v63  }
0x3c4: {  	_ =	swait.ge [sflag:s14], $0x2800  }
0x3c5: {  	[sflag:s14] =	ssyncset.done $0x0  }
0x3c6: {  	s5 =	simm.s32 $0x1200;
	[sflag:s14] =	ssyncadd.s32 $0xFFFFD800  }
0x3c7: {  	[spmem:s3] =	stream.indirect.scatter.add.f32 [tilespmem:s9], [sflag:$0x6], $0x80, s5, s1, $0xb8;
	[tilespmem:$0x1F800] =	vst v63  }
0x3c8: {  	_ =	swait.ge [sflag:s16], $0x2800  }
0x3c9: {  	[sflag:s16] =	ssyncset.done $0x0  }
0x3ca: {  	s11 =	simm.s32 $0x300;
	[sflag:s16] =	ssyncadd.s32 $0xFFFFD800  }
0x3cb: {  	[tilespmem:s6], [sflag:$0x2] =	stream.indirect.gather [hbm4b:s2+s1], $0x80, s11, s1, $0xb8;
	[tilespmem:$0x1F800] =	vst v63  }
0x3cc: {  	_ =	swait.ge [sflag:s7], $0x2800  }
0x3cd: {  	[sflag:s7] =	ssyncset.done $0x0  }
0x3ce: {  	s13 =	simm.s32 $0x1280;
	[sflag:s7] =	ssyncadd.s32 $0xFFFFD800  }
0x3cf: {  	[spmem:s3] =	stream.indirect.scatter.add.f32 [tilespmem:s25], [sflag:$0x4], $0x80, s13, s1, $0xb8;
	[tilespmem:$0x1F800] =	vst v63  }
0x3d0: {  	_ =	swait.ge [sflag:s19], $0x2800  }
0x3d1: {  	[sflag:s19] =	ssyncset.done $0x0  }
0x3d2: {  	s15 =	simm.s32 $0x380;
	[sflag:s19] =	ssyncadd.s32 $0xFFFFD800  }
0x3d3: {  	[tilespmem:s9], [sflag:$0x3] =	stream.indirect.gather [hbm4b:s2+s1], $0x80, s15, s1, $0xb8;
	[tilespmem:$0x1F800] =	vst v63  }
0x3d4: {  	_ =	swait.ge [sflag:s10], $0x2800  }
0x3d5: {  	[sflag:s10] =	ssyncset.done $0x0  }
0x3d6: {  	s5 =	simm.s32 $0x1300;
	[sflag:s10] =	ssyncadd.s32 $0xFFFFD800  }
0x3d7: {  	[spmem:s3] =	stream.indirect.scatter.add.f32 [tilespmem:s6], [sflag:$0x5], $0x80, s5, s1, $0xb8;
	[tilespmem:$0x1F800] =	vst v63  }
0x3d8: {  	_ =	swait.ge [sflag:s12], $0x2800  }
0x3d9: {  	[sflag:s12] =	ssyncset.done $0x0  }
0x3da: {  	s11 =	simm.s32 $0x400;
	[sflag:s12] =	ssyncadd.s32 $0xFFFFD800  }
0x3db: {  	[tilespmem:s25], [sflag:$0x1] =	stream.indirect.gather [hbm4b:s2+s1], $0x80, s11, s1, $0xb8;
	[tilespmem:$0x1F800] =	vst v63  }
0x3dc: {  	_ =	swait.ge [sflag:s14], $0x2800  }
0x3dd: {  	[sflag:s14] =	ssyncset.done $0x0  }
0x3de: {  	s13 =	simm.s32 $0x1380;
	[sflag:s14] =	ssyncadd.s32 $0xFFFFD800  }
0x3df: {  	[spmem:s3] =	stream.indirect.scatter.add.f32 [tilespmem:s9], [sflag:$0x6], $0x80, s13, s1, $0xb8;
	[tilespmem:$0x1F800] =	vst v63  }
0x3e0: {  	_ =	swait.ge [sflag:s16], $0x2800  }
0x3e1: {  	[sflag:s16] =	ssyncset.done $0x0  }
0x3e2: {  	s15 =	simm.s32 $0x480;
	[sflag:s16] =	ssyncadd.s32 $0xFFFFD800  }
0x3e3: {  	[tilespmem:s6], [sflag:$0x2] =	stream.indirect.gather [hbm4b:s2+s1], $0x80, s15, s1, $0xb8;
	[tilespmem:$0x1F800] =	vst v63  }
0x3e4: {  	_ =	swait.ge [sflag:s7], $0x2800  }
0x3e5: {  	[sflag:s7] =	ssyncset.done $0x0  }
0x3e6: {  	s5 =	simm.s32 $0x1400;
	[sflag:s7] =	ssyncadd.s32 $0xFFFFD800  }
0x3e7: {  	[spmem:s3] =	stream.indirect.scatter.add.f32 [tilespmem:s25], [sflag:$0x4], $0x80, s5, s1, $0xb8;
	[tilespmem:$0x1F800] =	vst v63  }
0x3e8: {  	_ =	swait.ge [sflag:s19], $0x2800  }
0x3e9: {  	[sflag:s19] =	ssyncset.done $0x0  }
0x3ea: {  	s11 =	simm.s32 $0x500;
	[sflag:s19] =	ssyncadd.s32 $0xFFFFD800  }
0x3eb: {  	[tilespmem:s9], [sflag:$0x3] =	stream.indirect.gather [hbm4b:s2+s1], $0x80, s11, s1, $0xb8;
	[tilespmem:$0x1F800] =	vst v63  }
0x3ec: {  	_ =	swait.ge [sflag:s10], $0x2800  }
0x3ed: {  	[sflag:s10] =	ssyncset.done $0x0  }
0x3ee: {  	s13 =	simm.s32 $0x1480;
	[sflag:s10] =	ssyncadd.s32 $0xFFFFD800  }
0x3ef: {  	[spmem:s3] =	stream.indirect.scatter.add.f32 [tilespmem:s6], [sflag:$0x5], $0x80, s13, s1, $0xb8;
	[tilespmem:$0x1F800] =	vst v63  }
0x3f0: {  	_ =	swait.ge [sflag:s12], $0x2800  }
0x3f1: {  	[sflag:s12] =	ssyncset.done $0x0  }
0x3f2: {  	s15 =	simm.s32 $0x580;
	[sflag:s12] =	ssyncadd.s32 $0xFFFFD800  }
0x3f3: {  	[tilespmem:s25], [sflag:$0x1] =	stream.indirect.gather [hbm4b:s2+s1], $0x80, s15, s1, $0xb8;
	[tilespmem:$0x1F800] =	vst v63  }
0x3f4: {  	_ =	swait.ge [sflag:s14], $0x2800  }
0x3f5: {  	[sflag:s14] =	ssyncset.done $0x0  }
0x3f6: {  	s5 =	simm.s32 $0x1500;
	[sflag:s14] =	ssyncadd.s32 $0xFFFFD800  }
0x3f7: {  	[spmem:s3] =	stream.indirect.scatter.add.f32 [tilespmem:s9], [sflag:$0x6], $0x80, s5, s1, $0xb8;
	[tilespmem:$0x1F800] =	vst v63  }
0x3f8: {  	_ =	swait.ge [sflag:s16], $0x2800  }
0x3f9: {  	[sflag:s16] =	ssyncset.done $0x0  }
0x3fa: {  	s11 =	simm.s32 $0x600;
	[sflag:s16] =	ssyncadd.s32 $0xFFFFD800  }
0x3fb: {  	[tilespmem:s6], [sflag:$0x2] =	stream.indirect.gather [hbm4b:s2+s1], $0x80, s11, s1, $0xb8;
	[tilespmem:$0x1F800] =	vst v63  }
0x3fc: {  	_ =	swait.ge [sflag:s7], $0x2800  }
0x3fd: {  	[sflag:s7] =	ssyncset.done $0x0  }
0x3fe: {  	s13 =	simm.s32 $0x1580;
	[sflag:s7] =	ssyncadd.s32 $0xFFFFD800  }
0x3ff: {  	[spmem:s3] =	stream.indirect.scatter.add.f32 [tilespmem:s25], [sflag:$0x4], $0x80, s13, s1, $0xb8;
	[tilespmem:$0x1F800] =	vst v63  }
0x400: {  	_ =	swait.ge [sflag:s19], $0x2800  }
0x401: {  	[sflag:s19] =	ssyncset.done $0x0  }
0x402: {  	s15 =	simm.s32 $0x680;
	[sflag:s19] =	ssyncadd.s32 $0xFFFFD800  }
0x403: {  	[tilespmem:s9], [sflag:$0x3] =	stream.indirect.gather [hbm4b:s2+s1], $0x80, s15, s1, $0xb8;
	[tilespmem:$0x1F800] =	vst v63  }
0x404: {  	_ =	swait.ge [sflag:s10], $0x2800  }
0x405: {  	[sflag:s10] =	ssyncset.done $0x0  }
0x406: {  	s5 =	simm.s32 $0x1600;
	[sflag:s10] =	ssyncadd.s32 $0xFFFFD800  }
0x407: {  	[spmem:s3] =	stream.indirect.scatter.add.f32 [tilespmem:s6], [sflag:$0x5], $0x80, s5, s1, $0xb8;
	[tilespmem:$0x1F800] =	vst v63  }
0x408: {  	_ =	swait.ge [sflag:s12], $0x2800  }
0x409: {  	[sflag:s12] =	ssyncset.done $0x0  }
0x40a: {  	s11 =	simm.s32 $0x700;
	[sflag:s12] =	ssyncadd.s32 $0xFFFFD800  }
0x40b: {  	[tilespmem:s25], [sflag:$0x1] =	stream.indirect.gather [hbm4b:s2+s1], $0x80, s11, s1, $0xb8;
	[tilespmem:$0x1F800] =	vst v63  }
0x40c: {  	_ =	swait.ge [sflag:s14], $0x2800  }
0x40d: {  	[sflag:s14] =	ssyncset.done $0x0  }
0x40e: {  	s13 =	simm.s32 $0x1680;
	[sflag:s14] =	ssyncadd.s32 $0xFFFFD800  }
0x40f: {  	[spmem:s3] =	stream.indirect.scatter.add.f32 [tilespmem:s9], [sflag:$0x6], $0x80, s13, s1, $0xb8;
	[tilespmem:$0x1F800] =	vst v63  }
0x410: {  	_ =	swait.ge [sflag:s16], $0x2800  }
0x411: {  	[sflag:s16] =	ssyncset.done $0x0  }
0x412: {  	s15 =	simm.s32 $0x780;
	[sflag:s16] =	ssyncadd.s32 $0xFFFFD800  }
0x413: {  	[tilespmem:s6], [sflag:$0x2] =	stream.indirect.gather [hbm4b:s2+s1], $0x80, s15, s1, $0xb8;
	[tilespmem:$0x1F800] =	vst v63  }
0x414: {  	_ =	swait.ge [sflag:s7], $0x2800  }
0x415: {  	[sflag:s7] =	ssyncset.done $0x0  }
0x416: {  	s5 =	simm.s32 $0x1700;
	[sflag:s7] =	ssyncadd.s32 $0xFFFFD800  }
0x417: {  	[spmem:s3] =	stream.indirect.scatter.add.f32 [tilespmem:s25], [sflag:$0x4], $0x80, s5, s1, $0xb8;
	[tilespmem:$0x1F800] =	vst v63  }
0x418: {  	_ =	swait.ge [sflag:s19], $0x2800  }
0x419: {  	[sflag:s19] =	ssyncset.done $0x0  }
0x41a: {  	s11 =	simm.s32 $0x800;
	[sflag:s19] =	ssyncadd.s32 $0xFFFFD800  }
0x41b: {  	[tilespmem:s9], [sflag:$0x3] =	stream.indirect.gather [hbm4b:s2+s1], $0x80, s11, s1, $0xb8;
	[tilespmem:$0x1F800] =	vst v63  }
0x41c: {  	_ =	swait.ge [sflag:s10], $0x2800  }
0x41d: {  	[sflag:s10] =	ssyncset.done $0x0  }
0x41e: {  	s13 =	simm.s32 $0x1780;
	[sflag:s10] =	ssyncadd.s32 $0xFFFFD800  }
0x41f: {  	[spmem:s3] =	stream.indirect.scatter.add.f32 [tilespmem:s6], [sflag:$0x5], $0x80, s13, s1, $0xb8;
	[tilespmem:$0x1F800] =	vst v63  }
0x420: {  	_ =	swait.ge [sflag:s12], $0x2800  }
0x421: {  	[sflag:s12] =	ssyncset.done $0x0  }
0x422: {  	s15 =	simm.s32 $0x880;
	[sflag:s12] =	ssyncadd.s32 $0xFFFFD800  }
0x423: {  	[tilespmem:s25], [sflag:$0x1] =	stream.indirect.gather [hbm4b:s2+s1], $0x80, s15, s1, $0xb8;
	[tilespmem:$0x1F800] =	vst v63  }
0x424: {  	_ =	swait.ge [sflag:s14], $0x2800  }
0x425: {  	[sflag:s14] =	ssyncset.done $0x0  }
0x426: {  	s5 =	simm.s32 $0x1800;
	[sflag:s14] =	ssyncadd.s32 $0xFFFFD800  }
0x427: {  	[spmem:s3] =	stream.indirect.scatter.add.f32 [tilespmem:s9], [sflag:$0x6], $0x80, s5, s1, $0xb8;
	[tilespmem:$0x1F800] =	vst v63  }
0x428: {  	_ =	swait.ge [sflag:s16], $0x2800  }
0x429: {  	[sflag:s16] =	ssyncset.done $0x0  }
0x42a: {  	s11 =	simm.s32 $0x900;
	[sflag:s16] =	ssyncadd.s32 $0xFFFFD800  }
0x42b: {  	[tilespmem:s6], [sflag:$0x2] =	stream.indirect.gather [hbm4b:s2+s1], $0x80, s11, s1, $0xb8;
	[tilespmem:$0x1F800] =	vst v63  }
0x42c: {  	_ =	swait.ge [sflag:s7], $0x2800  }
0x42d: {  	[sflag:s7] =	ssyncset.done $0x0  }
0x42e: {  	s13 =	simm.s32 $0x1880;
	[sflag:s7] =	ssyncadd.s32 $0xFFFFD800  }
0x42f: {  	[spmem:s3] =	stream.indirect.scatter.add.f32 [tilespmem:s25], [sflag:$0x4], $0x80, s13, s1, $0xb8;
	[tilespmem:$0x1F800] =	vst v63  }
0x430: {  	_ =	swait.ge [sflag:s19], $0x2800  }
0x431: {  	[sflag:s19] =	ssyncset.done $0x0  }
0x432: {  	s15 =	simm.s32 $0x980;
	[sflag:s19] =	ssyncadd.s32 $0xFFFFD800  }
0x433: {  	[tilespmem:s9], [sflag:$0x3] =	stream.indirect.gather [hbm4b:s2+s1], $0x80, s15, s1, $0xb8;
	[tilespmem:$0x1F800] =	vst v63  }
0x434: {  	_ =	swait.ge [sflag:s10], $0x2800  }
0x435: {  	[sflag:s10] =	ssyncset.done $0x0  }
0x436: {  	s5 =	simm.s32 $0x1900;
	[sflag:s10] =	ssyncadd.s32 $0xFFFFD800  }
0x437: {  	[spmem:s3] =	stream.indirect.scatter.add.f32 [tilespmem:s6], [sflag:$0x5], $0x80, s5, s1, $0xb8;
	[tilespmem:$0x1F800] =	vst v63  }
0x438: {  	_ =	swait.ge [sflag:s12], $0x2800  }
0x439: {  	[sflag:s12] =	ssyncset.done $0x0  }
0x43a: {  	s11 =	simm.s32 $0xA00;
	[sflag:s12] =	ssyncadd.s32 $0xFFFFD800  }
0x43b: {  	[tilespmem:s25], [sflag:$0x1] =	stream.indirect.gather [hbm4b:s2+s1], $0x80, s11, s1, $0xb8;
	[tilespmem:$0x1F800] =	vst v63  }
0x43c: {  	_ =	swait.ge [sflag:s14], $0x2800  }
0x43d: {  	[sflag:s14] =	ssyncset.done $0x0  }
0x43e: {  	s13 =	simm.s32 $0x1980;
	[sflag:s14] =	ssyncadd.s32 $0xFFFFD800  }
0x43f: {  	[spmem:s3] =	stream.indirect.scatter.add.f32 [tilespmem:s9], [sflag:$0x6], $0x80, s13, s1, $0xb8;
	[tilespmem:$0x1F800] =	vst v63  }
0x440: {  	_ =	swait.ge [sflag:s16], $0x2800  }
0x441: {  	[sflag:s16] =	ssyncset.done $0x0  }
0x442: {  	s15 =	simm.s32 $0xA80;
	[sflag:s16] =	ssyncadd.s32 $0xFFFFD800  }
0x443: {  	[tilespmem:s6], [sflag:$0x2] =	stream.indirect.gather [hbm4b:s2+s1], $0x80, s15, s1, $0xb8;
	[tilespmem:$0x1F800] =	vst v63  }
0x444: {  	_ =	swait.ge [sflag:s7], $0x2800  }
0x445: {  	[sflag:s7] =	ssyncset.done $0x0  }
0x446: {  	s5 =	simm.s32 $0x1A00;
	[sflag:s7] =	ssyncadd.s32 $0xFFFFD800  }
0x447: {  	[spmem:s3] =	stream.indirect.scatter.add.f32 [tilespmem:s25], [sflag:$0x4], $0x80, s5, s1, $0xb8;
	[tilespmem:$0x1F800] =	vst v63  }
0x448: {  	_ =	swait.ge [sflag:s19], $0x2800  }
0x449: {  	[sflag:s19] =	ssyncset.done $0x0  }
0x44a: {  	s11 =	simm.s32 $0xB00;
	[sflag:s19] =	ssyncadd.s32 $0xFFFFD800  }
0x44b: {  	[tilespmem:s9], [sflag:$0x3] =	stream.indirect.gather [hbm4b:s2+s1], $0x80, s11, s1, $0xb8;
	[tilespmem:$0x1F800] =	vst v63  }
0x44c: {  	_ =	swait.ge [sflag:s10], $0x2800  }
0x44d: {  	[sflag:s10] =	ssyncset.done $0x0  }
0x44e: {  	s13 =	simm.s32 $0x1A80;
	[sflag:s10] =	ssyncadd.s32 $0xFFFFD800  }
0x44f: {  	[spmem:s3] =	stream.indirect.scatter.add.f32 [tilespmem:s6], [sflag:$0x5], $0x80, s13, s1, $0xb8;
	[tilespmem:$0x1F800] =	vst v63  }
0x450: {  	_ =	swait.ge [sflag:s12], $0x2800  }
0x451: {  	[sflag:s12] =	ssyncset.done $0x0  }
0x452: {  	s15 =	simm.s32 $0xB80;
	[sflag:s12] =	ssyncadd.s32 $0xFFFFD800  }
0x453: {  	[tilespmem:s25], [sflag:$0x1] =	stream.indirect.gather [hbm4b:s2+s1], $0x80, s15, s1, $0xb8;
	[tilespmem:$0x1F800] =	vst v63  }
0x454: {  	_ =	swait.ge [sflag:s14], $0x2800  }
0x455: {  	[sflag:s14] =	ssyncset.done $0x0  }
0x456: {  	s5 =	simm.s32 $0x1B00;
	[sflag:s14] =	ssyncadd.s32 $0xFFFFD800  }
0x457: {  	[spmem:s3] =	stream.indirect.scatter.add.f32 [tilespmem:s9], [sflag:$0x6], $0x80, s5, s1, $0xb8;
	[tilespmem:$0x1F800] =	vst v63  }
0x458: {  	_ =	swait.ge [sflag:s16], $0x2800  }
0x459: {  	[sflag:s16] =	ssyncset.done $0x0  }
0x45a: {  	s11 =	simm.s32 $0xC00;
	[sflag:s16] =	ssyncadd.s32 $0xFFFFD800  }
0x45b: {  	[tilespmem:s6], [sflag:$0x2] =	stream.indirect.gather [hbm4b:s2+s1], $0x80, s11, s1, $0xb8;
	[tilespmem:$0x1F800] =	vst v63  }
0x45c: {  	_ =	swait.ge [sflag:s7], $0x2800  }
0x45d: {  	[sflag:s7] =	ssyncset.done $0x0  }
0x45e: {  	s13 =	simm.s32 $0x1B80;
	[sflag:s7] =	ssyncadd.s32 $0xFFFFD800  }
0x45f: {  	[spmem:s3] =	stream.indirect.scatter.add.f32 [tilespmem:s25], [sflag:$0x4], $0x80, s13, s1, $0xb8;
	[tilespmem:$0x1F800] =	vst v63  }
0x460: {  	_ =	swait.ge [sflag:s19], $0x2800  }
0x461: {  	[sflag:s19] =	ssyncset.done $0x0  }
0x462: {  	[sflag:s19] =	ssyncadd.s32 $0xFFFFD800  }
0x463: {  	_ =	swait.ge [sflag:s10], $0x2800  }
0x464: {  	[sflag:s10] =	ssyncset.done $0x0  }
0x465: {  	s31 =	simm.s32 $0x1C00;
	[sflag:s10] =	ssyncadd.s32 $0xFFFFD800  }
0x466: {  	[spmem:s3] =	stream.indirect.scatter.add.f32 [tilespmem:s6], [sflag:$0x5], $0x80, s31, s1, $0xb8;
	[tilespmem:$0x1F800] =	vst v63  }
0x467: {  	_ =	swait.ge [sflag:s12], $0x2800  }
0x468: {  	[sflag:s12] =	ssyncset.done $0x0  }
0x469: {  	[sflag:s12] =	ssyncadd.s32 $0xFFFFD800  }
0x46a: {  	_ =	swait.ge [sflag:s16], $0x2800  }
0x46b: {  	[sflag:s16] =	ssyncset.done $0x0  }
0x46c: {  	[sflag:s16] =	ssyncadd.s32 $0xFFFFD800  }
0x46d: {  	s15 =	stileid.u32;
	[bflag:$0x0] =	sbarrier.arrive $0xFFFF  }
0x46e: {  	s11 =	sshll.u32 s15, $0x6;
	s31 =	rddreg [dreg:$0x17]  }
0x46f: {  	s11 =	sor.u32 $0x1C09, s11;
	s5 =	rddreg [dreg:$0x15];
	s0 =	sshrl.u32 s31, $0x3  }
0x470: {  	[hbm:s5], [sflag:s11] =	dma.local [spmem:s0], $0x2800  }
0x471: {  	_ =	swait.ge [sflag:s26], $0x2800  }
0x472: {  	s8 =	sadd.s32 $0x1, s8;
	s31 =	rddreg [dreg:$0x16]  }
0x473: {  	p0 =	sne.s32 s8, s31  }
.Ltmp1:
0x474: {  	_ = 	snop;
	(pc) =	sbr.rel @p0 .LBB2_1-.Ltmp1, $3  }
0x475: {  	_ =	sdelay $0x1  }
0x476: {  	[sflag:s26] =	ssyncset.done $0x0  }
0x477: {  	[sflag:s26] =	ssyncadd.s32 $0xFFFFD800  }
0x478: {  	_ =	sfence.sel $0x180000  }
0x479: {  	[bflag:$0x0] =	sbarrier.arrive $0xFFFF  }
0x47a: {  	_ =	strace $0x90000047  }
0x47b: {  	s0 =	stileid.u32;
	[bflag:$0x2] =	sbarrier.arrive $0xFFFF  }
0x47c: {  	p0 =	sne.s32 s0, $0x0;
	s0 =	rddreg [dreg:$0x3]  }
0x47d: {  	s0 =	sadd.s32 @!p0 $0x100000, s0  }
0x47e: {  	[sflag:s0] =	ssyncadd.tile.s32 @!p0 $0x1;
	_ =	shalt  }
.Lfunc_end2:
_tile_overlayer_lowered:
.L_overlay_start_2:
0x47f: {  	(tag) =	ssettag $0x2  }
0x480: {  	s0 =	rddreg [dreg:$0x0];
	s2 =	stileid.u32  }
0x481: {  	s1 =	rddreg [dreg:$0x1];
	p0 =	sne.s32 s2, $0x0  }
0x482: {  	s3 =	rddreg [dreg:$0x2];
	[bflag:$0x3] =	sbarrier.arrive $0xFFFF;
	s2 =	simm.s32 @!p0 $0x1C09  }
0x483: {  	[timem:s3], [sflag:s2] =	dma.local @!p0 [hbm:s0], s1  }
0x484: {  	s0 =	simm.s32 @!p0 $0x9  }
0x485: {  	_ =	swait.ge @!p0 [sflag:s0], s1  }
0x486: {  	s1 =	ssub.s32 @!p0 $0x0, s1;
	[sflag:s0] =	ssyncset.done @!p0 $0x0  }
0x487: {  	[sflag:s0] =	ssyncadd.s32 @!p0 s1  }
0x488: {  	[bflag:$0x3] =	sbarrier.arrive $0xFFFF  }
0x489: {  	_ =	shalt  }

</sc_bundles>
